<compile_context>
chip_gen: v7x
topology: tpu7x:2x2x1
jax: 0.10.2.dev20260603
libtpu: 0.0.44.dev20260713+nightly
codegen_flags: <defaults>
</compile_context>

<pallas_src>
import jax
import jax.numpy as jnp
from jax import lax
from jax.experimental import pallas as pl
from jax.experimental.pallas import tpu as pltpu
from jax.experimental.pallas import tpu_sc as plsc

NUM_SLOTS = 64
K_SC = 24
OUT_SIDE = 1024
NC = 2
NS = 16
LANES = 16
NW = NC * NS
ROWS = OUT_SIDE // NW
CPR = OUT_SIDE // LANES
BR = 256


def _sc_body(w_hbm, param_hbm, out_hbm, w_v, buf0, buf1, acc, sem0, sem1):
    wid = lax.axis_index("s") * NC + lax.axis_index("c")
    row0 = wid * ROWS
    pltpu.sync_copy(w_hbm, w_v)
    bufs = (buf0, buf1)
    sems = (sem0, sem1)

    zero = jnp.zeros((LANES,), jnp.float32)

    def zbody(r):
        for k in range(CPR):
            acc[r, pl.ds(k * LANES, LANES)] = zero
    plsc.parallel_loop(0, ROWS, 1)(zbody)

    HR = ROWS // 2

    def start_slot(s, b):
        pltpu.async_copy(param_hbm.at[s, pl.ds(row0, HR), :],
                         bufs[b].at[pl.ds(0, HR), :], sems[b])
        pltpu.async_copy(param_hbm.at[s, pl.ds(row0 + HR, HR), :],
                         bufs[b].at[pl.ds(HR, HR), :], sems[b])

    for b in range(2):
        start_slot(b, b)

    def pair_body(g, carry):
        for b in range(2):
            s = g * 2 + b
            for h in range(2):
                pltpu.make_async_copy(
                    param_hbm.at[0, pl.ds(row0, HR), :],
                    bufs[b].at[pl.ds(h * HR, HR), :], sems[b]).wait()
            group = w_v[pl.ds((s // LANES) * LANES, LANES)]
            idx = jnp.full((LANES,), s % LANES, jnp.int32)
            wv = lax.gather(
                group, idx[:, None],
                lax.GatherDimensionNumbers(
                    offset_dims=(), collapsed_slice_dims=(0,),
                    start_index_map=(0,)),
                slice_sizes=(1,),
                mode=lax.GatherScatterMode.PROMISE_IN_BOUNDS)
            buf = bufs[b]

            def rbody(r, buf=buf, wv=wv):
                for k in range(CPR):
                    sl = pl.ds(k * LANES, LANES)
                    plsc.addupdate(acc.at[r, sl], wv * buf[r, sl])
            plsc.parallel_loop(0, ROWS, 1)(rbody)

            @pl.when(s + 2 < K_SC)
            def _():
                start_slot(s + 2, b)
        return carry
    lax.fori_loop(0, K_SC // 2, pair_body, 0)

    pltpu.sync_copy(acc, out_hbm.at[pl.ds(row0, ROWS), :])


def _sc_partial(w1d, parameter):
    run = pl.kernel(
        _sc_body,
        out_type=jax.ShapeDtypeStruct((OUT_SIDE, OUT_SIDE), jnp.float32),
        mesh=plsc.VectorSubcoreMesh(
            core_axis_name="c", subcore_axis_name="s"),
        compiler_params=pltpu.CompilerParams(use_tc_tiling_on_sc=True),
        scratch_types=[
            pltpu.VMEM((NUM_SLOTS,), jnp.float32),
            pltpu.VMEM((ROWS, OUT_SIDE), jnp.float32),
            pltpu.VMEM((ROWS, OUT_SIDE), jnp.float32),
            pltpu.VMEM((ROWS, OUT_SIDE), jnp.float32),
            pltpu.SemaphoreType.DMA,
            pltpu.SemaphoreType.DMA,
        ],
    )
    return run(w1d, parameter)


T_TC = 8


def _tc_reduce_body(w_ref, p_ref, out_ref):
    s = pl.program_id(1)
    psum = w_ref[K_SC + s * T_TC] * p_ref[0]
    for t in range(1, T_TC):
        psum += w_ref[K_SC + s * T_TC + t] * p_ref[t]

    @pl.when(s == 0)
    def _():
        out_ref[...] = psum

    @pl.when(s > 0)
    def _():
        out_ref[...] += psum


def _tc_partial(w1d, parameter):
    nt = (NUM_SLOTS - K_SC) // T_TC
    return pl.pallas_call(
        _tc_reduce_body,
        grid=(OUT_SIDE // BR, nt),
        in_specs=[
            pl.BlockSpec(memory_space=pltpu.SMEM),
            pl.BlockSpec((T_TC, BR, OUT_SIDE),
                         lambda i, s: (s + K_SC // T_TC, i, 0)),
        ],
        out_specs=pl.BlockSpec((BR, OUT_SIDE), lambda i, s: (i, 0)),
        out_shape=jax.ShapeDtypeStruct((OUT_SIDE, OUT_SIDE), jnp.float32),
        compiler_params=pltpu.CompilerParams(
            dimension_semantics=("parallel", "arbitrary")),
    )(w1d, parameter)


def _add_body(a_ref, b_ref, o_ref):
    o_ref[...] = a_ref[...] + b_ref[...]


BA = 256


def _combine(a, b):
    return pl.pallas_call(
        _add_body,
        grid=(OUT_SIDE // BA,),
        in_specs=[
            pl.BlockSpec((BA, OUT_SIDE), lambda i: (i, 0)),
            pl.BlockSpec((BA, OUT_SIDE), lambda i: (i, 0)),
        ],
        out_specs=pl.BlockSpec((BA, OUT_SIDE), lambda i: (i, 0)),
        out_shape=jax.ShapeDtypeStruct((OUT_SIDE, OUT_SIDE), jnp.float32),
    )(a, b)


def kernel(superposition_weights, parameter):
    part_sc = _sc_partial(superposition_weights, parameter)
    part_tc = _tc_partial(superposition_weights, parameter)
    return _combine(part_sc, part_tc)

# --- scband reference (transcript-rebuilt; emitter-appended) ---
"""Pipeline reference for scband-parameter-76287209111656 (READ-ONLY COPY).

The authoritative reference and input builder live on the scoring server;
editing this copy changes nothing except your own understanding.
"""

import jax, jax.numpy as jnp
import numpy as np

SUPERPOSITION_SHAPE = (64,)
KERNEL_SHAPE = (1024, 1024)


def setup_inputs(seed: int = 0) -> dict:
    key = jax.random.key(seed)
    k1, k2 = jax.random.split(key)
    superposition_weights = jax.random.normal(k1, SUPERPOSITION_SHAPE, dtype=jnp.float32)
    # learned parameter: init_func_ = normal_ init, shape [*superposition_shape, *kernel_shape]
    parameter = jax.random.normal(k2, SUPERPOSITION_SHAPE + KERNEL_SHAPE, dtype=jnp.float32)
    return {"superposition_weights": superposition_weights, "parameter": parameter}


def reference(superposition_weights, parameter):
    # make_dense_superposition: flatten superposition dims (length=1 -> no-op),
    # broadcast dynamics over kernel dims, weight and reduce over slot dim 0.
    length = len(SUPERPOSITION_SHAPE)
    dynamics = superposition_weights.reshape((-1,) + superposition_weights.shape[length:])
    kernel = parameter.reshape((-1,) + parameter.shape[length:])
    # unsqueeze dynamics to match kernel trailing dims
    for _ in range(kernel.ndim - 1):
        dynamics = dynamics[..., None]
    while kernel.ndim < dynamics.ndim:
        kernel = jnp.expand_dims(kernel, 1)
    weighted_kernel = dynamics * kernel
    superimposed_kernel = jnp.sum(weighted_kernel, axis=0)
    return superimposed_kernel


if False:  # reference __main__ guard neutralized (emitter)
    out = reference(**setup_inputs())
    print(out.shape)

if __name__ == "__main__":
    import jax
    _d = setup_inputs()
    print(jax.jit(kernel)(*tuple(_d.values())))

</pallas_src>

<mosaic_0001>
#map = affine_map<(d0, d1) -> (0)>
#map1 = affine_map<(d0, d1) -> (0, 0, 0)>
#map2 = affine_map<(d0, d1) -> (0, 0)>
module attributes {stable_mosaic.version = 14 : i64} {
  func.func @_sc_body(%arg0: i32, %arg1: i32, %arg2: memref<64xf32, #tpu.memory_space<hbm>>, %arg3: memref<64x1024x1024xf32, #tpu.memory_space<hbm>>, %arg4: memref<1024x1024xf32, #tpu.memory_space<hbm>>, %arg5: memref<64xf32, #tpu.memory_space<vmem>>, %arg6: memref<32x1024xf32, #tpu.memory_space<vmem>>, %arg7: memref<32x1024xf32, #tpu.memory_space<vmem>>, %arg8: memref<32x1024xf32, #tpu.memory_space<vmem>>, %arg9: memref<!tpu.dma_semaphore, #tpu.memory_space<semaphore_mem>>, %arg10: memref<!tpu.dma_semaphore, #tpu.memory_space<semaphore_mem>>) attributes {dimension_semantics = [#tpu.dimension_semantics<core_parallel>, #tpu.dimension_semantics<subcore_parallel>], iteration_bounds = array<i64: 2, 16>, scalar_prefetch = 0 : i64, scratch_operands = 6 : i64, tpu.core_type = #tpu.core_type<sc_vector_subcore>, window_params = [{transform_indices = #map}, {transform_indices = #map1}, {transform_indices = #map2}]} {
    %mul3A = arith.constant 2 : i32
    %mul3A_0 = arith.muli %arg1, %mul3A : i32
    %add3A = arith.addi %mul3A_0, %arg0 : i32
    %mul3A_1 = arith.constant 32 : i32
    %mul3A_2 = arith.muli %add3A, %mul3A_1 : i32
    "tpu.region"() ({
      %run_scoped3A = tpu.sem_alloc : memref<!tpu.dma_semaphore, #tpu.memory_space<semaphore_mem>>
      tpu.enqueue_dma source(%arg2 : memref<64xf32, #tpu.memory_space<hbm>>) target(%arg5 : memref<64xf32, #tpu.memory_space<vmem>>) target_semaphore(%run_scoped3A : memref<!tpu.dma_semaphore, #tpu.memory_space<semaphore_mem>>)
      tpu.wait_dma2 semaphore(%run_scoped3A : memref<!tpu.dma_semaphore, #tpu.memory_space<semaphore_mem>>) src(%arg2 : memref<64xf32, #tpu.memory_space<hbm>>) dst(%arg5 : memref<64xf32, #tpu.memory_space<vmem>>)
      tpu.yield
    }) : () -> ()
    %broadcast_in_dim3A = arith.constant 0.000000e+00 : f32
    %broadcast_in_dim3A_3 = vector.broadcast %broadcast_in_dim3A : f32 to vector<16xf32>
    %parallel_loop3A = arith.constant 0 : i32
    %parallel_loop3A_4 = arith.constant 32 : i32
    %parallel_loop3A_5 = arith.constant 1 : i32
    scf.for %parallel_loop3A_66 = %parallel_loop3A to %parallel_loop3A_4 step %parallel_loop3A_5  : i32 {
      %parallel_loop3A_67 = arith.index_cast %parallel_loop3A_66 : i32 to index
      %parallel_loop3A_68 = arith.constant 0 : index
      %parallel_loop3A_69 = tpu.vector_load %arg8[%parallel_loop3A_67, %parallel_loop3A_68] {strides = array<i32>} : memref<32x1024xf32, #tpu.memory_space<vmem>>, vector<1x16xf32>,
      %parallel_loop3A_70 = vector.shape_cast %parallel_loop3A_69 : vector<1x16xf32> to vector<16xf32>
      %parallel_loop3A_71 = vector.shape_cast %broadcast_in_dim3A_3 : vector<16xf32> to vector<1x16xf32>
      tpu.vector_store %arg8[%parallel_loop3A_67, %parallel_loop3A_68], %parallel_loop3A_71 {strides = array<i32>} : memref<32x1024xf32, #tpu.memory_space<vmem>>, vector<1x16xf32>,
      %parallel_loop3A_72 = arith.index_cast %parallel_loop3A_66 : i32 to index
      %parallel_loop3A_73 = arith.constant 16 : index
      %parallel_loop3A_74 = tpu.vector_load %arg8[%parallel_loop3A_72, %parallel_loop3A_73] {strides = array<i32>} : memref<32x1024xf32, #tpu.memory_space<vmem>>, vector<1x16xf32>,
      %parallel_loop3A_75 = vector.shape_cast %parallel_loop3A_74 : vector<1x16xf32> to vector<16xf32>
      %parallel_loop3A_76 = vector.shape_cast %broadcast_in_dim3A_3 : vector<16xf32> to vector<1x16xf32>
      tpu.vector_store %arg8[%parallel_loop3A_72, %parallel_loop3A_73], %parallel_loop3A_76 {strides = array<i32>} : memref<32x1024xf32, #tpu.memory_space<vmem>>, vector<1x16xf32>,
      %parallel_loop3A_77 = arith.index_cast %parallel_loop3A_66 : i32 to index
      %parallel_loop3A_78 = arith.constant 32 : index
      %parallel_loop3A_79 = tpu.vector_load %arg8[%parallel_loop3A_77, %parallel_loop3A_78] {strides = array<i32>} : memref<32x1024xf32, #tpu.memory_space<vmem>>, vector<1x16xf32>,
      %parallel_loop3A_80 = vector.shape_cast %parallel_loop3A_79 : vector<1x16xf32> to vector<16xf32>
      %parallel_loop3A_81 = vector.shape_cast %broadcast_in_dim3A_3 : vector<16xf32> to vector<1x16xf32>
      tpu.vector_store %arg8[%parallel_loop3A_77, %parallel_loop3A_78], %parallel_loop3A_81 {strides = array<i32>} : memref<32x1024xf32, #tpu.memory_space<vmem>>, vector<1x16xf32>,
      %parallel_loop3A_82 = arith.index_cast %parallel_loop3A_66 : i32 to index
      %parallel_loop3A_83 = arith.constant 48 : index
      %parallel_loop3A_84 = tpu.vector_load %arg8[%parallel_loop3A_82, %parallel_loop3A_83] {strides = array<i32>} : memref<32x1024xf32, #tpu.memory_space<vmem>>, vector<1x16xf32>,
      %parallel_loop3A_85 = vector.shape_cast %parallel_loop3A_84 : vector<1x16xf32> to vector<16xf32>
      %parallel_loop3A_86 = vector.shape_cast %broadcast_in_dim3A_3 : vector<16xf32> to vector<1x16xf32>
      tpu.vector_store %arg8[%parallel_loop3A_82, %parallel_loop3A_83], %parallel_loop3A_86 {strides = array<i32>} : memref<32x1024xf32, #tpu.memory_space<vmem>>, vector<1x16xf32>,
      %parallel_loop3A_87 = arith.index_cast %parallel_loop3A_66 : i32 to index
      %parallel_loop3A_88 = arith.constant 64 : index
      %parallel_loop3A_89 = tpu.vector_load %arg8[%parallel_loop3A_87, %parallel_loop3A_88] {strides = array<i32>} : memref<32x1024xf32, #tpu.memory_space<vmem>>, vector<1x16xf32>,
      %parallel_loop3A_90 = vector.shape_cast %parallel_loop3A_89 : vector<1x16xf32> to vector<16xf32>
      %parallel_loop3A_91 = vector.shape_cast %broadcast_in_dim3A_3 : vector<16xf32> to vector<1x16xf32>
      tpu.vector_store %arg8[%parallel_loop3A_87, %parallel_loop3A_88], %parallel_loop3A_91 {strides = array<i32>} : memref<32x1024xf32, #tpu.memory_space<vmem>>, vector<1x16xf32>,
      %parallel_loop3A_92 = arith.index_cast %parallel_loop3A_66 : i32 to index
      %parallel_loop3A_93 = arith.constant 80 : index
      %parallel_loop3A_94 = tpu.vector_load %arg8[%parallel_loop3A_92, %parallel_loop3A_93] {strides = array<i32>} : memref<32x1024xf32, #tpu.memory_space<vmem>>, vector<1x16xf32>,
      %parallel_loop3A_95 = vector.shape_cast %parallel_loop3A_94 : vector<1x16xf32> to vector<16xf32>
      %parallel_loop3A_96 = vector.shape_cast %broadcast_in_dim3A_3 : vector<16xf32> to vector<1x16xf32>
      tpu.vector_store %arg8[%parallel_loop3A_92, %parallel_loop3A_93], %parallel_loop3A_96 {strides = array<i32>} : memref<32x1024xf32, #tpu.memory_space<vmem>>, vector<1x16xf32>,
      %parallel_loop3A_97 = arith.index_cast %parallel_loop3A_66 : i32 to index
      %parallel_loop3A_98 = arith.constant 96 : index
      %parallel_loop3A_99 = tpu.vector_load %arg8[%parallel_loop3A_97, %parallel_loop3A_98] {strides = array<i32>} : memref<32x1024xf32, #tpu.memory_space<vmem>>, vector<1x16xf32>,
      %parallel_loop3A_100 = vector.shape_cast %parallel_loop3A_99 : vector<1x16xf32> to vector<16xf32>
      %parallel_loop3A_101 = vector.shape_cast %broadcast_in_dim3A_3 : vector<16xf32> to vector<1x16xf32>
      tpu.vector_store %arg8[%parallel_loop3A_97, %parallel_loop3A_98], %parallel_loop3A_101 {strides = array<i32>} : memref<32x1024xf32, #tpu.memory_space<vmem>>, vector<1x16xf32>,
      %parallel_loop3A_102 = arith.index_cast %parallel_loop3A_66 : i32 to index
      %parallel_loop3A_103 = arith.constant 112 : index
      %parallel_loop3A_104 = tpu.vector_load %arg8[%parallel_loop3A_102, %parallel_loop3A_103] {strides = array<i32>} : memref<32x1024xf32, #tpu.memory_space<vmem>>, vector<1x16xf32>,
      %parallel_loop3A_105 = vector.shape_cast %parallel_loop3A_104 : vector<1x16xf32> to vector<16xf32>
      %parallel_loop3A_106 = vector.shape_cast %broadcast_in_dim3A_3 : vector<16xf32> to vector<1x16xf32>
      tpu.vector_store %arg8[%parallel_loop3A_102, %parallel_loop3A_103], %parallel_loop3A_106 {strides = array<i32>} : memref<32x1024xf32, #tpu.memory_space<vmem>>, vector<1x16xf32>,
      %parallel_loop3A_107 = arith.index_cast %parallel_loop3A_66 : i32 to index
      %parallel_loop3A_108 = arith.constant 128 : index
      %parallel_loop3A_109 = tpu.vector_load %arg8[%parallel_loop3A_107, %parallel_loop3A_108] {strides = array<i32>} : memref<32x1024xf32, #tpu.memory_space<vmem>>, vector<1x16xf32>,
      %parallel_loop3A_110 = vector.shape_cast %parallel_loop3A_109 : vector<1x16xf32> to vector<16xf32>
      %parallel_loop3A_111 = vector.shape_cast %broadcast_in_dim3A_3 : vector<16xf32> to vector<1x16xf32>
      tpu.vector_store %arg8[%parallel_loop3A_107, %parallel_loop3A_108], %parallel_loop3A_111 {strides = array<i32>} : memref<32x1024xf32, #tpu.memory_space<vmem>>, vector<1x16xf32>,
      %parallel_loop3A_112 = arith.index_cast %parallel_loop3A_66 : i32 to index
      %parallel_loop3A_113 = arith.constant 144 : index
      %parallel_loop3A_114 = tpu.vector_load %arg8[%parallel_loop3A_112, %parallel_loop3A_113] {strides = array<i32>} : memref<32x1024xf32, #tpu.memory_space<vmem>>, vector<1x16xf32>,
      %parallel_loop3A_115 = vector.shape_cast %parallel_loop3A_114 : vector<1x16xf32> to vector<16xf32>
      %parallel_loop3A_116 = vector.shape_cast %broadcast_in_dim3A_3 : vector<16xf32> to vector<1x16xf32>
      tpu.vector_store %arg8[%parallel_loop3A_112, %parallel_loop3A_113], %parallel_loop3A_116 {strides = array<i32>} : memref<32x1024xf32, #tpu.memory_space<vmem>>, vector<1x16xf32>,
      %parallel_loop3A_117 = arith.index_cast %parallel_loop3A_66 : i32 to index
      %parallel_loop3A_118 = arith.constant 160 : index
      %parallel_loop3A_119 = tpu.vector_load %arg8[%parallel_loop3A_117, %parallel_loop3A_118] {strides = array<i32>} : memref<32x1024xf32, #tpu.memory_space<vmem>>, vector<1x16xf32>,
      %parallel_loop3A_120 = vector.shape_cast %parallel_loop3A_119 : vector<1x16xf32> to vector<16xf32>
      %parallel_loop3A_121 = vector.shape_cast %broadcast_in_dim3A_3 : vector<16xf32> to vector<1x16xf32>
      tpu.vector_store %arg8[%parallel_loop3A_117, %parallel_loop3A_118], %parallel_loop3A_121 {strides = array<i32>} : memref<32x1024xf32, #tpu.memory_space<vmem>>, vector<1x16xf32>,
      %parallel_loop3A_122 = arith.index_cast %parallel_loop3A_66 : i32 to index
      %parallel_loop3A_123 = arith.constant 176 : index
      %parallel_loop3A_124 = tpu.vector_load %arg8[%parallel_loop3A_122, %parallel_loop3A_123] {strides = array<i32>} : memref<32x1024xf32, #tpu.memory_space<vmem>>, vector<1x16xf32>,
      %parallel_loop3A_125 = vector.shape_cast %parallel_loop3A_124 : vector<1x16xf32> to vector<16xf32>
      %parallel_loop3A_126 = vector.shape_cast %broadcast_in_dim3A_3 : vector<16xf32> to vector<1x16xf32>
      tpu.vector_store %arg8[%parallel_loop3A_122, %parallel_loop3A_123], %parallel_loop3A_126 {strides = array<i32>} : memref<32x1024xf32, #tpu.memory_space<vmem>>, vector<1x16xf32>,
      %parallel_loop3A_127 = arith.index_cast %parallel_loop3A_66 : i32 to index
      %parallel_loop3A_128 = arith.constant 192 : index
      %parallel_loop3A_129 = tpu.vector_load %arg8[%parallel_loop3A_127, %parallel_loop3A_128] {strides = array<i32>} : memref<32x1024xf32, #tpu.memory_space<vmem>>, vector<1x16xf32>,
      %parallel_loop3A_130 = vector.shape_cast %parallel_loop3A_129 : vector<1x16xf32> to vector<16xf32>
      %parallel_loop3A_131 = vector.shape_cast %broadcast_in_dim3A_3 : vector<16xf32> to vector<1x16xf32>
      tpu.vector_store %arg8[%parallel_loop3A_127, %parallel_loop3A_128], %parallel_loop3A_131 {strides = array<i32>} : memref<32x1024xf32, #tpu.memory_space<vmem>>, vector<1x16xf32>,
      %parallel_loop3A_132 = arith.index_cast %parallel_loop3A_66 : i32 to index
      %parallel_loop3A_133 = arith.constant 208 : index
      %parallel_loop3A_134 = tpu.vector_load %arg8[%parallel_loop3A_132, %parallel_loop3A_133] {strides = array<i32>} : memref<32x1024xf32, #tpu.memory_space<vmem>>, vector<1x16xf32>,
      %parallel_loop3A_135 = vector.shape_cast %parallel_loop3A_134 : vector<1x16xf32> to vector<16xf32>
      %parallel_loop3A_136 = vector.shape_cast %broadcast_in_dim3A_3 : vector<16xf32> to vector<1x16xf32>
      tpu.vector_store %arg8[%parallel_loop3A_132, %parallel_loop3A_133], %parallel_loop3A_136 {strides = array<i32>} : memref<32x1024xf32, #tpu.memory_space<vmem>>, vector<1x16xf32>,
      %parallel_loop3A_137 = arith.index_cast %parallel_loop3A_66 : i32 to index
      %parallel_loop3A_138 = arith.constant 224 : index
      %parallel_loop3A_139 = tpu.vector_load %arg8[%parallel_loop3A_137, %parallel_loop3A_138] {strides = array<i32>} : memref<32x1024xf32, #tpu.memory_space<vmem>>, vector<1x16xf32>,
      %parallel_loop3A_140 = vector.shape_cast %parallel_loop3A_139 : vector<1x16xf32> to vector<16xf32>
      %parallel_loop3A_141 = vector.shape_cast %broadcast_in_dim3A_3 : vector<16xf32> to vector<1x16xf32>
      tpu.vector_store %arg8[%parallel_loop3A_137, %parallel_loop3A_138], %parallel_loop3A_141 {strides = array<i32>} : memref<32x1024xf32, #tpu.memory_space<vmem>>, vector<1x16xf32>,
      %parallel_loop3A_142 = arith.index_cast %parallel_loop3A_66 : i32 to index
      %parallel_loop3A_143 = arith.constant 240 : index
      %parallel_loop3A_144 = tpu.vector_load %arg8[%parallel_loop3A_142, %parallel_loop3A_143] {strides = array<i32>} : memref<32x1024xf32, #tpu.memory_space<vmem>>, vector<1x16xf32>,
      %parallel_loop3A_145 = vector.shape_cast %parallel_loop3A_144 : vector<1x16xf32> to vector<16xf32>
      %parallel_loop3A_146 = vector.shape_cast %broadcast_in_dim3A_3 : vector<16xf32> to vector<1x16xf32>
      tpu.vector_store %arg8[%parallel_loop3A_142, %parallel_loop3A_143], %parallel_loop3A_146 {strides = array<i32>} : memref<32x1024xf32, #tpu.memory_space<vmem>>, vector<1x16xf32>,
      %parallel_loop3A_147 = arith.index_cast %parallel_loop3A_66 : i32 to index
      %parallel_loop3A_148 = arith.constant 256 : index
      %parallel_loop3A_149 = tpu.vector_load %arg8[%parallel_loop3A_147, %parallel_loop3A_148] {strides = array<i32>} : memref<32x1024xf32, #tpu.memory_space<vmem>>, vector<1x16xf32>,
      %parallel_loop3A_150 = vector.shape_cast %parallel_loop3A_149 : vector<1x16xf32> to vector<16xf32>
      %parallel_loop3A_151 = vector.shape_cast %broadcast_in_dim3A_3 : vector<16xf32> to vector<1x16xf32>
      tpu.vector_store %arg8[%parallel_loop3A_147, %parallel_loop3A_148], %parallel_loop3A_151 {strides = array<i32>} : memref<32x1024xf32, #tpu.memory_space<vmem>>, vector<1x16xf32>,
      %parallel_loop3A_152 = arith.index_cast %parallel_loop3A_66 : i32 to index
      %parallel_loop3A_153 = arith.constant 272 : index
      %parallel_loop3A_154 = tpu.vector_load %arg8[%parallel_loop3A_152, %parallel_loop3A_153] {strides = array<i32>} : memref<32x1024xf32, #tpu.memory_space<vmem>>, vector<1x16xf32>,
      %parallel_loop3A_155 = vector.shape_cast %parallel_loop3A_154 : vector<1x16xf32> to vector<16xf32>
      %parallel_loop3A_156 = vector.shape_cast %broadcast_in_dim3A_3 : vector<16xf32> to vector<1x16xf32>
      tpu.vector_store %arg8[%parallel_loop3A_152, %parallel_loop3A_153], %parallel_loop3A_156 {strides = array<i32>} : memref<32x1024xf32, #tpu.memory_space<vmem>>, vector<1x16xf32>,
      %parallel_loop3A_157 = arith.index_cast %parallel_loop3A_66 : i32 to index
      %parallel_loop3A_158 = arith.constant 288 : index
      %parallel_loop3A_159 = tpu.vector_load %arg8[%parallel_loop3A_157, %parallel_loop3A_158] {strides = array<i32>} : memref<32x1024xf32, #tpu.memory_space<vmem>>, vector<1x16xf32>,
      %parallel_loop3A_160 = vector.shape_cast %parallel_loop3A_159 : vector<1x16xf32> to vector<16xf32>
      %parallel_loop3A_161 = vector.shape_cast %broadcast_in_dim3A_3 : vector<16xf32> to vector<1x16xf32>
      tpu.vector_store %arg8[%parallel_loop3A_157, %parallel_loop3A_158], %parallel_loop3A_161 {strides = array<i32>} : memref<32x1024xf32, #tpu.memory_space<vmem>>, vector<1x16xf32>,
      %parallel_loop3A_162 = arith.index_cast %parallel_loop3A_66 : i32 to index
      %parallel_loop3A_163 = arith.constant 304 : index
      %parallel_loop3A_164 = tpu.vector_load %arg8[%parallel_loop3A_162, %parallel_loop3A_163] {strides = array<i32>} : memref<32x1024xf32, #tpu.memory_space<vmem>>, vector<1x16xf32>,
      %parallel_loop3A_165 = vector.shape_cast %parallel_loop3A_164 : vector<1x16xf32> to vector<16xf32>
      %parallel_loop3A_166 = vector.shape_cast %broadcast_in_dim3A_3 : vector<16xf32> to vector<1x16xf32>
      tpu.vector_store %arg8[%parallel_loop3A_162, %parallel_loop3A_163], %parallel_loop3A_166 {strides = array<i32>} : memref<32x1024xf32, #tpu.memory_space<vmem>>, vector<1x16xf32>,
      %parallel_loop3A_167 = arith.index_cast %parallel_loop3A_66 : i32 to index
      %parallel_loop3A_168 = arith.constant 320 : index
      %parallel_loop3A_169 = tpu.vector_load %arg8[%parallel_loop3A_167, %parallel_loop3A_168] {strides = array<i32>} : memref<32x1024xf32, #tpu.memory_space<vmem>>, vector<1x16xf32>,
      %parallel_loop3A_170 = vector.shape_cast %parallel_loop3A_169 : vector<1x16xf32> to vector<16xf32>
      %parallel_loop3A_171 = vector.shape_cast %broadcast_in_dim3A_3 : vector<16xf32> to vector<1x16xf32>
      tpu.vector_store %arg8[%parallel_loop3A_167, %parallel_loop3A_168], %parallel_loop3A_171 {strides = array<i32>} : memref<32x1024xf32, #tpu.memory_space<vmem>>, vector<1x16xf32>,
      %parallel_loop3A_172 = arith.index_cast %parallel_loop3A_66 : i32 to index
      %parallel_loop3A_173 = arith.constant 336 : index
      %parallel_loop3A_174 = tpu.vector_load %arg8[%parallel_loop3A_172, %parallel_loop3A_173] {strides = array<i32>} : memref<32x1024xf32, #tpu.memory_space<vmem>>, vector<1x16xf32>,
      %parallel_loop3A_175 = vector.shape_cast %parallel_loop3A_174 : vector<1x16xf32> to vector<16xf32>
      %parallel_loop3A_176 = vector.shape_cast %broadcast_in_dim3A_3 : vector<16xf32> to vector<1x16xf32>
      tpu.vector_store %arg8[%parallel_loop3A_172, %parallel_loop3A_173], %parallel_loop3A_176 {strides = array<i32>} : memref<32x1024xf32, #tpu.memory_space<vmem>>, vector<1x16xf32>,
      %parallel_loop3A_177 = arith.index_cast %parallel_loop3A_66 : i32 to index
      %parallel_loop3A_178 = arith.constant 352 : index
      %parallel_loop3A_179 = tpu.vector_load %arg8[%parallel_loop3A_177, %parallel_loop3A_178] {strides = array<i32>} : memref<32x1024xf32, #tpu.memory_space<vmem>>, vector<1x16xf32>,
      %parallel_loop3A_180 = vector.shape_cast %parallel_loop3A_179 : vector<1x16xf32> to vector<16xf32>
      %parallel_loop3A_181 = vector.shape_cast %broadcast_in_dim3A_3 : vector<16xf32> to vector<1x16xf32>
      tpu.vector_store %arg8[%parallel_loop3A_177, %parallel_loop3A_178], %parallel_loop3A_181 {strides = array<i32>} : memref<32x1024xf32, #tpu.memory_space<vmem>>, vector<1x16xf32>,
      %parallel_loop3A_182 = arith.index_cast %parallel_loop3A_66 : i32 to index
      %parallel_loop3A_183 = arith.constant 368 : index
      %parallel_loop3A_184 = tpu.vector_load %arg8[%parallel_loop3A_182, %parallel_loop3A_183] {strides = array<i32>} : memref<32x1024xf32, #tpu.memory_space<vmem>>, vector<1x16xf32>,
      %parallel_loop3A_185 = vector.shape_cast %parallel_loop3A_184 : vector<1x16xf32> to vector<16xf32>
      %parallel_loop3A_186 = vector.shape_cast %broadcast_in_dim3A_3 : vector<16xf32> to vector<1x16xf32>
      tpu.vector_store %arg8[%parallel_loop3A_182, %parallel_loop3A_183], %parallel_loop3A_186 {strides = array<i32>} : memref<32x1024xf32, #tpu.memory_space<vmem>>, vector<1x16xf32>,
      %parallel_loop3A_187 = arith.index_cast %parallel_loop3A_66 : i32 to index
      %parallel_loop3A_188 = arith.constant 384 : index
      %parallel_loop3A_189 = tpu.vector_load %arg8[%parallel_loop3A_187, %parallel_loop3A_188] {strides = array<i32>} : memref<32x1024xf32, #tpu.memory_space<vmem>>, vector<1x16xf32>,
      %parallel_loop3A_190 = vector.shape_cast %parallel_loop3A_189 : vector<1x16xf32> to vector<16xf32>
      %parallel_loop3A_191 = vector.shape_cast %broadcast_in_dim3A_3 : vector<16xf32> to vector<1x16xf32>
      tpu.vector_store %arg8[%parallel_loop3A_187, %parallel_loop3A_188], %parallel_loop3A_191 {strides = array<i32>} : memref<32x1024xf32, #tpu.memory_space<vmem>>, vector<1x16xf32>,
      %parallel_loop3A_192 = arith.index_cast %parallel_loop3A_66 : i32 to index
      %parallel_loop3A_193 = arith.constant 400 : index
      %parallel_loop3A_194 = tpu.vector_load %arg8[%parallel_loop3A_192, %parallel_loop3A_193] {strides = array<i32>} : memref<32x1024xf32, #tpu.memory_space<vmem>>, vector<1x16xf32>,
      %parallel_loop3A_195 = vector.shape_cast %parallel_loop3A_194 : vector<1x16xf32> to vector<16xf32>
      %parallel_loop3A_196 = vector.shape_cast %broadcast_in_dim3A_3 : vector<16xf32> to vector<1x16xf32>
      tpu.vector_store %arg8[%parallel_loop3A_192, %parallel_loop3A_193], %parallel_loop3A_196 {strides = array<i32>} : memref<32x1024xf32, #tpu.memory_space<vmem>>, vector<1x16xf32>,
      %parallel_loop3A_197 = arith.index_cast %parallel_loop3A_66 : i32 to index
      %parallel_loop3A_198 = arith.constant 416 : index
      %parallel_loop3A_199 = tpu.vector_load %arg8[%parallel_loop3A_197, %parallel_loop3A_198] {strides = array<i32>} : memref<32x1024xf32, #tpu.memory_space<vmem>>, vector<1x16xf32>,
      %parallel_loop3A_200 = vector.shape_cast %parallel_loop3A_199 : vector<1x16xf32> to vector<16xf32>
      %parallel_loop3A_201 = vector.shape_cast %broadcast_in_dim3A_3 : vector<16xf32> to vector<1x16xf32>
      tpu.vector_store %arg8[%parallel_loop3A_197, %parallel_loop3A_198], %parallel_loop3A_201 {strides = array<i32>} : memref<32x1024xf32, #tpu.memory_space<vmem>>, vector<1x16xf32>,
      %parallel_loop3A_202 = arith.index_cast %parallel_loop3A_66 : i32 to index
      %parallel_loop3A_203 = arith.constant 432 : index
      %parallel_loop3A_204 = tpu.vector_load %arg8[%parallel_loop3A_202, %parallel_loop3A_203] {strides = array<i32>} : memref<32x1024xf32, #tpu.memory_space<vmem>>, vector<1x16xf32>,
      %parallel_loop3A_205 = vector.shape_cast %parallel_loop3A_204 : vector<1x16xf32> to vector<16xf32>
      %parallel_loop3A_206 = vector.shape_cast %broadcast_in_dim3A_3 : vector<16xf32> to vector<1x16xf32>
      tpu.vector_store %arg8[%parallel_loop3A_202, %parallel_loop3A_203], %parallel_loop3A_206 {strides = array<i32>} : memref<32x1024xf32, #tpu.memory_space<vmem>>, vector<1x16xf32>,
      %parallel_loop3A_207 = arith.index_cast %parallel_loop3A_66 : i32 to index
      %parallel_loop3A_208 = arith.constant 448 : index
      %parallel_loop3A_209 = tpu.vector_load %arg8[%parallel_loop3A_207, %parallel_loop3A_208] {strides = array<i32>} : memref<32x1024xf32, #tpu.memory_space<vmem>>, vector<1x16xf32>,
      %parallel_loop3A_210 = vector.shape_cast %parallel_loop3A_209 : vector<1x16xf32> to vector<16xf32>
      %parallel_loop3A_211 = vector.shape_cast %broadcast_in_dim3A_3 : vector<16xf32> to vector<1x16xf32>
      tpu.vector_store %arg8[%parallel_loop3A_207, %parallel_loop3A_208], %parallel_loop3A_211 {strides = array<i32>} : memref<32x1024xf32, #tpu.memory_space<vmem>>, vector<1x16xf32>,
      %parallel_loop3A_212 = arith.index_cast %parallel_loop3A_66 : i32 to index
      %parallel_loop3A_213 = arith.constant 464 : index
      %parallel_loop3A_214 = tpu.vector_load %arg8[%parallel_loop3A_212, %parallel_loop3A_213] {strides = array<i32>} : memref<32x1024xf32, #tpu.memory_space<vmem>>, vector<1x16xf32>,
      %parallel_loop3A_215 = vector.shape_cast %parallel_loop3A_214 : vector<1x16xf32> to vector<16xf32>
      %parallel_loop3A_216 = vector.shape_cast %broadcast_in_dim3A_3 : vector<16xf32> to vector<1x16xf32>
      tpu.vector_store %arg8[%parallel_loop3A_212, %parallel_loop3A_213], %parallel_loop3A_216 {strides = array<i32>} : memref<32x1024xf32, #tpu.memory_space<vmem>>, vector<1x16xf32>,
      %parallel_loop3A_217 = arith.index_cast %parallel_loop3A_66 : i32 to index
      %parallel_loop3A_218 = arith.constant 480 : index
      %parallel_loop3A_219 = tpu.vector_load %arg8[%parallel_loop3A_217, %parallel_loop3A_218] {strides = array<i32>} : memref<32x1024xf32, #tpu.memory_space<vmem>>, vector<1x16xf32>,
      %parallel_loop3A_220 = vector.shape_cast %parallel_loop3A_219 : vector<1x16xf32> to vector<16xf32>
      %parallel_loop3A_221 = vector.shape_cast %broadcast_in_dim3A_3 : vector<16xf32> to vector<1x16xf32>
      tpu.vector_store %arg8[%parallel_loop3A_217, %parallel_loop3A_218], %parallel_loop3A_221 {strides = array<i32>} : memref<32x1024xf32, #tpu.memory_space<vmem>>, vector<1x16xf32>,
      %parallel_loop3A_222 = arith.index_cast %parallel_loop3A_66 : i32 to index
      %parallel_loop3A_223 = arith.constant 496 : index
      %parallel_loop3A_224 = tpu.vector_load %arg8[%parallel_loop3A_222, %parallel_loop3A_223] {strides = array<i32>} : memref<32x1024xf32, #tpu.memory_space<vmem>>, vector<1x16xf32>,
      %parallel_loop3A_225 = vector.shape_cast %parallel_loop3A_224 : vector<1x16xf32> to vector<16xf32>
      %parallel_loop3A_226 = vector.shape_cast %broadcast_in_dim3A_3 : vector<16xf32> to vector<1x16xf32>
      tpu.vector_store %arg8[%parallel_loop3A_222, %parallel_loop3A_223], %parallel_loop3A_226 {strides = array<i32>} : memref<32x1024xf32, #tpu.memory_space<vmem>>, vector<1x16xf32>,
      %parallel_loop3A_227 = arith.index_cast %parallel_loop3A_66 : i32 to index
      %parallel_loop3A_228 = arith.constant 512 : index
      %parallel_loop3A_229 = tpu.vector_load %arg8[%parallel_loop3A_227, %parallel_loop3A_228] {strides = array<i32>} : memref<32x1024xf32, #tpu.memory_space<vmem>>, vector<1x16xf32>,
      %parallel_loop3A_230 = vector.shape_cast %parallel_loop3A_229 : vector<1x16xf32> to vector<16xf32>
      %parallel_loop3A_231 = vector.shape_cast %broadcast_in_dim3A_3 : vector<16xf32> to vector<1x16xf32>
      tpu.vector_store %arg8[%parallel_loop3A_227, %parallel_loop3A_228], %parallel_loop3A_231 {strides = array<i32>} : memref<32x1024xf32, #tpu.memory_space<vmem>>, vector<1x16xf32>,
      %parallel_loop3A_232 = arith.index_cast %parallel_loop3A_66 : i32 to index
      %parallel_loop3A_233 = arith.constant 528 : index
      %parallel_loop3A_234 = tpu.vector_load %arg8[%parallel_loop3A_232, %parallel_loop3A_233] {strides = array<i32>} : memref<32x1024xf32, #tpu.memory_space<vmem>>, vector<1x16xf32>,
      %parallel_loop3A_235 = vector.shape_cast %parallel_loop3A_234 : vector<1x16xf32> to vector<16xf32>
      %parallel_loop3A_236 = vector.shape_cast %broadcast_in_dim3A_3 : vector<16xf32> to vector<1x16xf32>
      tpu.vector_store %arg8[%parallel_loop3A_232, %parallel_loop3A_233], %parallel_loop3A_236 {strides = array<i32>} : memref<32x1024xf32, #tpu.memory_space<vmem>>, vector<1x16xf32>,
      %parallel_loop3A_237 = arith.index_cast %parallel_loop3A_66 : i32 to index
      %parallel_loop3A_238 = arith.constant 544 : index
      %parallel_loop3A_239 = tpu.vector_load %arg8[%parallel_loop3A_237, %parallel_loop3A_238] {strides = array<i32>} : memref<32x1024xf32, #tpu.memory_space<vmem>>, vector<1x16xf32>,
      %parallel_loop3A_240 = vector.shape_cast %parallel_loop3A_239 : vector<1x16xf32> to vector<16xf32>
      %parallel_loop3A_241 = vector.shape_cast %broadcast_in_dim3A_3 : vector<16xf32> to vector<1x16xf32>
      tpu.vector_store %arg8[%parallel_loop3A_237, %parallel_loop3A_238], %parallel_loop3A_241 {strides = array<i32>} : memref<32x1024xf32, #tpu.memory_space<vmem>>, vector<1x16xf32>,
      %parallel_loop3A_242 = arith.index_cast %parallel_loop3A_66 : i32 to index
      %parallel_loop3A_243 = arith.constant 560 : index
      %parallel_loop3A_244 = tpu.vector_load %arg8[%parallel_loop3A_242, %parallel_loop3A_243] {strides = array<i32>} : memref<32x1024xf32, #tpu.memory_space<vmem>>, vector<1x16xf32>,
      %parallel_loop3A_245 = vector.shape_cast %parallel_loop3A_244 : vector<1x16xf32> to vector<16xf32>
      %parallel_loop3A_246 = vector.shape_cast %broadcast_in_dim3A_3 : vector<16xf32> to vector<1x16xf32>
      tpu.vector_store %arg8[%parallel_loop3A_242, %parallel_loop3A_243], %parallel_loop3A_246 {strides = array<i32>} : memref<32x1024xf32, #tpu.memory_space<vmem>>, vector<1x16xf32>,
      %parallel_loop3A_247 = arith.index_cast %parallel_loop3A_66 : i32 to index
      %parallel_loop3A_248 = arith.constant 576 : index
      %parallel_loop3A_249 = tpu.vector_load %arg8[%parallel_loop3A_247, %parallel_loop3A_248] {strides = array<i32>} : memref<32x1024xf32, #tpu.memory_space<vmem>>, vector<1x16xf32>,
      %parallel_loop3A_250 = vector.shape_cast %parallel_loop3A_249 : vector<1x16xf32> to vector<16xf32>
      %parallel_loop3A_251 = vector.shape_cast %broadcast_in_dim3A_3 : vector<16xf32> to vector<1x16xf32>
      tpu.vector_store %arg8[%parallel_loop3A_247, %parallel_loop3A_248], %parallel_loop3A_251 {strides = array<i32>} : memref<32x1024xf32, #tpu.memory_space<vmem>>, vector<1x16xf32>,
      %parallel_loop3A_252 = arith.index_cast %parallel_loop3A_66 : i32 to index
      %parallel_loop3A_253 = arith.constant 592 : index
      %parallel_loop3A_254 = tpu.vector_load %arg8[%parallel_loop3A_252, %parallel_loop3A_253] {strides = array<i32>} : memref<32x1024xf32, #tpu.memory_space<vmem>>, vector<1x16xf32>,
      %parallel_loop3A_255 = vector.shape_cast %parallel_loop3A_254 : vector<1x16xf32> to vector<16xf32>
      %parallel_loop3A_256 = vector.shape_cast %broadcast_in_dim3A_3 : vector<16xf32> to vector<1x16xf32>
      tpu.vector_store %arg8[%parallel_loop3A_252, %parallel_loop3A_253], %parallel_loop3A_256 {strides = array<i32>} : memref<32x1024xf32, #tpu.memory_space<vmem>>, vector<1x16xf32>,
      %parallel_loop3A_257 = arith.index_cast %parallel_loop3A_66 : i32 to index
      %parallel_loop3A_258 = arith.constant 608 : index
      %parallel_loop3A_259 = tpu.vector_load %arg8[%parallel_loop3A_257, %parallel_loop3A_258] {strides = array<i32>} : memref<32x1024xf32, #tpu.memory_space<vmem>>, vector<1x16xf32>,
      %parallel_loop3A_260 = vector.shape_cast %parallel_loop3A_259 : vector<1x16xf32> to vector<16xf32>
      %parallel_loop3A_261 = vector.shape_cast %broadcast_in_dim3A_3 : vector<16xf32> to vector<1x16xf32>
      tpu.vector_store %arg8[%parallel_loop3A_257, %parallel_loop3A_258], %parallel_loop3A_261 {strides = array<i32>} : memref<32x1024xf32, #tpu.memory_space<vmem>>, vector<1x16xf32>,
      %parallel_loop3A_262 = arith.index_cast %parallel_loop3A_66 : i32 to index
      %parallel_loop3A_263 = arith.constant 624 : index
      %parallel_loop3A_264 = tpu.vector_load %arg8[%parallel_loop3A_262, %parallel_loop3A_263] {strides = array<i32>} : memref<32x1024xf32, #tpu.memory_space<vmem>>, vector<1x16xf32>,
      %parallel_loop3A_265 = vector.shape_cast %parallel_loop3A_264 : vector<1x16xf32> to vector<16xf32>
      %parallel_loop3A_266 = vector.shape_cast %broadcast_in_dim3A_3 : vector<16xf32> to vector<1x16xf32>
      tpu.vector_store %arg8[%parallel_loop3A_262, %parallel_loop3A_263], %parallel_loop3A_266 {strides = array<i32>} : memref<32x1024xf32, #tpu.memory_space<vmem>>, vector<1x16xf32>,
      %parallel_loop3A_267 = arith.index_cast %parallel_loop3A_66 : i32 to index
      %parallel_loop3A_268 = arith.constant 640 : index
      %parallel_loop3A_269 = tpu.vector_load %arg8[%parallel_loop3A_267, %parallel_loop3A_268] {strides = array<i32>} : memref<32x1024xf32, #tpu.memory_space<vmem>>, vector<1x16xf32>,
      %parallel_loop3A_270 = vector.shape_cast %parallel_loop3A_269 : vector<1x16xf32> to vector<16xf32>
      %parallel_loop3A_271 = vector.shape_cast %broadcast_in_dim3A_3 : vector<16xf32> to vector<1x16xf32>
      tpu.vector_store %arg8[%parallel_loop3A_267, %parallel_loop3A_268], %parallel_loop3A_271 {strides = array<i32>} : memref<32x1024xf32, #tpu.memory_space<vmem>>, vector<1x16xf32>,
      %parallel_loop3A_272 = arith.index_cast %parallel_loop3A_66 : i32 to index
      %parallel_loop3A_273 = arith.constant 656 : index
      %parallel_loop3A_274 = tpu.vector_load %arg8[%parallel_loop3A_272, %parallel_loop3A_273] {strides = array<i32>} : memref<32x1024xf32, #tpu.memory_space<vmem>>, vector<1x16xf32>,
      %parallel_loop3A_275 = vector.shape_cast %parallel_loop3A_274 : vector<1x16xf32> to vector<16xf32>
      %parallel_loop3A_276 = vector.shape_cast %broadcast_in_dim3A_3 : vector<16xf32> to vector<1x16xf32>
      tpu.vector_store %arg8[%parallel_loop3A_272, %parallel_loop3A_273], %parallel_loop3A_276 {strides = array<i32>} : memref<32x1024xf32, #tpu.memory_space<vmem>>, vector<1x16xf32>,
      %parallel_loop3A_277 = arith.index_cast %parallel_loop3A_66 : i32 to index
      %parallel_loop3A_278 = arith.constant 672 : index
      %parallel_loop3A_279 = tpu.vector_load %arg8[%parallel_loop3A_277, %parallel_loop3A_278] {strides = array<i32>} : memref<32x1024xf32, #tpu.memory_space<vmem>>, vector<1x16xf32>,
      %parallel_loop3A_280 = vector.shape_cast %parallel_loop3A_279 : vector<1x16xf32> to vector<16xf32>
      %parallel_loop3A_281 = vector.shape_cast %broadcast_in_dim3A_3 : vector<16xf32> to vector<1x16xf32>
      tpu.vector_store %arg8[%parallel_loop3A_277, %parallel_loop3A_278], %parallel_loop3A_281 {strides = array<i32>} : memref<32x1024xf32, #tpu.memory_space<vmem>>, vector<1x16xf32>,
      %parallel_loop3A_282 = arith.index_cast %parallel_loop3A_66 : i32 to index
      %parallel_loop3A_283 = arith.constant 688 : index
      %parallel_loop3A_284 = tpu.vector_load %arg8[%parallel_loop3A_282, %parallel_loop3A_283] {strides = array<i32>} : memref<32x1024xf32, #tpu.memory_space<vmem>>, vector<1x16xf32>,
      %parallel_loop3A_285 = vector.shape_cast %parallel_loop3A_284 : vector<1x16xf32> to vector<16xf32>
      %parallel_loop3A_286 = vector.shape_cast %broadcast_in_dim3A_3 : vector<16xf32> to vector<1x16xf32>
      tpu.vector_store %arg8[%parallel_loop3A_282, %parallel_loop3A_283], %parallel_loop3A_286 {strides = array<i32>} : memref<32x1024xf32, #tpu.memory_space<vmem>>, vector<1x16xf32>,
      %parallel_loop3A_287 = arith.index_cast %parallel_loop3A_66 : i32 to index
      %parallel_loop3A_288 = arith.constant 704 : index
      %parallel_loop3A_289 = tpu.vector_load %arg8[%parallel_loop3A_287, %parallel_loop3A_288] {strides = array<i32>} : memref<32x1024xf32, #tpu.memory_space<vmem>>, vector<1x16xf32>,
      %parallel_loop3A_290 = vector.shape_cast %parallel_loop3A_289 : vector<1x16xf32> to vector<16xf32>
      %parallel_loop3A_291 = vector.shape_cast %broadcast_in_dim3A_3 : vector<16xf32> to vector<1x16xf32>
      tpu.vector_store %arg8[%parallel_loop3A_287, %parallel_loop3A_288], %parallel_loop3A_291 {strides = array<i32>} : memref<32x1024xf32, #tpu.memory_space<vmem>>, vector<1x16xf32>,
      %parallel_loop3A_292 = arith.index_cast %parallel_loop3A_66 : i32 to index
      %parallel_loop3A_293 = arith.constant 720 : index
      %parallel_loop3A_294 = tpu.vector_load %arg8[%parallel_loop3A_292, %parallel_loop3A_293] {strides = array<i32>} : memref<32x1024xf32, #tpu.memory_space<vmem>>, vector<1x16xf32>,
      %parallel_loop3A_295 = vector.shape_cast %parallel_loop3A_294 : vector<1x16xf32> to vector<16xf32>
      %parallel_loop3A_296 = vector.shape_cast %broadcast_in_dim3A_3 : vector<16xf32> to vector<1x16xf32>
      tpu.vector_store %arg8[%parallel_loop3A_292, %parallel_loop3A_293], %parallel_loop3A_296 {strides = array<i32>} : memref<32x1024xf32, #tpu.memory_space<vmem>>, vector<1x16xf32>,
      %parallel_loop3A_297 = arith.index_cast %parallel_loop3A_66 : i32 to index
      %parallel_loop3A_298 = arith.constant 736 : index
      %parallel_loop3A_299 = tpu.vector_load %arg8[%parallel_loop3A_297, %parallel_loop3A_298] {strides = array<i32>} : memref<32x1024xf32, #tpu.memory_space<vmem>>, vector<1x16xf32>,
      %parallel_loop3A_300 = vector.shape_cast %parallel_loop3A_299 : vector<1x16xf32> to vector<16xf32>
      %parallel_loop3A_301 = vector.shape_cast %broadcast_in_dim3A_3 : vector<16xf32> to vector<1x16xf32>
      tpu.vector_store %arg8[%parallel_loop3A_297, %parallel_loop3A_298], %parallel_loop3A_301 {strides = array<i32>} : memref<32x1024xf32, #tpu.memory_space<vmem>>, vector<1x16xf32>,
      %parallel_loop3A_302 = arith.index_cast %parallel_loop3A_66 : i32 to index
      %parallel_loop3A_303 = arith.constant 752 : index
      %parallel_loop3A_304 = tpu.vector_load %arg8[%parallel_loop3A_302, %parallel_loop3A_303] {strides = array<i32>} : memref<32x1024xf32, #tpu.memory_space<vmem>>, vector<1x16xf32>,
      %parallel_loop3A_305 = vector.shape_cast %parallel_loop3A_304 : vector<1x16xf32> to vector<16xf32>
      %parallel_loop3A_306 = vector.shape_cast %broadcast_in_dim3A_3 : vector<16xf32> to vector<1x16xf32>
      tpu.vector_store %arg8[%parallel_loop3A_302, %parallel_loop3A_303], %parallel_loop3A_306 {strides = array<i32>} : memref<32x1024xf32, #tpu.memory_space<vmem>>, vector<1x16xf32>,
      %parallel_loop3A_307 = arith.index_cast %parallel_loop3A_66 : i32 to index
      %parallel_loop3A_308 = arith.constant 768 : index
      %parallel_loop3A_309 = tpu.vector_load %arg8[%parallel_loop3A_307, %parallel_loop3A_308] {strides = array<i32>} : memref<32x1024xf32, #tpu.memory_space<vmem>>, vector<1x16xf32>,
      %parallel_loop3A_310 = vector.shape_cast %parallel_loop3A_309 : vector<1x16xf32> to vector<16xf32>
      %parallel_loop3A_311 = vector.shape_cast %broadcast_in_dim3A_3 : vector<16xf32> to vector<1x16xf32>
      tpu.vector_store %arg8[%parallel_loop3A_307, %parallel_loop3A_308], %parallel_loop3A_311 {strides = array<i32>} : memref<32x1024xf32, #tpu.memory_space<vmem>>, vector<1x16xf32>,
      %parallel_loop3A_312 = arith.index_cast %parallel_loop3A_66 : i32 to index
      %parallel_loop3A_313 = arith.constant 784 : index
      %parallel_loop3A_314 = tpu.vector_load %arg8[%parallel_loop3A_312, %parallel_loop3A_313] {strides = array<i32>} : memref<32x1024xf32, #tpu.memory_space<vmem>>, vector<1x16xf32>,
      %parallel_loop3A_315 = vector.shape_cast %parallel_loop3A_314 : vector<1x16xf32> to vector<16xf32>
      %parallel_loop3A_316 = vector.shape_cast %broadcast_in_dim3A_3 : vector<16xf32> to vector<1x16xf32>
      tpu.vector_store %arg8[%parallel_loop3A_312, %parallel_loop3A_313], %parallel_loop3A_316 {strides = array<i32>} : memref<32x1024xf32, #tpu.memory_space<vmem>>, vector<1x16xf32>,
      %parallel_loop3A_317 = arith.index_cast %parallel_loop3A_66 : i32 to index
      %parallel_loop3A_318 = arith.constant 800 : index
      %parallel_loop3A_319 = tpu.vector_load %arg8[%parallel_loop3A_317, %parallel_loop3A_318] {strides = array<i32>} : memref<32x1024xf32, #tpu.memory_space<vmem>>, vector<1x16xf32>,
      %parallel_loop3A_320 = vector.shape_cast %parallel_loop3A_319 : vector<1x16xf32> to vector<16xf32>
      %parallel_loop3A_321 = vector.shape_cast %broadcast_in_dim3A_3 : vector<16xf32> to vector<1x16xf32>
      tpu.vector_store %arg8[%parallel_loop3A_317, %parallel_loop3A_318], %parallel_loop3A_321 {strides = array<i32>} : memref<32x1024xf32, #tpu.memory_space<vmem>>, vector<1x16xf32>,
      %parallel_loop3A_322 = arith.index_cast %parallel_loop3A_66 : i32 to index
      %parallel_loop3A_323 = arith.constant 816 : index
      %parallel_loop3A_324 = tpu.vector_load %arg8[%parallel_loop3A_322, %parallel_loop3A_323] {strides = array<i32>} : memref<32x1024xf32, #tpu.memory_space<vmem>>, vector<1x16xf32>,
      %parallel_loop3A_325 = vector.shape_cast %parallel_loop3A_324 : vector<1x16xf32> to vector<16xf32>
      %parallel_loop3A_326 = vector.shape_cast %broadcast_in_dim3A_3 : vector<16xf32> to vector<1x16xf32>
      tpu.vector_store %arg8[%parallel_loop3A_322, %parallel_loop3A_323], %parallel_loop3A_326 {strides = array<i32>} : memref<32x1024xf32, #tpu.memory_space<vmem>>, vector<1x16xf32>,
      %parallel_loop3A_327 = arith.index_cast %parallel_loop3A_66 : i32 to index
      %parallel_loop3A_328 = arith.constant 832 : index
      %parallel_loop3A_329 = tpu.vector_load %arg8[%parallel_loop3A_327, %parallel_loop3A_328] {strides = array<i32>} : memref<32x1024xf32, #tpu.memory_space<vmem>>, vector<1x16xf32>,
      %parallel_loop3A_330 = vector.shape_cast %parallel_loop3A_329 : vector<1x16xf32> to vector<16xf32>
      %parallel_loop3A_331 = vector.shape_cast %broadcast_in_dim3A_3 : vector<16xf32> to vector<1x16xf32>
      tpu.vector_store %arg8[%parallel_loop3A_327, %parallel_loop3A_328], %parallel_loop3A_331 {strides = array<i32>} : memref<32x1024xf32, #tpu.memory_space<vmem>>, vector<1x16xf32>,
      %parallel_loop3A_332 = arith.index_cast %parallel_loop3A_66 : i32 to index
      %parallel_loop3A_333 = arith.constant 848 : index
      %parallel_loop3A_334 = tpu.vector_load %arg8[%parallel_loop3A_332, %parallel_loop3A_333] {strides = array<i32>} : memref<32x1024xf32, #tpu.memory_space<vmem>>, vector<1x16xf32>,
      %parallel_loop3A_335 = vector.shape_cast %parallel_loop3A_334 : vector<1x16xf32> to vector<16xf32>
      %parallel_loop3A_336 = vector.shape_cast %broadcast_in_dim3A_3 : vector<16xf32> to vector<1x16xf32>
      tpu.vector_store %arg8[%parallel_loop3A_332, %parallel_loop3A_333], %parallel_loop3A_336 {strides = array<i32>} : memref<32x1024xf32, #tpu.memory_space<vmem>>, vector<1x16xf32>,
      %parallel_loop3A_337 = arith.index_cast %parallel_loop3A_66 : i32 to index
      %parallel_loop3A_338 = arith.constant 864 : index
      %parallel_loop3A_339 = tpu.vector_load %arg8[%parallel_loop3A_337, %parallel_loop3A_338] {strides = array<i32>} : memref<32x1024xf32, #tpu.memory_space<vmem>>, vector<1x16xf32>,
      %parallel_loop3A_340 = vector.shape_cast %parallel_loop3A_339 : vector<1x16xf32> to vector<16xf32>
      %parallel_loop3A_341 = vector.shape_cast %broadcast_in_dim3A_3 : vector<16xf32> to vector<1x16xf32>
      tpu.vector_store %arg8[%parallel_loop3A_337, %parallel_loop3A_338], %parallel_loop3A_341 {strides = array<i32>} : memref<32x1024xf32, #tpu.memory_space<vmem>>, vector<1x16xf32>,
      %parallel_loop3A_342 = arith.index_cast %parallel_loop3A_66 : i32 to index
      %parallel_loop3A_343 = arith.constant 880 : index
      %parallel_loop3A_344 = tpu.vector_load %arg8[%parallel_loop3A_342, %parallel_loop3A_343] {strides = array<i32>} : memref<32x1024xf32, #tpu.memory_space<vmem>>, vector<1x16xf32>,
      %parallel_loop3A_345 = vector.shape_cast %parallel_loop3A_344 : vector<1x16xf32> to vector<16xf32>
      %parallel_loop3A_346 = vector.shape_cast %broadcast_in_dim3A_3 : vector<16xf32> to vector<1x16xf32>
      tpu.vector_store %arg8[%parallel_loop3A_342, %parallel_loop3A_343], %parallel_loop3A_346 {strides = array<i32>} : memref<32x1024xf32, #tpu.memory_space<vmem>>, vector<1x16xf32>,
      %parallel_loop3A_347 = arith.index_cast %parallel_loop3A_66 : i32 to index
      %parallel_loop3A_348 = arith.constant 896 : index
      %parallel_loop3A_349 = tpu.vector_load %arg8[%parallel_loop3A_347, %parallel_loop3A_348] {strides = array<i32>} : memref<32x1024xf32, #tpu.memory_space<vmem>>, vector<1x16xf32>,
      %parallel_loop3A_350 = vector.shape_cast %parallel_loop3A_349 : vector<1x16xf32> to vector<16xf32>
      %parallel_loop3A_351 = vector.shape_cast %broadcast_in_dim3A_3 : vector<16xf32> to vector<1x16xf32>
      tpu.vector_store %arg8[%parallel_loop3A_347, %parallel_loop3A_348], %parallel_loop3A_351 {strides = array<i32>} : memref<32x1024xf32, #tpu.memory_space<vmem>>, vector<1x16xf32>,
      %parallel_loop3A_352 = arith.index_cast %parallel_loop3A_66 : i32 to index
      %parallel_loop3A_353 = arith.constant 912 : index
      %parallel_loop3A_354 = tpu.vector_load %arg8[%parallel_loop3A_352, %parallel_loop3A_353] {strides = array<i32>} : memref<32x1024xf32, #tpu.memory_space<vmem>>, vector<1x16xf32>,
      %parallel_loop3A_355 = vector.shape_cast %parallel_loop3A_354 : vector<1x16xf32> to vector<16xf32>
      %parallel_loop3A_356 = vector.shape_cast %broadcast_in_dim3A_3 : vector<16xf32> to vector<1x16xf32>
      tpu.vector_store %arg8[%parallel_loop3A_352, %parallel_loop3A_353], %parallel_loop3A_356 {strides = array<i32>} : memref<32x1024xf32, #tpu.memory_space<vmem>>, vector<1x16xf32>,
      %parallel_loop3A_357 = arith.index_cast %parallel_loop3A_66 : i32 to index
      %parallel_loop3A_358 = arith.constant 928 : index
      %parallel_loop3A_359 = tpu.vector_load %arg8[%parallel_loop3A_357, %parallel_loop3A_358] {strides = array<i32>} : memref<32x1024xf32, #tpu.memory_space<vmem>>, vector<1x16xf32>,
      %parallel_loop3A_360 = vector.shape_cast %parallel_loop3A_359 : vector<1x16xf32> to vector<16xf32>
      %parallel_loop3A_361 = vector.shape_cast %broadcast_in_dim3A_3 : vector<16xf32> to vector<1x16xf32>
      tpu.vector_store %arg8[%parallel_loop3A_357, %parallel_loop3A_358], %parallel_loop3A_361 {strides = array<i32>} : memref<32x1024xf32, #tpu.memory_space<vmem>>, vector<1x16xf32>,
      %parallel_loop3A_362 = arith.index_cast %parallel_loop3A_66 : i32 to index
      %parallel_loop3A_363 = arith.constant 944 : index
      %parallel_loop3A_364 = tpu.vector_load %arg8[%parallel_loop3A_362, %parallel_loop3A_363] {strides = array<i32>} : memref<32x1024xf32, #tpu.memory_space<vmem>>, vector<1x16xf32>,
      %parallel_loop3A_365 = vector.shape_cast %parallel_loop3A_364 : vector<1x16xf32> to vector<16xf32>
      %parallel_loop3A_366 = vector.shape_cast %broadcast_in_dim3A_3 : vector<16xf32> to vector<1x16xf32>
      tpu.vector_store %arg8[%parallel_loop3A_362, %parallel_loop3A_363], %parallel_loop3A_366 {strides = array<i32>} : memref<32x1024xf32, #tpu.memory_space<vmem>>, vector<1x16xf32>,
      %parallel_loop3A_367 = arith.index_cast %parallel_loop3A_66 : i32 to index
      %parallel_loop3A_368 = arith.constant 960 : index
      %parallel_loop3A_369 = tpu.vector_load %arg8[%parallel_loop3A_367, %parallel_loop3A_368] {strides = array<i32>} : memref<32x1024xf32, #tpu.memory_space<vmem>>, vector<1x16xf32>,
      %parallel_loop3A_370 = vector.shape_cast %parallel_loop3A_369 : vector<1x16xf32> to vector<16xf32>
      %parallel_loop3A_371 = vector.shape_cast %broadcast_in_dim3A_3 : vector<16xf32> to vector<1x16xf32>
      tpu.vector_store %arg8[%parallel_loop3A_367, %parallel_loop3A_368], %parallel_loop3A_371 {strides = array<i32>} : memref<32x1024xf32, #tpu.memory_space<vmem>>, vector<1x16xf32>,
      %parallel_loop3A_372 = arith.index_cast %parallel_loop3A_66 : i32 to index
      %parallel_loop3A_373 = arith.constant 976 : index
      %parallel_loop3A_374 = tpu.vector_load %arg8[%parallel_loop3A_372, %parallel_loop3A_373] {strides = array<i32>} : memref<32x1024xf32, #tpu.memory_space<vmem>>, vector<1x16xf32>,
      %parallel_loop3A_375 = vector.shape_cast %parallel_loop3A_374 : vector<1x16xf32> to vector<16xf32>
      %parallel_loop3A_376 = vector.shape_cast %broadcast_in_dim3A_3 : vector<16xf32> to vector<1x16xf32>
      tpu.vector_store %arg8[%parallel_loop3A_372, %parallel_loop3A_373], %parallel_loop3A_376 {strides = array<i32>} : memref<32x1024xf32, #tpu.memory_space<vmem>>, vector<1x16xf32>,
      %parallel_loop3A_377 = arith.index_cast %parallel_loop3A_66 : i32 to index
      %parallel_loop3A_378 = arith.constant 992 : index
      %parallel_loop3A_379 = tpu.vector_load %arg8[%parallel_loop3A_377, %parallel_loop3A_378] {strides = array<i32>} : memref<32x1024xf32, #tpu.memory_space<vmem>>, vector<1x16xf32>,
      %parallel_loop3A_380 = vector.shape_cast %parallel_loop3A_379 : vector<1x16xf32> to vector<16xf32>
      %parallel_loop3A_381 = vector.shape_cast %broadcast_in_dim3A_3 : vector<16xf32> to vector<1x16xf32>
      tpu.vector_store %arg8[%parallel_loop3A_377, %parallel_loop3A_378], %parallel_loop3A_381 {strides = array<i32>} : memref<32x1024xf32, #tpu.memory_space<vmem>>, vector<1x16xf32>,
      %parallel_loop3A_382 = arith.index_cast %parallel_loop3A_66 : i32 to index
      %parallel_loop3A_383 = arith.constant 1008 : index
      %parallel_loop3A_384 = tpu.vector_load %arg8[%parallel_loop3A_382, %parallel_loop3A_383] {strides = array<i32>} : memref<32x1024xf32, #tpu.memory_space<vmem>>, vector<1x16xf32>,
      %parallel_loop3A_385 = vector.shape_cast %parallel_loop3A_384 : vector<1x16xf32> to vector<16xf32>
      %parallel_loop3A_386 = vector.shape_cast %broadcast_in_dim3A_3 : vector<16xf32> to vector<1x16xf32>
      tpu.vector_store %arg8[%parallel_loop3A_382, %parallel_loop3A_383], %parallel_loop3A_386 {strides = array<i32>} : memref<32x1024xf32, #tpu.memory_space<vmem>>, vector<1x16xf32>,
    } {sc.loop_unroll_factor = 1 : i64, sc.parallel_access}
    %dma_start3A = arith.constant 0 : i32
    %dma_start3A_6 = arith.constant 0 : i32
    %dma_start3A_7 = arith.constant 0 : i32
    %dma_start3A_8 = tpu.memref_slice %arg6[%dma_start3A_6, %dma_start3A_7] : memref<32x1024xf32, #tpu.memory_space<vmem>> -> memref<16x1024xf32, #tpu.memory_space<vmem>>
    %dma_start3A_9 = arith.constant 0 : i32
    %dma_start3A_10 = tpu.memref_slice %arg3[%dma_start3A, %mul3A_2, %dma_start3A_9] : memref<64x1024x1024xf32, #tpu.memory_space<hbm>> -> memref<1x16x1024xf32, #tpu.memory_space<hbm>>
    %dma_start3A_11 = tpu.memref_squeeze %dma_start3A_10 : memref<1x16x1024xf32, #tpu.memory_space<hbm>> -> memref<16x1024xf32, #tpu.memory_space<hbm>>
    %dma_start3A_12 = arith.constant 0 : i32
    %dma_start3A_13 = arith.constant 0 : i32
    %dma_start3A_14 = tpu.memref_slice %arg6[%dma_start3A_12, %dma_start3A_13] : memref<32x1024xf32, #tpu.memory_space<vmem>> -> memref<16x1024xf32, #tpu.memory_space<vmem>>
    %dma_start3A_15 = arith.constant 0 : i32
    %dma_start3A_16 = tpu.memref_slice %arg3[%dma_start3A, %mul3A_2, %dma_start3A_15] : memref<64x1024x1024xf32, #tpu.memory_space<hbm>> -> memref<1x16x1024xf32, #tpu.memory_space<hbm>>
    %dma_start3A_17 = tpu.memref_squeeze %dma_start3A_16 : memref<1x16x1024xf32, #tpu.memory_space<hbm>> -> memref<16x1024xf32, #tpu.memory_space<hbm>>
    tpu.enqueue_dma source(%dma_start3A_17 : memref<16x1024xf32, #tpu.memory_space<hbm>>) target(%dma_start3A_14 : memref<16x1024xf32, #tpu.memory_space<vmem>>) target_semaphore(%arg9 : memref<!tpu.dma_semaphore, #tpu.memory_space<semaphore_mem>>)
    %add3A_18 = arith.constant 16 : i32
    %add3A_19 = arith.addi %mul3A_2, %add3A_18 : i32
    %dma_start3A_20 = arith.constant 0 : i32
    %dma_start3A_21 = arith.constant 16 : i32
    %dma_start3A_22 = arith.constant 0 : i32
    %dma_start3A_23 = tpu.memref_slice %arg6[%dma_start3A_21, %dma_start3A_22] : memref<32x1024xf32, #tpu.memory_space<vmem>> -> memref<16x1024xf32, #tpu.memory_space<vmem>>
    %dma_start3A_24 = arith.constant 0 : i32
    %dma_start3A_25 = tpu.memref_slice %arg3[%dma_start3A_20, %add3A_19, %dma_start3A_24] : memref<64x1024x1024xf32, #tpu.memory_space<hbm>> -> memref<1x16x1024xf32, #tpu.memory_space<hbm>>
    %dma_start3A_26 = tpu.memref_squeeze %dma_start3A_25 : memref<1x16x1024xf32, #tpu.memory_space<hbm>> -> memref<16x1024xf32, #tpu.memory_space<hbm>>
    %dma_start3A_27 = arith.constant 16 : i32
    %dma_start3A_28 = arith.constant 0 : i32
    %dma_start3A_29 = tpu.memref_slice %arg6[%dma_start3A_27, %dma_start3A_28] : memref<32x1024xf32, #tpu.memory_space<vmem>> -> memref<16x1024xf32, #tpu.memory_space<vmem>>
    %dma_start3A_30 = arith.constant 0 : i32
    %dma_start3A_31 = tpu.memref_slice %arg3[%dma_start3A_20, %add3A_19, %dma_start3A_30] : memref<64x1024x1024xf32, #tpu.memory_space<hbm>> -> memref<1x16x1024xf32, #tpu.memory_space<hbm>>
    %dma_start3A_32 = tpu.memref_squeeze %dma_start3A_31 : memref<1x16x1024xf32, #tpu.memory_space<hbm>> -> memref<16x1024xf32, #tpu.memory_space<hbm>>
    tpu.enqueue_dma source(%dma_start3A_32 : memref<16x1024xf32, #tpu.memory_space<hbm>>) target(%dma_start3A_29 : memref<16x1024xf32, #tpu.memory_space<vmem>>) target_semaphore(%arg9 : memref<!tpu.dma_semaphore, #tpu.memory_space<semaphore_mem>>)
    %dma_start3A_33 = arith.constant 1 : i32
    %dma_start3A_34 = arith.constant 0 : i32
    %dma_start3A_35 = arith.constant 0 : i32
    %dma_start3A_36 = tpu.memref_slice %arg7[%dma_start3A_34, %dma_start3A_35] : memref<32x1024xf32, #tpu.memory_space<vmem>> -> memref<16x1024xf32, #tpu.memory_space<vmem>>
    %dma_start3A_37 = arith.constant 0 : i32
    %dma_start3A_38 = tpu.memref_slice %arg3[%dma_start3A_33, %mul3A_2, %dma_start3A_37] : memref<64x1024x1024xf32, #tpu.memory_space<hbm>> -> memref<1x16x1024xf32, #tpu.memory_space<hbm>>
    %dma_start3A_39 = tpu.memref_squeeze %dma_start3A_38 : memref<1x16x1024xf32, #tpu.memory_space<hbm>> -> memref<16x1024xf32, #tpu.memory_space<hbm>>
    %dma_start3A_40 = arith.constant 0 : i32
    %dma_start3A_41 = arith.constant 0 : i32
    %dma_start3A_42 = tpu.memref_slice %arg7[%dma_start3A_40, %dma_start3A_41] : memref<32x1024xf32, #tpu.memory_space<vmem>> -> memref<16x1024xf32, #tpu.memory_space<vmem>>
    %dma_start3A_43 = arith.constant 0 : i32
    %dma_start3A_44 = tpu.memref_slice %arg3[%dma_start3A_33, %mul3A_2, %dma_start3A_43] : memref<64x1024x1024xf32, #tpu.memory_space<hbm>> -> memref<1x16x1024xf32, #tpu.memory_space<hbm>>
    %dma_start3A_45 = tpu.memref_squeeze %dma_start3A_44 : memref<1x16x1024xf32, #tpu.memory_space<hbm>> -> memref<16x1024xf32, #tpu.memory_space<hbm>>
    tpu.enqueue_dma source(%dma_start3A_45 : memref<16x1024xf32, #tpu.memory_space<hbm>>) target(%dma_start3A_42 : memref<16x1024xf32, #tpu.memory_space<vmem>>) target_semaphore(%arg10 : memref<!tpu.dma_semaphore, #tpu.memory_space<semaphore_mem>>)
    %add3A_46 = arith.constant 16 : i32
    %add3A_47 = arith.addi %mul3A_2, %add3A_46 : i32
    %dma_start3A_48 = arith.constant 1 : i32
    %dma_start3A_49 = arith.constant 16 : i32
    %dma_start3A_50 = arith.constant 0 : i32
    %dma_start3A_51 = tpu.memref_slice %arg7[%dma_start3A_49, %dma_start3A_50] : memref<32x1024xf32, #tpu.memory_space<vmem>> -> memref<16x1024xf32, #tpu.memory_space<vmem>>
    %dma_start3A_52 = arith.constant 0 : i32
    %dma_start3A_53 = tpu.memref_slice %arg3[%dma_start3A_48, %add3A_47, %dma_start3A_52] : memref<64x1024x1024xf32, #tpu.memory_space<hbm>> -> memref<1x16x1024xf32, #tpu.memory_space<hbm>>
    %dma_start3A_54 = tpu.memref_squeeze %dma_start3A_53 : memref<1x16x1024xf32, #tpu.memory_space<hbm>> -> memref<16x1024xf32, #tpu.memory_space<hbm>>
    %dma_start3A_55 = arith.constant 16 : i32
    %dma_start3A_56 = arith.constant 0 : i32
    %dma_start3A_57 = tpu.memref_slice %arg7[%dma_start3A_55, %dma_start3A_56] : memref<32x1024xf32, #tpu.memory_space<vmem>> -> memref<16x1024xf32, #tpu.memory_space<vmem>>
    %dma_start3A_58 = arith.constant 0 : i32
    %dma_start3A_59 = tpu.memref_slice %arg3[%dma_start3A_48, %add3A_47, %dma_start3A_58] : memref<64x1024x1024xf32, #tpu.memory_space<hbm>> -> memref<1x16x1024xf32, #tpu.memory_space<hbm>>
    %dma_start3A_60 = tpu.memref_squeeze %dma_start3A_59 : memref<1x16x1024xf32, #tpu.memory_space<hbm>> -> memref<16x1024xf32, #tpu.memory_space<hbm>>
    tpu.enqueue_dma source(%dma_start3A_60 : memref<16x1024xf32, #tpu.memory_space<hbm>>) target(%dma_start3A_57 : memref<16x1024xf32, #tpu.memory_space<vmem>>) target_semaphore(%arg10 : memref<!tpu.dma_semaphore, #tpu.memory_space<semaphore_mem>>)
    %scan3A = arith.constant 0 : i32
    %scan3A_61 = arith.constant 0 : i32
    %scan3A_62 = arith.constant 12 : i32
    %scan3A_63 = arith.addi %scan3A_61, %scan3A_62 : i32
    %scan3A_64 = arith.constant 1 : i32
    scf.for %scan3A_66 = %scan3A_61 to %scan3A_63 step %scan3A_64  : i32 {
      %mul3A_67 = arith.constant 2 : i32
      %mul3A_68 = arith.muli %scan3A_66, %mul3A_67 : i32
      %add3A_69 = arith.constant 0 : i32
      %add3A_70 = arith.addi %mul3A_68, %add3A_69 : i32
      %dma_wait3A = arith.constant 0 : i32
      %dma_wait3A_71 = arith.constant 0 : i32
      %dma_wait3A_72 = arith.constant 0 : i32
      %dma_wait3A_73 = tpu.memref_slice %arg6[%dma_wait3A_71, %dma_wait3A_72] : memref<32x1024xf32, #tpu.memory_space<vmem>> -> memref<16x1024xf32, #tpu.memory_space<vmem>>
      %dma_wait3A_74 = arith.constant 0 : i32
      %dma_wait3A_75 = tpu.memref_slice %arg3[%dma_wait3A, %mul3A_2, %dma_wait3A_74] : memref<64x1024x1024xf32, #tpu.memory_space<hbm>> -> memref<1x16x1024xf32, #tpu.memory_space<hbm>>
      %dma_wait3A_76 = tpu.memref_squeeze %dma_wait3A_75 : memref<1x16x1024xf32, #tpu.memory_space<hbm>> -> memref<16x1024xf32, #tpu.memory_space<hbm>>
      %dma_wait3A_77 = arith.constant 0 : i32
      %dma_wait3A_78 = arith.constant 0 : i32
      %dma_wait3A_79 = tpu.memref_slice %arg6[%dma_wait3A_77, %dma_wait3A_78] : memref<32x1024xf32, #tpu.memory_space<vmem>> -> memref<16x1024xf32, #tpu.memory_space<vmem>>
      %dma_wait3A_80 = arith.constant 0 : i32
      %dma_wait3A_81 = tpu.memref_slice %arg3[%dma_wait3A, %mul3A_2, %dma_wait3A_80] : memref<64x1024x1024xf32, #tpu.memory_space<hbm>> -> memref<1x16x1024xf32, #tpu.memory_space<hbm>>
      %dma_wait3A_82 = tpu.memref_squeeze %dma_wait3A_81 : memref<1x16x1024xf32, #tpu.memory_space<hbm>> -> memref<16x1024xf32, #tpu.memory_space<hbm>>
      tpu.wait_dma2 semaphore(%arg9 : memref<!tpu.dma_semaphore, #tpu.memory_space<semaphore_mem>>) src(%dma_wait3A_82 : memref<16x1024xf32, #tpu.memory_space<hbm>>) dst(%dma_wait3A_79 : memref<16x1024xf32, #tpu.memory_space<vmem>>)
      %dma_wait3A_83 = arith.constant 0 : i32
      %dma_wait3A_84 = arith.constant 16 : i32
      %dma_wait3A_85 = arith.constant 0 : i32
      %dma_wait3A_86 = tpu.memref_slice %arg6[%dma_wait3A_84, %dma_wait3A_85] : memref<32x1024xf32, #tpu.memory_space<vmem>> -> memref<16x1024xf32, #tpu.memory_space<vmem>>
      %dma_wait3A_87 = arith.constant 0 : i32
      %dma_wait3A_88 = tpu.memref_slice %arg3[%dma_wait3A_83, %mul3A_2, %dma_wait3A_87] : memref<64x1024x1024xf32, #tpu.memory_space<hbm>> -> memref<1x16x1024xf32, #tpu.memory_space<hbm>>
      %dma_wait3A_89 = tpu.memref_squeeze %dma_wait3A_88 : memref<1x16x1024xf32, #tpu.memory_space<hbm>> -> memref<16x1024xf32, #tpu.memory_space<hbm>>
      %dma_wait3A_90 = arith.constant 16 : i32
      %dma_wait3A_91 = arith.constant 0 : i32
      %dma_wait3A_92 = tpu.memref_slice %arg6[%dma_wait3A_90, %dma_wait3A_91] : memref<32x1024xf32, #tpu.memory_space<vmem>> -> memref<16x1024xf32, #tpu.memory_space<vmem>>
      %dma_wait3A_93 = arith.constant 0 : i32
      %dma_wait3A_94 = tpu.memref_slice %arg3[%dma_wait3A_83, %mul3A_2, %dma_wait3A_93] : memref<64x1024x1024xf32, #tpu.memory_space<hbm>> -> memref<1x16x1024xf32, #tpu.memory_space<hbm>>
      %dma_wait3A_95 = tpu.memref_squeeze %dma_wait3A_94 : memref<1x16x1024xf32, #tpu.memory_space<hbm>> -> memref<16x1024xf32, #tpu.memory_space<hbm>>
      tpu.wait_dma2 semaphore(%arg9 : memref<!tpu.dma_semaphore, #tpu.memory_space<semaphore_mem>>) src(%dma_wait3A_95 : memref<16x1024xf32, #tpu.memory_space<hbm>>) dst(%dma_wait3A_92 : memref<16x1024xf32, #tpu.memory_space<vmem>>)
      %jit3A = arith.constant 16 : i32
      %div3A = arith.divsi %add3A_70, %jit3A : i32
      %sign3A = arith.constant 0 : i32
      %sign3A_96 = arith.cmpi sgt, %add3A_70, %sign3A : i32
      %sign3A_97 = arith.extui %sign3A_96 : i1 to i32
      %sign3A_98 = arith.constant 0 : i32
      %sign3A_99 = arith.cmpi slt, %add3A_70, %sign3A_98 : i32
      %sign3A_100 = arith.extui %sign3A_99 : i1 to i32
      %sign3A_101 = arith.subi %sign3A_97, %sign3A_100 : i32
      %sign3A_102 = arith.constant 0 : i32
      %sign3A_103 = arith.cmpi sgt, %jit3A, %sign3A_102 : i32
      %sign3A_104 = arith.extui %sign3A_103 : i1 to i32
      %sign3A_105 = arith.constant 0 : i32
      %sign3A_106 = arith.cmpi slt, %jit3A, %sign3A_105 : i32
      %sign3A_107 = arith.extui %sign3A_106 : i1 to i32
      %sign3A_108 = arith.subi %sign3A_104, %sign3A_107 : i32
      %ne3A = arith.cmpi ne, %sign3A_101, %sign3A_108 : i32
      %rem3A = arith.remsi %add3A_70, %jit3A : i32
      %ne3A_109 = arith.constant 0 : i32
      %ne3A_110 = arith.cmpi ne, %rem3A, %ne3A_109 : i32
      %and3A = arith.andi %ne3A, %ne3A_110 : i1
      %sub3A = arith.constant 1 : i32
      %sub3A_111 = arith.subi %div3A, %sub3A : i32
      %select_n3A = arith.select %and3A, %sub3A_111, %div3A : i32
      %mul3A_112 = arith.constant 16 : i32
      %mul3A_113 = arith.muli %select_n3A, %mul3A_112 : i32
      %get3A = arith.index_cast %mul3A_113 : i32 to index
      %get3A_114 = tpu.vector_load %arg5[%get3A] {strides = array<i32>} : memref<64xf32, #tpu.memory_space<vmem>>, vector<16xf32>,
      %get3A_115 = vector.shape_cast %get3A_114 : vector<16xf32> to vector<16xf32>
      %jit3A_116 = arith.constant 16 : i32
      %eq3A = arith.constant 0 : i32
      %eq3A_117 = arith.cmpi eq, %jit3A_116, %eq3A : i32
      %jit3A_118 = arith.constant 1 : i32
      %select_n3A_119 = arith.select %eq3A_117, %jit3A_118, %jit3A_116 : i32
      %rem3A_120 = arith.remsi %add3A_70, %select_n3A_119 : i32
      %ne3A_121 = arith.constant 0 : i32
      %ne3A_122 = arith.cmpi ne, %rem3A_120, %ne3A_121 : i32
      %lt3A = arith.constant 0 : i32
      %lt3A_123 = arith.cmpi slt, %rem3A_120, %lt3A : i32
      %lt3A_124 = arith.constant 0 : i32
      %lt3A_125 = arith.cmpi slt, %select_n3A_119, %lt3A_124 : i32
      %ne3A_126 = arith.xori %lt3A_123, %lt3A_125 : i1
      %and3A_127 = arith.andi %ne3A_126, %ne3A_122 : i1
      %add3A_128 = arith.addi %rem3A_120, %select_n3A_119 : i32
      %select_n3A_129 = arith.select %and3A_127, %add3A_128, %rem3A_120 : i32
      %broadcast_in_dim3A_130 = vector.broadcast %select_n3A_129 : i32 to vector<16xi32>
      %broadcast_in_dim3A_131 = vector.shape_cast %broadcast_in_dim3A_130 : vector<16xi32> to vector<16x1xi32>
      %gather3A = vector.shape_cast %broadcast_in_dim3A_131 : vector<16x1xi32> to vector<16xi32>
      %gather3A_132 = tpu.dynamic_gather %get3A_115[%gather3A] in [0] : vector<16xf32>, vector<16xi32> -> vector<16xf32>
      %parallel_loop3A_133 = arith.constant 0 : i32
      %parallel_loop3A_134 = arith.constant 32 : i32
      %parallel_loop3A_135 = arith.constant 1 : i32
      scf.for %parallel_loop3A_230 = %parallel_loop3A_133 to %parallel_loop3A_134 step %parallel_loop3A_135  : i32 {
        %parallel_loop3A_231 = arith.index_cast %parallel_loop3A_230 : i32 to index
        %parallel_loop3A_232 = arith.constant 0 : index
        %parallel_loop3A_233 = tpu.vector_load %arg6[%parallel_loop3A_231, %parallel_loop3A_232] {strides = array<i32>} : memref<32x1024xf32, #tpu.memory_space<vmem>>, vector<1x16xf32>,
        %parallel_loop3A_234 = vector.shape_cast %parallel_loop3A_233 : vector<1x16xf32> to vector<16xf32>
        %parallel_loop3A_235 = arith.mulf %gather3A_132, %parallel_loop3A_234 : vector<16xf32>
        %parallel_loop3A_236 = arith.index_cast %parallel_loop3A_230 : i32 to index
        %parallel_loop3A_237 = arith.constant 0 : index
        %parallel_loop3A_238 = tpu.vector_load %arg8[%parallel_loop3A_236, %parallel_loop3A_237] {strides = array<i32>} : memref<32x1024xf32, #tpu.memory_space<vmem>>, vector<1x16xf32>,
        %parallel_loop3A_239 = vector.shape_cast %parallel_loop3A_238 : vector<1x16xf32> to vector<16xf32>
        %parallel_loop3A_240 = vector.shape_cast %parallel_loop3A_235 : vector<16xf32> to vector<1x16xf32>
        tpu.vector_store %arg8[%parallel_loop3A_236, %parallel_loop3A_237], %parallel_loop3A_240 {add = true, strides = array<i32>} : memref<32x1024xf32, #tpu.memory_space<vmem>>, vector<1x16xf32>,
        %parallel_loop3A_241 = arith.index_cast %parallel_loop3A_230 : i32 to index
        %parallel_loop3A_242 = arith.constant 16 : index
        %parallel_loop3A_243 = tpu.vector_load %arg6[%parallel_loop3A_241, %parallel_loop3A_242] {strides = array<i32>} : memref<32x1024xf32, #tpu.memory_space<vmem>>, vector<1x16xf32>,
        %parallel_loop3A_244 = vector.shape_cast %parallel_loop3A_243 : vector<1x16xf32> to vector<16xf32>
        %parallel_loop3A_245 = arith.mulf %gather3A_132, %parallel_loop3A_244 : vector<16xf32>
        %parallel_loop3A_246 = arith.index_cast %parallel_loop3A_230 : i32 to index
        %parallel_loop3A_247 = arith.constant 16 : index
        %parallel_loop3A_248 = tpu.vector_load %arg8[%parallel_loop3A_246, %parallel_loop3A_247] {strides = array<i32>} : memref<32x1024xf32, #tpu.memory_space<vmem>>, vector<1x16xf32>,
        %parallel_loop3A_249 = vector.shape_cast %parallel_loop3A_248 : vector<1x16xf32> to vector<16xf32>
        %parallel_loop3A_250 = vector.shape_cast %parallel_loop3A_245 : vector<16xf32> to vector<1x16xf32>
        tpu.vector_store %arg8[%parallel_loop3A_246, %parallel_loop3A_247], %parallel_loop3A_250 {add = true, strides = array<i32>} : memref<32x1024xf32, #tpu.memory_space<vmem>>, vector<1x16xf32>,
        %parallel_loop3A_251 = arith.index_cast %parallel_loop3A_230 : i32 to index
        %parallel_loop3A_252 = arith.constant 32 : index
        %parallel_loop3A_253 = tpu.vector_load %arg6[%parallel_loop3A_251, %parallel_loop3A_252] {strides = array<i32>} : memref<32x1024xf32, #tpu.memory_space<vmem>>, vector<1x16xf32>,
        %parallel_loop3A_254 = vector.shape_cast %parallel_loop3A_253 : vector<1x16xf32> to vector<16xf32>
        %parallel_loop3A_255 = arith.mulf %gather3A_132, %parallel_loop3A_254 : vector<16xf32>
        %parallel_loop3A_256 = arith.index_cast %parallel_loop3A_230 : i32 to index
        %parallel_loop3A_257 = arith.constant 32 : index
        %parallel_loop3A_258 = tpu.vector_load %arg8[%parallel_loop3A_256, %parallel_loop3A_257] {strides = array<i32>} : memref<32x1024xf32, #tpu.memory_space<vmem>>, vector<1x16xf32>,
        %parallel_loop3A_259 = vector.shape_cast %parallel_loop3A_258 : vector<1x16xf32> to vector<16xf32>
        %parallel_loop3A_260 = vector.shape_cast %parallel_loop3A_255 : vector<16xf32> to vector<1x16xf32>
        tpu.vector_store %arg8[%parallel_loop3A_256, %parallel_loop3A_257], %parallel_loop3A_260 {add = true, strides = array<i32>} : memref<32x1024xf32, #tpu.memory_space<vmem>>, vector<1x16xf32>,
        %parallel_loop3A_261 = arith.index_cast %parallel_loop3A_230 : i32 to index
        %parallel_loop3A_262 = arith.constant 48 : index
        %parallel_loop3A_263 = tpu.vector_load %arg6[%parallel_loop3A_261, %parallel_loop3A_262] {strides = array<i32>} : memref<32x1024xf32, #tpu.memory_space<vmem>>, vector<1x16xf32>,
        %parallel_loop3A_264 = vector.shape_cast %parallel_loop3A_263 : vector<1x16xf32> to vector<16xf32>
        %parallel_loop3A_265 = arith.mulf %gather3A_132, %parallel_loop3A_264 : vector<16xf32>
        %parallel_loop3A_266 = arith.index_cast %parallel_loop3A_230 : i32 to index
        %parallel_loop3A_267 = arith.constant 48 : index
        %parallel_loop3A_268 = tpu.vector_load %arg8[%parallel_loop3A_266, %parallel_loop3A_267] {strides = array<i32>} : memref<32x1024xf32, #tpu.memory_space<vmem>>, vector<1x16xf32>,
        %parallel_loop3A_269 = vector.shape_cast %parallel_loop3A_268 : vector<1x16xf32> to vector<16xf32>
        %parallel_loop3A_270 = vector.shape_cast %parallel_loop3A_265 : vector<16xf32> to vector<1x16xf32>
        tpu.vector_store %arg8[%parallel_loop3A_266, %parallel_loop3A_267], %parallel_loop3A_270 {add = true, strides = array<i32>} : memref<32x1024xf32, #tpu.memory_space<vmem>>, vector<1x16xf32>,
        %parallel_loop3A_271 = arith.index_cast %parallel_loop3A_230 : i32 to index
        %parallel_loop3A_272 = arith.constant 64 : index
        %parallel_loop3A_273 = tpu.vector_load %arg6[%parallel_loop3A_271, %parallel_loop3A_272] {strides = array<i32>} : memref<32x1024xf32, #tpu.memory_space<vmem>>, vector<1x16xf32>,
        %parallel_loop3A_274 = vector.shape_cast %parallel_loop3A_273 : vector<1x16xf32> to vector<16xf32>
        %parallel_loop3A_275 = arith.mulf %gather3A_132, %parallel_loop3A_274 : vector<16xf32>
        %parallel_loop3A_276 = arith.index_cast %parallel_loop3A_230 : i32 to index
        %parallel_loop3A_277 = arith.constant 64 : index
        %parallel_loop3A_278 = tpu.vector_load %arg8[%parallel_loop3A_276, %parallel_loop3A_277] {strides = array<i32>} : memref<32x1024xf32, #tpu.memory_space<vmem>>, vector<1x16xf32>,
        %parallel_loop3A_279 = vector.shape_cast %parallel_loop3A_278 : vector<1x16xf32> to vector<16xf32>
        %parallel_loop3A_280 = vector.shape_cast %parallel_loop3A_275 : vector<16xf32> to vector<1x16xf32>
        tpu.vector_store %arg8[%parallel_loop3A_276, %parallel_loop3A_277], %parallel_loop3A_280 {add = true, strides = array<i32>} : memref<32x1024xf32, #tpu.memory_space<vmem>>, vector<1x16xf32>,
        %parallel_loop3A_281 = arith.index_cast %parallel_loop3A_230 : i32 to index
        %parallel_loop3A_282 = arith.constant 80 : index
        %parallel_loop3A_283 = tpu.vector_load %arg6[%parallel_loop3A_281, %parallel_loop3A_282] {strides = array<i32>} : memref<32x1024xf32, #tpu.memory_space<vmem>>, vector<1x16xf32>,
        %parallel_loop3A_284 = vector.shape_cast %parallel_loop3A_283 : vector<1x16xf32> to vector<16xf32>
        %parallel_loop3A_285 = arith.mulf %gather3A_132, %parallel_loop3A_284 : vector<16xf32>
        %parallel_loop3A_286 = arith.index_cast %parallel_loop3A_230 : i32 to index
        %parallel_loop3A_287 = arith.constant 80 : index
        %parallel_loop3A_288 = tpu.vector_load %arg8[%parallel_loop3A_286, %parallel_loop3A_287] {strides = array<i32>} : memref<32x1024xf32, #tpu.memory_space<vmem>>, vector<1x16xf32>,
        %parallel_loop3A_289 = vector.shape_cast %parallel_loop3A_288 : vector<1x16xf32> to vector<16xf32>
        %parallel_loop3A_290 = vector.shape_cast %parallel_loop3A_285 : vector<16xf32> to vector<1x16xf32>
        tpu.vector_store %arg8[%parallel_loop3A_286, %parallel_loop3A_287], %parallel_loop3A_290 {add = true, strides = array<i32>} : memref<32x1024xf32, #tpu.memory_space<vmem>>, vector<1x16xf32>,
        %parallel_loop3A_291 = arith.index_cast %parallel_loop3A_230 : i32 to index
        %parallel_loop3A_292 = arith.constant 96 : index
        %parallel_loop3A_293 = tpu.vector_load %arg6[%parallel_loop3A_291, %parallel_loop3A_292] {strides = array<i32>} : memref<32x1024xf32, #tpu.memory_space<vmem>>, vector<1x16xf32>,
        %parallel_loop3A_294 = vector.shape_cast %parallel_loop3A_293 : vector<1x16xf32> to vector<16xf32>
        %parallel_loop3A_295 = arith.mulf %gather3A_132, %parallel_loop3A_294 : vector<16xf32>
        %parallel_loop3A_296 = arith.index_cast %parallel_loop3A_230 : i32 to index
        %parallel_loop3A_297 = arith.constant 96 : index
        %parallel_loop3A_298 = tpu.vector_load %arg8[%parallel_loop3A_296, %parallel_loop3A_297] {strides = array<i32>} : memref<32x1024xf32, #tpu.memory_space<vmem>>, vector<1x16xf32>,
        %parallel_loop3A_299 = vector.shape_cast %parallel_loop3A_298 : vector<1x16xf32> to vector<16xf32>
        %parallel_loop3A_300 = vector.shape_cast %parallel_loop3A_295 : vector<16xf32> to vector<1x16xf32>
        tpu.vector_store %arg8[%parallel_loop3A_296, %parallel_loop3A_297], %parallel_loop3A_300 {add = true, strides = array<i32>} : memref<32x1024xf32, #tpu.memory_space<vmem>>, vector<1x16xf32>,
        %parallel_loop3A_301 = arith.index_cast %parallel_loop3A_230 : i32 to index
        %parallel_loop3A_302 = arith.constant 112 : index
        %parallel_loop3A_303 = tpu.vector_load %arg6[%parallel_loop3A_301, %parallel_loop3A_302] {strides = array<i32>} : memref<32x1024xf32, #tpu.memory_space<vmem>>, vector<1x16xf32>,
        %parallel_loop3A_304 = vector.shape_cast %parallel_loop3A_303 : vector<1x16xf32> to vector<16xf32>
        %parallel_loop3A_305 = arith.mulf %gather3A_132, %parallel_loop3A_304 : vector<16xf32>
        %parallel_loop3A_306 = arith.index_cast %parallel_loop3A_230 : i32 to index
        %parallel_loop3A_307 = arith.constant 112 : index
        %parallel_loop3A_308 = tpu.vector_load %arg8[%parallel_loop3A_306, %parallel_loop3A_307] {strides = array<i32>} : memref<32x1024xf32, #tpu.memory_space<vmem>>, vector<1x16xf32>,
        %parallel_loop3A_309 = vector.shape_cast %parallel_loop3A_308 : vector<1x16xf32> to vector<16xf32>
        %parallel_loop3A_310 = vector.shape_cast %parallel_loop3A_305 : vector<16xf32> to vector<1x16xf32>
        tpu.vector_store %arg8[%parallel_loop3A_306, %parallel_loop3A_307], %parallel_loop3A_310 {add = true, strides = array<i32>} : memref<32x1024xf32, #tpu.memory_space<vmem>>, vector<1x16xf32>,
        %parallel_loop3A_311 = arith.index_cast %parallel_loop3A_230 : i32 to index
        %parallel_loop3A_312 = arith.constant 128 : index
        %parallel_loop3A_313 = tpu.vector_load %arg6[%parallel_loop3A_311, %parallel_loop3A_312] {strides = array<i32>} : memref<32x1024xf32, #tpu.memory_space<vmem>>, vector<1x16xf32>,
        %parallel_loop3A_314 = vector.shape_cast %parallel_loop3A_313 : vector<1x16xf32> to vector<16xf32>
        %parallel_loop3A_315 = arith.mulf %gather3A_132, %parallel_loop3A_314 : vector<16xf32>
        %parallel_loop3A_316 = arith.index_cast %parallel_loop3A_230 : i32 to index
        %parallel_loop3A_317 = arith.constant 128 : index
        %parallel_loop3A_318 = tpu.vector_load %arg8[%parallel_loop3A_316, %parallel_loop3A_317] {strides = array<i32>} : memref<32x1024xf32, #tpu.memory_space<vmem>>, vector<1x16xf32>,
        %parallel_loop3A_319 = vector.shape_cast %parallel_loop3A_318 : vector<1x16xf32> to vector<16xf32>
        %parallel_loop3A_320 = vector.shape_cast %parallel_loop3A_315 : vector<16xf32> to vector<1x16xf32>
        tpu.vector_store %arg8[%parallel_loop3A_316, %parallel_loop3A_317], %parallel_loop3A_320 {add = true, strides = array<i32>} : memref<32x1024xf32, #tpu.memory_space<vmem>>, vector<1x16xf32>,
        %parallel_loop3A_321 = arith.index_cast %parallel_loop3A_230 : i32 to index
        %parallel_loop3A_322 = arith.constant 144 : index
        %parallel_loop3A_323 = tpu.vector_load %arg6[%parallel_loop3A_321, %parallel_loop3A_322] {strides = array<i32>} : memref<32x1024xf32, #tpu.memory_space<vmem>>, vector<1x16xf32>,
        %parallel_loop3A_324 = vector.shape_cast %parallel_loop3A_323 : vector<1x16xf32> to vector<16xf32>
        %parallel_loop3A_325 = arith.mulf %gather3A_132, %parallel_loop3A_324 : vector<16xf32>
        %parallel_loop3A_326 = arith.index_cast %parallel_loop3A_230 : i32 to index
        %parallel_loop3A_327 = arith.constant 144 : index
        %parallel_loop3A_328 = tpu.vector_load %arg8[%parallel_loop3A_326, %parallel_loop3A_327] {strides = array<i32>} : memref<32x1024xf32, #tpu.memory_space<vmem>>, vector<1x16xf32>,
        %parallel_loop3A_329 = vector.shape_cast %parallel_loop3A_328 : vector<1x16xf32> to vector<16xf32>
        %parallel_loop3A_330 = vector.shape_cast %parallel_loop3A_325 : vector<16xf32> to vector<1x16xf32>
        tpu.vector_store %arg8[%parallel_loop3A_326, %parallel_loop3A_327], %parallel_loop3A_330 {add = true, strides = array<i32>} : memref<32x1024xf32, #tpu.memory_space<vmem>>, vector<1x16xf32>,
        %parallel_loop3A_331 = arith.index_cast %parallel_loop3A_230 : i32 to index
        %parallel_loop3A_332 = arith.constant 160 : index
        %parallel_loop3A_333 = tpu.vector_load %arg6[%parallel_loop3A_331, %parallel_loop3A_332] {strides = array<i32>} : memref<32x1024xf32, #tpu.memory_space<vmem>>, vector<1x16xf32>,
        %parallel_loop3A_334 = vector.shape_cast %parallel_loop3A_333 : vector<1x16xf32> to vector<16xf32>
        %parallel_loop3A_335 = arith.mulf %gather3A_132, %parallel_loop3A_334 : vector<16xf32>
        %parallel_loop3A_336 = arith.index_cast %parallel_loop3A_230 : i32 to index
        %parallel_loop3A_337 = arith.constant 160 : index
        %parallel_loop3A_338 = tpu.vector_load %arg8[%parallel_loop3A_336, %parallel_loop3A_337] {strides = array<i32>} : memref<32x1024xf32, #tpu.memory_space<vmem>>, vector<1x16xf32>,
        %parallel_loop3A_339 = vector.shape_cast %parallel_loop3A_338 : vector<1x16xf32> to vector<16xf32>
        %parallel_loop3A_340 = vector.shape_cast %parallel_loop3A_335 : vector<16xf32> to vector<1x16xf32>
        tpu.vector_store %arg8[%parallel_loop3A_336, %parallel_loop3A_337], %parallel_loop3A_340 {add = true, strides = array<i32>} : memref<32x1024xf32, #tpu.memory_space<vmem>>, vector<1x16xf32>,
        %parallel_loop3A_341 = arith.index_cast %parallel_loop3A_230 : i32 to index
        %parallel_loop3A_342 = arith.constant 176 : index
        %parallel_loop3A_343 = tpu.vector_load %arg6[%parallel_loop3A_341, %parallel_loop3A_342] {strides = array<i32>} : memref<32x1024xf32, #tpu.memory_space<vmem>>, vector<1x16xf32>,
        %parallel_loop3A_344 = vector.shape_cast %parallel_loop3A_343 : vector<1x16xf32> to vector<16xf32>
        %parallel_loop3A_345 = arith.mulf %gather3A_132, %parallel_loop3A_344 : vector<16xf32>
        %parallel_loop3A_346 = arith.index_cast %parallel_loop3A_230 : i32 to index
        %parallel_loop3A_347 = arith.constant 176 : index
        %parallel_loop3A_348 = tpu.vector_load %arg8[%parallel_loop3A_346, %parallel_loop3A_347] {strides = array<i32>} : memref<32x1024xf32, #tpu.memory_space<vmem>>, vector<1x16xf32>,
        %parallel_loop3A_349 = vector.shape_cast %parallel_loop3A_348 : vector<1x16xf32> to vector<16xf32>
        %parallel_loop3A_350 = vector.shape_cast %parallel_loop3A_345 : vector<16xf32> to vector<1x16xf32>
        tpu.vector_store %arg8[%parallel_loop3A_346, %parallel_loop3A_347], %parallel_loop3A_350 {add = true, strides = array<i32>} : memref<32x1024xf32, #tpu.memory_space<vmem>>, vector<1x16xf32>,
        %parallel_loop3A_351 = arith.index_cast %parallel_loop3A_230 : i32 to index
        %parallel_loop3A_352 = arith.constant 192 : index
        %parallel_loop3A_353 = tpu.vector_load %arg6[%parallel_loop3A_351, %parallel_loop3A_352] {strides = array<i32>} : memref<32x1024xf32, #tpu.memory_space<vmem>>, vector<1x16xf32>,
        %parallel_loop3A_354 = vector.shape_cast %parallel_loop3A_353 : vector<1x16xf32> to vector<16xf32>
        %parallel_loop3A_355 = arith.mulf %gather3A_132, %parallel_loop3A_354 : vector<16xf32>
        %parallel_loop3A_356 = arith.index_cast %parallel_loop3A_230 : i32 to index
        %parallel_loop3A_357 = arith.constant 192 : index
        %parallel_loop3A_358 = tpu.vector_load %arg8[%parallel_loop3A_356, %parallel_loop3A_357] {strides = array<i32>} : memref<32x1024xf32, #tpu.memory_space<vmem>>, vector<1x16xf32>,
        %parallel_loop3A_359 = vector.shape_cast %parallel_loop3A_358 : vector<1x16xf32> to vector<16xf32>
        %parallel_loop3A_360 = vector.shape_cast %parallel_loop3A_355 : vector<16xf32> to vector<1x16xf32>
        tpu.vector_store %arg8[%parallel_loop3A_356, %parallel_loop3A_357], %parallel_loop3A_360 {add = true, strides = array<i32>} : memref<32x1024xf32, #tpu.memory_space<vmem>>, vector<1x16xf32>,
        %parallel_loop3A_361 = arith.index_cast %parallel_loop3A_230 : i32 to index
        %parallel_loop3A_362 = arith.constant 208 : index
        %parallel_loop3A_363 = tpu.vector_load %arg6[%parallel_loop3A_361, %parallel_loop3A_362] {strides = array<i32>} : memref<32x1024xf32, #tpu.memory_space<vmem>>, vector<1x16xf32>,
        %parallel_loop3A_364 = vector.shape_cast %parallel_loop3A_363 : vector<1x16xf32> to vector<16xf32>
        %parallel_loop3A_365 = arith.mulf %gather3A_132, %parallel_loop3A_364 : vector<16xf32>
        %parallel_loop3A_366 = arith.index_cast %parallel_loop3A_230 : i32 to index
        %parallel_loop3A_367 = arith.constant 208 : index
        %parallel_loop3A_368 = tpu.vector_load %arg8[%parallel_loop3A_366, %parallel_loop3A_367] {strides = array<i32>} : memref<32x1024xf32, #tpu.memory_space<vmem>>, vector<1x16xf32>,
        %parallel_loop3A_369 = vector.shape_cast %parallel_loop3A_368 : vector<1x16xf32> to vector<16xf32>
        %parallel_loop3A_370 = vector.shape_cast %parallel_loop3A_365 : vector<16xf32> to vector<1x16xf32>
        tpu.vector_store %arg8[%parallel_loop3A_366, %parallel_loop3A_367], %parallel_loop3A_370 {add = true, strides = array<i32>} : memref<32x1024xf32, #tpu.memory_space<vmem>>, vector<1x16xf32>,
        %parallel_loop3A_371 = arith.index_cast %parallel_loop3A_230 : i32 to index
        %parallel_loop3A_372 = arith.constant 224 : index
        %parallel_loop3A_373 = tpu.vector_load %arg6[%parallel_loop3A_371, %parallel_loop3A_372] {strides = array<i32>} : memref<32x1024xf32, #tpu.memory_space<vmem>>, vector<1x16xf32>,
        %parallel_loop3A_374 = vector.shape_cast %parallel_loop3A_373 : vector<1x16xf32> to vector<16xf32>
        %parallel_loop3A_375 = arith.mulf %gather3A_132, %parallel_loop3A_374 : vector<16xf32>
        %parallel_loop3A_376 = arith.index_cast %parallel_loop3A_230 : i32 to index
        %parallel_loop3A_377 = arith.constant 224 : index
        %parallel_loop3A_378 = tpu.vector_load %arg8[%parallel_loop3A_376, %parallel_loop3A_377] {strides = array<i32>} : memref<32x1024xf32, #tpu.memory_space<vmem>>, vector<1x16xf32>,
        %parallel_loop3A_379 = vector.shape_cast %parallel_loop3A_378 : vector<1x16xf32> to vector<16xf32>
        %parallel_loop3A_380 = vector.shape_cast %parallel_loop3A_375 : vector<16xf32> to vector<1x16xf32>
        tpu.vector_store %arg8[%parallel_loop3A_376, %parallel_loop3A_377], %parallel_loop3A_380 {add = true, strides = array<i32>} : memref<32x1024xf32, #tpu.memory_space<vmem>>, vector<1x16xf32>,
        %parallel_loop3A_381 = arith.index_cast %parallel_loop3A_230 : i32 to index
        %parallel_loop3A_382 = arith.constant 240 : index
        %parallel_loop3A_383 = tpu.vector_load %arg6[%parallel_loop3A_381, %parallel_loop3A_382] {strides = array<i32>} : memref<32x1024xf32, #tpu.memory_space<vmem>>, vector<1x16xf32>,
        %parallel_loop3A_384 = vector.shape_cast %parallel_loop3A_383 : vector<1x16xf32> to vector<16xf32>
        %parallel_loop3A_385 = arith.mulf %gather3A_132, %parallel_loop3A_384 : vector<16xf32>
        %parallel_loop3A_386 = arith.index_cast %parallel_loop3A_230 : i32 to index
        %parallel_loop3A_387 = arith.constant 240 : index
        %parallel_loop3A_388 = tpu.vector_load %arg8[%parallel_loop3A_386, %parallel_loop3A_387] {strides = array<i32>} : memref<32x1024xf32, #tpu.memory_space<vmem>>, vector<1x16xf32>,
        %parallel_loop3A_389 = vector.shape_cast %parallel_loop3A_388 : vector<1x16xf32> to vector<16xf32>
        %parallel_loop3A_390 = vector.shape_cast %parallel_loop3A_385 : vector<16xf32> to vector<1x16xf32>
        tpu.vector_store %arg8[%parallel_loop3A_386, %parallel_loop3A_387], %parallel_loop3A_390 {add = true, strides = array<i32>} : memref<32x1024xf32, #tpu.memory_space<vmem>>, vector<1x16xf32>,
        %parallel_loop3A_391 = arith.index_cast %parallel_loop3A_230 : i32 to index
        %parallel_loop3A_392 = arith.constant 256 : index
        %parallel_loop3A_393 = tpu.vector_load %arg6[%parallel_loop3A_391, %parallel_loop3A_392] {strides = array<i32>} : memref<32x1024xf32, #tpu.memory_space<vmem>>, vector<1x16xf32>,
        %parallel_loop3A_394 = vector.shape_cast %parallel_loop3A_393 : vector<1x16xf32> to vector<16xf32>
        %parallel_loop3A_395 = arith.mulf %gather3A_132, %parallel_loop3A_394 : vector<16xf32>
        %parallel_loop3A_396 = arith.index_cast %parallel_loop3A_230 : i32 to index
        %parallel_loop3A_397 = arith.constant 256 : index
        %parallel_loop3A_398 = tpu.vector_load %arg8[%parallel_loop3A_396, %parallel_loop3A_397] {strides = array<i32>} : memref<32x1024xf32, #tpu.memory_space<vmem>>, vector<1x16xf32>,
        %parallel_loop3A_399 = vector.shape_cast %parallel_loop3A_398 : vector<1x16xf32> to vector<16xf32>
        %parallel_loop3A_400 = vector.shape_cast %parallel_loop3A_395 : vector<16xf32> to vector<1x16xf32>
        tpu.vector_store %arg8[%parallel_loop3A_396, %parallel_loop3A_397], %parallel_loop3A_400 {add = true, strides = array<i32>} : memref<32x1024xf32, #tpu.memory_space<vmem>>, vector<1x16xf32>,
        %parallel_loop3A_401 = arith.index_cast %parallel_loop3A_230 : i32 to index
        %parallel_loop3A_402 = arith.constant 272 : index
        %parallel_loop3A_403 = tpu.vector_load %arg6[%parallel_loop3A_401, %parallel_loop3A_402] {strides = array<i32>} : memref<32x1024xf32, #tpu.memory_space<vmem>>, vector<1x16xf32>,
        %parallel_loop3A_404 = vector.shape_cast %parallel_loop3A_403 : vector<1x16xf32> to vector<16xf32>
        %parallel_loop3A_405 = arith.mulf %gather3A_132, %parallel_loop3A_404 : vector<16xf32>
        %parallel_loop3A_406 = arith.index_cast %parallel_loop3A_230 : i32 to index
        %parallel_loop3A_407 = arith.constant 272 : index
        %parallel_loop3A_408 = tpu.vector_load %arg8[%parallel_loop3A_406, %parallel_loop3A_407] {strides = array<i32>} : memref<32x1024xf32, #tpu.memory_space<vmem>>, vector<1x16xf32>,
        %parallel_loop3A_409 = vector.shape_cast %parallel_loop3A_408 : vector<1x16xf32> to vector<16xf32>
        %parallel_loop3A_410 = vector.shape_cast %parallel_loop3A_405 : vector<16xf32> to vector<1x16xf32>
        tpu.vector_store %arg8[%parallel_loop3A_406, %parallel_loop3A_407], %parallel_loop3A_410 {add = true, strides = array<i32>} : memref<32x1024xf32, #tpu.memory_space<vmem>>, vector<1x16xf32>,
        %parallel_loop3A_411 = arith.index_cast %parallel_loop3A_230 : i32 to index
        %parallel_loop3A_412 = arith.constant 288 : index
        %parallel_loop3A_413 = tpu.vector_load %arg6[%parallel_loop3A_411, %parallel_loop3A_412] {strides = array<i32>} : memref<32x1024xf32, #tpu.memory_space<vmem>>, vector<1x16xf32>,
        %parallel_loop3A_414 = vector.shape_cast %parallel_loop3A_413 : vector<1x16xf32> to vector<16xf32>
        %parallel_loop3A_415 = arith.mulf %gather3A_132, %parallel_loop3A_414 : vector<16xf32>
        %parallel_loop3A_416 = arith.index_cast %parallel_loop3A_230 : i32 to index
        %parallel_loop3A_417 = arith.constant 288 : index
        %parallel_loop3A_418 = tpu.vector_load %arg8[%parallel_loop3A_416, %parallel_loop3A_417] {strides = array<i32>} : memref<32x1024xf32, #tpu.memory_space<vmem>>, vector<1x16xf32>,
        %parallel_loop3A_419 = vector.shape_cast %parallel_loop3A_418 : vector<1x16xf32> to vector<16xf32>
        %parallel_loop3A_420 = vector.shape_cast %parallel_loop3A_415 : vector<16xf32> to vector<1x16xf32>
        tpu.vector_store %arg8[%parallel_loop3A_416, %parallel_loop3A_417], %parallel_loop3A_420 {add = true, strides = array<i32>} : memref<32x1024xf32, #tpu.memory_space<vmem>>, vector<1x16xf32>,
        %parallel_loop3A_421 = arith.index_cast %parallel_loop3A_230 : i32 to index
        %parallel_loop3A_422 = arith.constant 304 : index
        %parallel_loop3A_423 = tpu.vector_load %arg6[%parallel_loop3A_421, %parallel_loop3A_422] {strides = array<i32>} : memref<32x1024xf32, #tpu.memory_space<vmem>>, vector<1x16xf32>,
        %parallel_loop3A_424 = vector.shape_cast %parallel_loop3A_423 : vector<1x16xf32> to vector<16xf32>
        %parallel_loop3A_425 = arith.mulf %gather3A_132, %parallel_loop3A_424 : vector<16xf32>
        %parallel_loop3A_426 = arith.index_cast %parallel_loop3A_230 : i32 to index
        %parallel_loop3A_427 = arith.constant 304 : index
        %parallel_loop3A_428 = tpu.vector_load %arg8[%parallel_loop3A_426, %parallel_loop3A_427] {strides = array<i32>} : memref<32x1024xf32, #tpu.memory_space<vmem>>, vector<1x16xf32>,
        %parallel_loop3A_429 = vector.shape_cast %parallel_loop3A_428 : vector<1x16xf32> to vector<16xf32>
        %parallel_loop3A_430 = vector.shape_cast %parallel_loop3A_425 : vector<16xf32> to vector<1x16xf32>
        tpu.vector_store %arg8[%parallel_loop3A_426, %parallel_loop3A_427], %parallel_loop3A_430 {add = true, strides = array<i32>} : memref<32x1024xf32, #tpu.memory_space<vmem>>, vector<1x16xf32>,
        %parallel_loop3A_431 = arith.index_cast %parallel_loop3A_230 : i32 to index
        %parallel_loop3A_432 = arith.constant 320 : index
        %parallel_loop3A_433 = tpu.vector_load %arg6[%parallel_loop3A_431, %parallel_loop3A_432] {strides = array<i32>} : memref<32x1024xf32, #tpu.memory_space<vmem>>, vector<1x16xf32>,
        %parallel_loop3A_434 = vector.shape_cast %parallel_loop3A_433 : vector<1x16xf32> to vector<16xf32>
        %parallel_loop3A_435 = arith.mulf %gather3A_132, %parallel_loop3A_434 : vector<16xf32>
        %parallel_loop3A_436 = arith.index_cast %parallel_loop3A_230 : i32 to index
        %parallel_loop3A_437 = arith.constant 320 : index
        %parallel_loop3A_438 = tpu.vector_load %arg8[%parallel_loop3A_436, %parallel_loop3A_437] {strides = array<i32>} : memref<32x1024xf32, #tpu.memory_space<vmem>>, vector<1x16xf32>,
        %parallel_loop3A_439 = vector.shape_cast %parallel_loop3A_438 : vector<1x16xf32> to vector<16xf32>
        %parallel_loop3A_440 = vector.shape_cast %parallel_loop3A_435 : vector<16xf32> to vector<1x16xf32>
        tpu.vector_store %arg8[%parallel_loop3A_436, %parallel_loop3A_437], %parallel_loop3A_440 {add = true, strides = array<i32>} : memref<32x1024xf32, #tpu.memory_space<vmem>>, vector<1x16xf32>,
        %parallel_loop3A_441 = arith.index_cast %parallel_loop3A_230 : i32 to index
        %parallel_loop3A_442 = arith.constant 336 : index
        %parallel_loop3A_443 = tpu.vector_load %arg6[%parallel_loop3A_441, %parallel_loop3A_442] {strides = array<i32>} : memref<32x1024xf32, #tpu.memory_space<vmem>>, vector<1x16xf32>,
        %parallel_loop3A_444 = vector.shape_cast %parallel_loop3A_443 : vector<1x16xf32> to vector<16xf32>
        %parallel_loop3A_445 = arith.mulf %gather3A_132, %parallel_loop3A_444 : vector<16xf32>
        %parallel_loop3A_446 = arith.index_cast %parallel_loop3A_230 : i32 to index
        %parallel_loop3A_447 = arith.constant 336 : index
        %parallel_loop3A_448 = tpu.vector_load %arg8[%parallel_loop3A_446, %parallel_loop3A_447] {strides = array<i32>} : memref<32x1024xf32, #tpu.memory_space<vmem>>, vector<1x16xf32>,
        %parallel_loop3A_449 = vector.shape_cast %parallel_loop3A_448 : vector<1x16xf32> to vector<16xf32>
        %parallel_loop3A_450 = vector.shape_cast %parallel_loop3A_445 : vector<16xf32> to vector<1x16xf32>
        tpu.vector_store %arg8[%parallel_loop3A_446, %parallel_loop3A_447], %parallel_loop3A_450 {add = true, strides = array<i32>} : memref<32x1024xf32, #tpu.memory_space<vmem>>, vector<1x16xf32>,
        %parallel_loop3A_451 = arith.index_cast %parallel_loop3A_230 : i32 to index
        %parallel_loop3A_452 = arith.constant 352 : index
        %parallel_loop3A_453 = tpu.vector_load %arg6[%parallel_loop3A_451, %parallel_loop3A_452] {strides = array<i32>} : memref<32x1024xf32, #tpu.memory_space<vmem>>, vector<1x16xf32>,
        %parallel_loop3A_454 = vector.shape_cast %parallel_loop3A_453 : vector<1x16xf32> to vector<16xf32>
        %parallel_loop3A_455 = arith.mulf %gather3A_132, %parallel_loop3A_454 : vector<16xf32>
        %parallel_loop3A_456 = arith.index_cast %parallel_loop3A_230 : i32 to index
        %parallel_loop3A_457 = arith.constant 352 : index
        %parallel_loop3A_458 = tpu.vector_load %arg8[%parallel_loop3A_456, %parallel_loop3A_457] {strides = array<i32>} : memref<32x1024xf32, #tpu.memory_space<vmem>>, vector<1x16xf32>,
        %parallel_loop3A_459 = vector.shape_cast %parallel_loop3A_458 : vector<1x16xf32> to vector<16xf32>
        %parallel_loop3A_460 = vector.shape_cast %parallel_loop3A_455 : vector<16xf32> to vector<1x16xf32>
        tpu.vector_store %arg8[%parallel_loop3A_456, %parallel_loop3A_457], %parallel_loop3A_460 {add = true, strides = array<i32>} : memref<32x1024xf32, #tpu.memory_space<vmem>>, vector<1x16xf32>,
        %parallel_loop3A_461 = arith.index_cast %parallel_loop3A_230 : i32 to index
        %parallel_loop3A_462 = arith.constant 368 : index
        %parallel_loop3A_463 = tpu.vector_load %arg6[%parallel_loop3A_461, %parallel_loop3A_462] {strides = array<i32>} : memref<32x1024xf32, #tpu.memory_space<vmem>>, vector<1x16xf32>,
        %parallel_loop3A_464 = vector.shape_cast %parallel_loop3A_463 : vector<1x16xf32> to vector<16xf32>
        %parallel_loop3A_465 = arith.mulf %gather3A_132, %parallel_loop3A_464 : vector<16xf32>
        %parallel_loop3A_466 = arith.index_cast %parallel_loop3A_230 : i32 to index
        %parallel_loop3A_467 = arith.constant 368 : index
        %parallel_loop3A_468 = tpu.vector_load %arg8[%parallel_loop3A_466, %parallel_loop3A_467] {strides = array<i32>} : memref<32x1024xf32, #tpu.memory_space<vmem>>, vector<1x16xf32>,
        %parallel_loop3A_469 = vector.shape_cast %parallel_loop3A_468 : vector<1x16xf32> to vector<16xf32>
        %parallel_loop3A_470 = vector.shape_cast %parallel_loop3A_465 : vector<16xf32> to vector<1x16xf32>
        tpu.vector_store %arg8[%parallel_loop3A_466, %parallel_loop3A_467], %parallel_loop3A_470 {add = true, strides = array<i32>} : memref<32x1024xf32, #tpu.memory_space<vmem>>, vector<1x16xf32>,
        %parallel_loop3A_471 = arith.index_cast %parallel_loop3A_230 : i32 to index
        %parallel_loop3A_472 = arith.constant 384 : index
        %parallel_loop3A_473 = tpu.vector_load %arg6[%parallel_loop3A_471, %parallel_loop3A_472] {strides = array<i32>} : memref<32x1024xf32, #tpu.memory_space<vmem>>, vector<1x16xf32>,
        %parallel_loop3A_474 = vector.shape_cast %parallel_loop3A_473 : vector<1x16xf32> to vector<16xf32>
        %parallel_loop3A_475 = arith.mulf %gather3A_132, %parallel_loop3A_474 : vector<16xf32>
        %parallel_loop3A_476 = arith.index_cast %parallel_loop3A_230 : i32 to index
        %parallel_loop3A_477 = arith.constant 384 : index
        %parallel_loop3A_478 = tpu.vector_load %arg8[%parallel_loop3A_476, %parallel_loop3A_477] {strides = array<i32>} : memref<32x1024xf32, #tpu.memory_space<vmem>>, vector<1x16xf32>,
        %parallel_loop3A_479 = vector.shape_cast %parallel_loop3A_478 : vector<1x16xf32> to vector<16xf32>
        %parallel_loop3A_480 = vector.shape_cast %parallel_loop3A_475 : vector<16xf32> to vector<1x16xf32>
        tpu.vector_store %arg8[%parallel_loop3A_476, %parallel_loop3A_477], %parallel_loop3A_480 {add = true, strides = array<i32>} : memref<32x1024xf32, #tpu.memory_space<vmem>>, vector<1x16xf32>,
        %parallel_loop3A_481 = arith.index_cast %parallel_loop3A_230 : i32 to index
        %parallel_loop3A_482 = arith.constant 400 : index
        %parallel_loop3A_483 = tpu.vector_load %arg6[%parallel_loop3A_481, %parallel_loop3A_482] {strides = array<i32>} : memref<32x1024xf32, #tpu.memory_space<vmem>>, vector<1x16xf32>,
        %parallel_loop3A_484 = vector.shape_cast %parallel_loop3A_483 : vector<1x16xf32> to vector<16xf32>
        %parallel_loop3A_485 = arith.mulf %gather3A_132, %parallel_loop3A_484 : vector<16xf32>
        %parallel_loop3A_486 = arith.index_cast %parallel_loop3A_230 : i32 to index
        %parallel_loop3A_487 = arith.constant 400 : index
        %parallel_loop3A_488 = tpu.vector_load %arg8[%parallel_loop3A_486, %parallel_loop3A_487] {strides = array<i32>} : memref<32x1024xf32, #tpu.memory_space<vmem>>, vector<1x16xf32>,
        %parallel_loop3A_489 = vector.shape_cast %parallel_loop3A_488 : vector<1x16xf32> to vector<16xf32>
        %parallel_loop3A_490 = vector.shape_cast %parallel_loop3A_485 : vector<16xf32> to vector<1x16xf32>
        tpu.vector_store %arg8[%parallel_loop3A_486, %parallel_loop3A_487], %parallel_loop3A_490 {add = true, strides = array<i32>} : memref<32x1024xf32, #tpu.memory_space<vmem>>, vector<1x16xf32>,
        %parallel_loop3A_491 = arith.index_cast %parallel_loop3A_230 : i32 to index
        %parallel_loop3A_492 = arith.constant 416 : index
        %parallel_loop3A_493 = tpu.vector_load %arg6[%parallel_loop3A_491, %parallel_loop3A_492] {strides = array<i32>} : memref<32x1024xf32, #tpu.memory_space<vmem>>, vector<1x16xf32>,
        %parallel_loop3A_494 = vector.shape_cast %parallel_loop3A_493 : vector<1x16xf32> to vector<16xf32>
        %parallel_loop3A_495 = arith.mulf %gather3A_132, %parallel_loop3A_494 : vector<16xf32>
        %parallel_loop3A_496 = arith.index_cast %parallel_loop3A_230 : i32 to index
        %parallel_loop3A_497 = arith.constant 416 : index
        %parallel_loop3A_498 = tpu.vector_load %arg8[%parallel_loop3A_496, %parallel_loop3A_497] {strides = array<i32>} : memref<32x1024xf32, #tpu.memory_space<vmem>>, vector<1x16xf32>,
        %parallel_loop3A_499 = vector.shape_cast %parallel_loop3A_498 : vector<1x16xf32> to vector<16xf32>
        %parallel_loop3A_500 = vector.shape_cast %parallel_loop3A_495 : vector<16xf32> to vector<1x16xf32>
        tpu.vector_store %arg8[%parallel_loop3A_496, %parallel_loop3A_497], %parallel_loop3A_500 {add = true, strides = array<i32>} : memref<32x1024xf32, #tpu.memory_space<vmem>>, vector<1x16xf32>,
        %parallel_loop3A_501 = arith.index_cast %parallel_loop3A_230 : i32 to index
        %parallel_loop3A_502 = arith.constant 432 : index
        %parallel_loop3A_503 = tpu.vector_load %arg6[%parallel_loop3A_501, %parallel_loop3A_502] {strides = array<i32>} : memref<32x1024xf32, #tpu.memory_space<vmem>>, vector<1x16xf32>,
        %parallel_loop3A_504 = vector.shape_cast %parallel_loop3A_503 : vector<1x16xf32> to vector<16xf32>
        %parallel_loop3A_505 = arith.mulf %gather3A_132, %parallel_loop3A_504 : vector<16xf32>
        %parallel_loop3A_506 = arith.index_cast %parallel_loop3A_230 : i32 to index
        %parallel_loop3A_507 = arith.constant 432 : index
        %parallel_loop3A_508 = tpu.vector_load %arg8[%parallel_loop3A_506, %parallel_loop3A_507] {strides = array<i32>} : memref<32x1024xf32, #tpu.memory_space<vmem>>, vector<1x16xf32>,
        %parallel_loop3A_509 = vector.shape_cast %parallel_loop3A_508 : vector<1x16xf32> to vector<16xf32>
        %parallel_loop3A_510 = vector.shape_cast %parallel_loop3A_505 : vector<16xf32> to vector<1x16xf32>
        tpu.vector_store %arg8[%parallel_loop3A_506, %parallel_loop3A_507], %parallel_loop3A_510 {add = true, strides = array<i32>} : memref<32x1024xf32, #tpu.memory_space<vmem>>, vector<1x16xf32>,
        %parallel_loop3A_511 = arith.index_cast %parallel_loop3A_230 : i32 to index
        %parallel_loop3A_512 = arith.constant 448 : index
        %parallel_loop3A_513 = tpu.vector_load %arg6[%parallel_loop3A_511, %parallel_loop3A_512] {strides = array<i32>} : memref<32x1024xf32, #tpu.memory_space<vmem>>, vector<1x16xf32>,
        %parallel_loop3A_514 = vector.shape_cast %parallel_loop3A_513 : vector<1x16xf32> to vector<16xf32>
        %parallel_loop3A_515 = arith.mulf %gather3A_132, %parallel_loop3A_514 : vector<16xf32>
        %parallel_loop3A_516 = arith.index_cast %parallel_loop3A_230 : i32 to index
        %parallel_loop3A_517 = arith.constant 448 : index
        %parallel_loop3A_518 = tpu.vector_load %arg8[%parallel_loop3A_516, %parallel_loop3A_517] {strides = array<i32>} : memref<32x1024xf32, #tpu.memory_space<vmem>>, vector<1x16xf32>,
        %parallel_loop3A_519 = vector.shape_cast %parallel_loop3A_518 : vector<1x16xf32> to vector<16xf32>
        %parallel_loop3A_520 = vector.shape_cast %parallel_loop3A_515 : vector<16xf32> to vector<1x16xf32>
        tpu.vector_store %arg8[%parallel_loop3A_516, %parallel_loop3A_517], %parallel_loop3A_520 {add = true, strides = array<i32>} : memref<32x1024xf32, #tpu.memory_space<vmem>>, vector<1x16xf32>,
        %parallel_loop3A_521 = arith.index_cast %parallel_loop3A_230 : i32 to index
        %parallel_loop3A_522 = arith.constant 464 : index
        %parallel_loop3A_523 = tpu.vector_load %arg6[%parallel_loop3A_521, %parallel_loop3A_522] {strides = array<i32>} : memref<32x1024xf32, #tpu.memory_space<vmem>>, vector<1x16xf32>,
        %parallel_loop3A_524 = vector.shape_cast %parallel_loop3A_523 : vector<1x16xf32> to vector<16xf32>
        %parallel_loop3A_525 = arith.mulf %gather3A_132, %parallel_loop3A_524 : vector<16xf32>
        %parallel_loop3A_526 = arith.index_cast %parallel_loop3A_230 : i32 to index
        %parallel_loop3A_527 = arith.constant 464 : index
        %parallel_loop3A_528 = tpu.vector_load %arg8[%parallel_loop3A_526, %parallel_loop3A_527] {strides = array<i32>} : memref<32x1024xf32, #tpu.memory_space<vmem>>, vector<1x16xf32>,
        %parallel_loop3A_529 = vector.shape_cast %parallel_loop3A_528 : vector<1x16xf32> to vector<16xf32>
        %parallel_loop3A_530 = vector.shape_cast %parallel_loop3A_525 : vector<16xf32> to vector<1x16xf32>
        tpu.vector_store %arg8[%parallel_loop3A_526, %parallel_loop3A_527], %parallel_loop3A_530 {add = true, strides = array<i32>} : memref<32x1024xf32, #tpu.memory_space<vmem>>, vector<1x16xf32>,
        %parallel_loop3A_531 = arith.index_cast %parallel_loop3A_230 : i32 to index
        %parallel_loop3A_532 = arith.constant 480 : index
        %parallel_loop3A_533 = tpu.vector_load %arg6[%parallel_loop3A_531, %parallel_loop3A_532] {strides = array<i32>} : memref<32x1024xf32, #tpu.memory_space<vmem>>, vector<1x16xf32>,
        %parallel_loop3A_534 = vector.shape_cast %parallel_loop3A_533 : vector<1x16xf32> to vector<16xf32>
        %parallel_loop3A_535 = arith.mulf %gather3A_132, %parallel_loop3A_534 : vector<16xf32>
        %parallel_loop3A_536 = arith.index_cast %parallel_loop3A_230 : i32 to index
        %parallel_loop3A_537 = arith.constant 480 : index
        %parallel_loop3A_538 = tpu.vector_load %arg8[%parallel_loop3A_536, %parallel_loop3A_537] {strides = array<i32>} : memref<32x1024xf32, #tpu.memory_space<vmem>>, vector<1x16xf32>,
        %parallel_loop3A_539 = vector.shape_cast %parallel_loop3A_538 : vector<1x16xf32> to vector<16xf32>
        %parallel_loop3A_540 = vector.shape_cast %parallel_loop3A_535 : vector<16xf32> to vector<1x16xf32>
        tpu.vector_store %arg8[%parallel_loop3A_536, %parallel_loop3A_537], %parallel_loop3A_540 {add = true, strides = array<i32>} : memref<32x1024xf32, #tpu.memory_space<vmem>>, vector<1x16xf32>,
        %parallel_loop3A_541 = arith.index_cast %parallel_loop3A_230 : i32 to index
        %parallel_loop3A_542 = arith.constant 496 : index
        %parallel_loop3A_543 = tpu.vector_load %arg6[%parallel_loop3A_541, %parallel_loop3A_542] {strides = array<i32>} : memref<32x1024xf32, #tpu.memory_space<vmem>>, vector<1x16xf32>,
        %parallel_loop3A_544 = vector.shape_cast %parallel_loop3A_543 : vector<1x16xf32> to vector<16xf32>
        %parallel_loop3A_545 = arith.mulf %gather3A_132, %parallel_loop3A_544 : vector<16xf32>
        %parallel_loop3A_546 = arith.index_cast %parallel_loop3A_230 : i32 to index
        %parallel_loop3A_547 = arith.constant 496 : index
        %parallel_loop3A_548 = tpu.vector_load %arg8[%parallel_loop3A_546, %parallel_loop3A_547] {strides = array<i32>} : memref<32x1024xf32, #tpu.memory_space<vmem>>, vector<1x16xf32>,
        %parallel_loop3A_549 = vector.shape_cast %parallel_loop3A_548 : vector<1x16xf32> to vector<16xf32>
        %parallel_loop3A_550 = vector.shape_cast %parallel_loop3A_545 : vector<16xf32> to vector<1x16xf32>
        tpu.vector_store %arg8[%parallel_loop3A_546, %parallel_loop3A_547], %parallel_loop3A_550 {add = true, strides = array<i32>} : memref<32x1024xf32, #tpu.memory_space<vmem>>, vector<1x16xf32>,
        %parallel_loop3A_551 = arith.index_cast %parallel_loop3A_230 : i32 to index
        %parallel_loop3A_552 = arith.constant 512 : index
        %parallel_loop3A_553 = tpu.vector_load %arg6[%parallel_loop3A_551, %parallel_loop3A_552] {strides = array<i32>} : memref<32x1024xf32, #tpu.memory_space<vmem>>, vector<1x16xf32>,
        %parallel_loop3A_554 = vector.shape_cast %parallel_loop3A_553 : vector<1x16xf32> to vector<16xf32>
        %parallel_loop3A_555 = arith.mulf %gather3A_132, %parallel_loop3A_554 : vector<16xf32>
        %parallel_loop3A_556 = arith.index_cast %parallel_loop3A_230 : i32 to index
        %parallel_loop3A_557 = arith.constant 512 : index
        %parallel_loop3A_558 = tpu.vector_load %arg8[%parallel_loop3A_556, %parallel_loop3A_557] {strides = array<i32>} : memref<32x1024xf32, #tpu.memory_space<vmem>>, vector<1x16xf32>,
        %parallel_loop3A_559 = vector.shape_cast %parallel_loop3A_558 : vector<1x16xf32> to vector<16xf32>
        %parallel_loop3A_560 = vector.shape_cast %parallel_loop3A_555 : vector<16xf32> to vector<1x16xf32>
        tpu.vector_store %arg8[%parallel_loop3A_556, %parallel_loop3A_557], %parallel_loop3A_560 {add = true, strides = array<i32>} : memref<32x1024xf32, #tpu.memory_space<vmem>>, vector<1x16xf32>,
        %parallel_loop3A_561 = arith.index_cast %parallel_loop3A_230 : i32 to index
        %parallel_loop3A_562 = arith.constant 528 : index
        %parallel_loop3A_563 = tpu.vector_load %arg6[%parallel_loop3A_561, %parallel_loop3A_562] {strides = array<i32>} : memref<32x1024xf32, #tpu.memory_space<vmem>>, vector<1x16xf32>,
        %parallel_loop3A_564 = vector.shape_cast %parallel_loop3A_563 : vector<1x16xf32> to vector<16xf32>
        %parallel_loop3A_565 = arith.mulf %gather3A_132, %parallel_loop3A_564 : vector<16xf32>
        %parallel_loop3A_566 = arith.index_cast %parallel_loop3A_230 : i32 to index
        %parallel_loop3A_567 = arith.constant 528 : index
        %parallel_loop3A_568 = tpu.vector_load %arg8[%parallel_loop3A_566, %parallel_loop3A_567] {strides = array<i32>} : memref<32x1024xf32, #tpu.memory_space<vmem>>, vector<1x16xf32>,
        %parallel_loop3A_569 = vector.shape_cast %parallel_loop3A_568 : vector<1x16xf32> to vector<16xf32>
        %parallel_loop3A_570 = vector.shape_cast %parallel_loop3A_565 : vector<16xf32> to vector<1x16xf32>
        tpu.vector_store %arg8[%parallel_loop3A_566, %parallel_loop3A_567], %parallel_loop3A_570 {add = true, strides = array<i32>} : memref<32x1024xf32, #tpu.memory_space<vmem>>, vector<1x16xf32>,
        %parallel_loop3A_571 = arith.index_cast %parallel_loop3A_230 : i32 to index
        %parallel_loop3A_572 = arith.constant 544 : index
        %parallel_loop3A_573 = tpu.vector_load %arg6[%parallel_loop3A_571, %parallel_loop3A_572] {strides = array<i32>} : memref<32x1024xf32, #tpu.memory_space<vmem>>, vector<1x16xf32>,
        %parallel_loop3A_574 = vector.shape_cast %parallel_loop3A_573 : vector<1x16xf32> to vector<16xf32>
        %parallel_loop3A_575 = arith.mulf %gather3A_132, %parallel_loop3A_574 : vector<16xf32>
        %parallel_loop3A_576 = arith.index_cast %parallel_loop3A_230 : i32 to index
        %parallel_loop3A_577 = arith.constant 544 : index
        %parallel_loop3A_578 = tpu.vector_load %arg8[%parallel_loop3A_576, %parallel_loop3A_577] {strides = array<i32>} : memref<32x1024xf32, #tpu.memory_space<vmem>>, vector<1x16xf32>,
        %parallel_loop3A_579 = vector.shape_cast %parallel_loop3A_578 : vector<1x16xf32> to vector<16xf32>
        %parallel_loop3A_580 = vector.shape_cast %parallel_loop3A_575 : vector<16xf32> to vector<1x16xf32>
        tpu.vector_store %arg8[%parallel_loop3A_576, %parallel_loop3A_577], %parallel_loop3A_580 {add = true, strides = array<i32>} : memref<32x1024xf32, #tpu.memory_space<vmem>>, vector<1x16xf32>,
        %parallel_loop3A_581 = arith.index_cast %parallel_loop3A_230 : i32 to index
        %parallel_loop3A_582 = arith.constant 560 : index
        %parallel_loop3A_583 = tpu.vector_load %arg6[%parallel_loop3A_581, %parallel_loop3A_582] {strides = array<i32>} : memref<32x1024xf32, #tpu.memory_space<vmem>>, vector<1x16xf32>,
        %parallel_loop3A_584 = vector.shape_cast %parallel_loop3A_583 : vector<1x16xf32> to vector<16xf32>
        %parallel_loop3A_585 = arith.mulf %gather3A_132, %parallel_loop3A_584 : vector<16xf32>
        %parallel_loop3A_586 = arith.index_cast %parallel_loop3A_230 : i32 to index
        %parallel_loop3A_587 = arith.constant 560 : index
        %parallel_loop3A_588 = tpu.vector_load %arg8[%parallel_loop3A_586, %parallel_loop3A_587] {strides = array<i32>} : memref<32x1024xf32, #tpu.memory_space<vmem>>, vector<1x16xf32>,
        %parallel_loop3A_589 = vector.shape_cast %parallel_loop3A_588 : vector<1x16xf32> to vector<16xf32>
        %parallel_loop3A_590 = vector.shape_cast %parallel_loop3A_585 : vector<16xf32> to vector<1x16xf32>
        tpu.vector_store %arg8[%parallel_loop3A_586, %parallel_loop3A_587], %parallel_loop3A_590 {add = true, strides = array<i32>} : memref<32x1024xf32, #tpu.memory_space<vmem>>, vector<1x16xf32>,
        %parallel_loop3A_591 = arith.index_cast %parallel_loop3A_230 : i32 to index
        %parallel_loop3A_592 = arith.constant 576 : index
        %parallel_loop3A_593 = tpu.vector_load %arg6[%parallel_loop3A_591, %parallel_loop3A_592] {strides = array<i32>} : memref<32x1024xf32, #tpu.memory_space<vmem>>, vector<1x16xf32>,
        %parallel_loop3A_594 = vector.shape_cast %parallel_loop3A_593 : vector<1x16xf32> to vector<16xf32>
        %parallel_loop3A_595 = arith.mulf %gather3A_132, %parallel_loop3A_594 : vector<16xf32>
        %parallel_loop3A_596 = arith.index_cast %parallel_loop3A_230 : i32 to index
        %parallel_loop3A_597 = arith.constant 576 : index
        %parallel_loop3A_598 = tpu.vector_load %arg8[%parallel_loop3A_596, %parallel_loop3A_597] {strides = array<i32>} : memref<32x1024xf32, #tpu.memory_space<vmem>>, vector<1x16xf32>,
        %parallel_loop3A_599 = vector.shape_cast %parallel_loop3A_598 : vector<1x16xf32> to vector<16xf32>
        %parallel_loop3A_600 = vector.shape_cast %parallel_loop3A_595 : vector<16xf32> to vector<1x16xf32>
        tpu.vector_store %arg8[%parallel_loop3A_596, %parallel_loop3A_597], %parallel_loop3A_600 {add = true, strides = array<i32>} : memref<32x1024xf32, #tpu.memory_space<vmem>>, vector<1x16xf32>,
        %parallel_loop3A_601 = arith.index_cast %parallel_loop3A_230 : i32 to index
        %parallel_loop3A_602 = arith.constant 592 : index
        %parallel_loop3A_603 = tpu.vector_load %arg6[%parallel_loop3A_601, %parallel_loop3A_602] {strides = array<i32>} : memref<32x1024xf32, #tpu.memory_space<vmem>>, vector<1x16xf32>,
        %parallel_loop3A_604 = vector.shape_cast %parallel_loop3A_603 : vector<1x16xf32> to vector<16xf32>
        %parallel_loop3A_605 = arith.mulf %gather3A_132, %parallel_loop3A_604 : vector<16xf32>
        %parallel_loop3A_606 = arith.index_cast %parallel_loop3A_230 : i32 to index
        %parallel_loop3A_607 = arith.constant 592 : index
        %parallel_loop3A_608 = tpu.vector_load %arg8[%parallel_loop3A_606, %parallel_loop3A_607] {strides = array<i32>} : memref<32x1024xf32, #tpu.memory_space<vmem>>, vector<1x16xf32>,
        %parallel_loop3A_609 = vector.shape_cast %parallel_loop3A_608 : vector<1x16xf32> to vector<16xf32>
        %parallel_loop3A_610 = vector.shape_cast %parallel_loop3A_605 : vector<16xf32> to vector<1x16xf32>
        tpu.vector_store %arg8[%parallel_loop3A_606, %parallel_loop3A_607], %parallel_loop3A_610 {add = true, strides = array<i32>} : memref<32x1024xf32, #tpu.memory_space<vmem>>, vector<1x16xf32>,
        %parallel_loop3A_611 = arith.index_cast %parallel_loop3A_230 : i32 to index
        %parallel_loop3A_612 = arith.constant 608 : index
        %parallel_loop3A_613 = tpu.vector_load %arg6[%parallel_loop3A_611, %parallel_loop3A_612] {strides = array<i32>} : memref<32x1024xf32, #tpu.memory_space<vmem>>, vector<1x16xf32>,
        %parallel_loop3A_614 = vector.shape_cast %parallel_loop3A_613 : vector<1x16xf32> to vector<16xf32>
        %parallel_loop3A_615 = arith.mulf %gather3A_132, %parallel_loop3A_614 : vector<16xf32>
        %parallel_loop3A_616 = arith.index_cast %parallel_loop3A_230 : i32 to index
        %parallel_loop3A_617 = arith.constant 608 : index
        %parallel_loop3A_618 = tpu.vector_load %arg8[%parallel_loop3A_616, %parallel_loop3A_617] {strides = array<i32>} : memref<32x1024xf32, #tpu.memory_space<vmem>>, vector<1x16xf32>,
        %parallel_loop3A_619 = vector.shape_cast %parallel_loop3A_618 : vector<1x16xf32> to vector<16xf32>
        %parallel_loop3A_620 = vector.shape_cast %parallel_loop3A_615 : vector<16xf32> to vector<1x16xf32>
        tpu.vector_store %arg8[%parallel_loop3A_616, %parallel_loop3A_617], %parallel_loop3A_620 {add = true, strides = array<i32>} : memref<32x1024xf32, #tpu.memory_space<vmem>>, vector<1x16xf32>,
        %parallel_loop3A_621 = arith.index_cast %parallel_loop3A_230 : i32 to index
        %parallel_loop3A_622 = arith.constant 624 : index
        %parallel_loop3A_623 = tpu.vector_load %arg6[%parallel_loop3A_621, %parallel_loop3A_622] {strides = array<i32>} : memref<32x1024xf32, #tpu.memory_space<vmem>>, vector<1x16xf32>,
        %parallel_loop3A_624 = vector.shape_cast %parallel_loop3A_623 : vector<1x16xf32> to vector<16xf32>
        %parallel_loop3A_625 = arith.mulf %gather3A_132, %parallel_loop3A_624 : vector<16xf32>
        %parallel_loop3A_626 = arith.index_cast %parallel_loop3A_230 : i32 to index
        %parallel_loop3A_627 = arith.constant 624 : index
        %parallel_loop3A_628 = tpu.vector_load %arg8[%parallel_loop3A_626, %parallel_loop3A_627] {strides = array<i32>} : memref<32x1024xf32, #tpu.memory_space<vmem>>, vector<1x16xf32>,
        %parallel_loop3A_629 = vector.shape_cast %parallel_loop3A_628 : vector<1x16xf32> to vector<16xf32>
        %parallel_loop3A_630 = vector.shape_cast %parallel_loop3A_625 : vector<16xf32> to vector<1x16xf32>
        tpu.vector_store %arg8[%parallel_loop3A_626, %parallel_loop3A_627], %parallel_loop3A_630 {add = true, strides = array<i32>} : memref<32x1024xf32, #tpu.memory_space<vmem>>, vector<1x16xf32>,
        %parallel_loop3A_631 = arith.index_cast %parallel_loop3A_230 : i32 to index
        %parallel_loop3A_632 = arith.constant 640 : index
        %parallel_loop3A_633 = tpu.vector_load %arg6[%parallel_loop3A_631, %parallel_loop3A_632] {strides = array<i32>} : memref<32x1024xf32, #tpu.memory_space<vmem>>, vector<1x16xf32>,
        %parallel_loop3A_634 = vector.shape_cast %parallel_loop3A_633 : vector<1x16xf32> to vector<16xf32>
        %parallel_loop3A_635 = arith.mulf %gather3A_132, %parallel_loop3A_634 : vector<16xf32>
        %parallel_loop3A_636 = arith.index_cast %parallel_loop3A_230 : i32 to index
        %parallel_loop3A_637 = arith.constant 640 : index
        %parallel_loop3A_638 = tpu.vector_load %arg8[%parallel_loop3A_636, %parallel_loop3A_637] {strides = array<i32>} : memref<32x1024xf32, #tpu.memory_space<vmem>>, vector<1x16xf32>,
        %parallel_loop3A_639 = vector.shape_cast %parallel_loop3A_638 : vector<1x16xf32> to vector<16xf32>
        %parallel_loop3A_640 = vector.shape_cast %parallel_loop3A_635 : vector<16xf32> to vector<1x16xf32>
        tpu.vector_store %arg8[%parallel_loop3A_636, %parallel_loop3A_637], %parallel_loop3A_640 {add = true, strides = array<i32>} : memref<32x1024xf32, #tpu.memory_space<vmem>>, vector<1x16xf32>,
        %parallel_loop3A_641 = arith.index_cast %parallel_loop3A_230 : i32 to index
        %parallel_loop3A_642 = arith.constant 656 : index
        %parallel_loop3A_643 = tpu.vector_load %arg6[%parallel_loop3A_641, %parallel_loop3A_642] {strides = array<i32>} : memref<32x1024xf32, #tpu.memory_space<vmem>>, vector<1x16xf32>,
        %parallel_loop3A_644 = vector.shape_cast %parallel_loop3A_643 : vector<1x16xf32> to vector<16xf32>
        %parallel_loop3A_645 = arith.mulf %gather3A_132, %parallel_loop3A_644 : vector<16xf32>
        %parallel_loop3A_646 = arith.index_cast %parallel_loop3A_230 : i32 to index
        %parallel_loop3A_647 = arith.constant 656 : index
        %parallel_loop3A_648 = tpu.vector_load %arg8[%parallel_loop3A_646, %parallel_loop3A_647] {strides = array<i32>} : memref<32x1024xf32, #tpu.memory_space<vmem>>, vector<1x16xf32>,
        %parallel_loop3A_649 = vector.shape_cast %parallel_loop3A_648 : vector<1x16xf32> to vector<16xf32>
        %parallel_loop3A_650 = vector.shape_cast %parallel_loop3A_645 : vector<16xf32> to vector<1x16xf32>
        tpu.vector_store %arg8[%parallel_loop3A_646, %parallel_loop3A_647], %parallel_loop3A_650 {add = true, strides = array<i32>} : memref<32x1024xf32, #tpu.memory_space<vmem>>, vector<1x16xf32>,
        %parallel_loop3A_651 = arith.index_cast %parallel_loop3A_230 : i32 to index
        %parallel_loop3A_652 = arith.constant 672 : index
        %parallel_loop3A_653 = tpu.vector_load %arg6[%parallel_loop3A_651, %parallel_loop3A_652] {strides = array<i32>} : memref<32x1024xf32, #tpu.memory_space<vmem>>, vector<1x16xf32>,
        %parallel_loop3A_654 = vector.shape_cast %parallel_loop3A_653 : vector<1x16xf32> to vector<16xf32>
        %parallel_loop3A_655 = arith.mulf %gather3A_132, %parallel_loop3A_654 : vector<16xf32>
        %parallel_loop3A_656 = arith.index_cast %parallel_loop3A_230 : i32 to index
        %parallel_loop3A_657 = arith.constant 672 : index
        %parallel_loop3A_658 = tpu.vector_load %arg8[%parallel_loop3A_656, %parallel_loop3A_657] {strides = array<i32>} : memref<32x1024xf32, #tpu.memory_space<vmem>>, vector<1x16xf32>,
        %parallel_loop3A_659 = vector.shape_cast %parallel_loop3A_658 : vector<1x16xf32> to vector<16xf32>
        %parallel_loop3A_660 = vector.shape_cast %parallel_loop3A_655 : vector<16xf32> to vector<1x16xf32>
        tpu.vector_store %arg8[%parallel_loop3A_656, %parallel_loop3A_657], %parallel_loop3A_660 {add = true, strides = array<i32>} : memref<32x1024xf32, #tpu.memory_space<vmem>>, vector<1x16xf32>,
        %parallel_loop3A_661 = arith.index_cast %parallel_loop3A_230 : i32 to index
        %parallel_loop3A_662 = arith.constant 688 : index
        %parallel_loop3A_663 = tpu.vector_load %arg6[%parallel_loop3A_661, %parallel_loop3A_662] {strides = array<i32>} : memref<32x1024xf32, #tpu.memory_space<vmem>>, vector<1x16xf32>,
        %parallel_loop3A_664 = vector.shape_cast %parallel_loop3A_663 : vector<1x16xf32> to vector<16xf32>
        %parallel_loop3A_665 = arith.mulf %gather3A_132, %parallel_loop3A_664 : vector<16xf32>
        %parallel_loop3A_666 = arith.index_cast %parallel_loop3A_230 : i32 to index
        %parallel_loop3A_667 = arith.constant 688 : index
        %parallel_loop3A_668 = tpu.vector_load %arg8[%parallel_loop3A_666, %parallel_loop3A_667] {strides = array<i32>} : memref<32x1024xf32, #tpu.memory_space<vmem>>, vector<1x16xf32>,
        %parallel_loop3A_669 = vector.shape_cast %parallel_loop3A_668 : vector<1x16xf32> to vector<16xf32>
        %parallel_loop3A_670 = vector.shape_cast %parallel_loop3A_665 : vector<16xf32> to vector<1x16xf32>
        tpu.vector_store %arg8[%parallel_loop3A_666, %parallel_loop3A_667], %parallel_loop3A_670 {add = true, strides = array<i32>} : memref<32x1024xf32, #tpu.memory_space<vmem>>, vector<1x16xf32>,
        %parallel_loop3A_671 = arith.index_cast %parallel_loop3A_230 : i32 to index
        %parallel_loop3A_672 = arith.constant 704 : index
        %parallel_loop3A_673 = tpu.vector_load %arg6[%parallel_loop3A_671, %parallel_loop3A_672] {strides = array<i32>} : memref<32x1024xf32, #tpu.memory_space<vmem>>, vector<1x16xf32>,
        %parallel_loop3A_674 = vector.shape_cast %parallel_loop3A_673 : vector<1x16xf32> to vector<16xf32>
        %parallel_loop3A_675 = arith.mulf %gather3A_132, %parallel_loop3A_674 : vector<16xf32>
        %parallel_loop3A_676 = arith.index_cast %parallel_loop3A_230 : i32 to index
        %parallel_loop3A_677 = arith.constant 704 : index
        %parallel_loop3A_678 = tpu.vector_load %arg8[%parallel_loop3A_676, %parallel_loop3A_677] {strides = array<i32>} : memref<32x1024xf32, #tpu.memory_space<vmem>>, vector<1x16xf32>,
        %parallel_loop3A_679 = vector.shape_cast %parallel_loop3A_678 : vector<1x16xf32> to vector<16xf32>
        %parallel_loop3A_680 = vector.shape_cast %parallel_loop3A_675 : vector<16xf32> to vector<1x16xf32>
        tpu.vector_store %arg8[%parallel_loop3A_676, %parallel_loop3A_677], %parallel_loop3A_680 {add = true, strides = array<i32>} : memref<32x1024xf32, #tpu.memory_space<vmem>>, vector<1x16xf32>,
        %parallel_loop3A_681 = arith.index_cast %parallel_loop3A_230 : i32 to index
        %parallel_loop3A_682 = arith.constant 720 : index
        %parallel_loop3A_683 = tpu.vector_load %arg6[%parallel_loop3A_681, %parallel_loop3A_682] {strides = array<i32>} : memref<32x1024xf32, #tpu.memory_space<vmem>>, vector<1x16xf32>,
        %parallel_loop3A_684 = vector.shape_cast %parallel_loop3A_683 : vector<1x16xf32> to vector<16xf32>
        %parallel_loop3A_685 = arith.mulf %gather3A_132, %parallel_loop3A_684 : vector<16xf32>
        %parallel_loop3A_686 = arith.index_cast %parallel_loop3A_230 : i32 to index
        %parallel_loop3A_687 = arith.constant 720 : index
        %parallel_loop3A_688 = tpu.vector_load %arg8[%parallel_loop3A_686, %parallel_loop3A_687] {strides = array<i32>} : memref<32x1024xf32, #tpu.memory_space<vmem>>, vector<1x16xf32>,
        %parallel_loop3A_689 = vector.shape_cast %parallel_loop3A_688 : vector<1x16xf32> to vector<16xf32>
        %parallel_loop3A_690 = vector.shape_cast %parallel_loop3A_685 : vector<16xf32> to vector<1x16xf32>
        tpu.vector_store %arg8[%parallel_loop3A_686, %parallel_loop3A_687], %parallel_loop3A_690 {add = true, strides = array<i32>} : memref<32x1024xf32, #tpu.memory_space<vmem>>, vector<1x16xf32>,
        %parallel_loop3A_691 = arith.index_cast %parallel_loop3A_230 : i32 to index
        %parallel_loop3A_692 = arith.constant 736 : index
        %parallel_loop3A_693 = tpu.vector_load %arg6[%parallel_loop3A_691, %parallel_loop3A_692] {strides = array<i32>} : memref<32x1024xf32, #tpu.memory_space<vmem>>, vector<1x16xf32>,
        %parallel_loop3A_694 = vector.shape_cast %parallel_loop3A_693 : vector<1x16xf32> to vector<16xf32>
        %parallel_loop3A_695 = arith.mulf %gather3A_132, %parallel_loop3A_694 : vector<16xf32>
        %parallel_loop3A_696 = arith.index_cast %parallel_loop3A_230 : i32 to index
        %parallel_loop3A_697 = arith.constant 736 : index
        %parallel_loop3A_698 = tpu.vector_load %arg8[%parallel_loop3A_696, %parallel_loop3A_697] {strides = array<i32>} : memref<32x1024xf32, #tpu.memory_space<vmem>>, vector<1x16xf32>,
        %parallel_loop3A_699 = vector.shape_cast %parallel_loop3A_698 : vector<1x16xf32> to vector<16xf32>
        %parallel_loop3A_700 = vector.shape_cast %parallel_loop3A_695 : vector<16xf32> to vector<1x16xf32>
        tpu.vector_store %arg8[%parallel_loop3A_696, %parallel_loop3A_697], %parallel_loop3A_700 {add = true, strides = array<i32>} : memref<32x1024xf32, #tpu.memory_space<vmem>>, vector<1x16xf32>,
        %parallel_loop3A_701 = arith.index_cast %parallel_loop3A_230 : i32 to index
        %parallel_loop3A_702 = arith.constant 752 : index
        %parallel_loop3A_703 = tpu.vector_load %arg6[%parallel_loop3A_701, %parallel_loop3A_702] {strides = array<i32>} : memref<32x1024xf32, #tpu.memory_space<vmem>>, vector<1x16xf32>,
        %parallel_loop3A_704 = vector.shape_cast %parallel_loop3A_703 : vector<1x16xf32> to vector<16xf32>
        %parallel_loop3A_705 = arith.mulf %gather3A_132, %parallel_loop3A_704 : vector<16xf32>
        %parallel_loop3A_706 = arith.index_cast %parallel_loop3A_230 : i32 to index
        %parallel_loop3A_707 = arith.constant 752 : index
        %parallel_loop3A_708 = tpu.vector_load %arg8[%parallel_loop3A_706, %parallel_loop3A_707] {strides = array<i32>} : memref<32x1024xf32, #tpu.memory_space<vmem>>, vector<1x16xf32>,
        %parallel_loop3A_709 = vector.shape_cast %parallel_loop3A_708 : vector<1x16xf32> to vector<16xf32>
        %parallel_loop3A_710 = vector.shape_cast %parallel_loop3A_705 : vector<16xf32> to vector<1x16xf32>
        tpu.vector_store %arg8[%parallel_loop3A_706, %parallel_loop3A_707], %parallel_loop3A_710 {add = true, strides = array<i32>} : memref<32x1024xf32, #tpu.memory_space<vmem>>, vector<1x16xf32>,
        %parallel_loop3A_711 = arith.index_cast %parallel_loop3A_230 : i32 to index
        %parallel_loop3A_712 = arith.constant 768 : index
        %parallel_loop3A_713 = tpu.vector_load %arg6[%parallel_loop3A_711, %parallel_loop3A_712] {strides = array<i32>} : memref<32x1024xf32, #tpu.memory_space<vmem>>, vector<1x16xf32>,
        %parallel_loop3A_714 = vector.shape_cast %parallel_loop3A_713 : vector<1x16xf32> to vector<16xf32>
        %parallel_loop3A_715 = arith.mulf %gather3A_132, %parallel_loop3A_714 : vector<16xf32>
        %parallel_loop3A_716 = arith.index_cast %parallel_loop3A_230 : i32 to index
        %parallel_loop3A_717 = arith.constant 768 : index
        %parallel_loop3A_718 = tpu.vector_load %arg8[%parallel_loop3A_716, %parallel_loop3A_717] {strides = array<i32>} : memref<32x1024xf32, #tpu.memory_space<vmem>>, vector<1x16xf32>,
        %parallel_loop3A_719 = vector.shape_cast %parallel_loop3A_718 : vector<1x16xf32> to vector<16xf32>
        %parallel_loop3A_720 = vector.shape_cast %parallel_loop3A_715 : vector<16xf32> to vector<1x16xf32>
        tpu.vector_store %arg8[%parallel_loop3A_716, %parallel_loop3A_717], %parallel_loop3A_720 {add = true, strides = array<i32>} : memref<32x1024xf32, #tpu.memory_space<vmem>>, vector<1x16xf32>,
        %parallel_loop3A_721 = arith.index_cast %parallel_loop3A_230 : i32 to index
        %parallel_loop3A_722 = arith.constant 784 : index
        %parallel_loop3A_723 = tpu.vector_load %arg6[%parallel_loop3A_721, %parallel_loop3A_722] {strides = array<i32>} : memref<32x1024xf32, #tpu.memory_space<vmem>>, vector<1x16xf32>,
        %parallel_loop3A_724 = vector.shape_cast %parallel_loop3A_723 : vector<1x16xf32> to vector<16xf32>
        %parallel_loop3A_725 = arith.mulf %gather3A_132, %parallel_loop3A_724 : vector<16xf32>
        %parallel_loop3A_726 = arith.index_cast %parallel_loop3A_230 : i32 to index
        %parallel_loop3A_727 = arith.constant 784 : index
        %parallel_loop3A_728 = tpu.vector_load %arg8[%parallel_loop3A_726, %parallel_loop3A_727] {strides = array<i32>} : memref<32x1024xf32, #tpu.memory_space<vmem>>, vector<1x16xf32>,
        %parallel_loop3A_729 = vector.shape_cast %parallel_loop3A_728 : vector<1x16xf32> to vector<16xf32>
        %parallel_loop3A_730 = vector.shape_cast %parallel_loop3A_725 : vector<16xf32> to vector<1x16xf32>
        tpu.vector_store %arg8[%parallel_loop3A_726, %parallel_loop3A_727], %parallel_loop3A_730 {add = true, strides = array<i32>} : memref<32x1024xf32, #tpu.memory_space<vmem>>, vector<1x16xf32>,
        %parallel_loop3A_731 = arith.index_cast %parallel_loop3A_230 : i32 to index
        %parallel_loop3A_732 = arith.constant 800 : index
        %parallel_loop3A_733 = tpu.vector_load %arg6[%parallel_loop3A_731, %parallel_loop3A_732] {strides = array<i32>} : memref<32x1024xf32, #tpu.memory_space<vmem>>, vector<1x16xf32>,
        %parallel_loop3A_734 = vector.shape_cast %parallel_loop3A_733 : vector<1x16xf32> to vector<16xf32>
        %parallel_loop3A_735 = arith.mulf %gather3A_132, %parallel_loop3A_734 : vector<16xf32>
        %parallel_loop3A_736 = arith.index_cast %parallel_loop3A_230 : i32 to index
        %parallel_loop3A_737 = arith.constant 800 : index
        %parallel_loop3A_738 = tpu.vector_load %arg8[%parallel_loop3A_736, %parallel_loop3A_737] {strides = array<i32>} : memref<32x1024xf32, #tpu.memory_space<vmem>>, vector<1x16xf32>,
        %parallel_loop3A_739 = vector.shape_cast %parallel_loop3A_738 : vector<1x16xf32> to vector<16xf32>
        %parallel_loop3A_740 = vector.shape_cast %parallel_loop3A_735 : vector<16xf32> to vector<1x16xf32>
        tpu.vector_store %arg8[%parallel_loop3A_736, %parallel_loop3A_737], %parallel_loop3A_740 {add = true, strides = array<i32>} : memref<32x1024xf32, #tpu.memory_space<vmem>>, vector<1x16xf32>,
        %parallel_loop3A_741 = arith.index_cast %parallel_loop3A_230 : i32 to index
        %parallel_loop3A_742 = arith.constant 816 : index
        %parallel_loop3A_743 = tpu.vector_load %arg6[%parallel_loop3A_741, %parallel_loop3A_742] {strides = array<i32>} : memref<32x1024xf32, #tpu.memory_space<vmem>>, vector<1x16xf32>,
        %parallel_loop3A_744 = vector.shape_cast %parallel_loop3A_743 : vector<1x16xf32> to vector<16xf32>
        %parallel_loop3A_745 = arith.mulf %gather3A_132, %parallel_loop3A_744 : vector<16xf32>
        %parallel_loop3A_746 = arith.index_cast %parallel_loop3A_230 : i32 to index
        %parallel_loop3A_747 = arith.constant 816 : index
        %parallel_loop3A_748 = tpu.vector_load %arg8[%parallel_loop3A_746, %parallel_loop3A_747] {strides = array<i32>} : memref<32x1024xf32, #tpu.memory_space<vmem>>, vector<1x16xf32>,
        %parallel_loop3A_749 = vector.shape_cast %parallel_loop3A_748 : vector<1x16xf32> to vector<16xf32>
        %parallel_loop3A_750 = vector.shape_cast %parallel_loop3A_745 : vector<16xf32> to vector<1x16xf32>
        tpu.vector_store %arg8[%parallel_loop3A_746, %parallel_loop3A_747], %parallel_loop3A_750 {add = true, strides = array<i32>} : memref<32x1024xf32, #tpu.memory_space<vmem>>, vector<1x16xf32>,
        %parallel_loop3A_751 = arith.index_cast %parallel_loop3A_230 : i32 to index
        %parallel_loop3A_752 = arith.constant 832 : index
        %parallel_loop3A_753 = tpu.vector_load %arg6[%parallel_loop3A_751, %parallel_loop3A_752] {strides = array<i32>} : memref<32x1024xf32, #tpu.memory_space<vmem>>, vector<1x16xf32>,
        %parallel_loop3A_754 = vector.shape_cast %parallel_loop3A_753 : vector<1x16xf32> to vector<16xf32>
        %parallel_loop3A_755 = arith.mulf %gather3A_132, %parallel_loop3A_754 : vector<16xf32>
        %parallel_loop3A_756 = arith.index_cast %parallel_loop3A_230 : i32 to index
        %parallel_loop3A_757 = arith.constant 832 : index
        %parallel_loop3A_758 = tpu.vector_load %arg8[%parallel_loop3A_756, %parallel_loop3A_757] {strides = array<i32>} : memref<32x1024xf32, #tpu.memory_space<vmem>>, vector<1x16xf32>,
        %parallel_loop3A_759 = vector.shape_cast %parallel_loop3A_758 : vector<1x16xf32> to vector<16xf32>
        %parallel_loop3A_760 = vector.shape_cast %parallel_loop3A_755 : vector<16xf32> to vector<1x16xf32>
        tpu.vector_store %arg8[%parallel_loop3A_756, %parallel_loop3A_757], %parallel_loop3A_760 {add = true, strides = array<i32>} : memref<32x1024xf32, #tpu.memory_space<vmem>>, vector<1x16xf32>,
        %parallel_loop3A_761 = arith.index_cast %parallel_loop3A_230 : i32 to index
        %parallel_loop3A_762 = arith.constant 848 : index
        %parallel_loop3A_763 = tpu.vector_load %arg6[%parallel_loop3A_761, %parallel_loop3A_762] {strides = array<i32>} : memref<32x1024xf32, #tpu.memory_space<vmem>>, vector<1x16xf32>,
        %parallel_loop3A_764 = vector.shape_cast %parallel_loop3A_763 : vector<1x16xf32> to vector<16xf32>
        %parallel_loop3A_765 = arith.mulf %gather3A_132, %parallel_loop3A_764 : vector<16xf32>
        %parallel_loop3A_766 = arith.index_cast %parallel_loop3A_230 : i32 to index
        %parallel_loop3A_767 = arith.constant 848 : index
        %parallel_loop3A_768 = tpu.vector_load %arg8[%parallel_loop3A_766, %parallel_loop3A_767] {strides = array<i32>} : memref<32x1024xf32, #tpu.memory_space<vmem>>, vector<1x16xf32>,
        %parallel_loop3A_769 = vector.shape_cast %parallel_loop3A_768 : vector<1x16xf32> to vector<16xf32>
        %parallel_loop3A_770 = vector.shape_cast %parallel_loop3A_765 : vector<16xf32> to vector<1x16xf32>
        tpu.vector_store %arg8[%parallel_loop3A_766, %parallel_loop3A_767], %parallel_loop3A_770 {add = true, strides = array<i32>} : memref<32x1024xf32, #tpu.memory_space<vmem>>, vector<1x16xf32>,
        %parallel_loop3A_771 = arith.index_cast %parallel_loop3A_230 : i32 to index
        %parallel_loop3A_772 = arith.constant 864 : index
        %parallel_loop3A_773 = tpu.vector_load %arg6[%parallel_loop3A_771, %parallel_loop3A_772] {strides = array<i32>} : memref<32x1024xf32, #tpu.memory_space<vmem>>, vector<1x16xf32>,
        %parallel_loop3A_774 = vector.shape_cast %parallel_loop3A_773 : vector<1x16xf32> to vector<16xf32>
        %parallel_loop3A_775 = arith.mulf %gather3A_132, %parallel_loop3A_774 : vector<16xf32>
        %parallel_loop3A_776 = arith.index_cast %parallel_loop3A_230 : i32 to index
        %parallel_loop3A_777 = arith.constant 864 : index
        %parallel_loop3A_778 = tpu.vector_load %arg8[%parallel_loop3A_776, %parallel_loop3A_777] {strides = array<i32>} : memref<32x1024xf32, #tpu.memory_space<vmem>>, vector<1x16xf32>,
        %parallel_loop3A_779 = vector.shape_cast %parallel_loop3A_778 : vector<1x16xf32> to vector<16xf32>
        %parallel_loop3A_780 = vector.shape_cast %parallel_loop3A_775 : vector<16xf32> to vector<1x16xf32>
        tpu.vector_store %arg8[%parallel_loop3A_776, %parallel_loop3A_777], %parallel_loop3A_780 {add = true, strides = array<i32>} : memref<32x1024xf32, #tpu.memory_space<vmem>>, vector<1x16xf32>,
        %parallel_loop3A_781 = arith.index_cast %parallel_loop3A_230 : i32 to index
        %parallel_loop3A_782 = arith.constant 880 : index
        %parallel_loop3A_783 = tpu.vector_load %arg6[%parallel_loop3A_781, %parallel_loop3A_782] {strides = array<i32>} : memref<32x1024xf32, #tpu.memory_space<vmem>>, vector<1x16xf32>,
        %parallel_loop3A_784 = vector.shape_cast %parallel_loop3A_783 : vector<1x16xf32> to vector<16xf32>
        %parallel_loop3A_785 = arith.mulf %gather3A_132, %parallel_loop3A_784 : vector<16xf32>
        %parallel_loop3A_786 = arith.index_cast %parallel_loop3A_230 : i32 to index
        %parallel_loop3A_787 = arith.constant 880 : index
        %parallel_loop3A_788 = tpu.vector_load %arg8[%parallel_loop3A_786, %parallel_loop3A_787] {strides = array<i32>} : memref<32x1024xf32, #tpu.memory_space<vmem>>, vector<1x16xf32>,
        %parallel_loop3A_789 = vector.shape_cast %parallel_loop3A_788 : vector<1x16xf32> to vector<16xf32>
        %parallel_loop3A_790 = vector.shape_cast %parallel_loop3A_785 : vector<16xf32> to vector<1x16xf32>
        tpu.vector_store %arg8[%parallel_loop3A_786, %parallel_loop3A_787], %parallel_loop3A_790 {add = true, strides = array<i32>} : memref<32x1024xf32, #tpu.memory_space<vmem>>, vector<1x16xf32>,
        %parallel_loop3A_791 = arith.index_cast %parallel_loop3A_230 : i32 to index
        %parallel_loop3A_792 = arith.constant 896 : index
        %parallel_loop3A_793 = tpu.vector_load %arg6[%parallel_loop3A_791, %parallel_loop3A_792] {strides = array<i32>} : memref<32x1024xf32, #tpu.memory_space<vmem>>, vector<1x16xf32>,
        %parallel_loop3A_794 = vector.shape_cast %parallel_loop3A_793 : vector<1x16xf32> to vector<16xf32>
        %parallel_loop3A_795 = arith.mulf %gather3A_132, %parallel_loop3A_794 : vector<16xf32>
        %parallel_loop3A_796 = arith.index_cast %parallel_loop3A_230 : i32 to index
        %parallel_loop3A_797 = arith.constant 896 : index
        %parallel_loop3A_798 = tpu.vector_load %arg8[%parallel_loop3A_796, %parallel_loop3A_797] {strides = array<i32>} : memref<32x1024xf32, #tpu.memory_space<vmem>>, vector<1x16xf32>,
        %parallel_loop3A_799 = vector.shape_cast %parallel_loop3A_798 : vector<1x16xf32> to vector<16xf32>
        %parallel_loop3A_800 = vector.shape_cast %parallel_loop3A_795 : vector<16xf32> to vector<1x16xf32>
        tpu.vector_store %arg8[%parallel_loop3A_796, %parallel_loop3A_797], %parallel_loop3A_800 {add = true, strides = array<i32>} : memref<32x1024xf32, #tpu.memory_space<vmem>>, vector<1x16xf32>,
        %parallel_loop3A_801 = arith.index_cast %parallel_loop3A_230 : i32 to index
        %parallel_loop3A_802 = arith.constant 912 : index
        %parallel_loop3A_803 = tpu.vector_load %arg6[%parallel_loop3A_801, %parallel_loop3A_802] {strides = array<i32>} : memref<32x1024xf32, #tpu.memory_space<vmem>>, vector<1x16xf32>,
        %parallel_loop3A_804 = vector.shape_cast %parallel_loop3A_803 : vector<1x16xf32> to vector<16xf32>
        %parallel_loop3A_805 = arith.mulf %gather3A_132, %parallel_loop3A_804 : vector<16xf32>
        %parallel_loop3A_806 = arith.index_cast %parallel_loop3A_230 : i32 to index
        %parallel_loop3A_807 = arith.constant 912 : index
        %parallel_loop3A_808 = tpu.vector_load %arg8[%parallel_loop3A_806, %parallel_loop3A_807] {strides = array<i32>} : memref<32x1024xf32, #tpu.memory_space<vmem>>, vector<1x16xf32>,
        %parallel_loop3A_809 = vector.shape_cast %parallel_loop3A_808 : vector<1x16xf32> to vector<16xf32>
        %parallel_loop3A_810 = vector.shape_cast %parallel_loop3A_805 : vector<16xf32> to vector<1x16xf32>
        tpu.vector_store %arg8[%parallel_loop3A_806, %parallel_loop3A_807], %parallel_loop3A_810 {add = true, strides = array<i32>} : memref<32x1024xf32, #tpu.memory_space<vmem>>, vector<1x16xf32>,
        %parallel_loop3A_811 = arith.index_cast %parallel_loop3A_230 : i32 to index
        %parallel_loop3A_812 = arith.constant 928 : index
        %parallel_loop3A_813 = tpu.vector_load %arg6[%parallel_loop3A_811, %parallel_loop3A_812] {strides = array<i32>} : memref<32x1024xf32, #tpu.memory_space<vmem>>, vector<1x16xf32>,
        %parallel_loop3A_814 = vector.shape_cast %parallel_loop3A_813 : vector<1x16xf32> to vector<16xf32>
        %parallel_loop3A_815 = arith.mulf %gather3A_132, %parallel_loop3A_814 : vector<16xf32>
        %parallel_loop3A_816 = arith.index_cast %parallel_loop3A_230 : i32 to index
        %parallel_loop3A_817 = arith.constant 928 : index
        %parallel_loop3A_818 = tpu.vector_load %arg8[%parallel_loop3A_816, %parallel_loop3A_817] {strides = array<i32>} : memref<32x1024xf32, #tpu.memory_space<vmem>>, vector<1x16xf32>,
        %parallel_loop3A_819 = vector.shape_cast %parallel_loop3A_818 : vector<1x16xf32> to vector<16xf32>
        %parallel_loop3A_820 = vector.shape_cast %parallel_loop3A_815 : vector<16xf32> to vector<1x16xf32>
        tpu.vector_store %arg8[%parallel_loop3A_816, %parallel_loop3A_817], %parallel_loop3A_820 {add = true, strides = array<i32>} : memref<32x1024xf32, #tpu.memory_space<vmem>>, vector<1x16xf32>,
        %parallel_loop3A_821 = arith.index_cast %parallel_loop3A_230 : i32 to index
        %parallel_loop3A_822 = arith.constant 944 : index
        %parallel_loop3A_823 = tpu.vector_load %arg6[%parallel_loop3A_821, %parallel_loop3A_822] {strides = array<i32>} : memref<32x1024xf32, #tpu.memory_space<vmem>>, vector<1x16xf32>,
        %parallel_loop3A_824 = vector.shape_cast %parallel_loop3A_823 : vector<1x16xf32> to vector<16xf32>
        %parallel_loop3A_825 = arith.mulf %gather3A_132, %parallel_loop3A_824 : vector<16xf32>
        %parallel_loop3A_826 = arith.index_cast %parallel_loop3A_230 : i32 to index
        %parallel_loop3A_827 = arith.constant 944 : index
        %parallel_loop3A_828 = tpu.vector_load %arg8[%parallel_loop3A_826, %parallel_loop3A_827] {strides = array<i32>} : memref<32x1024xf32, #tpu.memory_space<vmem>>, vector<1x16xf32>,
        %parallel_loop3A_829 = vector.shape_cast %parallel_loop3A_828 : vector<1x16xf32> to vector<16xf32>
        %parallel_loop3A_830 = vector.shape_cast %parallel_loop3A_825 : vector<16xf32> to vector<1x16xf32>
        tpu.vector_store %arg8[%parallel_loop3A_826, %parallel_loop3A_827], %parallel_loop3A_830 {add = true, strides = array<i32>} : memref<32x1024xf32, #tpu.memory_space<vmem>>, vector<1x16xf32>,
        %parallel_loop3A_831 = arith.index_cast %parallel_loop3A_230 : i32 to index
        %parallel_loop3A_832 = arith.constant 960 : index
        %parallel_loop3A_833 = tpu.vector_load %arg6[%parallel_loop3A_831, %parallel_loop3A_832] {strides = array<i32>} : memref<32x1024xf32, #tpu.memory_space<vmem>>, vector<1x16xf32>,
        %parallel_loop3A_834 = vector.shape_cast %parallel_loop3A_833 : vector<1x16xf32> to vector<16xf32>
        %parallel_loop3A_835 = arith.mulf %gather3A_132, %parallel_loop3A_834 : vector<16xf32>
        %parallel_loop3A_836 = arith.index_cast %parallel_loop3A_230 : i32 to index
        %parallel_loop3A_837 = arith.constant 960 : index
        %parallel_loop3A_838 = tpu.vector_load %arg8[%parallel_loop3A_836, %parallel_loop3A_837] {strides = array<i32>} : memref<32x1024xf32, #tpu.memory_space<vmem>>, vector<1x16xf32>,
        %parallel_loop3A_839 = vector.shape_cast %parallel_loop3A_838 : vector<1x16xf32> to vector<16xf32>
        %parallel_loop3A_840 = vector.shape_cast %parallel_loop3A_835 : vector<16xf32> to vector<1x16xf32>
        tpu.vector_store %arg8[%parallel_loop3A_836, %parallel_loop3A_837], %parallel_loop3A_840 {add = true, strides = array<i32>} : memref<32x1024xf32, #tpu.memory_space<vmem>>, vector<1x16xf32>,
        %parallel_loop3A_841 = arith.index_cast %parallel_loop3A_230 : i32 to index
        %parallel_loop3A_842 = arith.constant 976 : index
        %parallel_loop3A_843 = tpu.vector_load %arg6[%parallel_loop3A_841, %parallel_loop3A_842] {strides = array<i32>} : memref<32x1024xf32, #tpu.memory_space<vmem>>, vector<1x16xf32>,
        %parallel_loop3A_844 = vector.shape_cast %parallel_loop3A_843 : vector<1x16xf32> to vector<16xf32>
        %parallel_loop3A_845 = arith.mulf %gather3A_132, %parallel_loop3A_844 : vector<16xf32>
        %parallel_loop3A_846 = arith.index_cast %parallel_loop3A_230 : i32 to index
        %parallel_loop3A_847 = arith.constant 976 : index
        %parallel_loop3A_848 = tpu.vector_load %arg8[%parallel_loop3A_846, %parallel_loop3A_847] {strides = array<i32>} : memref<32x1024xf32, #tpu.memory_space<vmem>>, vector<1x16xf32>,
        %parallel_loop3A_849 = vector.shape_cast %parallel_loop3A_848 : vector<1x16xf32> to vector<16xf32>
        %parallel_loop3A_850 = vector.shape_cast %parallel_loop3A_845 : vector<16xf32> to vector<1x16xf32>
        tpu.vector_store %arg8[%parallel_loop3A_846, %parallel_loop3A_847], %parallel_loop3A_850 {add = true, strides = array<i32>} : memref<32x1024xf32, #tpu.memory_space<vmem>>, vector<1x16xf32>,
        %parallel_loop3A_851 = arith.index_cast %parallel_loop3A_230 : i32 to index
        %parallel_loop3A_852 = arith.constant 992 : index
        %parallel_loop3A_853 = tpu.vector_load %arg6[%parallel_loop3A_851, %parallel_loop3A_852] {strides = array<i32>} : memref<32x1024xf32, #tpu.memory_space<vmem>>, vector<1x16xf32>,
        %parallel_loop3A_854 = vector.shape_cast %parallel_loop3A_853 : vector<1x16xf32> to vector<16xf32>
        %parallel_loop3A_855 = arith.mulf %gather3A_132, %parallel_loop3A_854 : vector<16xf32>
        %parallel_loop3A_856 = arith.index_cast %parallel_loop3A_230 : i32 to index
        %parallel_loop3A_857 = arith.constant 992 : index
        %parallel_loop3A_858 = tpu.vector_load %arg8[%parallel_loop3A_856, %parallel_loop3A_857] {strides = array<i32>} : memref<32x1024xf32, #tpu.memory_space<vmem>>, vector<1x16xf32>,
        %parallel_loop3A_859 = vector.shape_cast %parallel_loop3A_858 : vector<1x16xf32> to vector<16xf32>
        %parallel_loop3A_860 = vector.shape_cast %parallel_loop3A_855 : vector<16xf32> to vector<1x16xf32>
        tpu.vector_store %arg8[%parallel_loop3A_856, %parallel_loop3A_857], %parallel_loop3A_860 {add = true, strides = array<i32>} : memref<32x1024xf32, #tpu.memory_space<vmem>>, vector<1x16xf32>,
        %parallel_loop3A_861 = arith.index_cast %parallel_loop3A_230 : i32 to index
        %parallel_loop3A_862 = arith.constant 1008 : index
        %parallel_loop3A_863 = tpu.vector_load %arg6[%parallel_loop3A_861, %parallel_loop3A_862] {strides = array<i32>} : memref<32x1024xf32, #tpu.memory_space<vmem>>, vector<1x16xf32>,
        %parallel_loop3A_864 = vector.shape_cast %parallel_loop3A_863 : vector<1x16xf32> to vector<16xf32>
        %parallel_loop3A_865 = arith.mulf %gather3A_132, %parallel_loop3A_864 : vector<16xf32>
        %parallel_loop3A_866 = arith.index_cast %parallel_loop3A_230 : i32 to index
        %parallel_loop3A_867 = arith.constant 1008 : index
        %parallel_loop3A_868 = tpu.vector_load %arg8[%parallel_loop3A_866, %parallel_loop3A_867] {strides = array<i32>} : memref<32x1024xf32, #tpu.memory_space<vmem>>, vector<1x16xf32>,
        %parallel_loop3A_869 = vector.shape_cast %parallel_loop3A_868 : vector<1x16xf32> to vector<16xf32>
        %parallel_loop3A_870 = vector.shape_cast %parallel_loop3A_865 : vector<16xf32> to vector<1x16xf32>
        tpu.vector_store %arg8[%parallel_loop3A_866, %parallel_loop3A_867], %parallel_loop3A_870 {add = true, strides = array<i32>} : memref<32x1024xf32, #tpu.memory_space<vmem>>, vector<1x16xf32>,
      } {sc.loop_unroll_factor = 1 : i64, sc.parallel_access}
      %add3A_136 = arith.constant 2 : i32
      %add3A_137 = arith.addi %add3A_70, %add3A_136 : i32
      %lt3A_138 = arith.constant 24 : i32
      %lt3A_139 = arith.cmpi slt, %add3A_137, %lt3A_138 : i32
      %convert_element_type3A = arith.extui %lt3A_139 : i1 to i32
      %cond3A = arith.constant 0 : i32
      %cond3A_140 = arith.cmpi ne, %convert_element_type3A, %cond3A : i32
      scf.if %cond3A_140 {
        %add3A_230 = arith.constant 2 : i32
        %add3A_231 = arith.addi %add3A_70, %add3A_230 : i32
        %dma_start3A_232 = arith.constant 0 : i32
        %dma_start3A_233 = arith.constant 0 : i32
        %dma_start3A_234 = tpu.memref_slice %arg6[%dma_start3A_232, %dma_start3A_233] : memref<32x1024xf32, #tpu.memory_space<vmem>> -> memref<16x1024xf32, #tpu.memory_space<vmem>>
        %dma_start3A_235 = arith.constant 0 : i32
        %dma_start3A_236 = tpu.memref_slice %arg3[%add3A_231, %mul3A_2, %dma_start3A_235] : memref<64x1024x1024xf32, #tpu.memory_space<hbm>> -> memref<1x16x1024xf32, #tpu.memory_space<hbm>>
        %dma_start3A_237 = tpu.memref_squeeze %dma_start3A_236 : memref<1x16x1024xf32, #tpu.memory_space<hbm>> -> memref<16x1024xf32, #tpu.memory_space<hbm>>
        %dma_start3A_238 = arith.constant 0 : i32
        %dma_start3A_239 = arith.constant 0 : i32
        %dma_start3A_240 = tpu.memref_slice %arg6[%dma_start3A_238, %dma_start3A_239] : memref<32x1024xf32, #tpu.memory_space<vmem>> -> memref<16x1024xf32, #tpu.memory_space<vmem>>
        %dma_start3A_241 = arith.constant 0 : i32
        %dma_start3A_242 = tpu.memref_slice %arg3[%add3A_231, %mul3A_2, %dma_start3A_241] : memref<64x1024x1024xf32, #tpu.memory_space<hbm>> -> memref<1x16x1024xf32, #tpu.memory_space<hbm>>
        %dma_start3A_243 = tpu.memref_squeeze %dma_start3A_242 : memref<1x16x1024xf32, #tpu.memory_space<hbm>> -> memref<16x1024xf32, #tpu.memory_space<hbm>>
        tpu.enqueue_dma source(%dma_start3A_243 : memref<16x1024xf32, #tpu.memory_space<hbm>>) target(%dma_start3A_240 : memref<16x1024xf32, #tpu.memory_space<vmem>>) target_semaphore(%arg9 : memref<!tpu.dma_semaphore, #tpu.memory_space<semaphore_mem>>)
        %add3A_244 = arith.constant 16 : i32
        %add3A_245 = arith.addi %mul3A_2, %add3A_244 : i32
        %dma_start3A_246 = arith.constant 16 : i32
        %dma_start3A_247 = arith.constant 0 : i32
        %dma_start3A_248 = tpu.memref_slice %arg6[%dma_start3A_246, %dma_start3A_247] : memref<32x1024xf32, #tpu.memory_space<vmem>> -> memref<16x1024xf32, #tpu.memory_space<vmem>>
        %dma_start3A_249 = arith.constant 0 : i32
        %dma_start3A_250 = tpu.memref_slice %arg3[%add3A_231, %add3A_245, %dma_start3A_249] : memref<64x1024x1024xf32, #tpu.memory_space<hbm>> -> memref<1x16x1024xf32, #tpu.memory_space<hbm>>
        %dma_start3A_251 = tpu.memref_squeeze %dma_start3A_250 : memref<1x16x1024xf32, #tpu.memory_space<hbm>> -> memref<16x1024xf32, #tpu.memory_space<hbm>>
        %dma_start3A_252 = arith.constant 16 : i32
        %dma_start3A_253 = arith.constant 0 : i32
        %dma_start3A_254 = tpu.memref_slice %arg6[%dma_start3A_252, %dma_start3A_253] : memref<32x1024xf32, #tpu.memory_space<vmem>> -> memref<16x1024xf32, #tpu.memory_space<vmem>>
        %dma_start3A_255 = arith.constant 0 : i32
        %dma_start3A_256 = tpu.memref_slice %arg3[%add3A_231, %add3A_245, %dma_start3A_255] : memref<64x1024x1024xf32, #tpu.memory_space<hbm>> -> memref<1x16x1024xf32, #tpu.memory_space<hbm>>
        %dma_start3A_257 = tpu.memref_squeeze %dma_start3A_256 : memref<1x16x1024xf32, #tpu.memory_space<hbm>> -> memref<16x1024xf32, #tpu.memory_space<hbm>>
        tpu.enqueue_dma source(%dma_start3A_257 : memref<16x1024xf32, #tpu.memory_space<hbm>>) target(%dma_start3A_254 : memref<16x1024xf32, #tpu.memory_space<vmem>>) target_semaphore(%arg9 : memref<!tpu.dma_semaphore, #tpu.memory_space<semaphore_mem>>)
      } else {
      }
      %mul3A_141 = arith.constant 2 : i32
      %mul3A_142 = arith.muli %scan3A_66, %mul3A_141 : i32
      %add3A_143 = arith.constant 1 : i32
      %add3A_144 = arith.addi %mul3A_142, %add3A_143 : i32
      %dma_wait3A_145 = arith.constant 0 : i32
      %dma_wait3A_146 = arith.constant 0 : i32
      %dma_wait3A_147 = arith.constant 0 : i32
      %dma_wait3A_148 = tpu.memref_slice %arg7[%dma_wait3A_146, %dma_wait3A_147] : memref<32x1024xf32, #tpu.memory_space<vmem>> -> memref<16x1024xf32, #tpu.memory_space<vmem>>
      %dma_wait3A_149 = arith.constant 0 : i32
      %dma_wait3A_150 = tpu.memref_slice %arg3[%dma_wait3A_145, %mul3A_2, %dma_wait3A_149] : memref<64x1024x1024xf32, #tpu.memory_space<hbm>> -> memref<1x16x1024xf32, #tpu.memory_space<hbm>>
      %dma_wait3A_151 = tpu.memref_squeeze %dma_wait3A_150 : memref<1x16x1024xf32, #tpu.memory_space<hbm>> -> memref<16x1024xf32, #tpu.memory_space<hbm>>
      %dma_wait3A_152 = arith.constant 0 : i32
      %dma_wait3A_153 = arith.constant 0 : i32
      %dma_wait3A_154 = tpu.memref_slice %arg7[%dma_wait3A_152, %dma_wait3A_153] : memref<32x1024xf32, #tpu.memory_space<vmem>> -> memref<16x1024xf32, #tpu.memory_space<vmem>>
      %dma_wait3A_155 = arith.constant 0 : i32
      %dma_wait3A_156 = tpu.memref_slice %arg3[%dma_wait3A_145, %mul3A_2, %dma_wait3A_155] : memref<64x1024x1024xf32, #tpu.memory_space<hbm>> -> memref<1x16x1024xf32, #tpu.memory_space<hbm>>
      %dma_wait3A_157 = tpu.memref_squeeze %dma_wait3A_156 : memref<1x16x1024xf32, #tpu.memory_space<hbm>> -> memref<16x1024xf32, #tpu.memory_space<hbm>>
      tpu.wait_dma2 semaphore(%arg10 : memref<!tpu.dma_semaphore, #tpu.memory_space<semaphore_mem>>) src(%dma_wait3A_157 : memref<16x1024xf32, #tpu.memory_space<hbm>>) dst(%dma_wait3A_154 : memref<16x1024xf32, #tpu.memory_space<vmem>>)
      %dma_wait3A_158 = arith.constant 0 : i32
      %dma_wait3A_159 = arith.constant 16 : i32
      %dma_wait3A_160 = arith.constant 0 : i32
      %dma_wait3A_161 = tpu.memref_slice %arg7[%dma_wait3A_159, %dma_wait3A_160] : memref<32x1024xf32, #tpu.memory_space<vmem>> -> memref<16x1024xf32, #tpu.memory_space<vmem>>
      %dma_wait3A_162 = arith.constant 0 : i32
      %dma_wait3A_163 = tpu.memref_slice %arg3[%dma_wait3A_158, %mul3A_2, %dma_wait3A_162] : memref<64x1024x1024xf32, #tpu.memory_space<hbm>> -> memref<1x16x1024xf32, #tpu.memory_space<hbm>>
      %dma_wait3A_164 = tpu.memref_squeeze %dma_wait3A_163 : memref<1x16x1024xf32, #tpu.memory_space<hbm>> -> memref<16x1024xf32, #tpu.memory_space<hbm>>
      %dma_wait3A_165 = arith.constant 16 : i32
      %dma_wait3A_166 = arith.constant 0 : i32
      %dma_wait3A_167 = tpu.memref_slice %arg7[%dma_wait3A_165, %dma_wait3A_166] : memref<32x1024xf32, #tpu.memory_space<vmem>> -> memref<16x1024xf32, #tpu.memory_space<vmem>>
      %dma_wait3A_168 = arith.constant 0 : i32
      %dma_wait3A_169 = tpu.memref_slice %arg3[%dma_wait3A_158, %mul3A_2, %dma_wait3A_168] : memref<64x1024x1024xf32, #tpu.memory_space<hbm>> -> memref<1x16x1024xf32, #tpu.memory_space<hbm>>
      %dma_wait3A_170 = tpu.memref_squeeze %dma_wait3A_169 : memref<1x16x1024xf32, #tpu.memory_space<hbm>> -> memref<16x1024xf32, #tpu.memory_space<hbm>>
      tpu.wait_dma2 semaphore(%arg10 : memref<!tpu.dma_semaphore, #tpu.memory_space<semaphore_mem>>) src(%dma_wait3A_170 : memref<16x1024xf32, #tpu.memory_space<hbm>>) dst(%dma_wait3A_167 : memref<16x1024xf32, #tpu.memory_space<vmem>>)
      %jit3A_171 = arith.constant 16 : i32
      %div3A_172 = arith.divsi %add3A_144, %jit3A_171 : i32
      %sign3A_173 = arith.constant 0 : i32
      %sign3A_174 = arith.cmpi sgt, %add3A_144, %sign3A_173 : i32
      %sign3A_175 = arith.extui %sign3A_174 : i1 to i32
      %sign3A_176 = arith.constant 0 : i32
      %sign3A_177 = arith.cmpi slt, %add3A_144, %sign3A_176 : i32
      %sign3A_178 = arith.extui %sign3A_177 : i1 to i32
      %sign3A_179 = arith.subi %sign3A_175, %sign3A_178 : i32
      %sign3A_180 = arith.constant 0 : i32
      %sign3A_181 = arith.cmpi sgt, %jit3A_171, %sign3A_180 : i32
      %sign3A_182 = arith.extui %sign3A_181 : i1 to i32
      %sign3A_183 = arith.constant 0 : i32
      %sign3A_184 = arith.cmpi slt, %jit3A_171, %sign3A_183 : i32
      %sign3A_185 = arith.extui %sign3A_184 : i1 to i32
      %sign3A_186 = arith.subi %sign3A_182, %sign3A_185 : i32
      %ne3A_187 = arith.cmpi ne, %sign3A_179, %sign3A_186 : i32
      %rem3A_188 = arith.remsi %add3A_144, %jit3A_171 : i32
      %ne3A_189 = arith.constant 0 : i32
      %ne3A_190 = arith.cmpi ne, %rem3A_188, %ne3A_189 : i32
      %and3A_191 = arith.andi %ne3A_187, %ne3A_190 : i1
      %sub3A_192 = arith.constant 1 : i32
      %sub3A_193 = arith.subi %div3A_172, %sub3A_192 : i32
      %select_n3A_194 = arith.select %and3A_191, %sub3A_193, %div3A_172 : i32
      %mul3A_195 = arith.constant 16 : i32
      %mul3A_196 = arith.muli %select_n3A_194, %mul3A_195 : i32
      %get3A_197 = arith.index_cast %mul3A_196 : i32 to index
      %get3A_198 = tpu.vector_load %arg5[%get3A_197] {strides = array<i32>} : memref<64xf32, #tpu.memory_space<vmem>>, vector<16xf32>,
      %get3A_199 = vector.shape_cast %get3A_198 : vector<16xf32> to vector<16xf32>
      %jit3A_200 = arith.constant 16 : i32
      %eq3A_201 = arith.constant 0 : i32
      %eq3A_202 = arith.cmpi eq, %jit3A_200, %eq3A_201 : i32
      %jit3A_203 = arith.constant 1 : i32
      %select_n3A_204 = arith.select %eq3A_202, %jit3A_203, %jit3A_200 : i32
      %rem3A_205 = arith.remsi %add3A_144, %select_n3A_204 : i32
      %ne3A_206 = arith.constant 0 : i32
      %ne3A_207 = arith.cmpi ne, %rem3A_205, %ne3A_206 : i32
      %lt3A_208 = arith.constant 0 : i32
      %lt3A_209 = arith.cmpi slt, %rem3A_205, %lt3A_208 : i32
      %lt3A_210 = arith.constant 0 : i32
      %lt3A_211 = arith.cmpi slt, %select_n3A_204, %lt3A_210 : i32
      %ne3A_212 = arith.xori %lt3A_209, %lt3A_211 : i1
      %and3A_213 = arith.andi %ne3A_212, %ne3A_207 : i1
      %add3A_214 = arith.addi %rem3A_205, %select_n3A_204 : i32
      %select_n3A_215 = arith.select %and3A_213, %add3A_214, %rem3A_205 : i32
      %broadcast_in_dim3A_216 = vector.broadcast %select_n3A_215 : i32 to vector<16xi32>
      %broadcast_in_dim3A_217 = vector.shape_cast %broadcast_in_dim3A_216 : vector<16xi32> to vector<16x1xi32>
      %gather3A_218 = vector.shape_cast %broadcast_in_dim3A_217 : vector<16x1xi32> to vector<16xi32>
      %gather3A_219 = tpu.dynamic_gather %get3A_199[%gather3A_218] in [0] : vector<16xf32>, vector<16xi32> -> vector<16xf32>
      %parallel_loop3A_220 = arith.constant 0 : i32
      %parallel_loop3A_221 = arith.constant 32 : i32
      %parallel_loop3A_222 = arith.constant 1 : i32
      scf.for %parallel_loop3A_230 = %parallel_loop3A_220 to %parallel_loop3A_221 step %parallel_loop3A_222  : i32 {
        %parallel_loop3A_231 = arith.index_cast %parallel_loop3A_230 : i32 to index
        %parallel_loop3A_232 = arith.constant 0 : index
        %parallel_loop3A_233 = tpu.vector_load %arg7[%parallel_loop3A_231, %parallel_loop3A_232] {strides = array<i32>} : memref<32x1024xf32, #tpu.memory_space<vmem>>, vector<1x16xf32>,
        %parallel_loop3A_234 = vector.shape_cast %parallel_loop3A_233 : vector<1x16xf32> to vector<16xf32>
        %parallel_loop3A_235 = arith.mulf %gather3A_219, %parallel_loop3A_234 : vector<16xf32>
        %parallel_loop3A_236 = arith.index_cast %parallel_loop3A_230 : i32 to index
        %parallel_loop3A_237 = arith.constant 0 : index
        %parallel_loop3A_238 = tpu.vector_load %arg8[%parallel_loop3A_236, %parallel_loop3A_237] {strides = array<i32>} : memref<32x1024xf32, #tpu.memory_space<vmem>>, vector<1x16xf32>,
        %parallel_loop3A_239 = vector.shape_cast %parallel_loop3A_238 : vector<1x16xf32> to vector<16xf32>
        %parallel_loop3A_240 = vector.shape_cast %parallel_loop3A_235 : vector<16xf32> to vector<1x16xf32>
        tpu.vector_store %arg8[%parallel_loop3A_236, %parallel_loop3A_237], %parallel_loop3A_240 {add = true, strides = array<i32>} : memref<32x1024xf32, #tpu.memory_space<vmem>>, vector<1x16xf32>,
        %parallel_loop3A_241 = arith.index_cast %parallel_loop3A_230 : i32 to index
        %parallel_loop3A_242 = arith.constant 16 : index
        %parallel_loop3A_243 = tpu.vector_load %arg7[%parallel_loop3A_241, %parallel_loop3A_242] {strides = array<i32>} : memref<32x1024xf32, #tpu.memory_space<vmem>>, vector<1x16xf32>,
        %parallel_loop3A_244 = vector.shape_cast %parallel_loop3A_243 : vector<1x16xf32> to vector<16xf32>
        %parallel_loop3A_245 = arith.mulf %gather3A_219, %parallel_loop3A_244 : vector<16xf32>
        %parallel_loop3A_246 = arith.index_cast %parallel_loop3A_230 : i32 to index
        %parallel_loop3A_247 = arith.constant 16 : index
        %parallel_loop3A_248 = tpu.vector_load %arg8[%parallel_loop3A_246, %parallel_loop3A_247] {strides = array<i32>} : memref<32x1024xf32, #tpu.memory_space<vmem>>, vector<1x16xf32>,
        %parallel_loop3A_249 = vector.shape_cast %parallel_loop3A_248 : vector<1x16xf32> to vector<16xf32>
        %parallel_loop3A_250 = vector.shape_cast %parallel_loop3A_245 : vector<16xf32> to vector<1x16xf32>
        tpu.vector_store %arg8[%parallel_loop3A_246, %parallel_loop3A_247], %parallel_loop3A_250 {add = true, strides = array<i32>} : memref<32x1024xf32, #tpu.memory_space<vmem>>, vector<1x16xf32>,
        %parallel_loop3A_251 = arith.index_cast %parallel_loop3A_230 : i32 to index
        %parallel_loop3A_252 = arith.constant 32 : index
        %parallel_loop3A_253 = tpu.vector_load %arg7[%parallel_loop3A_251, %parallel_loop3A_252] {strides = array<i32>} : memref<32x1024xf32, #tpu.memory_space<vmem>>, vector<1x16xf32>,
        %parallel_loop3A_254 = vector.shape_cast %parallel_loop3A_253 : vector<1x16xf32> to vector<16xf32>
        %parallel_loop3A_255 = arith.mulf %gather3A_219, %parallel_loop3A_254 : vector<16xf32>
        %parallel_loop3A_256 = arith.index_cast %parallel_loop3A_230 : i32 to index
        %parallel_loop3A_257 = arith.constant 32 : index
        %parallel_loop3A_258 = tpu.vector_load %arg8[%parallel_loop3A_256, %parallel_loop3A_257] {strides = array<i32>} : memref<32x1024xf32, #tpu.memory_space<vmem>>, vector<1x16xf32>,
        %parallel_loop3A_259 = vector.shape_cast %parallel_loop3A_258 : vector<1x16xf32> to vector<16xf32>
        %parallel_loop3A_260 = vector.shape_cast %parallel_loop3A_255 : vector<16xf32> to vector<1x16xf32>
        tpu.vector_store %arg8[%parallel_loop3A_256, %parallel_loop3A_257], %parallel_loop3A_260 {add = true, strides = array<i32>} : memref<32x1024xf32, #tpu.memory_space<vmem>>, vector<1x16xf32>,
        %parallel_loop3A_261 = arith.index_cast %parallel_loop3A_230 : i32 to index
        %parallel_loop3A_262 = arith.constant 48 : index
        %parallel_loop3A_263 = tpu.vector_load %arg7[%parallel_loop3A_261, %parallel_loop3A_262] {strides = array<i32>} : memref<32x1024xf32, #tpu.memory_space<vmem>>, vector<1x16xf32>,
        %parallel_loop3A_264 = vector.shape_cast %parallel_loop3A_263 : vector<1x16xf32> to vector<16xf32>
        %parallel_loop3A_265 = arith.mulf %gather3A_219, %parallel_loop3A_264 : vector<16xf32>
        %parallel_loop3A_266 = arith.index_cast %parallel_loop3A_230 : i32 to index
        %parallel_loop3A_267 = arith.constant 48 : index
        %parallel_loop3A_268 = tpu.vector_load %arg8[%parallel_loop3A_266, %parallel_loop3A_267] {strides = array<i32>} : memref<32x1024xf32, #tpu.memory_space<vmem>>, vector<1x16xf32>,
        %parallel_loop3A_269 = vector.shape_cast %parallel_loop3A_268 : vector<1x16xf32> to vector<16xf32>
        %parallel_loop3A_270 = vector.shape_cast %parallel_loop3A_265 : vector<16xf32> to vector<1x16xf32>
        tpu.vector_store %arg8[%parallel_loop3A_266, %parallel_loop3A_267], %parallel_loop3A_270 {add = true, strides = array<i32>} : memref<32x1024xf32, #tpu.memory_space<vmem>>, vector<1x16xf32>,
        %parallel_loop3A_271 = arith.index_cast %parallel_loop3A_230 : i32 to index
        %parallel_loop3A_272 = arith.constant 64 : index
        %parallel_loop3A_273 = tpu.vector_load %arg7[%parallel_loop3A_271, %parallel_loop3A_272] {strides = array<i32>} : memref<32x1024xf32, #tpu.memory_space<vmem>>, vector<1x16xf32>,
        %parallel_loop3A_274 = vector.shape_cast %parallel_loop3A_273 : vector<1x16xf32> to vector<16xf32>
        %parallel_loop3A_275 = arith.mulf %gather3A_219, %parallel_loop3A_274 : vector<16xf32>
        %parallel_loop3A_276 = arith.index_cast %parallel_loop3A_230 : i32 to index
        %parallel_loop3A_277 = arith.constant 64 : index
        %parallel_loop3A_278 = tpu.vector_load %arg8[%parallel_loop3A_276, %parallel_loop3A_277] {strides = array<i32>} : memref<32x1024xf32, #tpu.memory_space<vmem>>, vector<1x16xf32>,
        %parallel_loop3A_279 = vector.shape_cast %parallel_loop3A_278 : vector<1x16xf32> to vector<16xf32>
        %parallel_loop3A_280 = vector.shape_cast %parallel_loop3A_275 : vector<16xf32> to vector<1x16xf32>
        tpu.vector_store %arg8[%parallel_loop3A_276, %parallel_loop3A_277], %parallel_loop3A_280 {add = true, strides = array<i32>} : memref<32x1024xf32, #tpu.memory_space<vmem>>, vector<1x16xf32>,
        %parallel_loop3A_281 = arith.index_cast %parallel_loop3A_230 : i32 to index
        %parallel_loop3A_282 = arith.constant 80 : index
        %parallel_loop3A_283 = tpu.vector_load %arg7[%parallel_loop3A_281, %parallel_loop3A_282] {strides = array<i32>} : memref<32x1024xf32, #tpu.memory_space<vmem>>, vector<1x16xf32>,
        %parallel_loop3A_284 = vector.shape_cast %parallel_loop3A_283 : vector<1x16xf32> to vector<16xf32>
        %parallel_loop3A_285 = arith.mulf %gather3A_219, %parallel_loop3A_284 : vector<16xf32>
        %parallel_loop3A_286 = arith.index_cast %parallel_loop3A_230 : i32 to index
        %parallel_loop3A_287 = arith.constant 80 : index
        %parallel_loop3A_288 = tpu.vector_load %arg8[%parallel_loop3A_286, %parallel_loop3A_287] {strides = array<i32>} : memref<32x1024xf32, #tpu.memory_space<vmem>>, vector<1x16xf32>,
        %parallel_loop3A_289 = vector.shape_cast %parallel_loop3A_288 : vector<1x16xf32> to vector<16xf32>
        %parallel_loop3A_290 = vector.shape_cast %parallel_loop3A_285 : vector<16xf32> to vector<1x16xf32>
        tpu.vector_store %arg8[%parallel_loop3A_286, %parallel_loop3A_287], %parallel_loop3A_290 {add = true, strides = array<i32>} : memref<32x1024xf32, #tpu.memory_space<vmem>>, vector<1x16xf32>,
        %parallel_loop3A_291 = arith.index_cast %parallel_loop3A_230 : i32 to index
        %parallel_loop3A_292 = arith.constant 96 : index
        %parallel_loop3A_293 = tpu.vector_load %arg7[%parallel_loop3A_291, %parallel_loop3A_292] {strides = array<i32>} : memref<32x1024xf32, #tpu.memory_space<vmem>>, vector<1x16xf32>,
        %parallel_loop3A_294 = vector.shape_cast %parallel_loop3A_293 : vector<1x16xf32> to vector<16xf32>
        %parallel_loop3A_295 = arith.mulf %gather3A_219, %parallel_loop3A_294 : vector<16xf32>
        %parallel_loop3A_296 = arith.index_cast %parallel_loop3A_230 : i32 to index
        %parallel_loop3A_297 = arith.constant 96 : index
        %parallel_loop3A_298 = tpu.vector_load %arg8[%parallel_loop3A_296, %parallel_loop3A_297] {strides = array<i32>} : memref<32x1024xf32, #tpu.memory_space<vmem>>, vector<1x16xf32>,
        %parallel_loop3A_299 = vector.shape_cast %parallel_loop3A_298 : vector<1x16xf32> to vector<16xf32>
        %parallel_loop3A_300 = vector.shape_cast %parallel_loop3A_295 : vector<16xf32> to vector<1x16xf32>
        tpu.vector_store %arg8[%parallel_loop3A_296, %parallel_loop3A_297], %parallel_loop3A_300 {add = true, strides = array<i32>} : memref<32x1024xf32, #tpu.memory_space<vmem>>, vector<1x16xf32>,
        %parallel_loop3A_301 = arith.index_cast %parallel_loop3A_230 : i32 to index
        %parallel_loop3A_302 = arith.constant 112 : index
        %parallel_loop3A_303 = tpu.vector_load %arg7[%parallel_loop3A_301, %parallel_loop3A_302] {strides = array<i32>} : memref<32x1024xf32, #tpu.memory_space<vmem>>, vector<1x16xf32>,
        %parallel_loop3A_304 = vector.shape_cast %parallel_loop3A_303 : vector<1x16xf32> to vector<16xf32>
        %parallel_loop3A_305 = arith.mulf %gather3A_219, %parallel_loop3A_304 : vector<16xf32>
        %parallel_loop3A_306 = arith.index_cast %parallel_loop3A_230 : i32 to index
        %parallel_loop3A_307 = arith.constant 112 : index
        %parallel_loop3A_308 = tpu.vector_load %arg8[%parallel_loop3A_306, %parallel_loop3A_307] {strides = array<i32>} : memref<32x1024xf32, #tpu.memory_space<vmem>>, vector<1x16xf32>,
        %parallel_loop3A_309 = vector.shape_cast %parallel_loop3A_308 : vector<1x16xf32> to vector<16xf32>
        %parallel_loop3A_310 = vector.shape_cast %parallel_loop3A_305 : vector<16xf32> to vector<1x16xf32>
        tpu.vector_store %arg8[%parallel_loop3A_306, %parallel_loop3A_307], %parallel_loop3A_310 {add = true, strides = array<i32>} : memref<32x1024xf32, #tpu.memory_space<vmem>>, vector<1x16xf32>,
        %parallel_loop3A_311 = arith.index_cast %parallel_loop3A_230 : i32 to index
        %parallel_loop3A_312 = arith.constant 128 : index
        %parallel_loop3A_313 = tpu.vector_load %arg7[%parallel_loop3A_311, %parallel_loop3A_312] {strides = array<i32>} : memref<32x1024xf32, #tpu.memory_space<vmem>>, vector<1x16xf32>,
        %parallel_loop3A_314 = vector.shape_cast %parallel_loop3A_313 : vector<1x16xf32> to vector<16xf32>
        %parallel_loop3A_315 = arith.mulf %gather3A_219, %parallel_loop3A_314 : vector<16xf32>
        %parallel_loop3A_316 = arith.index_cast %parallel_loop3A_230 : i32 to index
        %parallel_loop3A_317 = arith.constant 128 : index
        %parallel_loop3A_318 = tpu.vector_load %arg8[%parallel_loop3A_316, %parallel_loop3A_317] {strides = array<i32>} : memref<32x1024xf32, #tpu.memory_space<vmem>>, vector<1x16xf32>,
        %parallel_loop3A_319 = vector.shape_cast %parallel_loop3A_318 : vector<1x16xf32> to vector<16xf32>
        %parallel_loop3A_320 = vector.shape_cast %parallel_loop3A_315 : vector<16xf32> to vector<1x16xf32>
        tpu.vector_store %arg8[%parallel_loop3A_316, %parallel_loop3A_317], %parallel_loop3A_320 {add = true, strides = array<i32>} : memref<32x1024xf32, #tpu.memory_space<vmem>>, vector<1x16xf32>,
        %parallel_loop3A_321 = arith.index_cast %parallel_loop3A_230 : i32 to index
        %parallel_loop3A_322 = arith.constant 144 : index
        %parallel_loop3A_323 = tpu.vector_load %arg7[%parallel_loop3A_321, %parallel_loop3A_322] {strides = array<i32>} : memref<32x1024xf32, #tpu.memory_space<vmem>>, vector<1x16xf32>,
        %parallel_loop3A_324 = vector.shape_cast %parallel_loop3A_323 : vector<1x16xf32> to vector<16xf32>
        %parallel_loop3A_325 = arith.mulf %gather3A_219, %parallel_loop3A_324 : vector<16xf32>
        %parallel_loop3A_326 = arith.index_cast %parallel_loop3A_230 : i32 to index
        %parallel_loop3A_327 = arith.constant 144 : index
        %parallel_loop3A_328 = tpu.vector_load %arg8[%parallel_loop3A_326, %parallel_loop3A_327] {strides = array<i32>} : memref<32x1024xf32, #tpu.memory_space<vmem>>, vector<1x16xf32>,
        %parallel_loop3A_329 = vector.shape_cast %parallel_loop3A_328 : vector<1x16xf32> to vector<16xf32>
        %parallel_loop3A_330 = vector.shape_cast %parallel_loop3A_325 : vector<16xf32> to vector<1x16xf32>
        tpu.vector_store %arg8[%parallel_loop3A_326, %parallel_loop3A_327], %parallel_loop3A_330 {add = true, strides = array<i32>} : memref<32x1024xf32, #tpu.memory_space<vmem>>, vector<1x16xf32>,
        %parallel_loop3A_331 = arith.index_cast %parallel_loop3A_230 : i32 to index
        %parallel_loop3A_332 = arith.constant 160 : index
        %parallel_loop3A_333 = tpu.vector_load %arg7[%parallel_loop3A_331, %parallel_loop3A_332] {strides = array<i32>} : memref<32x1024xf32, #tpu.memory_space<vmem>>, vector<1x16xf32>,
        %parallel_loop3A_334 = vector.shape_cast %parallel_loop3A_333 : vector<1x16xf32> to vector<16xf32>
        %parallel_loop3A_335 = arith.mulf %gather3A_219, %parallel_loop3A_334 : vector<16xf32>
        %parallel_loop3A_336 = arith.index_cast %parallel_loop3A_230 : i32 to index
        %parallel_loop3A_337 = arith.constant 160 : index
        %parallel_loop3A_338 = tpu.vector_load %arg8[%parallel_loop3A_336, %parallel_loop3A_337] {strides = array<i32>} : memref<32x1024xf32, #tpu.memory_space<vmem>>, vector<1x16xf32>,
        %parallel_loop3A_339 = vector.shape_cast %parallel_loop3A_338 : vector<1x16xf32> to vector<16xf32>
        %parallel_loop3A_340 = vector.shape_cast %parallel_loop3A_335 : vector<16xf32> to vector<1x16xf32>
        tpu.vector_store %arg8[%parallel_loop3A_336, %parallel_loop3A_337], %parallel_loop3A_340 {add = true, strides = array<i32>} : memref<32x1024xf32, #tpu.memory_space<vmem>>, vector<1x16xf32>,
        %parallel_loop3A_341 = arith.index_cast %parallel_loop3A_230 : i32 to index
        %parallel_loop3A_342 = arith.constant 176 : index
        %parallel_loop3A_343 = tpu.vector_load %arg7[%parallel_loop3A_341, %parallel_loop3A_342] {strides = array<i32>} : memref<32x1024xf32, #tpu.memory_space<vmem>>, vector<1x16xf32>,
        %parallel_loop3A_344 = vector.shape_cast %parallel_loop3A_343 : vector<1x16xf32> to vector<16xf32>
        %parallel_loop3A_345 = arith.mulf %gather3A_219, %parallel_loop3A_344 : vector<16xf32>
        %parallel_loop3A_346 = arith.index_cast %parallel_loop3A_230 : i32 to index
        %parallel_loop3A_347 = arith.constant 176 : index
        %parallel_loop3A_348 = tpu.vector_load %arg8[%parallel_loop3A_346, %parallel_loop3A_347] {strides = array<i32>} : memref<32x1024xf32, #tpu.memory_space<vmem>>, vector<1x16xf32>,
        %parallel_loop3A_349 = vector.shape_cast %parallel_loop3A_348 : vector<1x16xf32> to vector<16xf32>
        %parallel_loop3A_350 = vector.shape_cast %parallel_loop3A_345 : vector<16xf32> to vector<1x16xf32>
        tpu.vector_store %arg8[%parallel_loop3A_346, %parallel_loop3A_347], %parallel_loop3A_350 {add = true, strides = array<i32>} : memref<32x1024xf32, #tpu.memory_space<vmem>>, vector<1x16xf32>,
        %parallel_loop3A_351 = arith.index_cast %parallel_loop3A_230 : i32 to index
        %parallel_loop3A_352 = arith.constant 192 : index
        %parallel_loop3A_353 = tpu.vector_load %arg7[%parallel_loop3A_351, %parallel_loop3A_352] {strides = array<i32>} : memref<32x1024xf32, #tpu.memory_space<vmem>>, vector<1x16xf32>,
        %parallel_loop3A_354 = vector.shape_cast %parallel_loop3A_353 : vector<1x16xf32> to vector<16xf32>
        %parallel_loop3A_355 = arith.mulf %gather3A_219, %parallel_loop3A_354 : vector<16xf32>
        %parallel_loop3A_356 = arith.index_cast %parallel_loop3A_230 : i32 to index
        %parallel_loop3A_357 = arith.constant 192 : index
        %parallel_loop3A_358 = tpu.vector_load %arg8[%parallel_loop3A_356, %parallel_loop3A_357] {strides = array<i32>} : memref<32x1024xf32, #tpu.memory_space<vmem>>, vector<1x16xf32>,
        %parallel_loop3A_359 = vector.shape_cast %parallel_loop3A_358 : vector<1x16xf32> to vector<16xf32>
        %parallel_loop3A_360 = vector.shape_cast %parallel_loop3A_355 : vector<16xf32> to vector<1x16xf32>
        tpu.vector_store %arg8[%parallel_loop3A_356, %parallel_loop3A_357], %parallel_loop3A_360 {add = true, strides = array<i32>} : memref<32x1024xf32, #tpu.memory_space<vmem>>, vector<1x16xf32>,
        %parallel_loop3A_361 = arith.index_cast %parallel_loop3A_230 : i32 to index
        %parallel_loop3A_362 = arith.constant 208 : index
        %parallel_loop3A_363 = tpu.vector_load %arg7[%parallel_loop3A_361, %parallel_loop3A_362] {strides = array<i32>} : memref<32x1024xf32, #tpu.memory_space<vmem>>, vector<1x16xf32>,
        %parallel_loop3A_364 = vector.shape_cast %parallel_loop3A_363 : vector<1x16xf32> to vector<16xf32>
        %parallel_loop3A_365 = arith.mulf %gather3A_219, %parallel_loop3A_364 : vector<16xf32>
        %parallel_loop3A_366 = arith.index_cast %parallel_loop3A_230 : i32 to index
        %parallel_loop3A_367 = arith.constant 208 : index
        %parallel_loop3A_368 = tpu.vector_load %arg8[%parallel_loop3A_366, %parallel_loop3A_367] {strides = array<i32>} : memref<32x1024xf32, #tpu.memory_space<vmem>>, vector<1x16xf32>,
        %parallel_loop3A_369 = vector.shape_cast %parallel_loop3A_368 : vector<1x16xf32> to vector<16xf32>
        %parallel_loop3A_370 = vector.shape_cast %parallel_loop3A_365 : vector<16xf32> to vector<1x16xf32>
        tpu.vector_store %arg8[%parallel_loop3A_366, %parallel_loop3A_367], %parallel_loop3A_370 {add = true, strides = array<i32>} : memref<32x1024xf32, #tpu.memory_space<vmem>>, vector<1x16xf32>,
        %parallel_loop3A_371 = arith.index_cast %parallel_loop3A_230 : i32 to index
        %parallel_loop3A_372 = arith.constant 224 : index
        %parallel_loop3A_373 = tpu.vector_load %arg7[%parallel_loop3A_371, %parallel_loop3A_372] {strides = array<i32>} : memref<32x1024xf32, #tpu.memory_space<vmem>>, vector<1x16xf32>,
        %parallel_loop3A_374 = vector.shape_cast %parallel_loop3A_373 : vector<1x16xf32> to vector<16xf32>
        %parallel_loop3A_375 = arith.mulf %gather3A_219, %parallel_loop3A_374 : vector<16xf32>
        %parallel_loop3A_376 = arith.index_cast %parallel_loop3A_230 : i32 to index
        %parallel_loop3A_377 = arith.constant 224 : index
        %parallel_loop3A_378 = tpu.vector_load %arg8[%parallel_loop3A_376, %parallel_loop3A_377] {strides = array<i32>} : memref<32x1024xf32, #tpu.memory_space<vmem>>, vector<1x16xf32>,
        %parallel_loop3A_379 = vector.shape_cast %parallel_loop3A_378 : vector<1x16xf32> to vector<16xf32>
        %parallel_loop3A_380 = vector.shape_cast %parallel_loop3A_375 : vector<16xf32> to vector<1x16xf32>
        tpu.vector_store %arg8[%parallel_loop3A_376, %parallel_loop3A_377], %parallel_loop3A_380 {add = true, strides = array<i32>} : memref<32x1024xf32, #tpu.memory_space<vmem>>, vector<1x16xf32>,
        %parallel_loop3A_381 = arith.index_cast %parallel_loop3A_230 : i32 to index
        %parallel_loop3A_382 = arith.constant 240 : index
        %parallel_loop3A_383 = tpu.vector_load %arg7[%parallel_loop3A_381, %parallel_loop3A_382] {strides = array<i32>} : memref<32x1024xf32, #tpu.memory_space<vmem>>, vector<1x16xf32>,
        %parallel_loop3A_384 = vector.shape_cast %parallel_loop3A_383 : vector<1x16xf32> to vector<16xf32>
        %parallel_loop3A_385 = arith.mulf %gather3A_219, %parallel_loop3A_384 : vector<16xf32>
        %parallel_loop3A_386 = arith.index_cast %parallel_loop3A_230 : i32 to index
        %parallel_loop3A_387 = arith.constant 240 : index
        %parallel_loop3A_388 = tpu.vector_load %arg8[%parallel_loop3A_386, %parallel_loop3A_387] {strides = array<i32>} : memref<32x1024xf32, #tpu.memory_space<vmem>>, vector<1x16xf32>,
        %parallel_loop3A_389 = vector.shape_cast %parallel_loop3A_388 : vector<1x16xf32> to vector<16xf32>
        %parallel_loop3A_390 = vector.shape_cast %parallel_loop3A_385 : vector<16xf32> to vector<1x16xf32>
        tpu.vector_store %arg8[%parallel_loop3A_386, %parallel_loop3A_387], %parallel_loop3A_390 {add = true, strides = array<i32>} : memref<32x1024xf32, #tpu.memory_space<vmem>>, vector<1x16xf32>,
        %parallel_loop3A_391 = arith.index_cast %parallel_loop3A_230 : i32 to index
        %parallel_loop3A_392 = arith.constant 256 : index
        %parallel_loop3A_393 = tpu.vector_load %arg7[%parallel_loop3A_391, %parallel_loop3A_392] {strides = array<i32>} : memref<32x1024xf32, #tpu.memory_space<vmem>>, vector<1x16xf32>,
        %parallel_loop3A_394 = vector.shape_cast %parallel_loop3A_393 : vector<1x16xf32> to vector<16xf32>
        %parallel_loop3A_395 = arith.mulf %gather3A_219, %parallel_loop3A_394 : vector<16xf32>
        %parallel_loop3A_396 = arith.index_cast %parallel_loop3A_230 : i32 to index
        %parallel_loop3A_397 = arith.constant 256 : index
        %parallel_loop3A_398 = tpu.vector_load %arg8[%parallel_loop3A_396, %parallel_loop3A_397] {strides = array<i32>} : memref<32x1024xf32, #tpu.memory_space<vmem>>, vector<1x16xf32>,
        %parallel_loop3A_399 = vector.shape_cast %parallel_loop3A_398 : vector<1x16xf32> to vector<16xf32>
        %parallel_loop3A_400 = vector.shape_cast %parallel_loop3A_395 : vector<16xf32> to vector<1x16xf32>
        tpu.vector_store %arg8[%parallel_loop3A_396, %parallel_loop3A_397], %parallel_loop3A_400 {add = true, strides = array<i32>} : memref<32x1024xf32, #tpu.memory_space<vmem>>, vector<1x16xf32>,
        %parallel_loop3A_401 = arith.index_cast %parallel_loop3A_230 : i32 to index
        %parallel_loop3A_402 = arith.constant 272 : index
        %parallel_loop3A_403 = tpu.vector_load %arg7[%parallel_loop3A_401, %parallel_loop3A_402] {strides = array<i32>} : memref<32x1024xf32, #tpu.memory_space<vmem>>, vector<1x16xf32>,
        %parallel_loop3A_404 = vector.shape_cast %parallel_loop3A_403 : vector<1x16xf32> to vector<16xf32>
        %parallel_loop3A_405 = arith.mulf %gather3A_219, %parallel_loop3A_404 : vector<16xf32>
        %parallel_loop3A_406 = arith.index_cast %parallel_loop3A_230 : i32 to index
        %parallel_loop3A_407 = arith.constant 272 : index
        %parallel_loop3A_408 = tpu.vector_load %arg8[%parallel_loop3A_406, %parallel_loop3A_407] {strides = array<i32>} : memref<32x1024xf32, #tpu.memory_space<vmem>>, vector<1x16xf32>,
        %parallel_loop3A_409 = vector.shape_cast %parallel_loop3A_408 : vector<1x16xf32> to vector<16xf32>
        %parallel_loop3A_410 = vector.shape_cast %parallel_loop3A_405 : vector<16xf32> to vector<1x16xf32>
        tpu.vector_store %arg8[%parallel_loop3A_406, %parallel_loop3A_407], %parallel_loop3A_410 {add = true, strides = array<i32>} : memref<32x1024xf32, #tpu.memory_space<vmem>>, vector<1x16xf32>,
        %parallel_loop3A_411 = arith.index_cast %parallel_loop3A_230 : i32 to index
        %parallel_loop3A_412 = arith.constant 288 : index
        %parallel_loop3A_413 = tpu.vector_load %arg7[%parallel_loop3A_411, %parallel_loop3A_412] {strides = array<i32>} : memref<32x1024xf32, #tpu.memory_space<vmem>>, vector<1x16xf32>,
        %parallel_loop3A_414 = vector.shape_cast %parallel_loop3A_413 : vector<1x16xf32> to vector<16xf32>
        %parallel_loop3A_415 = arith.mulf %gather3A_219, %parallel_loop3A_414 : vector<16xf32>
        %parallel_loop3A_416 = arith.index_cast %parallel_loop3A_230 : i32 to index
        %parallel_loop3A_417 = arith.constant 288 : index
        %parallel_loop3A_418 = tpu.vector_load %arg8[%parallel_loop3A_416, %parallel_loop3A_417] {strides = array<i32>} : memref<32x1024xf32, #tpu.memory_space<vmem>>, vector<1x16xf32>,
        %parallel_loop3A_419 = vector.shape_cast %parallel_loop3A_418 : vector<1x16xf32> to vector<16xf32>
        %parallel_loop3A_420 = vector.shape_cast %parallel_loop3A_415 : vector<16xf32> to vector<1x16xf32>
        tpu.vector_store %arg8[%parallel_loop3A_416, %parallel_loop3A_417], %parallel_loop3A_420 {add = true, strides = array<i32>} : memref<32x1024xf32, #tpu.memory_space<vmem>>, vector<1x16xf32>,
        %parallel_loop3A_421 = arith.index_cast %parallel_loop3A_230 : i32 to index
        %parallel_loop3A_422 = arith.constant 304 : index
        %parallel_loop3A_423 = tpu.vector_load %arg7[%parallel_loop3A_421, %parallel_loop3A_422] {strides = array<i32>} : memref<32x1024xf32, #tpu.memory_space<vmem>>, vector<1x16xf32>,
        %parallel_loop3A_424 = vector.shape_cast %parallel_loop3A_423 : vector<1x16xf32> to vector<16xf32>
        %parallel_loop3A_425 = arith.mulf %gather3A_219, %parallel_loop3A_424 : vector<16xf32>
        %parallel_loop3A_426 = arith.index_cast %parallel_loop3A_230 : i32 to index
        %parallel_loop3A_427 = arith.constant 304 : index
        %parallel_loop3A_428 = tpu.vector_load %arg8[%parallel_loop3A_426, %parallel_loop3A_427] {strides = array<i32>} : memref<32x1024xf32, #tpu.memory_space<vmem>>, vector<1x16xf32>,
        %parallel_loop3A_429 = vector.shape_cast %parallel_loop3A_428 : vector<1x16xf32> to vector<16xf32>
        %parallel_loop3A_430 = vector.shape_cast %parallel_loop3A_425 : vector<16xf32> to vector<1x16xf32>
        tpu.vector_store %arg8[%parallel_loop3A_426, %parallel_loop3A_427], %parallel_loop3A_430 {add = true, strides = array<i32>} : memref<32x1024xf32, #tpu.memory_space<vmem>>, vector<1x16xf32>,
        %parallel_loop3A_431 = arith.index_cast %parallel_loop3A_230 : i32 to index
        %parallel_loop3A_432 = arith.constant 320 : index
        %parallel_loop3A_433 = tpu.vector_load %arg7[%parallel_loop3A_431, %parallel_loop3A_432] {strides = array<i32>} : memref<32x1024xf32, #tpu.memory_space<vmem>>, vector<1x16xf32>,
        %parallel_loop3A_434 = vector.shape_cast %parallel_loop3A_433 : vector<1x16xf32> to vector<16xf32>
        %parallel_loop3A_435 = arith.mulf %gather3A_219, %parallel_loop3A_434 : vector<16xf32>
        %parallel_loop3A_436 = arith.index_cast %parallel_loop3A_230 : i32 to index
        %parallel_loop3A_437 = arith.constant 320 : index
        %parallel_loop3A_438 = tpu.vector_load %arg8[%parallel_loop3A_436, %parallel_loop3A_437] {strides = array<i32>} : memref<32x1024xf32, #tpu.memory_space<vmem>>, vector<1x16xf32>,
        %parallel_loop3A_439 = vector.shape_cast %parallel_loop3A_438 : vector<1x16xf32> to vector<16xf32>
        %parallel_loop3A_440 = vector.shape_cast %parallel_loop3A_435 : vector<16xf32> to vector<1x16xf32>
        tpu.vector_store %arg8[%parallel_loop3A_436, %parallel_loop3A_437], %parallel_loop3A_440 {add = true, strides = array<i32>} : memref<32x1024xf32, #tpu.memory_space<vmem>>, vector<1x16xf32>,
        %parallel_loop3A_441 = arith.index_cast %parallel_loop3A_230 : i32 to index
        %parallel_loop3A_442 = arith.constant 336 : index
        %parallel_loop3A_443 = tpu.vector_load %arg7[%parallel_loop3A_441, %parallel_loop3A_442] {strides = array<i32>} : memref<32x1024xf32, #tpu.memory_space<vmem>>, vector<1x16xf32>,
        %parallel_loop3A_444 = vector.shape_cast %parallel_loop3A_443 : vector<1x16xf32> to vector<16xf32>
        %parallel_loop3A_445 = arith.mulf %gather3A_219, %parallel_loop3A_444 : vector<16xf32>
        %parallel_loop3A_446 = arith.index_cast %parallel_loop3A_230 : i32 to index
        %parallel_loop3A_447 = arith.constant 336 : index
        %parallel_loop3A_448 = tpu.vector_load %arg8[%parallel_loop3A_446, %parallel_loop3A_447] {strides = array<i32>} : memref<32x1024xf32, #tpu.memory_space<vmem>>, vector<1x16xf32>,
        %parallel_loop3A_449 = vector.shape_cast %parallel_loop3A_448 : vector<1x16xf32> to vector<16xf32>
        %parallel_loop3A_450 = vector.shape_cast %parallel_loop3A_445 : vector<16xf32> to vector<1x16xf32>
        tpu.vector_store %arg8[%parallel_loop3A_446, %parallel_loop3A_447], %parallel_loop3A_450 {add = true, strides = array<i32>} : memref<32x1024xf32, #tpu.memory_space<vmem>>, vector<1x16xf32>,
        %parallel_loop3A_451 = arith.index_cast %parallel_loop3A_230 : i32 to index
        %parallel_loop3A_452 = arith.constant 352 : index
        %parallel_loop3A_453 = tpu.vector_load %arg7[%parallel_loop3A_451, %parallel_loop3A_452] {strides = array<i32>} : memref<32x1024xf32, #tpu.memory_space<vmem>>, vector<1x16xf32>,
        %parallel_loop3A_454 = vector.shape_cast %parallel_loop3A_453 : vector<1x16xf32> to vector<16xf32>
        %parallel_loop3A_455 = arith.mulf %gather3A_219, %parallel_loop3A_454 : vector<16xf32>
        %parallel_loop3A_456 = arith.index_cast %parallel_loop3A_230 : i32 to index
        %parallel_loop3A_457 = arith.constant 352 : index
        %parallel_loop3A_458 = tpu.vector_load %arg8[%parallel_loop3A_456, %parallel_loop3A_457] {strides = array<i32>} : memref<32x1024xf32, #tpu.memory_space<vmem>>, vector<1x16xf32>,
        %parallel_loop3A_459 = vector.shape_cast %parallel_loop3A_458 : vector<1x16xf32> to vector<16xf32>
        %parallel_loop3A_460 = vector.shape_cast %parallel_loop3A_455 : vector<16xf32> to vector<1x16xf32>
        tpu.vector_store %arg8[%parallel_loop3A_456, %parallel_loop3A_457], %parallel_loop3A_460 {add = true, strides = array<i32>} : memref<32x1024xf32, #tpu.memory_space<vmem>>, vector<1x16xf32>,
        %parallel_loop3A_461 = arith.index_cast %parallel_loop3A_230 : i32 to index
        %parallel_loop3A_462 = arith.constant 368 : index
        %parallel_loop3A_463 = tpu.vector_load %arg7[%parallel_loop3A_461, %parallel_loop3A_462] {strides = array<i32>} : memref<32x1024xf32, #tpu.memory_space<vmem>>, vector<1x16xf32>,
        %parallel_loop3A_464 = vector.shape_cast %parallel_loop3A_463 : vector<1x16xf32> to vector<16xf32>
        %parallel_loop3A_465 = arith.mulf %gather3A_219, %parallel_loop3A_464 : vector<16xf32>
        %parallel_loop3A_466 = arith.index_cast %parallel_loop3A_230 : i32 to index
        %parallel_loop3A_467 = arith.constant 368 : index
        %parallel_loop3A_468 = tpu.vector_load %arg8[%parallel_loop3A_466, %parallel_loop3A_467] {strides = array<i32>} : memref<32x1024xf32, #tpu.memory_space<vmem>>, vector<1x16xf32>,
        %parallel_loop3A_469 = vector.shape_cast %parallel_loop3A_468 : vector<1x16xf32> to vector<16xf32>
        %parallel_loop3A_470 = vector.shape_cast %parallel_loop3A_465 : vector<16xf32> to vector<1x16xf32>
        tpu.vector_store %arg8[%parallel_loop3A_466, %parallel_loop3A_467], %parallel_loop3A_470 {add = true, strides = array<i32>} : memref<32x1024xf32, #tpu.memory_space<vmem>>, vector<1x16xf32>,
        %parallel_loop3A_471 = arith.index_cast %parallel_loop3A_230 : i32 to index
        %parallel_loop3A_472 = arith.constant 384 : index
        %parallel_loop3A_473 = tpu.vector_load %arg7[%parallel_loop3A_471, %parallel_loop3A_472] {strides = array<i32>} : memref<32x1024xf32, #tpu.memory_space<vmem>>, vector<1x16xf32>,
        %parallel_loop3A_474 = vector.shape_cast %parallel_loop3A_473 : vector<1x16xf32> to vector<16xf32>
        %parallel_loop3A_475 = arith.mulf %gather3A_219, %parallel_loop3A_474 : vector<16xf32>
        %parallel_loop3A_476 = arith.index_cast %parallel_loop3A_230 : i32 to index
        %parallel_loop3A_477 = arith.constant 384 : index
        %parallel_loop3A_478 = tpu.vector_load %arg8[%parallel_loop3A_476, %parallel_loop3A_477] {strides = array<i32>} : memref<32x1024xf32, #tpu.memory_space<vmem>>, vector<1x16xf32>,
        %parallel_loop3A_479 = vector.shape_cast %parallel_loop3A_478 : vector<1x16xf32> to vector<16xf32>
        %parallel_loop3A_480 = vector.shape_cast %parallel_loop3A_475 : vector<16xf32> to vector<1x16xf32>
        tpu.vector_store %arg8[%parallel_loop3A_476, %parallel_loop3A_477], %parallel_loop3A_480 {add = true, strides = array<i32>} : memref<32x1024xf32, #tpu.memory_space<vmem>>, vector<1x16xf32>,
        %parallel_loop3A_481 = arith.index_cast %parallel_loop3A_230 : i32 to index
        %parallel_loop3A_482 = arith.constant 400 : index
        %parallel_loop3A_483 = tpu.vector_load %arg7[%parallel_loop3A_481, %parallel_loop3A_482] {strides = array<i32>} : memref<32x1024xf32, #tpu.memory_space<vmem>>, vector<1x16xf32>,
        %parallel_loop3A_484 = vector.shape_cast %parallel_loop3A_483 : vector<1x16xf32> to vector<16xf32>
        %parallel_loop3A_485 = arith.mulf %gather3A_219, %parallel_loop3A_484 : vector<16xf32>
        %parallel_loop3A_486 = arith.index_cast %parallel_loop3A_230 : i32 to index
        %parallel_loop3A_487 = arith.constant 400 : index
        %parallel_loop3A_488 = tpu.vector_load %arg8[%parallel_loop3A_486, %parallel_loop3A_487] {strides = array<i32>} : memref<32x1024xf32, #tpu.memory_space<vmem>>, vector<1x16xf32>,
        %parallel_loop3A_489 = vector.shape_cast %parallel_loop3A_488 : vector<1x16xf32> to vector<16xf32>
        %parallel_loop3A_490 = vector.shape_cast %parallel_loop3A_485 : vector<16xf32> to vector<1x16xf32>
        tpu.vector_store %arg8[%parallel_loop3A_486, %parallel_loop3A_487], %parallel_loop3A_490 {add = true, strides = array<i32>} : memref<32x1024xf32, #tpu.memory_space<vmem>>, vector<1x16xf32>,
        %parallel_loop3A_491 = arith.index_cast %parallel_loop3A_230 : i32 to index
        %parallel_loop3A_492 = arith.constant 416 : index
        %parallel_loop3A_493 = tpu.vector_load %arg7[%parallel_loop3A_491, %parallel_loop3A_492] {strides = array<i32>} : memref<32x1024xf32, #tpu.memory_space<vmem>>, vector<1x16xf32>,
        %parallel_loop3A_494 = vector.shape_cast %parallel_loop3A_493 : vector<1x16xf32> to vector<16xf32>
        %parallel_loop3A_495 = arith.mulf %gather3A_219, %parallel_loop3A_494 : vector<16xf32>
        %parallel_loop3A_496 = arith.index_cast %parallel_loop3A_230 : i32 to index
        %parallel_loop3A_497 = arith.constant 416 : index
        %parallel_loop3A_498 = tpu.vector_load %arg8[%parallel_loop3A_496, %parallel_loop3A_497] {strides = array<i32>} : memref<32x1024xf32, #tpu.memory_space<vmem>>, vector<1x16xf32>,
        %parallel_loop3A_499 = vector.shape_cast %parallel_loop3A_498 : vector<1x16xf32> to vector<16xf32>
        %parallel_loop3A_500 = vector.shape_cast %parallel_loop3A_495 : vector<16xf32> to vector<1x16xf32>
        tpu.vector_store %arg8[%parallel_loop3A_496, %parallel_loop3A_497], %parallel_loop3A_500 {add = true, strides = array<i32>} : memref<32x1024xf32, #tpu.memory_space<vmem>>, vector<1x16xf32>,
        %parallel_loop3A_501 = arith.index_cast %parallel_loop3A_230 : i32 to index
        %parallel_loop3A_502 = arith.constant 432 : index
        %parallel_loop3A_503 = tpu.vector_load %arg7[%parallel_loop3A_501, %parallel_loop3A_502] {strides = array<i32>} : memref<32x1024xf32, #tpu.memory_space<vmem>>, vector<1x16xf32>,
        %parallel_loop3A_504 = vector.shape_cast %parallel_loop3A_503 : vector<1x16xf32> to vector<16xf32>
        %parallel_loop3A_505 = arith.mulf %gather3A_219, %parallel_loop3A_504 : vector<16xf32>
        %parallel_loop3A_506 = arith.index_cast %parallel_loop3A_230 : i32 to index
        %parallel_loop3A_507 = arith.constant 432 : index
        %parallel_loop3A_508 = tpu.vector_load %arg8[%parallel_loop3A_506, %parallel_loop3A_507] {strides = array<i32>} : memref<32x1024xf32, #tpu.memory_space<vmem>>, vector<1x16xf32>,
        %parallel_loop3A_509 = vector.shape_cast %parallel_loop3A_508 : vector<1x16xf32> to vector<16xf32>
        %parallel_loop3A_510 = vector.shape_cast %parallel_loop3A_505 : vector<16xf32> to vector<1x16xf32>
        tpu.vector_store %arg8[%parallel_loop3A_506, %parallel_loop3A_507], %parallel_loop3A_510 {add = true, strides = array<i32>} : memref<32x1024xf32, #tpu.memory_space<vmem>>, vector<1x16xf32>,
        %parallel_loop3A_511 = arith.index_cast %parallel_loop3A_230 : i32 to index
        %parallel_loop3A_512 = arith.constant 448 : index
        %parallel_loop3A_513 = tpu.vector_load %arg7[%parallel_loop3A_511, %parallel_loop3A_512] {strides = array<i32>} : memref<32x1024xf32, #tpu.memory_space<vmem>>, vector<1x16xf32>,
        %parallel_loop3A_514 = vector.shape_cast %parallel_loop3A_513 : vector<1x16xf32> to vector<16xf32>
        %parallel_loop3A_515 = arith.mulf %gather3A_219, %parallel_loop3A_514 : vector<16xf32>
        %parallel_loop3A_516 = arith.index_cast %parallel_loop3A_230 : i32 to index
        %parallel_loop3A_517 = arith.constant 448 : index
        %parallel_loop3A_518 = tpu.vector_load %arg8[%parallel_loop3A_516, %parallel_loop3A_517] {strides = array<i32>} : memref<32x1024xf32, #tpu.memory_space<vmem>>, vector<1x16xf32>,
        %parallel_loop3A_519 = vector.shape_cast %parallel_loop3A_518 : vector<1x16xf32> to vector<16xf32>
        %parallel_loop3A_520 = vector.shape_cast %parallel_loop3A_515 : vector<16xf32> to vector<1x16xf32>
        tpu.vector_store %arg8[%parallel_loop3A_516, %parallel_loop3A_517], %parallel_loop3A_520 {add = true, strides = array<i32>} : memref<32x1024xf32, #tpu.memory_space<vmem>>, vector<1x16xf32>,
        %parallel_loop3A_521 = arith.index_cast %parallel_loop3A_230 : i32 to index
        %parallel_loop3A_522 = arith.constant 464 : index
        %parallel_loop3A_523 = tpu.vector_load %arg7[%parallel_loop3A_521, %parallel_loop3A_522] {strides = array<i32>} : memref<32x1024xf32, #tpu.memory_space<vmem>>, vector<1x16xf32>,
        %parallel_loop3A_524 = vector.shape_cast %parallel_loop3A_523 : vector<1x16xf32> to vector<16xf32>
        %parallel_loop3A_525 = arith.mulf %gather3A_219, %parallel_loop3A_524 : vector<16xf32>
        %parallel_loop3A_526 = arith.index_cast %parallel_loop3A_230 : i32 to index
        %parallel_loop3A_527 = arith.constant 464 : index
        %parallel_loop3A_528 = tpu.vector_load %arg8[%parallel_loop3A_526, %parallel_loop3A_527] {strides = array<i32>} : memref<32x1024xf32, #tpu.memory_space<vmem>>, vector<1x16xf32>,
        %parallel_loop3A_529 = vector.shape_cast %parallel_loop3A_528 : vector<1x16xf32> to vector<16xf32>
        %parallel_loop3A_530 = vector.shape_cast %parallel_loop3A_525 : vector<16xf32> to vector<1x16xf32>
        tpu.vector_store %arg8[%parallel_loop3A_526, %parallel_loop3A_527], %parallel_loop3A_530 {add = true, strides = array<i32>} : memref<32x1024xf32, #tpu.memory_space<vmem>>, vector<1x16xf32>,
        %parallel_loop3A_531 = arith.index_cast %parallel_loop3A_230 : i32 to index
        %parallel_loop3A_532 = arith.constant 480 : index
        %parallel_loop3A_533 = tpu.vector_load %arg7[%parallel_loop3A_531, %parallel_loop3A_532] {strides = array<i32>} : memref<32x1024xf32, #tpu.memory_space<vmem>>, vector<1x16xf32>,
        %parallel_loop3A_534 = vector.shape_cast %parallel_loop3A_533 : vector<1x16xf32> to vector<16xf32>
        %parallel_loop3A_535 = arith.mulf %gather3A_219, %parallel_loop3A_534 : vector<16xf32>
        %parallel_loop3A_536 = arith.index_cast %parallel_loop3A_230 : i32 to index
        %parallel_loop3A_537 = arith.constant 480 : index
        %parallel_loop3A_538 = tpu.vector_load %arg8[%parallel_loop3A_536, %parallel_loop3A_537] {strides = array<i32>} : memref<32x1024xf32, #tpu.memory_space<vmem>>, vector<1x16xf32>,
        %parallel_loop3A_539 = vector.shape_cast %parallel_loop3A_538 : vector<1x16xf32> to vector<16xf32>
        %parallel_loop3A_540 = vector.shape_cast %parallel_loop3A_535 : vector<16xf32> to vector<1x16xf32>
        tpu.vector_store %arg8[%parallel_loop3A_536, %parallel_loop3A_537], %parallel_loop3A_540 {add = true, strides = array<i32>} : memref<32x1024xf32, #tpu.memory_space<vmem>>, vector<1x16xf32>,
        %parallel_loop3A_541 = arith.index_cast %parallel_loop3A_230 : i32 to index
        %parallel_loop3A_542 = arith.constant 496 : index
        %parallel_loop3A_543 = tpu.vector_load %arg7[%parallel_loop3A_541, %parallel_loop3A_542] {strides = array<i32>} : memref<32x1024xf32, #tpu.memory_space<vmem>>, vector<1x16xf32>,
        %parallel_loop3A_544 = vector.shape_cast %parallel_loop3A_543 : vector<1x16xf32> to vector<16xf32>
        %parallel_loop3A_545 = arith.mulf %gather3A_219, %parallel_loop3A_544 : vector<16xf32>
        %parallel_loop3A_546 = arith.index_cast %parallel_loop3A_230 : i32 to index
        %parallel_loop3A_547 = arith.constant 496 : index
        %parallel_loop3A_548 = tpu.vector_load %arg8[%parallel_loop3A_546, %parallel_loop3A_547] {strides = array<i32>} : memref<32x1024xf32, #tpu.memory_space<vmem>>, vector<1x16xf32>,
        %parallel_loop3A_549 = vector.shape_cast %parallel_loop3A_548 : vector<1x16xf32> to vector<16xf32>
        %parallel_loop3A_550 = vector.shape_cast %parallel_loop3A_545 : vector<16xf32> to vector<1x16xf32>
        tpu.vector_store %arg8[%parallel_loop3A_546, %parallel_loop3A_547], %parallel_loop3A_550 {add = true, strides = array<i32>} : memref<32x1024xf32, #tpu.memory_space<vmem>>, vector<1x16xf32>,
        %parallel_loop3A_551 = arith.index_cast %parallel_loop3A_230 : i32 to index
        %parallel_loop3A_552 = arith.constant 512 : index
        %parallel_loop3A_553 = tpu.vector_load %arg7[%parallel_loop3A_551, %parallel_loop3A_552] {strides = array<i32>} : memref<32x1024xf32, #tpu.memory_space<vmem>>, vector<1x16xf32>,
        %parallel_loop3A_554 = vector.shape_cast %parallel_loop3A_553 : vector<1x16xf32> to vector<16xf32>
        %parallel_loop3A_555 = arith.mulf %gather3A_219, %parallel_loop3A_554 : vector<16xf32>
        %parallel_loop3A_556 = arith.index_cast %parallel_loop3A_230 : i32 to index
        %parallel_loop3A_557 = arith.constant 512 : index
        %parallel_loop3A_558 = tpu.vector_load %arg8[%parallel_loop3A_556, %parallel_loop3A_557] {strides = array<i32>} : memref<32x1024xf32, #tpu.memory_space<vmem>>, vector<1x16xf32>,
        %parallel_loop3A_559 = vector.shape_cast %parallel_loop3A_558 : vector<1x16xf32> to vector<16xf32>
        %parallel_loop3A_560 = vector.shape_cast %parallel_loop3A_555 : vector<16xf32> to vector<1x16xf32>
        tpu.vector_store %arg8[%parallel_loop3A_556, %parallel_loop3A_557], %parallel_loop3A_560 {add = true, strides = array<i32>} : memref<32x1024xf32, #tpu.memory_space<vmem>>, vector<1x16xf32>,
        %parallel_loop3A_561 = arith.index_cast %parallel_loop3A_230 : i32 to index
        %parallel_loop3A_562 = arith.constant 528 : index
        %parallel_loop3A_563 = tpu.vector_load %arg7[%parallel_loop3A_561, %parallel_loop3A_562] {strides = array<i32>} : memref<32x1024xf32, #tpu.memory_space<vmem>>, vector<1x16xf32>,
        %parallel_loop3A_564 = vector.shape_cast %parallel_loop3A_563 : vector<1x16xf32> to vector<16xf32>
        %parallel_loop3A_565 = arith.mulf %gather3A_219, %parallel_loop3A_564 : vector<16xf32>
        %parallel_loop3A_566 = arith.index_cast %parallel_loop3A_230 : i32 to index
        %parallel_loop3A_567 = arith.constant 528 : index
        %parallel_loop3A_568 = tpu.vector_load %arg8[%parallel_loop3A_566, %parallel_loop3A_567] {strides = array<i32>} : memref<32x1024xf32, #tpu.memory_space<vmem>>, vector<1x16xf32>,
        %parallel_loop3A_569 = vector.shape_cast %parallel_loop3A_568 : vector<1x16xf32> to vector<16xf32>
        %parallel_loop3A_570 = vector.shape_cast %parallel_loop3A_565 : vector<16xf32> to vector<1x16xf32>
        tpu.vector_store %arg8[%parallel_loop3A_566, %parallel_loop3A_567], %parallel_loop3A_570 {add = true, strides = array<i32>} : memref<32x1024xf32, #tpu.memory_space<vmem>>, vector<1x16xf32>,
        %parallel_loop3A_571 = arith.index_cast %parallel_loop3A_230 : i32 to index
        %parallel_loop3A_572 = arith.constant 544 : index
        %parallel_loop3A_573 = tpu.vector_load %arg7[%parallel_loop3A_571, %parallel_loop3A_572] {strides = array<i32>} : memref<32x1024xf32, #tpu.memory_space<vmem>>, vector<1x16xf32>,
        %parallel_loop3A_574 = vector.shape_cast %parallel_loop3A_573 : vector<1x16xf32> to vector<16xf32>
        %parallel_loop3A_575 = arith.mulf %gather3A_219, %parallel_loop3A_574 : vector<16xf32>
        %parallel_loop3A_576 = arith.index_cast %parallel_loop3A_230 : i32 to index
        %parallel_loop3A_577 = arith.constant 544 : index
        %parallel_loop3A_578 = tpu.vector_load %arg8[%parallel_loop3A_576, %parallel_loop3A_577] {strides = array<i32>} : memref<32x1024xf32, #tpu.memory_space<vmem>>, vector<1x16xf32>,
        %parallel_loop3A_579 = vector.shape_cast %parallel_loop3A_578 : vector<1x16xf32> to vector<16xf32>
        %parallel_loop3A_580 = vector.shape_cast %parallel_loop3A_575 : vector<16xf32> to vector<1x16xf32>
        tpu.vector_store %arg8[%parallel_loop3A_576, %parallel_loop3A_577], %parallel_loop3A_580 {add = true, strides = array<i32>} : memref<32x1024xf32, #tpu.memory_space<vmem>>, vector<1x16xf32>,
        %parallel_loop3A_581 = arith.index_cast %parallel_loop3A_230 : i32 to index
        %parallel_loop3A_582 = arith.constant 560 : index
        %parallel_loop3A_583 = tpu.vector_load %arg7[%parallel_loop3A_581, %parallel_loop3A_582] {strides = array<i32>} : memref<32x1024xf32, #tpu.memory_space<vmem>>, vector<1x16xf32>,
        %parallel_loop3A_584 = vector.shape_cast %parallel_loop3A_583 : vector<1x16xf32> to vector<16xf32>
        %parallel_loop3A_585 = arith.mulf %gather3A_219, %parallel_loop3A_584 : vector<16xf32>
        %parallel_loop3A_586 = arith.index_cast %parallel_loop3A_230 : i32 to index
        %parallel_loop3A_587 = arith.constant 560 : index
        %parallel_loop3A_588 = tpu.vector_load %arg8[%parallel_loop3A_586, %parallel_loop3A_587] {strides = array<i32>} : memref<32x1024xf32, #tpu.memory_space<vmem>>, vector<1x16xf32>,
        %parallel_loop3A_589 = vector.shape_cast %parallel_loop3A_588 : vector<1x16xf32> to vector<16xf32>
        %parallel_loop3A_590 = vector.shape_cast %parallel_loop3A_585 : vector<16xf32> to vector<1x16xf32>
        tpu.vector_store %arg8[%parallel_loop3A_586, %parallel_loop3A_587], %parallel_loop3A_590 {add = true, strides = array<i32>} : memref<32x1024xf32, #tpu.memory_space<vmem>>, vector<1x16xf32>,
        %parallel_loop3A_591 = arith.index_cast %parallel_loop3A_230 : i32 to index
        %parallel_loop3A_592 = arith.constant 576 : index
        %parallel_loop3A_593 = tpu.vector_load %arg7[%parallel_loop3A_591, %parallel_loop3A_592] {strides = array<i32>} : memref<32x1024xf32, #tpu.memory_space<vmem>>, vector<1x16xf32>,
        %parallel_loop3A_594 = vector.shape_cast %parallel_loop3A_593 : vector<1x16xf32> to vector<16xf32>
        %parallel_loop3A_595 = arith.mulf %gather3A_219, %parallel_loop3A_594 : vector<16xf32>
        %parallel_loop3A_596 = arith.index_cast %parallel_loop3A_230 : i32 to index
        %parallel_loop3A_597 = arith.constant 576 : index
        %parallel_loop3A_598 = tpu.vector_load %arg8[%parallel_loop3A_596, %parallel_loop3A_597] {strides = array<i32>} : memref<32x1024xf32, #tpu.memory_space<vmem>>, vector<1x16xf32>,
        %parallel_loop3A_599 = vector.shape_cast %parallel_loop3A_598 : vector<1x16xf32> to vector<16xf32>
        %parallel_loop3A_600 = vector.shape_cast %parallel_loop3A_595 : vector<16xf32> to vector<1x16xf32>
        tpu.vector_store %arg8[%parallel_loop3A_596, %parallel_loop3A_597], %parallel_loop3A_600 {add = true, strides = array<i32>} : memref<32x1024xf32, #tpu.memory_space<vmem>>, vector<1x16xf32>,
        %parallel_loop3A_601 = arith.index_cast %parallel_loop3A_230 : i32 to index
        %parallel_loop3A_602 = arith.constant 592 : index
        %parallel_loop3A_603 = tpu.vector_load %arg7[%parallel_loop3A_601, %parallel_loop3A_602] {strides = array<i32>} : memref<32x1024xf32, #tpu.memory_space<vmem>>, vector<1x16xf32>,
        %parallel_loop3A_604 = vector.shape_cast %parallel_loop3A_603 : vector<1x16xf32> to vector<16xf32>
        %parallel_loop3A_605 = arith.mulf %gather3A_219, %parallel_loop3A_604 : vector<16xf32>
        %parallel_loop3A_606 = arith.index_cast %parallel_loop3A_230 : i32 to index
        %parallel_loop3A_607 = arith.constant 592 : index
        %parallel_loop3A_608 = tpu.vector_load %arg8[%parallel_loop3A_606, %parallel_loop3A_607] {strides = array<i32>} : memref<32x1024xf32, #tpu.memory_space<vmem>>, vector<1x16xf32>,
        %parallel_loop3A_609 = vector.shape_cast %parallel_loop3A_608 : vector<1x16xf32> to vector<16xf32>
        %parallel_loop3A_610 = vector.shape_cast %parallel_loop3A_605 : vector<16xf32> to vector<1x16xf32>
        tpu.vector_store %arg8[%parallel_loop3A_606, %parallel_loop3A_607], %parallel_loop3A_610 {add = true, strides = array<i32>} : memref<32x1024xf32, #tpu.memory_space<vmem>>, vector<1x16xf32>,
        %parallel_loop3A_611 = arith.index_cast %parallel_loop3A_230 : i32 to index
        %parallel_loop3A_612 = arith.constant 608 : index
        %parallel_loop3A_613 = tpu.vector_load %arg7[%parallel_loop3A_611, %parallel_loop3A_612] {strides = array<i32>} : memref<32x1024xf32, #tpu.memory_space<vmem>>, vector<1x16xf32>,
        %parallel_loop3A_614 = vector.shape_cast %parallel_loop3A_613 : vector<1x16xf32> to vector<16xf32>
        %parallel_loop3A_615 = arith.mulf %gather3A_219, %parallel_loop3A_614 : vector<16xf32>
        %parallel_loop3A_616 = arith.index_cast %parallel_loop3A_230 : i32 to index
        %parallel_loop3A_617 = arith.constant 608 : index
        %parallel_loop3A_618 = tpu.vector_load %arg8[%parallel_loop3A_616, %parallel_loop3A_617] {strides = array<i32>} : memref<32x1024xf32, #tpu.memory_space<vmem>>, vector<1x16xf32>,
        %parallel_loop3A_619 = vector.shape_cast %parallel_loop3A_618 : vector<1x16xf32> to vector<16xf32>
        %parallel_loop3A_620 = vector.shape_cast %parallel_loop3A_615 : vector<16xf32> to vector<1x16xf32>
        tpu.vector_store %arg8[%parallel_loop3A_616, %parallel_loop3A_617], %parallel_loop3A_620 {add = true, strides = array<i32>} : memref<32x1024xf32, #tpu.memory_space<vmem>>, vector<1x16xf32>,
        %parallel_loop3A_621 = arith.index_cast %parallel_loop3A_230 : i32 to index
        %parallel_loop3A_622 = arith.constant 624 : index
        %parallel_loop3A_623 = tpu.vector_load %arg7[%parallel_loop3A_621, %parallel_loop3A_622] {strides = array<i32>} : memref<32x1024xf32, #tpu.memory_space<vmem>>, vector<1x16xf32>,
        %parallel_loop3A_624 = vector.shape_cast %parallel_loop3A_623 : vector<1x16xf32> to vector<16xf32>
        %parallel_loop3A_625 = arith.mulf %gather3A_219, %parallel_loop3A_624 : vector<16xf32>
        %parallel_loop3A_626 = arith.index_cast %parallel_loop3A_230 : i32 to index
        %parallel_loop3A_627 = arith.constant 624 : index
        %parallel_loop3A_628 = tpu.vector_load %arg8[%parallel_loop3A_626, %parallel_loop3A_627] {strides = array<i32>} : memref<32x1024xf32, #tpu.memory_space<vmem>>, vector<1x16xf32>,
        %parallel_loop3A_629 = vector.shape_cast %parallel_loop3A_628 : vector<1x16xf32> to vector<16xf32>
        %parallel_loop3A_630 = vector.shape_cast %parallel_loop3A_625 : vector<16xf32> to vector<1x16xf32>
        tpu.vector_store %arg8[%parallel_loop3A_626, %parallel_loop3A_627], %parallel_loop3A_630 {add = true, strides = array<i32>} : memref<32x1024xf32, #tpu.memory_space<vmem>>, vector<1x16xf32>,
        %parallel_loop3A_631 = arith.index_cast %parallel_loop3A_230 : i32 to index
        %parallel_loop3A_632 = arith.constant 640 : index
        %parallel_loop3A_633 = tpu.vector_load %arg7[%parallel_loop3A_631, %parallel_loop3A_632] {strides = array<i32>} : memref<32x1024xf32, #tpu.memory_space<vmem>>, vector<1x16xf32>,
        %parallel_loop3A_634 = vector.shape_cast %parallel_loop3A_633 : vector<1x16xf32> to vector<16xf32>
        %parallel_loop3A_635 = arith.mulf %gather3A_219, %parallel_loop3A_634 : vector<16xf32>
        %parallel_loop3A_636 = arith.index_cast %parallel_loop3A_230 : i32 to index
        %parallel_loop3A_637 = arith.constant 640 : index
        %parallel_loop3A_638 = tpu.vector_load %arg8[%parallel_loop3A_636, %parallel_loop3A_637] {strides = array<i32>} : memref<32x1024xf32, #tpu.memory_space<vmem>>, vector<1x16xf32>,
        %parallel_loop3A_639 = vector.shape_cast %parallel_loop3A_638 : vector<1x16xf32> to vector<16xf32>
        %parallel_loop3A_640 = vector.shape_cast %parallel_loop3A_635 : vector<16xf32> to vector<1x16xf32>
        tpu.vector_store %arg8[%parallel_loop3A_636, %parallel_loop3A_637], %parallel_loop3A_640 {add = true, strides = array<i32>} : memref<32x1024xf32, #tpu.memory_space<vmem>>, vector<1x16xf32>,
        %parallel_loop3A_641 = arith.index_cast %parallel_loop3A_230 : i32 to index
        %parallel_loop3A_642 = arith.constant 656 : index
        %parallel_loop3A_643 = tpu.vector_load %arg7[%parallel_loop3A_641, %parallel_loop3A_642] {strides = array<i32>} : memref<32x1024xf32, #tpu.memory_space<vmem>>, vector<1x16xf32>,
        %parallel_loop3A_644 = vector.shape_cast %parallel_loop3A_643 : vector<1x16xf32> to vector<16xf32>
        %parallel_loop3A_645 = arith.mulf %gather3A_219, %parallel_loop3A_644 : vector<16xf32>
        %parallel_loop3A_646 = arith.index_cast %parallel_loop3A_230 : i32 to index
        %parallel_loop3A_647 = arith.constant 656 : index
        %parallel_loop3A_648 = tpu.vector_load %arg8[%parallel_loop3A_646, %parallel_loop3A_647] {strides = array<i32>} : memref<32x1024xf32, #tpu.memory_space<vmem>>, vector<1x16xf32>,
        %parallel_loop3A_649 = vector.shape_cast %parallel_loop3A_648 : vector<1x16xf32> to vector<16xf32>
        %parallel_loop3A_650 = vector.shape_cast %parallel_loop3A_645 : vector<16xf32> to vector<1x16xf32>
        tpu.vector_store %arg8[%parallel_loop3A_646, %parallel_loop3A_647], %parallel_loop3A_650 {add = true, strides = array<i32>} : memref<32x1024xf32, #tpu.memory_space<vmem>>, vector<1x16xf32>,
        %parallel_loop3A_651 = arith.index_cast %parallel_loop3A_230 : i32 to index
        %parallel_loop3A_652 = arith.constant 672 : index
        %parallel_loop3A_653 = tpu.vector_load %arg7[%parallel_loop3A_651, %parallel_loop3A_652] {strides = array<i32>} : memref<32x1024xf32, #tpu.memory_space<vmem>>, vector<1x16xf32>,
        %parallel_loop3A_654 = vector.shape_cast %parallel_loop3A_653 : vector<1x16xf32> to vector<16xf32>
        %parallel_loop3A_655 = arith.mulf %gather3A_219, %parallel_loop3A_654 : vector<16xf32>
        %parallel_loop3A_656 = arith.index_cast %parallel_loop3A_230 : i32 to index
        %parallel_loop3A_657 = arith.constant 672 : index
        %parallel_loop3A_658 = tpu.vector_load %arg8[%parallel_loop3A_656, %parallel_loop3A_657] {strides = array<i32>} : memref<32x1024xf32, #tpu.memory_space<vmem>>, vector<1x16xf32>,
        %parallel_loop3A_659 = vector.shape_cast %parallel_loop3A_658 : vector<1x16xf32> to vector<16xf32>
        %parallel_loop3A_660 = vector.shape_cast %parallel_loop3A_655 : vector<16xf32> to vector<1x16xf32>
        tpu.vector_store %arg8[%parallel_loop3A_656, %parallel_loop3A_657], %parallel_loop3A_660 {add = true, strides = array<i32>} : memref<32x1024xf32, #tpu.memory_space<vmem>>, vector<1x16xf32>,
        %parallel_loop3A_661 = arith.index_cast %parallel_loop3A_230 : i32 to index
        %parallel_loop3A_662 = arith.constant 688 : index
        %parallel_loop3A_663 = tpu.vector_load %arg7[%parallel_loop3A_661, %parallel_loop3A_662] {strides = array<i32>} : memref<32x1024xf32, #tpu.memory_space<vmem>>, vector<1x16xf32>,
        %parallel_loop3A_664 = vector.shape_cast %parallel_loop3A_663 : vector<1x16xf32> to vector<16xf32>
        %parallel_loop3A_665 = arith.mulf %gather3A_219, %parallel_loop3A_664 : vector<16xf32>
        %parallel_loop3A_666 = arith.index_cast %parallel_loop3A_230 : i32 to index
        %parallel_loop3A_667 = arith.constant 688 : index
        %parallel_loop3A_668 = tpu.vector_load %arg8[%parallel_loop3A_666, %parallel_loop3A_667] {strides = array<i32>} : memref<32x1024xf32, #tpu.memory_space<vmem>>, vector<1x16xf32>,
        %parallel_loop3A_669 = vector.shape_cast %parallel_loop3A_668 : vector<1x16xf32> to vector<16xf32>
        %parallel_loop3A_670 = vector.shape_cast %parallel_loop3A_665 : vector<16xf32> to vector<1x16xf32>
        tpu.vector_store %arg8[%parallel_loop3A_666, %parallel_loop3A_667], %parallel_loop3A_670 {add = true, strides = array<i32>} : memref<32x1024xf32, #tpu.memory_space<vmem>>, vector<1x16xf32>,
        %parallel_loop3A_671 = arith.index_cast %parallel_loop3A_230 : i32 to index
        %parallel_loop3A_672 = arith.constant 704 : index
        %parallel_loop3A_673 = tpu.vector_load %arg7[%parallel_loop3A_671, %parallel_loop3A_672] {strides = array<i32>} : memref<32x1024xf32, #tpu.memory_space<vmem>>, vector<1x16xf32>,
        %parallel_loop3A_674 = vector.shape_cast %parallel_loop3A_673 : vector<1x16xf32> to vector<16xf32>
        %parallel_loop3A_675 = arith.mulf %gather3A_219, %parallel_loop3A_674 : vector<16xf32>
        %parallel_loop3A_676 = arith.index_cast %parallel_loop3A_230 : i32 to index
        %parallel_loop3A_677 = arith.constant 704 : index
        %parallel_loop3A_678 = tpu.vector_load %arg8[%parallel_loop3A_676, %parallel_loop3A_677] {strides = array<i32>} : memref<32x1024xf32, #tpu.memory_space<vmem>>, vector<1x16xf32>,
        %parallel_loop3A_679 = vector.shape_cast %parallel_loop3A_678 : vector<1x16xf32> to vector<16xf32>
        %parallel_loop3A_680 = vector.shape_cast %parallel_loop3A_675 : vector<16xf32> to vector<1x16xf32>
        tpu.vector_store %arg8[%parallel_loop3A_676, %parallel_loop3A_677], %parallel_loop3A_680 {add = true, strides = array<i32>} : memref<32x1024xf32, #tpu.memory_space<vmem>>, vector<1x16xf32>,
        %parallel_loop3A_681 = arith.index_cast %parallel_loop3A_230 : i32 to index
        %parallel_loop3A_682 = arith.constant 720 : index
        %parallel_loop3A_683 = tpu.vector_load %arg7[%parallel_loop3A_681, %parallel_loop3A_682] {strides = array<i32>} : memref<32x1024xf32, #tpu.memory_space<vmem>>, vector<1x16xf32>,
        %parallel_loop3A_684 = vector.shape_cast %parallel_loop3A_683 : vector<1x16xf32> to vector<16xf32>
        %parallel_loop3A_685 = arith.mulf %gather3A_219, %parallel_loop3A_684 : vector<16xf32>
        %parallel_loop3A_686 = arith.index_cast %parallel_loop3A_230 : i32 to index
        %parallel_loop3A_687 = arith.constant 720 : index
        %parallel_loop3A_688 = tpu.vector_load %arg8[%parallel_loop3A_686, %parallel_loop3A_687] {strides = array<i32>} : memref<32x1024xf32, #tpu.memory_space<vmem>>, vector<1x16xf32>,
        %parallel_loop3A_689 = vector.shape_cast %parallel_loop3A_688 : vector<1x16xf32> to vector<16xf32>
        %parallel_loop3A_690 = vector.shape_cast %parallel_loop3A_685 : vector<16xf32> to vector<1x16xf32>
        tpu.vector_store %arg8[%parallel_loop3A_686, %parallel_loop3A_687], %parallel_loop3A_690 {add = true, strides = array<i32>} : memref<32x1024xf32, #tpu.memory_space<vmem>>, vector<1x16xf32>,
        %parallel_loop3A_691 = arith.index_cast %parallel_loop3A_230 : i32 to index
        %parallel_loop3A_692 = arith.constant 736 : index
        %parallel_loop3A_693 = tpu.vector_load %arg7[%parallel_loop3A_691, %parallel_loop3A_692] {strides = array<i32>} : memref<32x1024xf32, #tpu.memory_space<vmem>>, vector<1x16xf32>,
        %parallel_loop3A_694 = vector.shape_cast %parallel_loop3A_693 : vector<1x16xf32> to vector<16xf32>
        %parallel_loop3A_695 = arith.mulf %gather3A_219, %parallel_loop3A_694 : vector<16xf32>
        %parallel_loop3A_696 = arith.index_cast %parallel_loop3A_230 : i32 to index
        %parallel_loop3A_697 = arith.constant 736 : index
        %parallel_loop3A_698 = tpu.vector_load %arg8[%parallel_loop3A_696, %parallel_loop3A_697] {strides = array<i32>} : memref<32x1024xf32, #tpu.memory_space<vmem>>, vector<1x16xf32>,
        %parallel_loop3A_699 = vector.shape_cast %parallel_loop3A_698 : vector<1x16xf32> to vector<16xf32>
        %parallel_loop3A_700 = vector.shape_cast %parallel_loop3A_695 : vector<16xf32> to vector<1x16xf32>
        tpu.vector_store %arg8[%parallel_loop3A_696, %parallel_loop3A_697], %parallel_loop3A_700 {add = true, strides = array<i32>} : memref<32x1024xf32, #tpu.memory_space<vmem>>, vector<1x16xf32>,
        %parallel_loop3A_701 = arith.index_cast %parallel_loop3A_230 : i32 to index
        %parallel_loop3A_702 = arith.constant 752 : index
        %parallel_loop3A_703 = tpu.vector_load %arg7[%parallel_loop3A_701, %parallel_loop3A_702] {strides = array<i32>} : memref<32x1024xf32, #tpu.memory_space<vmem>>, vector<1x16xf32>,
        %parallel_loop3A_704 = vector.shape_cast %parallel_loop3A_703 : vector<1x16xf32> to vector<16xf32>
        %parallel_loop3A_705 = arith.mulf %gather3A_219, %parallel_loop3A_704 : vector<16xf32>
        %parallel_loop3A_706 = arith.index_cast %parallel_loop3A_230 : i32 to index
        %parallel_loop3A_707 = arith.constant 752 : index
        %parallel_loop3A_708 = tpu.vector_load %arg8[%parallel_loop3A_706, %parallel_loop3A_707] {strides = array<i32>} : memref<32x1024xf32, #tpu.memory_space<vmem>>, vector<1x16xf32>,
        %parallel_loop3A_709 = vector.shape_cast %parallel_loop3A_708 : vector<1x16xf32> to vector<16xf32>
        %parallel_loop3A_710 = vector.shape_cast %parallel_loop3A_705 : vector<16xf32> to vector<1x16xf32>
        tpu.vector_store %arg8[%parallel_loop3A_706, %parallel_loop3A_707], %parallel_loop3A_710 {add = true, strides = array<i32>} : memref<32x1024xf32, #tpu.memory_space<vmem>>, vector<1x16xf32>,
        %parallel_loop3A_711 = arith.index_cast %parallel_loop3A_230 : i32 to index
        %parallel_loop3A_712 = arith.constant 768 : index
        %parallel_loop3A_713 = tpu.vector_load %arg7[%parallel_loop3A_711, %parallel_loop3A_712] {strides = array<i32>} : memref<32x1024xf32, #tpu.memory_space<vmem>>, vector<1x16xf32>,
        %parallel_loop3A_714 = vector.shape_cast %parallel_loop3A_713 : vector<1x16xf32> to vector<16xf32>
        %parallel_loop3A_715 = arith.mulf %gather3A_219, %parallel_loop3A_714 : vector<16xf32>
        %parallel_loop3A_716 = arith.index_cast %parallel_loop3A_230 : i32 to index
        %parallel_loop3A_717 = arith.constant 768 : index
        %parallel_loop3A_718 = tpu.vector_load %arg8[%parallel_loop3A_716, %parallel_loop3A_717] {strides = array<i32>} : memref<32x1024xf32, #tpu.memory_space<vmem>>, vector<1x16xf32>,
        %parallel_loop3A_719 = vector.shape_cast %parallel_loop3A_718 : vector<1x16xf32> to vector<16xf32>
        %parallel_loop3A_720 = vector.shape_cast %parallel_loop3A_715 : vector<16xf32> to vector<1x16xf32>
        tpu.vector_store %arg8[%parallel_loop3A_716, %parallel_loop3A_717], %parallel_loop3A_720 {add = true, strides = array<i32>} : memref<32x1024xf32, #tpu.memory_space<vmem>>, vector<1x16xf32>,
        %parallel_loop3A_721 = arith.index_cast %parallel_loop3A_230 : i32 to index
        %parallel_loop3A_722 = arith.constant 784 : index
        %parallel_loop3A_723 = tpu.vector_load %arg7[%parallel_loop3A_721, %parallel_loop3A_722] {strides = array<i32>} : memref<32x1024xf32, #tpu.memory_space<vmem>>, vector<1x16xf32>,
        %parallel_loop3A_724 = vector.shape_cast %parallel_loop3A_723 : vector<1x16xf32> to vector<16xf32>
        %parallel_loop3A_725 = arith.mulf %gather3A_219, %parallel_loop3A_724 : vector<16xf32>
        %parallel_loop3A_726 = arith.index_cast %parallel_loop3A_230 : i32 to index
        %parallel_loop3A_727 = arith.constant 784 : index
        %parallel_loop3A_728 = tpu.vector_load %arg8[%parallel_loop3A_726, %parallel_loop3A_727] {strides = array<i32>} : memref<32x1024xf32, #tpu.memory_space<vmem>>, vector<1x16xf32>,
        %parallel_loop3A_729 = vector.shape_cast %parallel_loop3A_728 : vector<1x16xf32> to vector<16xf32>
        %parallel_loop3A_730 = vector.shape_cast %parallel_loop3A_725 : vector<16xf32> to vector<1x16xf32>
        tpu.vector_store %arg8[%parallel_loop3A_726, %parallel_loop3A_727], %parallel_loop3A_730 {add = true, strides = array<i32>} : memref<32x1024xf32, #tpu.memory_space<vmem>>, vector<1x16xf32>,
        %parallel_loop3A_731 = arith.index_cast %parallel_loop3A_230 : i32 to index
        %parallel_loop3A_732 = arith.constant 800 : index
        %parallel_loop3A_733 = tpu.vector_load %arg7[%parallel_loop3A_731, %parallel_loop3A_732] {strides = array<i32>} : memref<32x1024xf32, #tpu.memory_space<vmem>>, vector<1x16xf32>,
        %parallel_loop3A_734 = vector.shape_cast %parallel_loop3A_733 : vector<1x16xf32> to vector<16xf32>
        %parallel_loop3A_735 = arith.mulf %gather3A_219, %parallel_loop3A_734 : vector<16xf32>
        %parallel_loop3A_736 = arith.index_cast %parallel_loop3A_230 : i32 to index
        %parallel_loop3A_737 = arith.constant 800 : index
        %parallel_loop3A_738 = tpu.vector_load %arg8[%parallel_loop3A_736, %parallel_loop3A_737] {strides = array<i32>} : memref<32x1024xf32, #tpu.memory_space<vmem>>, vector<1x16xf32>,
        %parallel_loop3A_739 = vector.shape_cast %parallel_loop3A_738 : vector<1x16xf32> to vector<16xf32>
        %parallel_loop3A_740 = vector.shape_cast %parallel_loop3A_735 : vector<16xf32> to vector<1x16xf32>
        tpu.vector_store %arg8[%parallel_loop3A_736, %parallel_loop3A_737], %parallel_loop3A_740 {add = true, strides = array<i32>} : memref<32x1024xf32, #tpu.memory_space<vmem>>, vector<1x16xf32>,
        %parallel_loop3A_741 = arith.index_cast %parallel_loop3A_230 : i32 to index
        %parallel_loop3A_742 = arith.constant 816 : index
        %parallel_loop3A_743 = tpu.vector_load %arg7[%parallel_loop3A_741, %parallel_loop3A_742] {strides = array<i32>} : memref<32x1024xf32, #tpu.memory_space<vmem>>, vector<1x16xf32>,
        %parallel_loop3A_744 = vector.shape_cast %parallel_loop3A_743 : vector<1x16xf32> to vector<16xf32>
        %parallel_loop3A_745 = arith.mulf %gather3A_219, %parallel_loop3A_744 : vector<16xf32>
        %parallel_loop3A_746 = arith.index_cast %parallel_loop3A_230 : i32 to index
        %parallel_loop3A_747 = arith.constant 816 : index
        %parallel_loop3A_748 = tpu.vector_load %arg8[%parallel_loop3A_746, %parallel_loop3A_747] {strides = array<i32>} : memref<32x1024xf32, #tpu.memory_space<vmem>>, vector<1x16xf32>,
        %parallel_loop3A_749 = vector.shape_cast %parallel_loop3A_748 : vector<1x16xf32> to vector<16xf32>
        %parallel_loop3A_750 = vector.shape_cast %parallel_loop3A_745 : vector<16xf32> to vector<1x16xf32>
        tpu.vector_store %arg8[%parallel_loop3A_746, %parallel_loop3A_747], %parallel_loop3A_750 {add = true, strides = array<i32>} : memref<32x1024xf32, #tpu.memory_space<vmem>>, vector<1x16xf32>,
        %parallel_loop3A_751 = arith.index_cast %parallel_loop3A_230 : i32 to index
        %parallel_loop3A_752 = arith.constant 832 : index
        %parallel_loop3A_753 = tpu.vector_load %arg7[%parallel_loop3A_751, %parallel_loop3A_752] {strides = array<i32>} : memref<32x1024xf32, #tpu.memory_space<vmem>>, vector<1x16xf32>,
        %parallel_loop3A_754 = vector.shape_cast %parallel_loop3A_753 : vector<1x16xf32> to vector<16xf32>
        %parallel_loop3A_755 = arith.mulf %gather3A_219, %parallel_loop3A_754 : vector<16xf32>
        %parallel_loop3A_756 = arith.index_cast %parallel_loop3A_230 : i32 to index
        %parallel_loop3A_757 = arith.constant 832 : index
        %parallel_loop3A_758 = tpu.vector_load %arg8[%parallel_loop3A_756, %parallel_loop3A_757] {strides = array<i32>} : memref<32x1024xf32, #tpu.memory_space<vmem>>, vector<1x16xf32>,
        %parallel_loop3A_759 = vector.shape_cast %parallel_loop3A_758 : vector<1x16xf32> to vector<16xf32>
        %parallel_loop3A_760 = vector.shape_cast %parallel_loop3A_755 : vector<16xf32> to vector<1x16xf32>
        tpu.vector_store %arg8[%parallel_loop3A_756, %parallel_loop3A_757], %parallel_loop3A_760 {add = true, strides = array<i32>} : memref<32x1024xf32, #tpu.memory_space<vmem>>, vector<1x16xf32>,
        %parallel_loop3A_761 = arith.index_cast %parallel_loop3A_230 : i32 to index
        %parallel_loop3A_762 = arith.constant 848 : index
        %parallel_loop3A_763 = tpu.vector_load %arg7[%parallel_loop3A_761, %parallel_loop3A_762] {strides = array<i32>} : memref<32x1024xf32, #tpu.memory_space<vmem>>, vector<1x16xf32>,
        %parallel_loop3A_764 = vector.shape_cast %parallel_loop3A_763 : vector<1x16xf32> to vector<16xf32>
        %parallel_loop3A_765 = arith.mulf %gather3A_219, %parallel_loop3A_764 : vector<16xf32>
        %parallel_loop3A_766 = arith.index_cast %parallel_loop3A_230 : i32 to index
        %parallel_loop3A_767 = arith.constant 848 : index
        %parallel_loop3A_768 = tpu.vector_load %arg8[%parallel_loop3A_766, %parallel_loop3A_767] {strides = array<i32>} : memref<32x1024xf32, #tpu.memory_space<vmem>>, vector<1x16xf32>,
        %parallel_loop3A_769 = vector.shape_cast %parallel_loop3A_768 : vector<1x16xf32> to vector<16xf32>
        %parallel_loop3A_770 = vector.shape_cast %parallel_loop3A_765 : vector<16xf32> to vector<1x16xf32>
        tpu.vector_store %arg8[%parallel_loop3A_766, %parallel_loop3A_767], %parallel_loop3A_770 {add = true, strides = array<i32>} : memref<32x1024xf32, #tpu.memory_space<vmem>>, vector<1x16xf32>,
        %parallel_loop3A_771 = arith.index_cast %parallel_loop3A_230 : i32 to index
        %parallel_loop3A_772 = arith.constant 864 : index
        %parallel_loop3A_773 = tpu.vector_load %arg7[%parallel_loop3A_771, %parallel_loop3A_772] {strides = array<i32>} : memref<32x1024xf32, #tpu.memory_space<vmem>>, vector<1x16xf32>,
        %parallel_loop3A_774 = vector.shape_cast %parallel_loop3A_773 : vector<1x16xf32> to vector<16xf32>
        %parallel_loop3A_775 = arith.mulf %gather3A_219, %parallel_loop3A_774 : vector<16xf32>
        %parallel_loop3A_776 = arith.index_cast %parallel_loop3A_230 : i32 to index
        %parallel_loop3A_777 = arith.constant 864 : index
        %parallel_loop3A_778 = tpu.vector_load %arg8[%parallel_loop3A_776, %parallel_loop3A_777] {strides = array<i32>} : memref<32x1024xf32, #tpu.memory_space<vmem>>, vector<1x16xf32>,
        %parallel_loop3A_779 = vector.shape_cast %parallel_loop3A_778 : vector<1x16xf32> to vector<16xf32>
        %parallel_loop3A_780 = vector.shape_cast %parallel_loop3A_775 : vector<16xf32> to vector<1x16xf32>
        tpu.vector_store %arg8[%parallel_loop3A_776, %parallel_loop3A_777], %parallel_loop3A_780 {add = true, strides = array<i32>} : memref<32x1024xf32, #tpu.memory_space<vmem>>, vector<1x16xf32>,
        %parallel_loop3A_781 = arith.index_cast %parallel_loop3A_230 : i32 to index
        %parallel_loop3A_782 = arith.constant 880 : index
        %parallel_loop3A_783 = tpu.vector_load %arg7[%parallel_loop3A_781, %parallel_loop3A_782] {strides = array<i32>} : memref<32x1024xf32, #tpu.memory_space<vmem>>, vector<1x16xf32>,
        %parallel_loop3A_784 = vector.shape_cast %parallel_loop3A_783 : vector<1x16xf32> to vector<16xf32>
        %parallel_loop3A_785 = arith.mulf %gather3A_219, %parallel_loop3A_784 : vector<16xf32>
        %parallel_loop3A_786 = arith.index_cast %parallel_loop3A_230 : i32 to index
        %parallel_loop3A_787 = arith.constant 880 : index
        %parallel_loop3A_788 = tpu.vector_load %arg8[%parallel_loop3A_786, %parallel_loop3A_787] {strides = array<i32>} : memref<32x1024xf32, #tpu.memory_space<vmem>>, vector<1x16xf32>,
        %parallel_loop3A_789 = vector.shape_cast %parallel_loop3A_788 : vector<1x16xf32> to vector<16xf32>
        %parallel_loop3A_790 = vector.shape_cast %parallel_loop3A_785 : vector<16xf32> to vector<1x16xf32>
        tpu.vector_store %arg8[%parallel_loop3A_786, %parallel_loop3A_787], %parallel_loop3A_790 {add = true, strides = array<i32>} : memref<32x1024xf32, #tpu.memory_space<vmem>>, vector<1x16xf32>,
        %parallel_loop3A_791 = arith.index_cast %parallel_loop3A_230 : i32 to index
        %parallel_loop3A_792 = arith.constant 896 : index
        %parallel_loop3A_793 = tpu.vector_load %arg7[%parallel_loop3A_791, %parallel_loop3A_792] {strides = array<i32>} : memref<32x1024xf32, #tpu.memory_space<vmem>>, vector<1x16xf32>,
        %parallel_loop3A_794 = vector.shape_cast %parallel_loop3A_793 : vector<1x16xf32> to vector<16xf32>
        %parallel_loop3A_795 = arith.mulf %gather3A_219, %parallel_loop3A_794 : vector<16xf32>
        %parallel_loop3A_796 = arith.index_cast %parallel_loop3A_230 : i32 to index
        %parallel_loop3A_797 = arith.constant 896 : index
        %parallel_loop3A_798 = tpu.vector_load %arg8[%parallel_loop3A_796, %parallel_loop3A_797] {strides = array<i32>} : memref<32x1024xf32, #tpu.memory_space<vmem>>, vector<1x16xf32>,
        %parallel_loop3A_799 = vector.shape_cast %parallel_loop3A_798 : vector<1x16xf32> to vector<16xf32>
        %parallel_loop3A_800 = vector.shape_cast %parallel_loop3A_795 : vector<16xf32> to vector<1x16xf32>
        tpu.vector_store %arg8[%parallel_loop3A_796, %parallel_loop3A_797], %parallel_loop3A_800 {add = true, strides = array<i32>} : memref<32x1024xf32, #tpu.memory_space<vmem>>, vector<1x16xf32>,
        %parallel_loop3A_801 = arith.index_cast %parallel_loop3A_230 : i32 to index
        %parallel_loop3A_802 = arith.constant 912 : index
        %parallel_loop3A_803 = tpu.vector_load %arg7[%parallel_loop3A_801, %parallel_loop3A_802] {strides = array<i32>} : memref<32x1024xf32, #tpu.memory_space<vmem>>, vector<1x16xf32>,
        %parallel_loop3A_804 = vector.shape_cast %parallel_loop3A_803 : vector<1x16xf32> to vector<16xf32>
        %parallel_loop3A_805 = arith.mulf %gather3A_219, %parallel_loop3A_804 : vector<16xf32>
        %parallel_loop3A_806 = arith.index_cast %parallel_loop3A_230 : i32 to index
        %parallel_loop3A_807 = arith.constant 912 : index
        %parallel_loop3A_808 = tpu.vector_load %arg8[%parallel_loop3A_806, %parallel_loop3A_807] {strides = array<i32>} : memref<32x1024xf32, #tpu.memory_space<vmem>>, vector<1x16xf32>,
        %parallel_loop3A_809 = vector.shape_cast %parallel_loop3A_808 : vector<1x16xf32> to vector<16xf32>
        %parallel_loop3A_810 = vector.shape_cast %parallel_loop3A_805 : vector<16xf32> to vector<1x16xf32>
        tpu.vector_store %arg8[%parallel_loop3A_806, %parallel_loop3A_807], %parallel_loop3A_810 {add = true, strides = array<i32>} : memref<32x1024xf32, #tpu.memory_space<vmem>>, vector<1x16xf32>,
        %parallel_loop3A_811 = arith.index_cast %parallel_loop3A_230 : i32 to index
        %parallel_loop3A_812 = arith.constant 928 : index
        %parallel_loop3A_813 = tpu.vector_load %arg7[%parallel_loop3A_811, %parallel_loop3A_812] {strides = array<i32>} : memref<32x1024xf32, #tpu.memory_space<vmem>>, vector<1x16xf32>,
        %parallel_loop3A_814 = vector.shape_cast %parallel_loop3A_813 : vector<1x16xf32> to vector<16xf32>
        %parallel_loop3A_815 = arith.mulf %gather3A_219, %parallel_loop3A_814 : vector<16xf32>
        %parallel_loop3A_816 = arith.index_cast %parallel_loop3A_230 : i32 to index
        %parallel_loop3A_817 = arith.constant 928 : index
        %parallel_loop3A_818 = tpu.vector_load %arg8[%parallel_loop3A_816, %parallel_loop3A_817] {strides = array<i32>} : memref<32x1024xf32, #tpu.memory_space<vmem>>, vector<1x16xf32>,
        %parallel_loop3A_819 = vector.shape_cast %parallel_loop3A_818 : vector<1x16xf32> to vector<16xf32>
        %parallel_loop3A_820 = vector.shape_cast %parallel_loop3A_815 : vector<16xf32> to vector<1x16xf32>
        tpu.vector_store %arg8[%parallel_loop3A_816, %parallel_loop3A_817], %parallel_loop3A_820 {add = true, strides = array<i32>} : memref<32x1024xf32, #tpu.memory_space<vmem>>, vector<1x16xf32>,
        %parallel_loop3A_821 = arith.index_cast %parallel_loop3A_230 : i32 to index
        %parallel_loop3A_822 = arith.constant 944 : index
        %parallel_loop3A_823 = tpu.vector_load %arg7[%parallel_loop3A_821, %parallel_loop3A_822] {strides = array<i32>} : memref<32x1024xf32, #tpu.memory_space<vmem>>, vector<1x16xf32>,
        %parallel_loop3A_824 = vector.shape_cast %parallel_loop3A_823 : vector<1x16xf32> to vector<16xf32>
        %parallel_loop3A_825 = arith.mulf %gather3A_219, %parallel_loop3A_824 : vector<16xf32>
        %parallel_loop3A_826 = arith.index_cast %parallel_loop3A_230 : i32 to index
        %parallel_loop3A_827 = arith.constant 944 : index
        %parallel_loop3A_828 = tpu.vector_load %arg8[%parallel_loop3A_826, %parallel_loop3A_827] {strides = array<i32>} : memref<32x1024xf32, #tpu.memory_space<vmem>>, vector<1x16xf32>,
        %parallel_loop3A_829 = vector.shape_cast %parallel_loop3A_828 : vector<1x16xf32> to vector<16xf32>
        %parallel_loop3A_830 = vector.shape_cast %parallel_loop3A_825 : vector<16xf32> to vector<1x16xf32>
        tpu.vector_store %arg8[%parallel_loop3A_826, %parallel_loop3A_827], %parallel_loop3A_830 {add = true, strides = array<i32>} : memref<32x1024xf32, #tpu.memory_space<vmem>>, vector<1x16xf32>,
        %parallel_loop3A_831 = arith.index_cast %parallel_loop3A_230 : i32 to index
        %parallel_loop3A_832 = arith.constant 960 : index
        %parallel_loop3A_833 = tpu.vector_load %arg7[%parallel_loop3A_831, %parallel_loop3A_832] {strides = array<i32>} : memref<32x1024xf32, #tpu.memory_space<vmem>>, vector<1x16xf32>,
        %parallel_loop3A_834 = vector.shape_cast %parallel_loop3A_833 : vector<1x16xf32> to vector<16xf32>
        %parallel_loop3A_835 = arith.mulf %gather3A_219, %parallel_loop3A_834 : vector<16xf32>
        %parallel_loop3A_836 = arith.index_cast %parallel_loop3A_230 : i32 to index
        %parallel_loop3A_837 = arith.constant 960 : index
        %parallel_loop3A_838 = tpu.vector_load %arg8[%parallel_loop3A_836, %parallel_loop3A_837] {strides = array<i32>} : memref<32x1024xf32, #tpu.memory_space<vmem>>, vector<1x16xf32>,
        %parallel_loop3A_839 = vector.shape_cast %parallel_loop3A_838 : vector<1x16xf32> to vector<16xf32>
        %parallel_loop3A_840 = vector.shape_cast %parallel_loop3A_835 : vector<16xf32> to vector<1x16xf32>
        tpu.vector_store %arg8[%parallel_loop3A_836, %parallel_loop3A_837], %parallel_loop3A_840 {add = true, strides = array<i32>} : memref<32x1024xf32, #tpu.memory_space<vmem>>, vector<1x16xf32>,
        %parallel_loop3A_841 = arith.index_cast %parallel_loop3A_230 : i32 to index
        %parallel_loop3A_842 = arith.constant 976 : index
        %parallel_loop3A_843 = tpu.vector_load %arg7[%parallel_loop3A_841, %parallel_loop3A_842] {strides = array<i32>} : memref<32x1024xf32, #tpu.memory_space<vmem>>, vector<1x16xf32>,
        %parallel_loop3A_844 = vector.shape_cast %parallel_loop3A_843 : vector<1x16xf32> to vector<16xf32>
        %parallel_loop3A_845 = arith.mulf %gather3A_219, %parallel_loop3A_844 : vector<16xf32>
        %parallel_loop3A_846 = arith.index_cast %parallel_loop3A_230 : i32 to index
        %parallel_loop3A_847 = arith.constant 976 : index
        %parallel_loop3A_848 = tpu.vector_load %arg8[%parallel_loop3A_846, %parallel_loop3A_847] {strides = array<i32>} : memref<32x1024xf32, #tpu.memory_space<vmem>>, vector<1x16xf32>,
        %parallel_loop3A_849 = vector.shape_cast %parallel_loop3A_848 : vector<1x16xf32> to vector<16xf32>
        %parallel_loop3A_850 = vector.shape_cast %parallel_loop3A_845 : vector<16xf32> to vector<1x16xf32>
        tpu.vector_store %arg8[%parallel_loop3A_846, %parallel_loop3A_847], %parallel_loop3A_850 {add = true, strides = array<i32>} : memref<32x1024xf32, #tpu.memory_space<vmem>>, vector<1x16xf32>,
        %parallel_loop3A_851 = arith.index_cast %parallel_loop3A_230 : i32 to index
        %parallel_loop3A_852 = arith.constant 992 : index
        %parallel_loop3A_853 = tpu.vector_load %arg7[%parallel_loop3A_851, %parallel_loop3A_852] {strides = array<i32>} : memref<32x1024xf32, #tpu.memory_space<vmem>>, vector<1x16xf32>,
        %parallel_loop3A_854 = vector.shape_cast %parallel_loop3A_853 : vector<1x16xf32> to vector<16xf32>
        %parallel_loop3A_855 = arith.mulf %gather3A_219, %parallel_loop3A_854 : vector<16xf32>
        %parallel_loop3A_856 = arith.index_cast %parallel_loop3A_230 : i32 to index
        %parallel_loop3A_857 = arith.constant 992 : index
        %parallel_loop3A_858 = tpu.vector_load %arg8[%parallel_loop3A_856, %parallel_loop3A_857] {strides = array<i32>} : memref<32x1024xf32, #tpu.memory_space<vmem>>, vector<1x16xf32>,
        %parallel_loop3A_859 = vector.shape_cast %parallel_loop3A_858 : vector<1x16xf32> to vector<16xf32>
        %parallel_loop3A_860 = vector.shape_cast %parallel_loop3A_855 : vector<16xf32> to vector<1x16xf32>
        tpu.vector_store %arg8[%parallel_loop3A_856, %parallel_loop3A_857], %parallel_loop3A_860 {add = true, strides = array<i32>} : memref<32x1024xf32, #tpu.memory_space<vmem>>, vector<1x16xf32>,
        %parallel_loop3A_861 = arith.index_cast %parallel_loop3A_230 : i32 to index
        %parallel_loop3A_862 = arith.constant 1008 : index
        %parallel_loop3A_863 = tpu.vector_load %arg7[%parallel_loop3A_861, %parallel_loop3A_862] {strides = array<i32>} : memref<32x1024xf32, #tpu.memory_space<vmem>>, vector<1x16xf32>,
        %parallel_loop3A_864 = vector.shape_cast %parallel_loop3A_863 : vector<1x16xf32> to vector<16xf32>
        %parallel_loop3A_865 = arith.mulf %gather3A_219, %parallel_loop3A_864 : vector<16xf32>
        %parallel_loop3A_866 = arith.index_cast %parallel_loop3A_230 : i32 to index
        %parallel_loop3A_867 = arith.constant 1008 : index
        %parallel_loop3A_868 = tpu.vector_load %arg8[%parallel_loop3A_866, %parallel_loop3A_867] {strides = array<i32>} : memref<32x1024xf32, #tpu.memory_space<vmem>>, vector<1x16xf32>,
        %parallel_loop3A_869 = vector.shape_cast %parallel_loop3A_868 : vector<1x16xf32> to vector<16xf32>
        %parallel_loop3A_870 = vector.shape_cast %parallel_loop3A_865 : vector<16xf32> to vector<1x16xf32>
        tpu.vector_store %arg8[%parallel_loop3A_866, %parallel_loop3A_867], %parallel_loop3A_870 {add = true, strides = array<i32>} : memref<32x1024xf32, #tpu.memory_space<vmem>>, vector<1x16xf32>,
      } {sc.loop_unroll_factor = 1 : i64, sc.parallel_access}
      %add3A_223 = arith.constant 2 : i32
      %add3A_224 = arith.addi %add3A_144, %add3A_223 : i32
      %lt3A_225 = arith.constant 24 : i32
      %lt3A_226 = arith.cmpi slt, %add3A_224, %lt3A_225 : i32
      %convert_element_type3A_227 = arith.extui %lt3A_226 : i1 to i32
      %cond3A_228 = arith.constant 0 : i32
      %cond3A_229 = arith.cmpi ne, %convert_element_type3A_227, %cond3A_228 : i32
      scf.if %cond3A_229 {
        %add3A_230 = arith.constant 2 : i32
        %add3A_231 = arith.addi %add3A_144, %add3A_230 : i32
        %dma_start3A_232 = arith.constant 0 : i32
        %dma_start3A_233 = arith.constant 0 : i32
        %dma_start3A_234 = tpu.memref_slice %arg7[%dma_start3A_232, %dma_start3A_233] : memref<32x1024xf32, #tpu.memory_space<vmem>> -> memref<16x1024xf32, #tpu.memory_space<vmem>>
        %dma_start3A_235 = arith.constant 0 : i32
        %dma_start3A_236 = tpu.memref_slice %arg3[%add3A_231, %mul3A_2, %dma_start3A_235] : memref<64x1024x1024xf32, #tpu.memory_space<hbm>> -> memref<1x16x1024xf32, #tpu.memory_space<hbm>>
        %dma_start3A_237 = tpu.memref_squeeze %dma_start3A_236 : memref<1x16x1024xf32, #tpu.memory_space<hbm>> -> memref<16x1024xf32, #tpu.memory_space<hbm>>
        %dma_start3A_238 = arith.constant 0 : i32
        %dma_start3A_239 = arith.constant 0 : i32
        %dma_start3A_240 = tpu.memref_slice %arg7[%dma_start3A_238, %dma_start3A_239] : memref<32x1024xf32, #tpu.memory_space<vmem>> -> memref<16x1024xf32, #tpu.memory_space<vmem>>
        %dma_start3A_241 = arith.constant 0 : i32
        %dma_start3A_242 = tpu.memref_slice %arg3[%add3A_231, %mul3A_2, %dma_start3A_241] : memref<64x1024x1024xf32, #tpu.memory_space<hbm>> -> memref<1x16x1024xf32, #tpu.memory_space<hbm>>
        %dma_start3A_243 = tpu.memref_squeeze %dma_start3A_242 : memref<1x16x1024xf32, #tpu.memory_space<hbm>> -> memref<16x1024xf32, #tpu.memory_space<hbm>>
        tpu.enqueue_dma source(%dma_start3A_243 : memref<16x1024xf32, #tpu.memory_space<hbm>>) target(%dma_start3A_240 : memref<16x1024xf32, #tpu.memory_space<vmem>>) target_semaphore(%arg10 : memref<!tpu.dma_semaphore, #tpu.memory_space<semaphore_mem>>)
        %add3A_244 = arith.constant 16 : i32
        %add3A_245 = arith.addi %mul3A_2, %add3A_244 : i32
        %dma_start3A_246 = arith.constant 16 : i32
        %dma_start3A_247 = arith.constant 0 : i32
        %dma_start3A_248 = tpu.memref_slice %arg7[%dma_start3A_246, %dma_start3A_247] : memref<32x1024xf32, #tpu.memory_space<vmem>> -> memref<16x1024xf32, #tpu.memory_space<vmem>>
        %dma_start3A_249 = arith.constant 0 : i32
        %dma_start3A_250 = tpu.memref_slice %arg3[%add3A_231, %add3A_245, %dma_start3A_249] : memref<64x1024x1024xf32, #tpu.memory_space<hbm>> -> memref<1x16x1024xf32, #tpu.memory_space<hbm>>
        %dma_start3A_251 = tpu.memref_squeeze %dma_start3A_250 : memref<1x16x1024xf32, #tpu.memory_space<hbm>> -> memref<16x1024xf32, #tpu.memory_space<hbm>>
        %dma_start3A_252 = arith.constant 16 : i32
        %dma_start3A_253 = arith.constant 0 : i32
        %dma_start3A_254 = tpu.memref_slice %arg7[%dma_start3A_252, %dma_start3A_253] : memref<32x1024xf32, #tpu.memory_space<vmem>> -> memref<16x1024xf32, #tpu.memory_space<vmem>>
        %dma_start3A_255 = arith.constant 0 : i32
        %dma_start3A_256 = tpu.memref_slice %arg3[%add3A_231, %add3A_245, %dma_start3A_255] : memref<64x1024x1024xf32, #tpu.memory_space<hbm>> -> memref<1x16x1024xf32, #tpu.memory_space<hbm>>
        %dma_start3A_257 = tpu.memref_squeeze %dma_start3A_256 : memref<1x16x1024xf32, #tpu.memory_space<hbm>> -> memref<16x1024xf32, #tpu.memory_space<hbm>>
        tpu.enqueue_dma source(%dma_start3A_257 : memref<16x1024xf32, #tpu.memory_space<hbm>>) target(%dma_start3A_254 : memref<16x1024xf32, #tpu.memory_space<vmem>>) target_semaphore(%arg10 : memref<!tpu.dma_semaphore, #tpu.memory_space<semaphore_mem>>)
      } else {
      }
    }
    %scan3A_65 = arith.constant 12 : i32
    "tpu.region"() ({
      %run_scoped3A = tpu.sem_alloc : memref<!tpu.dma_semaphore, #tpu.memory_space<semaphore_mem>>
      %dma_start3A_66 = arith.constant 0 : i32
      %dma_start3A_67 = tpu.memref_slice %arg4[%mul3A_2, %dma_start3A_66] : memref<1024x1024xf32, #tpu.memory_space<hbm>> -> memref<32x1024xf32, #tpu.memory_space<hbm>>
      %dma_start3A_68 = arith.constant 0 : i32
      %dma_start3A_69 = tpu.memref_slice %arg4[%mul3A_2, %dma_start3A_68] : memref<1024x1024xf32, #tpu.memory_space<hbm>> -> memref<32x1024xf32, #tpu.memory_space<hbm>>
      tpu.enqueue_dma source(%arg8 : memref<32x1024xf32, #tpu.memory_space<vmem>>) target(%dma_start3A_69 : memref<32x1024xf32, #tpu.memory_space<hbm>>) target_semaphore(%run_scoped3A : memref<!tpu.dma_semaphore, #tpu.memory_space<semaphore_mem>>)
      %dma_wait3A = arith.constant 0 : i32
      %dma_wait3A_70 = tpu.memref_slice %arg4[%mul3A_2, %dma_wait3A] : memref<1024x1024xf32, #tpu.memory_space<hbm>> -> memref<32x1024xf32, #tpu.memory_space<hbm>>
      %dma_wait3A_71 = arith.constant 0 : i32
      %dma_wait3A_72 = tpu.memref_slice %arg4[%mul3A_2, %dma_wait3A_71] : memref<1024x1024xf32, #tpu.memory_space<hbm>> -> memref<32x1024xf32, #tpu.memory_space<hbm>>
      tpu.wait_dma2 semaphore(%run_scoped3A : memref<!tpu.dma_semaphore, #tpu.memory_space<semaphore_mem>>) src(%arg8 : memref<32x1024xf32, #tpu.memory_space<vmem>>) dst(%dma_wait3A_72 : memref<32x1024xf32, #tpu.memory_space<hbm>>)
      tpu.yield
    }) : () -> ()
    return
  }
}

module attributes {stable_mosaic.version = 14 : i64} {
  func.func @_tc_reduce_body(%arg0: i32, %arg1: i32, %arg2: memref<64xf32, #tpu.memory_space<smem>>, %arg3: memref<8x256x1024xf32, #tpu.memory_space<vmem>>, %arg4: memref<256x1024xf32, #tpu.memory_space<vmem>>) attributes {dimension_semantics = [#tpu.dimension_semantics<parallel>, #tpu.dimension_semantics<arbitrary>], iteration_bounds = array<i64: 4, 5>, scalar_prefetch = 0 : i64, scratch_operands = 0 : i64, tpu.core_type = #tpu.core_type<tc>, window_params = [{transform_indices = @transform_0, window_bounds = array<i64: 64>}, {transform_indices = @transform_1, window_bounds = array<i64: 8, 256, 1024>}, {transform_indices = @transform_2, window_bounds = array<i64: 256, 1024>}]} {
    %mul3A = arith.constant 8 : i32
    %mul3A_0 = arith.muli %arg1, %mul3A : i32
    %add3A = arith.constant 24 : i32
    %add3A_1 = arith.addi %add3A, %mul3A_0 : i32
    %get3A = arith.index_cast %add3A_1 : i32 to index
    %get3A_2 = memref.load %arg2[%get3A] : memref<64xf32, #tpu.memory_space<smem>>
    %get3A_3 = arith.constant 0 : index
    %get3A_4 = arith.constant 0 : index
    %get3A_5 = arith.constant 0 : index
    %get3A_6 = vector.load %arg3[%get3A_3, %get3A_4, %get3A_5] : memref<8x256x1024xf32, #tpu.memory_space<vmem>>, vector<1x256x1024xf32>
    %get3A_7 = vector.shape_cast %get3A_6 : vector<1x256x1024xf32> to vector<256x1024xf32>
    %mul3A_8 = vector.broadcast %get3A_2 : f32 to vector<256x1024xf32>
    %mul3A_9 = arith.mulf %mul3A_8, %get3A_7 : vector<256x1024xf32>
    %mul3A_10 = arith.constant 8 : i32
    %mul3A_11 = arith.muli %arg1, %mul3A_10 : i32
    %add3A_12 = arith.constant 24 : i32
    %add3A_13 = arith.addi %add3A_12, %mul3A_11 : i32
    %add3A_14 = arith.constant 1 : i32
    %add3A_15 = arith.addi %add3A_13, %add3A_14 : i32
    %get3A_16 = arith.index_cast %add3A_15 : i32 to index
    %get3A_17 = memref.load %arg2[%get3A_16] : memref<64xf32, #tpu.memory_space<smem>>
    %get3A_18 = arith.constant 1 : index
    %get3A_19 = arith.constant 0 : index
    %get3A_20 = arith.constant 0 : index
    %get3A_21 = vector.load %arg3[%get3A_18, %get3A_19, %get3A_20] : memref<8x256x1024xf32, #tpu.memory_space<vmem>>, vector<1x256x1024xf32>
    %get3A_22 = vector.shape_cast %get3A_21 : vector<1x256x1024xf32> to vector<256x1024xf32>
    %mul3A_23 = vector.broadcast %get3A_17 : f32 to vector<256x1024xf32>
    %mul3A_24 = arith.mulf %mul3A_23, %get3A_22 : vector<256x1024xf32>
    %add3A_25 = arith.addf %mul3A_9, %mul3A_24 : vector<256x1024xf32>
    %mul3A_26 = arith.constant 8 : i32
    %mul3A_27 = arith.muli %arg1, %mul3A_26 : i32
    %add3A_28 = arith.constant 24 : i32
    %add3A_29 = arith.addi %add3A_28, %mul3A_27 : i32
    %add3A_30 = arith.constant 2 : i32
    %add3A_31 = arith.addi %add3A_29, %add3A_30 : i32
    %get3A_32 = arith.index_cast %add3A_31 : i32 to index
    %get3A_33 = memref.load %arg2[%get3A_32] : memref<64xf32, #tpu.memory_space<smem>>
    %get3A_34 = arith.constant 2 : index
    %get3A_35 = arith.constant 0 : index
    %get3A_36 = arith.constant 0 : index
    %get3A_37 = vector.load %arg3[%get3A_34, %get3A_35, %get3A_36] : memref<8x256x1024xf32, #tpu.memory_space<vmem>>, vector<1x256x1024xf32>
    %get3A_38 = vector.shape_cast %get3A_37 : vector<1x256x1024xf32> to vector<256x1024xf32>
    %mul3A_39 = vector.broadcast %get3A_33 : f32 to vector<256x1024xf32>
    %mul3A_40 = arith.mulf %mul3A_39, %get3A_38 : vector<256x1024xf32>
    %add3A_41 = arith.addf %add3A_25, %mul3A_40 : vector<256x1024xf32>
    %mul3A_42 = arith.constant 8 : i32
    %mul3A_43 = arith.muli %arg1, %mul3A_42 : i32
    %add3A_44 = arith.constant 24 : i32
    %add3A_45 = arith.addi %add3A_44, %mul3A_43 : i32
    %add3A_46 = arith.constant 3 : i32
    %add3A_47 = arith.addi %add3A_45, %add3A_46 : i32
    %get3A_48 = arith.index_cast %add3A_47 : i32 to index
    %get3A_49 = memref.load %arg2[%get3A_48] : memref<64xf32, #tpu.memory_space<smem>>
    %get3A_50 = arith.constant 3 : index
    %get3A_51 = arith.constant 0 : index
    %get3A_52 = arith.constant 0 : index
    %get3A_53 = vector.load %arg3[%get3A_50, %get3A_51, %get3A_52] : memref<8x256x1024xf32, #tpu.memory_space<vmem>>, vector<1x256x1024xf32>
    %get3A_54 = vector.shape_cast %get3A_53 : vector<1x256x1024xf32> to vector<256x1024xf32>
    %mul3A_55 = vector.broadcast %get3A_49 : f32 to vector<256x1024xf32>
    %mul3A_56 = arith.mulf %mul3A_55, %get3A_54 : vector<256x1024xf32>
    %add3A_57 = arith.addf %add3A_41, %mul3A_56 : vector<256x1024xf32>
    %mul3A_58 = arith.constant 8 : i32
    %mul3A_59 = arith.muli %arg1, %mul3A_58 : i32
    %add3A_60 = arith.constant 24 : i32
    %add3A_61 = arith.addi %add3A_60, %mul3A_59 : i32
    %add3A_62 = arith.constant 4 : i32
    %add3A_63 = arith.addi %add3A_61, %add3A_62 : i32
    %get3A_64 = arith.index_cast %add3A_63 : i32 to index
    %get3A_65 = memref.load %arg2[%get3A_64] : memref<64xf32, #tpu.memory_space<smem>>
    %get3A_66 = arith.constant 4 : index
    %get3A_67 = arith.constant 0 : index
    %get3A_68 = arith.constant 0 : index
    %get3A_69 = vector.load %arg3[%get3A_66, %get3A_67, %get3A_68] : memref<8x256x1024xf32, #tpu.memory_space<vmem>>, vector<1x256x1024xf32>
    %get3A_70 = vector.shape_cast %get3A_69 : vector<1x256x1024xf32> to vector<256x1024xf32>
    %mul3A_71 = vector.broadcast %get3A_65 : f32 to vector<256x1024xf32>
    %mul3A_72 = arith.mulf %mul3A_71, %get3A_70 : vector<256x1024xf32>
    %add3A_73 = arith.addf %add3A_57, %mul3A_72 : vector<256x1024xf32>
    %mul3A_74 = arith.constant 8 : i32
    %mul3A_75 = arith.muli %arg1, %mul3A_74 : i32
    %add3A_76 = arith.constant 24 : i32
    %add3A_77 = arith.addi %add3A_76, %mul3A_75 : i32
    %add3A_78 = arith.constant 5 : i32
    %add3A_79 = arith.addi %add3A_77, %add3A_78 : i32
    %get3A_80 = arith.index_cast %add3A_79 : i32 to index
    %get3A_81 = memref.load %arg2[%get3A_80] : memref<64xf32, #tpu.memory_space<smem>>
    %get3A_82 = arith.constant 5 : index
    %get3A_83 = arith.constant 0 : index
    %get3A_84 = arith.constant 0 : index
    %get3A_85 = vector.load %arg3[%get3A_82, %get3A_83, %get3A_84] : memref<8x256x1024xf32, #tpu.memory_space<vmem>>, vector<1x256x1024xf32>
    %get3A_86 = vector.shape_cast %get3A_85 : vector<1x256x1024xf32> to vector<256x1024xf32>
    %mul3A_87 = vector.broadcast %get3A_81 : f32 to vector<256x1024xf32>
    %mul3A_88 = arith.mulf %mul3A_87, %get3A_86 : vector<256x1024xf32>
    %add3A_89 = arith.addf %add3A_73, %mul3A_88 : vector<256x1024xf32>
    %mul3A_90 = arith.constant 8 : i32
    %mul3A_91 = arith.muli %arg1, %mul3A_90 : i32
    %add3A_92 = arith.constant 24 : i32
    %add3A_93 = arith.addi %add3A_92, %mul3A_91 : i32
    %add3A_94 = arith.constant 6 : i32
    %add3A_95 = arith.addi %add3A_93, %add3A_94 : i32
    %get3A_96 = arith.index_cast %add3A_95 : i32 to index
    %get3A_97 = memref.load %arg2[%get3A_96] : memref<64xf32, #tpu.memory_space<smem>>
    %get3A_98 = arith.constant 6 : index
    %get3A_99 = arith.constant 0 : index
    %get3A_100 = arith.constant 0 : index
    %get3A_101 = vector.load %arg3[%get3A_98, %get3A_99, %get3A_100] : memref<8x256x1024xf32, #tpu.memory_space<vmem>>, vector<1x256x1024xf32>
    %get3A_102 = vector.shape_cast %get3A_101 : vector<1x256x1024xf32> to vector<256x1024xf32>
    %mul3A_103 = vector.broadcast %get3A_97 : f32 to vector<256x1024xf32>
    %mul3A_104 = arith.mulf %mul3A_103, %get3A_102 : vector<256x1024xf32>
    %add3A_105 = arith.addf %add3A_89, %mul3A_104 : vector<256x1024xf32>
    %mul3A_106 = arith.constant 8 : i32
    %mul3A_107 = arith.muli %arg1, %mul3A_106 : i32
    %add3A_108 = arith.constant 24 : i32
    %add3A_109 = arith.addi %add3A_108, %mul3A_107 : i32
    %add3A_110 = arith.constant 7 : i32
    %add3A_111 = arith.addi %add3A_109, %add3A_110 : i32
    %get3A_112 = arith.index_cast %add3A_111 : i32 to index
    %get3A_113 = memref.load %arg2[%get3A_112] : memref<64xf32, #tpu.memory_space<smem>>
    %get3A_114 = arith.constant 7 : index
    %get3A_115 = arith.constant 0 : index
    %get3A_116 = arith.constant 0 : index
    %get3A_117 = vector.load %arg3[%get3A_114, %get3A_115, %get3A_116] : memref<8x256x1024xf32, #tpu.memory_space<vmem>>, vector<1x256x1024xf32>
    %get3A_118 = vector.shape_cast %get3A_117 : vector<1x256x1024xf32> to vector<256x1024xf32>
    %mul3A_119 = vector.broadcast %get3A_113 : f32 to vector<256x1024xf32>
    %mul3A_120 = arith.mulf %mul3A_119, %get3A_118 : vector<256x1024xf32>
    %add3A_121 = arith.addf %add3A_105, %mul3A_120 : vector<256x1024xf32>
    %eq3A = arith.constant 0 : i32
    %eq3A_122 = arith.cmpi eq, %arg1, %eq3A : i32
    %convert_element_type3A = arith.extui %eq3A_122 : i1 to i32
    %cond3A = arith.constant 0 : i32
    %cond3A_123 = arith.cmpi ne, %convert_element_type3A, %cond3A : i32
    scf.if %cond3A_123 {
      %swap3A = arith.constant 0 : index
      %swap3A_128 = arith.constant 0 : index
      %swap3A_129 = vector.load %arg4[%swap3A, %swap3A_128] : memref<256x1024xf32, #tpu.memory_space<vmem>>, vector<256x1024xf32>
      tpu.vector_store %arg4[%swap3A, %swap3A_128], %add3A_121 {strides = array<i32>} : memref<256x1024xf32, #tpu.memory_space<vmem>>, vector<256x1024xf32>,
    } else {
    }
    %gt3A = arith.constant 0 : i32
    %gt3A_124 = arith.cmpi sgt, %arg1, %gt3A : i32
    %convert_element_type3A_125 = arith.extui %gt3A_124 : i1 to i32
    %cond3A_126 = arith.constant 0 : i32
    %cond3A_127 = arith.cmpi ne, %convert_element_type3A_125, %cond3A_126 : i32
    scf.if %cond3A_127 {
      %get3A_128 = arith.constant 0 : index
      %get3A_129 = arith.constant 0 : index
      %get3A_130 = vector.load %arg4[%get3A_128, %get3A_129] : memref<256x1024xf32, #tpu.memory_space<vmem>>, vector<256x1024xf32>
      %add3A_131 = arith.addf %get3A_130, %add3A_121 : vector<256x1024xf32>
      %swap3A = arith.constant 0 : index
      %swap3A_132 = arith.constant 0 : index
      %swap3A_133 = vector.load %arg4[%swap3A, %swap3A_132] : memref<256x1024xf32, #tpu.memory_space<vmem>>, vector<256x1024xf32>
      tpu.vector_store %arg4[%swap3A, %swap3A_132], %add3A_131 {strides = array<i32>} : memref<256x1024xf32, #tpu.memory_space<vmem>>, vector<256x1024xf32>,
    } else {
    }
    return
  }
  func.func @transform_0(%arg0: i32, %arg1: i32) -> i32 {
    %c0_i32 = arith.constant 0 : i32
    %c0_i32_0 = arith.constant 0 : i32
    return %c0_i32 : i32
  }
  func.func @transform_1(%arg0: i32, %arg1: i32) -> (i32, i32, i32) {
    %add3A = arith.constant 3 : i32
    %add3A_0 = arith.addi %arg1, %add3A : i32
    %c0_i32 = arith.constant 0 : i32
    %c0_i32_1 = arith.constant 0 : i32
    return %add3A_0, %arg0, %c0_i32 : i32, i32, i32
  }
  func.func @transform_2(%arg0: i32, %arg1: i32) -> (i32, i32) {
    %c0_i32 = arith.constant 0 : i32
    %c0_i32_0 = arith.constant 0 : i32
    return %arg0, %c0_i32 : i32, i32
  }
}

module attributes {stable_mosaic.version = 14 : i64} {
  func.func @_add_body(%arg0: i32, %arg1: memref<256x1024xf32, #tpu.memory_space<vmem>>, %arg2: memref<256x1024xf32, #tpu.memory_space<vmem>>, %arg3: memref<256x1024xf32, #tpu.memory_space<vmem>>) attributes {dimension_semantics = [#tpu.dimension_semantics<arbitrary>], iteration_bounds = array<i64: 4>, scalar_prefetch = 0 : i64, scratch_operands = 0 : i64, tpu.core_type = #tpu.core_type<tc>, window_params = [{transform_indices = @transform_0, window_bounds = array<i64: 256, 1024>}, {transform_indices = @transform_1, window_bounds = array<i64: 256, 1024>}, {transform_indices = @transform_2, window_bounds = array<i64: 256, 1024>}]} {
    %get3A = arith.constant 0 : index
    %get3A_0 = arith.constant 0 : index
    %get3A_1 = vector.load %arg1[%get3A, %get3A_0] : memref<256x1024xf32, #tpu.memory_space<vmem>>, vector<256x1024xf32>
    %get3A_2 = arith.constant 0 : index
    %get3A_3 = arith.constant 0 : index
    %get3A_4 = vector.load %arg2[%get3A_2, %get3A_3] : memref<256x1024xf32, #tpu.memory_space<vmem>>, vector<256x1024xf32>
    %add3A = arith.addf %get3A_1, %get3A_4 : vector<256x1024xf32>
    %swap3A = arith.constant 0 : index
    %swap3A_5 = arith.constant 0 : index
    %swap3A_6 = vector.load %arg3[%swap3A, %swap3A_5] : memref<256x1024xf32, #tpu.memory_space<vmem>>, vector<256x1024xf32>
    tpu.vector_store %arg3[%swap3A, %swap3A_5], %add3A {strides = array<i32>} : memref<256x1024xf32, #tpu.memory_space<vmem>>, vector<256x1024xf32>,
    return
  }
  func.func @transform_0(%arg0: i32) -> (i32, i32) {
    %c0_i32 = arith.constant 0 : i32
    %c0_i32_0 = arith.constant 0 : i32
    return %arg0, %c0_i32 : i32, i32
  }
  func.func @transform_1(%arg0: i32) -> (i32, i32) {
    %c0_i32 = arith.constant 0 : i32
    %c0_i32_0 = arith.constant 0 : i32
    return %arg0, %c0_i32 : i32, i32
  }
  func.func @transform_2(%arg0: i32) -> (i32, i32) {
    %c0_i32 = arith.constant 0 : i32
    %c0_i32_0 = arith.constant 0 : i32
    return %arg0, %c0_i32 : i32, i32
  }
}

</mosaic_0001>

<sc_bundles>
// kernel: kernel.5.cloned.1.call-start
scs
__scs_entry_jumppad:
0x0: {  	(pc) =	sbr.rel $0x88, $3  }
0x1: {  	(tag) =	ssettag $0x0;
	lr =	simm.s32 $0x1  }
0x2: {  	[smem:$0x3F9F] =	sst lr;
	_ =	strace $0xD0000000  }
0x3: {  	_ = 	snop  }
0x4: {  	_ = 	snop  }
0x5: {  	_ = 	snop  }
0x6: {  	_ = 	snop  }
0x7: {  	_ = 	snop  }
__scs_overlays_trampoline_lowered:
0x8: {  	[smem:$0x3FAE] =	sst s0  }
0x9: {  	[smem:$0x3FAF] =	sst s1  }
0xa: {  	[smem:$0x3FB0] =	sst s2  }
0xb: {  	[smem:$0x3FB1] =	sst s3  }
0xc: {  	[smem:$0x3FB2] =	sst s4  }
0xd: {  	[smem:$0x3FB3] =	sst s5  }
0xe: {  	[smem:$0x3FB4] =	sst s6  }
0xf: {  	[smem:$0x3FB5] =	sst s7  }
0x10: {  	[smem:$0x3FB6] =	sst s8  }
0x11: {  	[smem:$0x3FB7] =	sst s9;
	s0 =	simm.s32 @!p0 $0x0  }
0x12: {  	s1 =	sld [smem:$0x3F9D];
	s0 =	simm.s32 @p0 $0x1  }
0x13: {  	[smem:$0x3FB8] =	sst s0;
	s0 =	simm.s32 @!p1 $0x0  }
0x14: {  	s2 =	sld [smem:$0x3F9C];
	s0 =	simm.s32 @p1 $0x1  }
0x15: {  	[smem:$0x3FB9] =	sst s0;
	s0 =	simm.s32 @!p2 $0x0  }
0x16: {  	s3 =	sld [smem:$0x3FDB];
	s0 =	simm.s32 @p2 $0x1  }
0x17: {  	s4 =	simm.s32 $0x1BF5;
	[smem:$0x3FBB] =	sst s0  }
0x18: {  	s0 =	sld [smem:$0x3F9E];
	_ =	swait.ge [sflag:s4], $0x0  }
0x19: {  	s7 =	sld [smem:$0x3F9F]  }
0x1a: {  	s8 =	sadd.s32 $0xFFFFE003, lr  }
0x1b: {  	s9 =	sadd.s32 $0xFFFFFEF7, lr;
	s5 =	simm.s32 $0xFFFFFFFF;
	p2 =	slt.u32 s8, $0xFFFFF086  }
0x1c: {  	p1 =	slt.u32 s9, $0xF7A;
	s5 =	simm.s32 @!p2 $0x0  }
0x1d: {  	s5 =	simm.s32 @p1 $0x1;
	p0 =	seq.s32 s7, s2  }
0x1e: {  	s7 =	smul.u32 @!p0 $0xF7A, s2;
	p2 =	seq.s32 @!p0 s5, $0x0  }
0x1f: {  	s9 =	smul.u32 $0xF7A, s1;
	s8 =	simm.s32 @!p0 $0x1BF5;
	p2 =	por !p2, p0  }
0x20: {  	[sflag:s8] =	ssyncset.s32 @!p0 $0xFFFFF086;
	s6 =	sadd.s32 @!p0 s3, s7;
	s7 =	simm.s32 @!p0 $0x108  }
0x21: {  	s3 =	sadd.s32 s3, s9;
	s6 =	sadd.s32 @!p0 $0x88, s6;
	s7 =	simm.s32 @p2 $0x1082  }
0x22: {  	[simem:s7], [sflag:s8] =	dma.local @!p0 [hbm:s6], $0xF7A  }
0x23: {  	s9 =	sor.u32 $0xD0000000, s2;
	s6 =	simm.s32 $0x108;
	_ =	swait.ge @!p0 [sflag:s8], $0x0  }
0x24: {  	s3 =	sadd.s32 $0x88, s3;
	s6 =	simm.s32 @!p1 $0x1082;
	[sflag:s4] =	ssyncset.s32 $0xFFFFF086  }
0x25: {  	[simem:s6], [sflag:s4] =	dma.local [hbm:s3], $0xF7A  }
0x26: {  	[smem:$0x3F9F] =	sst s1;
	(tag) =	ssettag s2;
	_ =	strace s9  }
0x27: {  	s1 =	sld [smem:$0x3FAF]  }
0x28: {  	s2 =	sld [smem:$0x3FB0]  }
0x29: {  	s4 =	sld [smem:$0x3FB2]  }
0x2a: {  	p0 =	seq.s32 s5, $0x0;
	s5 =	sld [smem:$0x3FB3]  }
0x2b: {  	s6 =	sld [smem:$0x3FB4]  }
0x2c: {  	s7 =	sld [smem:$0x3FB5]  }
0x2d: {  	s3 =	simm.s32 $0x108;
	s8 =	sld [smem:$0x3FB6]  }
0x2e: {  	s3 =	simm.s32 @!p0 $0x1082;
	s9 =	sld [smem:$0x3FB7]  }
0x2f: {  	lr =	sadd.s32 s0, s3;
	s0 =	sld [smem:$0x3FAE]  }
0x30: {  	s3 =	sld [smem:$0x3FB1]  }
0x31: {  	[smem:$0x3FBA] =	sst s10  }
0x32: {  	s10 =	sld [smem:$0x3FB8];
	_ =	sdelay $0x3  }
0x33: {  	p0 =	seq.s32 s10, $0x1;
	s10 =	sld [smem:$0x3FBA];
	_ =	sdelay $0x3  }
0x34: {  	[smem:$0x3FBA] =	sst s10  }
0x35: {  	s10 =	sld [smem:$0x3FB9];
	_ =	sdelay $0x3  }
0x36: {  	p1 =	seq.s32 s10, $0x1;
	s10 =	sld [smem:$0x3FBA];
	_ =	sdelay $0x3  }
0x37: {  	[smem:$0x3FBA] =	sst s10  }
0x38: {  	s10 =	sld [smem:$0x3FBB]  }
0x39: {  	_ = 	snop;
	(pc) =	sbr.ind lr, $3  }
0x3a: {  	_ = 	snop  }
0x3b: {  	_ = 	snop  }
0x3c: {  	p2 =	seq.s32 s10, $0x1;
	s10 =	sld [smem:$0x3FBA]  }
0x3d: {  	_ =	shalt  }
0x3e: {  	_ =	shalt  }
0x3f: {  	_ =	shalt  }
0x40: {  	_ =	shalt  }
0x41: {  	_ =	shalt  }
0x42: {  	_ =	shalt  }
0x43: {  	_ =	shalt  }
0x44: {  	_ =	shalt  }
0x45: {  	_ =	shalt  }
0x46: {  	_ =	shalt  }
0x47: {  	_ =	shalt  }
0x48: {  	_ =	shalt  }
0x49: {  	_ =	shalt  }
0x4a: {  	_ =	shalt  }
0x4b: {  	_ =	shalt  }
0x4c: {  	_ =	shalt  }
0x4d: {  	_ =	shalt  }
0x4e: {  	_ =	shalt  }
0x4f: {  	_ =	shalt  }
0x50: {  	_ =	shalt  }
0x51: {  	_ =	shalt  }
0x52: {  	_ =	shalt  }
0x53: {  	_ =	shalt  }
0x54: {  	_ =	shalt  }
0x55: {  	_ =	shalt  }
0x56: {  	_ =	shalt  }
0x57: {  	_ =	shalt  }
0x58: {  	_ =	shalt  }
0x59: {  	_ =	shalt  }
0x5a: {  	_ =	shalt  }
0x5b: {  	_ =	shalt  }
0x5c: {  	_ =	shalt  }
0x5d: {  	_ =	shalt  }
0x5e: {  	_ =	shalt  }
0x5f: {  	_ =	shalt  }
0x60: {  	_ =	shalt  }
0x61: {  	_ =	shalt  }
0x62: {  	_ =	shalt  }
0x63: {  	_ =	shalt  }
0x64: {  	_ =	shalt  }
0x65: {  	_ =	shalt  }
0x66: {  	_ =	shalt  }
0x67: {  	_ =	shalt  }
0x68: {  	_ =	shalt  }
0x69: {  	_ =	shalt  }
0x6a: {  	_ =	shalt  }
0x6b: {  	_ =	shalt  }
0x6c: {  	_ =	shalt  }
0x6d: {  	_ =	shalt  }
0x6e: {  	_ =	shalt  }
0x6f: {  	_ =	shalt  }
0x70: {  	_ =	shalt  }
0x71: {  	_ =	shalt  }
0x72: {  	_ =	shalt  }
0x73: {  	_ =	shalt  }
0x74: {  	_ =	shalt  }
0x75: {  	_ =	shalt  }
0x76: {  	_ =	shalt  }
0x77: {  	_ =	shalt  }
0x78: {  	_ =	shalt  }
0x79: {  	_ =	shalt  }
0x7a: {  	_ =	shalt  }
0x7b: {  	_ =	shalt  }
0x7c: {  	_ =	shalt  }
0x7d: {  	_ =	shalt  }
0x7e: {  	_ =	shalt  }
0x7f: {  	_ =	shalt  }
0x80: {  	_ =	shalt  }
0x81: {  	_ =	shalt  }
0x82: {  	_ =	shalt  }
0x83: {  	_ =	shalt  }
0x84: {  	_ =	shalt  }
0x85: {  	_ =	shalt  }
0x86: {  	_ =	shalt  }
0x87: {  	_ =	shalt  }
.Lfunc_end0:
.L_simem_size_0:
called_computation_lowered:
.L_overlay_start_0:
0x88: {  	s2 =	sld [smem:$0x3FD9]  }
0x89: {  	s3 =	sld [smem:$0x3FFE];
	_ =	sdelay $0x1  }
0x8a: {  	s1 =	srdreg.scid  }
0x8b: {  	s0 =	sand.u32 $0x1, s1  }
0x8c: {  	s18 =	sshll.u32 s0, $0xA;
	s2 =	sadd.s32 s3, s2  }
0x8d: {  	s2 =	sadd.s32 s2, s18  }
0x8e: {  	[smem:$0x3FC6] =	sst s2  }
0x8f: {  	_ = 	snop  }
0x90: {  	s2 =	sld [smem:$0x3FC9]  }
0x91: {  	s19 =	sld [smem:$0x3FC8]  }
0x92: {  	s4 =	sld [smem:$0x3FD0];
	(tm) =	ssettm $0x1  }
0x93: {  	s5 =	sld [smem:$0x3FFB];
	_ =	sdelay $0x3  }
0x94: {  	_ =	strace s5  }
0x95: {  	s5 =	sld [smem:$0x3FFC];
	_ =	sdelay $0x3  }
0x96: {  	_ =	strace s5  }
0x97: {  	s5 =	sld [smem:$0x3FFD];
	_ =	sdelay $0x3  }
0x98: {  	_ =	strace s5  }
0x99: {  	_ =	strace $0x8FFFFFFF  }
0x9a: {  	s20 =	sld [smem:$0x3FDB];
	_ =	sdelay $0x1  }
0x9b: {  	s6 =	simm.s32 $_scs_section_size  }
0x9c: {  	s7 =	simm.s32 $_size__tile_overlayer_lowered;
	s8 =	simm.s32 $_tile_overlayer_lowered  }
0x9d: {  	s23 =	simm.s32 $0x1BFF;
	s22 =	sshll.u32 s8, $0x1;
	s5 =	sadd.s32 s6, s20  }
0x9e: {  	s9 =	simm.s32 $0x0;
	s21 =	sshll.u32 s7, $0x1;
	s7 =	sadd.s32 s22, s5  }
0x9f: {  	[timem:s9], [sflag:s23] =	dma.local [hbm:s7], s21  }
0xa0: {  	_ =	swait.ge [sflag:s23], s21  }
0xa1: {  	s6 =	ssub.s32 $0x0, s21;
	[sflag:s23] =	ssyncset.done $0x0  }
0xa2: {  	[sflag:s23] =	ssyncadd.s32 s6;
	_ =	sdelay $0x1  }
0xa3: {  	s24 =	simm.s32 $0x1B8B  }
0xa4: {  	_ =	swait.ge [sflag:s24], $0x1  }
0xa5: {  	[sflag:s24] =	ssyncset.done $0x0  }
0xa6: {  	s25 =	simm.s32 $0x1B8E;
	[sflag:s24] =	ssyncadd.s32 $0xFFFFFFFF  }
0xa7: {  	s26 =	simm.s32 $execute0_lowered;
	[smem:$0x3FD2] =	sst s25  }
0xa8: {  	s6 =	sshll.u32 s26, $0x1;
	_ =	strace $0x80000046;
	[dreg:$0x1] =	wrdreg $0xFFFFFFFF  }
0xa9: {  	s28 =	simm.s32 $_size_execute0_lowered;
	s5 =	sadd.s32 s5, s6;
	[dreg:$0x0] =	wrdreg $0x0  }
0xaa: {  	s6 =	sshll.u32 s28, $0x1;
	[dreg:$0x2] =	wrdreg s5  }
0xab: {  	[dreg:$0x3] =	wrdreg s6  }
0xac: {  	[dreg:$0x4] =	wrdreg $0xC0  }
0xad: {  	_ =	task [dreg:s9], $0x5FFFF  }
0xae: {  	[dreg:$0x1] =	wrdreg $0xFFFFFFFF  }
0xaf: {  	[dreg:$0x0] =	wrdreg $0x60  }
0xb0: {  	[dreg:$0x2] =	wrdreg s2  }
0xb1: {  	[dreg:$0x3] =	wrdreg s19  }
0xb2: {  	[dreg:$0x4] =	wrdreg s4  }
0xb3: {  	[dreg:$0x5] =	wrdreg $0x9  }
0xb4: {  	_ =	task.clear_ibuf [dreg:s9], $0x6FFFF;
	_ =	strace $0x90000046  }
0xb5: {  	s29 =	simm.s32 $0x9;
	_ =	strace $0x80000048  }
0xb6: {  	_ =	swait.ge [sflag:s29], $0x1  }
0xb7: {  	[sflag:s29] =	ssyncadd.s32 $0xFFFFFFFF  }
0xb8: {  	_ =	strace $0x90000048  }
0xb9: {  	_ =	sfence  }
0xba: {  	s30 =	sld [smem:$0x0];
	_ =	sdelay $0x2  }
0xbb: {  	s31 =	sshll.u32 s1, $0xD;
	s1 =	sshrl.u32 s1, $0x2  }
0xbc: {  	s3 =	sand.u32 $0x4000, s31;
	s1 =	sadd.s32 s1, s30  }
0xbd: {  	s0 =	sor.u32 s3, s0;
	s1 =	sshll.u32 s1, $0x11  }
0xbe: {  	s0 =	sor.u32 s1, s0  }
0xbf: {  	s0 =	sadd.s32 $0x8F2B, s0  }
0xc0: {  	[sflag:s0] =	ssyncadd.remote.s32 $0x1  }
0xc1: {  	_ =	sfence.sel $0xFFFF  }
0xc2: {  	[dreg:$0x0] =	wrdreg $0xFFFFFFFF;
	(pc) =	sbr.abs _section_cstart, $3  }
0xc3: {  	[dreg:$0x1] =	wrdreg $0xFFFFFFFF  }
0xc4: {  	_ =	task.clear_ibuf [dreg:s9], $0x2FFFF;
	_ =	strace $0x9FFFFFFF  }
0xc5: {  	(tm) =	ssettm $0x7FFFFFFF  }
tec
execute0_lowered:
.L_overlay_start_1:
0x0: {  	(tag) =	ssettag $0x1  }
0x1: {  	s3 =	rddreg [dreg:$0x1]  }
0x2: {  	s0 =	rddreg [dreg:$0x2];
	s4 =	srdreg.scid  }
0x3: {  	s1 =	stileid.u32;
	s13 =	simm.s32 $0x3;
	s15 =	simm.s32 $0x4080  }
0x4: {  	s16 =	simm.s32 $0x8080;
	s17 =	simm.s32 $0xC080;
	s18 =	simm.s32 $0x1  }
0x5: {  	s19 =	simm.s32 $0x2;
	s20 =	simm.s32 $0x10080;
	s21 =	simm.s32 $0x0  }
0x6: {  	s6 =	sand.u32 $0x1, s4;
	s4 =	simm.s32 $0x0;
	s5 =	sshll.u32 s1, $0x6  }
0x7: {  	s7 =	sshll.u32 s6, $0x5;
	[smem:$0x7FF] =	sst s4;
	s8 =	ssub.s32 $0x2, s6  }
.Ltmp0:
0x8: {  	s7 =	sor.u32 s7, s5;
	_ =	strace $0x80000047;
	(pc) =	sbr.rel .LBB2_1-.Ltmp0, $4  }
0x9: {  	s9 =	sshrl.u32 s8, $0x1;
	s5 =	sshll.u32 s7, $0xA;
	s11 =	sshll.u32 s7, $0x7  }
0xa: {  	s12 =	ssub.s32 s8, s9;
	s6 =	sor.u32 $0x4000, s5;
	s7 =	sadd.s32 s3, s11  }
0xb: {  	s11 =	sadd.s32 s0, s11;
	s12 =	smax.u32 s12, $0x1;
	s10 =	sshrl.u32 s6, $0x3  }
0xc: {  	v0 =	vimm.f32 $0.0e+00;
	s9 =	sadd.s32 $0x20000, s7;
	s8 =	sadd.s32 s3, s10;
	s10 =	sadd.s32 $0x20800, s7  }
.LBB2_10:
0xd: {  	s21 =	sadd.s32 $0x1, s21  }
0xe: {  	p0 =	sne.s32 s21, s12  }
.Ltmp1:
0xf: {  	_ = 	snop;
	(pc) =	sbr.rel @!p0 .LBB2_11-.Ltmp1, $4  }
0x10: {  	[hbm4b:s11+s4] =	stream.linear.scatter [tilespmem:s20], [sflag:$0x3], $0x8000, $0x38;
	[tilespmem:$0x18080] =	vst v63  }
0x11: {  	_ =	swait.ge [sflag:s13], $0x8000  }
0x12: {  	[sflag:s13] =	ssyncset.done $0x0  }
0x13: {  	[sflag:s13] =	ssyncadd.s32 $0xFFFF8000  }
.LBB2_1:
0x14: {  	s0 =	rddreg [dreg:$0x0]  }
0x15: {  	[tilespmem:s4], [sflag:$0x3] =	stream.linear.gather [hbm4b:s0+s4], $0x80, $0x38;
	[tilespmem:$0x18080] =	vst v63  }
0x16: {  	s28 =	simm.s32 $0x0;
	_ =	swait.ge [sflag:s13], $0x80  }
0x17: {  	s22 =	sand.u32 $0x380, s4;
	s0 =	sand.u32 $0x6000, s28;
	[sflag:s13] =	ssyncset.done $0x0  }
0x18: {  	s0 =	sor.u32 s22, s0;
	[sflag:s13] =	ssyncadd.s32 $0xFFFFFF80  }
0x19: {  	s22 =	sadd.s32 $0x10080, s0;
	[tilespmem:s0+$0x10080] =	vst v0  }
0x1a: {  	[tilespmem:s22+$0x10] =	vst v0  }
0x1b: {  	[tilespmem:s22+$0x20] =	vst v0  }
0x1c: {  	[tilespmem:s22+$0x30] =	vst v0  }
0x1d: {  	[tilespmem:s22+$0x40] =	vst v0  }
0x1e: {  	[tilespmem:s22+$0x50] =	vst v0  }
0x1f: {  	[tilespmem:s22+$0x60] =	vst v0  }
0x20: {  	[tilespmem:s22+$0x70] =	vst v0  }
0x21: {  	[tilespmem:s22+$0x400] =	vst v0  }
0x22: {  	[tilespmem:s22+$0x410] =	vst v0  }
0x23: {  	[tilespmem:s22+$0x420] =	vst v0  }
0x24: {  	[tilespmem:s22+$0x430] =	vst v0  }
0x25: {  	[tilespmem:s22+$0x440] =	vst v0  }
0x26: {  	[tilespmem:s22+$0x450] =	vst v0  }
0x27: {  	[tilespmem:s22+$0x460] =	vst v0  }
0x28: {  	[tilespmem:s22+$0x470] =	vst v0  }
0x29: {  	[tilespmem:s22+$0x800] =	vst v0  }
0x2a: {  	[tilespmem:s22+$0x810] =	vst v0  }
0x2b: {  	[tilespmem:s22+$0x820] =	vst v0  }
0x2c: {  	[tilespmem:s22+$0x830] =	vst v0  }
0x2d: {  	[tilespmem:s22+$0x840] =	vst v0  }
0x2e: {  	[tilespmem:s22+$0x850] =	vst v0  }
0x2f: {  	[tilespmem:s22+$0x860] =	vst v0  }
0x30: {  	[tilespmem:s22+$0x870] =	vst v0  }
0x31: {  	[tilespmem:s22+$0xC00] =	vst v0  }
0x32: {  	[tilespmem:s22+$0xC10] =	vst v0  }
0x33: {  	[tilespmem:s22+$0xC20] =	vst v0  }
0x34: {  	[tilespmem:s22+$0xC30] =	vst v0  }
0x35: {  	[tilespmem:s22+$0xC40] =	vst v0  }
0x36: {  	[tilespmem:s22+$0xC50] =	vst v0  }
0x37: {  	[tilespmem:s22+$0xC60] =	vst v0  }
0x38: {  	[tilespmem:s22+$0xC70] =	vst v0  }
0x39: {  	[tilespmem:s22+$0x1000] =	vst v0  }
0x3a: {  	[tilespmem:s22+$0x1010] =	vst v0  }
0x3b: {  	[tilespmem:s22+$0x1020] =	vst v0  }
0x3c: {  	[tilespmem:s22+$0x1030] =	vst v0  }
0x3d: {  	[tilespmem:s22+$0x1040] =	vst v0  }
0x3e: {  	[tilespmem:s22+$0x1050] =	vst v0  }
0x3f: {  	[tilespmem:s22+$0x1060] =	vst v0  }
0x40: {  	[tilespmem:s22+$0x1070] =	vst v0  }
0x41: {  	[tilespmem:s22+$0x1400] =	vst v0  }
0x42: {  	[tilespmem:s22+$0x1410] =	vst v0  }
0x43: {  	[tilespmem:s22+$0x1420] =	vst v0  }
0x44: {  	[tilespmem:s22+$0x1430] =	vst v0  }
0x45: {  	[tilespmem:s22+$0x1440] =	vst v0  }
0x46: {  	[tilespmem:s22+$0x1450] =	vst v0  }
0x47: {  	[tilespmem:s22+$0x1460] =	vst v0  }
0x48: {  	[tilespmem:s22+$0x1470] =	vst v0  }
0x49: {  	[tilespmem:s22+$0x1800] =	vst v0  }
0x4a: {  	[tilespmem:s22+$0x1810] =	vst v0  }
0x4b: {  	[tilespmem:s22+$0x1820] =	vst v0  }
0x4c: {  	[tilespmem:s22+$0x1830] =	vst v0  }
0x4d: {  	s29 =	sand.u32 $0x7, s4;
	[tilespmem:s22+$0x1840] =	vst v0  }
0x4e: {  	s0 =	sshll.u32 s29, $0x7;
	[tilespmem:s22+$0x1850] =	vst v0  }
0x4f: {  	s26 =	sadd.s32 $0x0, s0;
	[tilespmem:s22+$0x1860] =	vst v0  }
0x50: {  	[tilespmem:s22+$0x1870] =	vst v0;
	s0 =	sor.u32 $0x1C00, s26  }
0x51: {  	s30 =	sor.u32 $0x1C10, s26;
	[tilespmem:s0+$0x10080] =	vst v0  }
0x52: {  	s31 =	sor.u32 $0x1C20, s26;
	[tilespmem:s30+$0x10080] =	vst v0  }
0x53: {  	s24 =	simm.s32 $0x0;
	s25 =	simm.s32 $0x0;
	s23 =	sor.u32 $0x1C30, s26;
	[tilespmem:s31+$0x10080] =	vst v0  }
0x54: {  	s22 =	simm.s32 $0xFFFF8000;
	s0 =	sor.u32 $0x1C40, s26;
	[tilespmem:s23+$0x10080] =	vst v0;
	s23 =	simm.s32 $0x80  }
.LBB2_2:
0x55: {  	p0 =	sne.s32 s23, $0xF80;
	[tilespmem:s0+$0x10080] =	vst v0;
	s0 =	sor.u32 $0x1C50, s26;
	s22 =	sadd.s32 $0x400, s22  }
0x56: {  	s28 =	sadd.s32 $0x8000, s22;
	[tilespmem:s0+$0x10080] =	vst v0;
	s0 =	sor.u32 $0x1C60, s26  }
0x57: {  	s29 =	sand.u32 $0x380, s23;
	s28 =	sand.u32 $0x6000, s28;
	[tilespmem:s0+$0x10080] =	vst v0;
	s0 =	sor.u32 $0x1C70, s26  }
0x58: {  	s26 =	sor.u32 s29, s28;
	[tilespmem:s0+$0x10080] =	vst v0  }
0x59: {  	s0 =	sadd.s32 $0x10080, s26;
	[tilespmem:s26+$0x10080] =	vst v0  }
0x5a: {  	[tilespmem:s0+$0x10] =	vst v0  }
0x5b: {  	[tilespmem:s0+$0x20] =	vst v0  }
0x5c: {  	[tilespmem:s0+$0x30] =	vst v0  }
0x5d: {  	[tilespmem:s0+$0x40] =	vst v0  }
0x5e: {  	[tilespmem:s0+$0x50] =	vst v0  }
0x5f: {  	[tilespmem:s0+$0x60] =	vst v0  }
0x60: {  	[tilespmem:s0+$0x70] =	vst v0  }
0x61: {  	[tilespmem:s0+$0x400] =	vst v0  }
0x62: {  	[tilespmem:s0+$0x410] =	vst v0  }
0x63: {  	[tilespmem:s0+$0x420] =	vst v0  }
0x64: {  	[tilespmem:s0+$0x430] =	vst v0  }
0x65: {  	[tilespmem:s0+$0x440] =	vst v0  }
0x66: {  	[tilespmem:s0+$0x450] =	vst v0  }
0x67: {  	[tilespmem:s0+$0x460] =	vst v0  }
0x68: {  	[tilespmem:s0+$0x470] =	vst v0  }
0x69: {  	[tilespmem:s0+$0x800] =	vst v0  }
0x6a: {  	[tilespmem:s0+$0x810] =	vst v0  }
0x6b: {  	[tilespmem:s0+$0x820] =	vst v0  }
0x6c: {  	[tilespmem:s0+$0x830] =	vst v0  }
0x6d: {  	[tilespmem:s0+$0x840] =	vst v0  }
0x6e: {  	[tilespmem:s0+$0x850] =	vst v0  }
0x6f: {  	[tilespmem:s0+$0x860] =	vst v0  }
0x70: {  	[tilespmem:s0+$0x870] =	vst v0  }
0x71: {  	[tilespmem:s0+$0xC00] =	vst v0  }
0x72: {  	[tilespmem:s0+$0xC10] =	vst v0  }
0x73: {  	[tilespmem:s0+$0xC20] =	vst v0  }
0x74: {  	[tilespmem:s0+$0xC30] =	vst v0  }
0x75: {  	[tilespmem:s0+$0xC40] =	vst v0  }
0x76: {  	[tilespmem:s0+$0xC50] =	vst v0  }
0x77: {  	[tilespmem:s0+$0xC60] =	vst v0  }
0x78: {  	[tilespmem:s0+$0xC70] =	vst v0  }
0x79: {  	[tilespmem:s0+$0x1000] =	vst v0  }
0x7a: {  	[tilespmem:s0+$0x1010] =	vst v0  }
0x7b: {  	[tilespmem:s0+$0x1020] =	vst v0  }
0x7c: {  	[tilespmem:s0+$0x1030] =	vst v0  }
0x7d: {  	[tilespmem:s0+$0x1040] =	vst v0  }
0x7e: {  	[tilespmem:s0+$0x1050] =	vst v0  }
0x7f: {  	[tilespmem:s0+$0x1060] =	vst v0  }
0x80: {  	[tilespmem:s0+$0x1070] =	vst v0  }
0x81: {  	[tilespmem:s0+$0x1400] =	vst v0  }
0x82: {  	[tilespmem:s0+$0x1410] =	vst v0  }
0x83: {  	[tilespmem:s0+$0x1420] =	vst v0  }
0x84: {  	[tilespmem:s0+$0x1430] =	vst v0  }
0x85: {  	[tilespmem:s0+$0x1440] =	vst v0  }
0x86: {  	[tilespmem:s0+$0x1450] =	vst v0  }
0x87: {  	[tilespmem:s0+$0x1460] =	vst v0  }
0x88: {  	[tilespmem:s0+$0x1470] =	vst v0  }
0x89: {  	[tilespmem:s0+$0x1800] =	vst v0  }
0x8a: {  	[tilespmem:s0+$0x1810] =	vst v0  }
0x8b: {  	[tilespmem:s0+$0x1820] =	vst v0  }
0x8c: {  	s24 =	sadd.s32 $0x1, s24;
	[tilespmem:s0+$0x1830] =	vst v0  }
0x8d: {  	s26 =	sand.u32 $0x7, s24;
	[tilespmem:s0+$0x1840] =	vst v0  }
0x8e: {  	s25 =	sadd.s32 $0x400, s25;
	s26 =	sshll.u32 s26, $0x7;
	[tilespmem:s0+$0x1850] =	vst v0  }
0x8f: {  	s26 =	sadd.s32 s26, s25;
	[tilespmem:s0+$0x1860] =	vst v0  }
.Ltmp2:
0x90: {  	[tilespmem:s0+$0x1870] =	vst v0;
	s0 =	sor.u32 $0x1C00, s26;
	(pc) =	sbr.rel @p0 .LBB2_2-.Ltmp2, $4  }
0x91: {  	[tilespmem:s0+$0x10080] =	vst v0;
	s0 =	sor.u32 $0x1C10, s26  }
0x92: {  	[tilespmem:s0+$0x10080] =	vst v0;
	s0 =	sor.u32 $0x1C20, s26  }
0x93: {  	[tilespmem:s0+$0x10080] =	vst v0;
	s0 =	sor.u32 $0x1C30, s26  }
0x94: {  	s23 =	sadd.s32 $0x80, s23;
	[tilespmem:s0+$0x10080] =	vst v0;
	s0 =	sor.u32 $0x1C40, s26  }
0x95: {  	[tilespmem:s0+$0x10080] =	vst v0;
	s28 =	sor.u32 $0x1C50, s26  }
0x96: {  	s29 =	sor.u32 $0x1C60, s26;
	[tilespmem:s28+$0x10080] =	vst v0  }
0x97: {  	s30 =	sor.u32 $0x1C70, s26;
	[tilespmem:s29+$0x10080] =	vst v0  }
0x98: {  	s22 =	simm.s32 $0x0;
	s31 =	simm.s32 $0x80;
	[tilespmem:s30+$0x10080] =	vst v0  }
0x99: {  	[tilespmem:s31], [sflag:$0x1] =	stream.linear.gather [hbm4b:s7+s22], $0x4000, $0x38;
	[tilespmem:$0x18080] =	vst v63  }
0x9a: {  	_ = 	snop  }
0x9b: {  	[tilespmem:s15], [sflag:$0x1] =	stream.linear.gather [hbm4b:s8+s22], $0x4000, $0x38;
	[tilespmem:$0x18080] =	vst v63  }
0x9c: {  	_ = 	snop  }
0x9d: {  	[tilespmem:s16], [sflag:$0x2] =	stream.linear.gather [hbm4b:s9+s22], $0x4000, $0x38;
	[tilespmem:$0x18080] =	vst v63  }
0x9e: {  	s23 =	simm.s32 $0x0  }
0x9f: {  	[tilespmem:s17], [sflag:$0x2] =	stream.linear.gather [hbm4b:s10+s22], $0x4000, $0x38;
	[tilespmem:$0x18080] =	vst v63  }
.LBB2_4:
0xa0: {  	_ =	swait.ge [sflag:s18], $0x4000  }
0xa1: {  	[sflag:s18] =	ssyncset.done $0x0  }
0xa2: {  	[sflag:s18] =	ssyncadd.s32 $0xFFFFC000  }
0xa3: {  	s0 =	sshll.u32 s23, $0x3;
	s25 =	simm.s32 $0x0;
	_ =	swait.ge [sflag:s18], $0x4000  }
0xa4: {  	s1 =	sand.u32 $0x380, s22;
	s0 =	sand.u32 $0x40, s0;
	[sflag:s18] =	ssyncset.done $0x0  }
0xa5: {  	s26 =	sand.u32 $0x6000, s25;
	s24 =	sshrl.u32 s0, $0x2;
	[sflag:s18] =	ssyncadd.s32 $0xFFFFC000  }
0xa6: {  	s26 =	sor.u32 s1, s26;
	v1 =	vld [tilespmem:s24+$0x0]  }
0xa7: {  	v2 =	vld [tilespmem:s26+$0x80]  }
0xa8: {  	v3 =	vld [tilespmem:s26+$0x90]  }
0xa9: {  	v4 =	vld [tilespmem:s26+$0xA0]  }
0xaa: {  	v5 =	vld [tilespmem:s26+$0xB0]  }
0xab: {  	v6 =	vld [tilespmem:s26+$0xC0]  }
0xac: {  	v7 =	vld [tilespmem:s26+$0xD0]  }
0xad: {  	v8 =	vld [tilespmem:s26+$0xE0]  }
0xae: {  	v9 =	vld [tilespmem:s26+$0xF0]  }
0xaf: {  	v10 =	vld [tilespmem:s26+$0x480]  }
0xb0: {  	v11 =	vld [tilespmem:s26+$0x490]  }
0xb1: {  	v12 =	vld [tilespmem:s26+$0x4A0]  }
0xb2: {  	v13 =	vld [tilespmem:s26+$0x4B0]  }
0xb3: {  	v14 =	vld [tilespmem:s26+$0x4C0]  }
0xb4: {  	v15 =	vld [tilespmem:s26+$0x4D0]  }
0xb5: {  	v16 =	vld [tilespmem:s26+$0x4E0]  }
0xb6: {  	v17 =	vld [tilespmem:s26+$0x4F0]  }
0xb7: {  	v18 =	vld [tilespmem:s26+$0x880]  }
0xb8: {  	v19 =	vld [tilespmem:s26+$0x890]  }
0xb9: {  	v20 =	vld [tilespmem:s26+$0x8A0]  }
0xba: {  	v21 =	vld [tilespmem:s26+$0x8B0]  }
0xbb: {  	v22 =	vld [tilespmem:s26+$0x8C0]  }
0xbc: {  	v23 =	vld [tilespmem:s26+$0x8D0]  }
0xbd: {  	v24 =	vld [tilespmem:s26+$0x8E0]  }
0xbe: {  	v25 =	vld [tilespmem:s26+$0x8F0]  }
0xbf: {  	v26 =	vld [tilespmem:s26+$0xC80]  }
0xc0: {  	v27 =	vld [tilespmem:s26+$0xC90]  }
0xc1: {  	v28 =	vld [tilespmem:s26+$0xCA0]  }
0xc2: {  	v29 =	vld [tilespmem:s26+$0xCB0]  }
0xc3: {  	v30 =	vld [tilespmem:s26+$0xCC0]  }
0xc4: {  	v31 =	vld [tilespmem:s26+$0xCD0]  }
0xc5: {  	v32 =	vld [tilespmem:s26+$0xCE0]  }
0xc6: {  	v33 =	vld [tilespmem:s26+$0xCF0]  }
0xc7: {  	v34 =	vld [tilespmem:s26+$0x1080]  }
0xc8: {  	v35 =	vld [tilespmem:s26+$0x1090]  }
0xc9: {  	v36 =	vld [tilespmem:s26+$0x10A0]  }
0xca: {  	v37 =	vld [tilespmem:s26+$0x10B0]  }
0xcb: {  	v38 =	vld [tilespmem:s26+$0x10C0]  }
0xcc: {  	v39 =	vld [tilespmem:s26+$0x10D0]  }
0xcd: {  	v40 =	vld [tilespmem:s26+$0x10E0]  }
0xce: {  	v41 =	vld [tilespmem:s26+$0x10F0]  }
0xcf: {  	v42 =	vld [tilespmem:s26+$0x1480]  }
0xd0: {  	v43 =	vld [tilespmem:s26+$0x1490]  }
0xd1: {  	v44 =	vld [tilespmem:s26+$0x14A0]  }
0xd2: {  	v45 =	vld [tilespmem:s26+$0x14B0]  }
0xd3: {  	v46 =	vld [tilespmem:s26+$0x14C0]  }
0xd4: {  	v47 =	vld [tilespmem:s26+$0x14D0]  }
0xd5: {  	v48 =	vld [tilespmem:s26+$0x14E0]  }
0xd6: {  	v49 =	vld [tilespmem:s26+$0x14F0]  }
0xd7: {  	v50 =	vld [tilespmem:s26+$0x1880]  }
0xd8: {  	s2 =	sshll.u32 s23, $0x1;
	v51 =	vld [tilespmem:s26+$0x1890]  }
0xd9: {  	s25 =	sand.u32 $0xE, s2;
	v52 =	vld [tilespmem:s26+$0x18A0]  }
0xda: {  	v53 =	vmov s25;
	v54 =	vld [tilespmem:s26+$0x18B0]  }
0xdb: {  	v62 =	vld [tilespmem:s26+$0x18C0];
	v1 =	vperm.xlane v1, v53  }
0xdc: {  	v55 =	vld [tilespmem:s26+$0x18D0]  }
0xdd: {  	v56 =	vld [tilespmem:s26+$0x18E0];
	v2 =	vmul.f32 v2, v1  }
0xde: {  	v57 =	vld [tilespmem:s26+$0x18F0];
	v3 =	vmul.f32 v3, v1  }
0xdf: {  	[tilespmem:s26+$0x10080] =	vst.add.f32.msk $0xffff, v2;
	v2 =	vmul.f32 v4, v1  }
0xe0: {  	[tilespmem:s26+$0x10090] =	vst.add.f32.msk $0xffff, v3;
	v3 =	vmul.f32 v5, v1  }
0xe1: {  	[tilespmem:s26+$0x100A0] =	vst.add.f32.msk $0xffff, v2;
	v2 =	vmul.f32 v6, v1  }
0xe2: {  	[tilespmem:s26+$0x100B0] =	vst.add.f32.msk $0xffff, v3;
	v3 =	vmul.f32 v7, v1  }
0xe3: {  	[tilespmem:s26+$0x100C0] =	vst.add.f32.msk $0xffff, v2;
	v2 =	vmul.f32 v8, v1  }
0xe4: {  	[tilespmem:s26+$0x100D0] =	vst.add.f32.msk $0xffff, v3;
	v3 =	vmul.f32 v9, v1  }
0xe5: {  	[tilespmem:s26+$0x100E0] =	vst.add.f32.msk $0xffff, v2;
	v2 =	vmul.f32 v10, v1  }
0xe6: {  	[tilespmem:s26+$0x100F0] =	vst.add.f32.msk $0xffff, v3;
	v3 =	vmul.f32 v11, v1  }
0xe7: {  	[tilespmem:s26+$0x10480] =	vst.add.f32.msk $0xffff, v2;
	v2 =	vmul.f32 v12, v1  }
0xe8: {  	[tilespmem:s26+$0x10490] =	vst.add.f32.msk $0xffff, v3;
	v3 =	vmul.f32 v13, v1  }
0xe9: {  	[tilespmem:s26+$0x104A0] =	vst.add.f32.msk $0xffff, v2;
	v2 =	vmul.f32 v14, v1  }
0xea: {  	[tilespmem:s26+$0x104B0] =	vst.add.f32.msk $0xffff, v3;
	v3 =	vmul.f32 v15, v1  }
0xeb: {  	[tilespmem:s26+$0x104C0] =	vst.add.f32.msk $0xffff, v2;
	v2 =	vmul.f32 v16, v1  }
0xec: {  	[tilespmem:s26+$0x104D0] =	vst.add.f32.msk $0xffff, v3;
	v3 =	vmul.f32 v17, v1  }
0xed: {  	[tilespmem:s26+$0x104E0] =	vst.add.f32.msk $0xffff, v2;
	v2 =	vmul.f32 v18, v1  }
0xee: {  	[tilespmem:s26+$0x104F0] =	vst.add.f32.msk $0xffff, v3;
	v3 =	vmul.f32 v19, v1  }
0xef: {  	[tilespmem:s26+$0x10880] =	vst.add.f32.msk $0xffff, v2;
	v2 =	vmul.f32 v20, v1  }
0xf0: {  	[tilespmem:s26+$0x10890] =	vst.add.f32.msk $0xffff, v3;
	v3 =	vmul.f32 v21, v1  }
0xf1: {  	[tilespmem:s26+$0x108A0] =	vst.add.f32.msk $0xffff, v2;
	v2 =	vmul.f32 v22, v1  }
0xf2: {  	[tilespmem:s26+$0x108B0] =	vst.add.f32.msk $0xffff, v3;
	v3 =	vmul.f32 v23, v1  }
0xf3: {  	[tilespmem:s26+$0x108C0] =	vst.add.f32.msk $0xffff, v2;
	v2 =	vmul.f32 v24, v1  }
0xf4: {  	[tilespmem:s26+$0x108D0] =	vst.add.f32.msk $0xffff, v3;
	v3 =	vmul.f32 v25, v1  }
0xf5: {  	[tilespmem:s26+$0x108E0] =	vst.add.f32.msk $0xffff, v2;
	v2 =	vmul.f32 v26, v1  }
0xf6: {  	[tilespmem:s26+$0x108F0] =	vst.add.f32.msk $0xffff, v3;
	v3 =	vmul.f32 v27, v1  }
0xf7: {  	[tilespmem:s26+$0x10C80] =	vst.add.f32.msk $0xffff, v2;
	v2 =	vmul.f32 v28, v1  }
0xf8: {  	[tilespmem:s26+$0x10C90] =	vst.add.f32.msk $0xffff, v3;
	v3 =	vmul.f32 v29, v1  }
0xf9: {  	[tilespmem:s26+$0x10CA0] =	vst.add.f32.msk $0xffff, v2;
	v2 =	vmul.f32 v30, v1  }
0xfa: {  	[tilespmem:s26+$0x10CB0] =	vst.add.f32.msk $0xffff, v3;
	v3 =	vmul.f32 v31, v1  }
0xfb: {  	[tilespmem:s26+$0x10CC0] =	vst.add.f32.msk $0xffff, v2;
	v2 =	vmul.f32 v32, v1  }
0xfc: {  	[tilespmem:s26+$0x10CD0] =	vst.add.f32.msk $0xffff, v3;
	v3 =	vmul.f32 v33, v1  }
0xfd: {  	[tilespmem:s26+$0x10CE0] =	vst.add.f32.msk $0xffff, v2;
	v2 =	vmul.f32 v34, v1  }
0xfe: {  	[tilespmem:s26+$0x10CF0] =	vst.add.f32.msk $0xffff, v3;
	v3 =	vmul.f32 v35, v1  }
0xff: {  	[tilespmem:s26+$0x11080] =	vst.add.f32.msk $0xffff, v2;
	v2 =	vmul.f32 v36, v1  }
0x100: {  	[tilespmem:s26+$0x11090] =	vst.add.f32.msk $0xffff, v3;
	v3 =	vmul.f32 v37, v1  }
0x101: {  	[tilespmem:s26+$0x110A0] =	vst.add.f32.msk $0xffff, v2;
	v2 =	vmul.f32 v38, v1  }
0x102: {  	[tilespmem:s26+$0x110B0] =	vst.add.f32.msk $0xffff, v3;
	v3 =	vmul.f32 v39, v1  }
0x103: {  	[tilespmem:s26+$0x110C0] =	vst.add.f32.msk $0xffff, v2;
	v2 =	vmul.f32 v40, v1  }
0x104: {  	[tilespmem:s26+$0x110D0] =	vst.add.f32.msk $0xffff, v3;
	v3 =	vmul.f32 v41, v1  }
0x105: {  	[tilespmem:s26+$0x110E0] =	vst.add.f32.msk $0xffff, v2;
	v2 =	vmul.f32 v42, v1  }
0x106: {  	[tilespmem:s26+$0x110F0] =	vst.add.f32.msk $0xffff, v3;
	v3 =	vmul.f32 v43, v1  }
0x107: {  	[tilespmem:s26+$0x11480] =	vst.add.f32.msk $0xffff, v2;
	v2 =	vmul.f32 v44, v1  }
0x108: {  	[tilespmem:s26+$0x11490] =	vst.add.f32.msk $0xffff, v3;
	v3 =	vmul.f32 v45, v1  }
0x109: {  	[tilespmem:s26+$0x114A0] =	vst.add.f32.msk $0xffff, v2;
	v2 =	vmul.f32 v46, v1  }
0x10a: {  	[tilespmem:s26+$0x114B0] =	vst.add.f32.msk $0xffff, v3;
	v3 =	vmul.f32 v47, v1  }
0x10b: {  	[tilespmem:s26+$0x114C0] =	vst.add.f32.msk $0xffff, v2;
	v2 =	vmul.f32 v48, v1  }
0x10c: {  	[tilespmem:s26+$0x114D0] =	vst.add.f32.msk $0xffff, v3;
	v3 =	vmul.f32 v49, v1  }
0x10d: {  	[tilespmem:s26+$0x114E0] =	vst.add.f32.msk $0xffff, v2;
	v2 =	vmul.f32 v50, v1  }
0x10e: {  	[tilespmem:s26+$0x114F0] =	vst.add.f32.msk $0xffff, v3;
	v3 =	vmul.f32 v51, v1  }
0x10f: {  	[tilespmem:s26+$0x11880] =	vst.add.f32.msk $0xffff, v2;
	v2 =	vmul.f32 v52, v1  }
0x110: {  	[tilespmem:s26+$0x11890] =	vst.add.f32.msk $0xffff, v3;
	v3 =	vmul.f32 v54, v1  }
0x111: {  	[tilespmem:s26+$0x118A0] =	vst.add.f32.msk $0xffff, v2;
	v2 =	vmul.f32 v62, v1  }
0x112: {  	[tilespmem:s26+$0x118B0] =	vst.add.f32.msk $0xffff, v3;
	v3 =	vmul.f32 v55, v1  }
0x113: {  	s14 =	sand.u32 $0x7, s22;
	[tilespmem:s26+$0x118C0] =	vst.add.f32.msk $0xffff, v2;
	v2 =	vmul.f32 v56, v1  }
0x114: {  	s0 =	sshll.u32 s14, $0x7;
	[tilespmem:s26+$0x118D0] =	vst.add.f32.msk $0xffff, v3;
	v3 =	vmul.f32 v57, v1  }
0x115: {  	s28 =	simm.s32 $0x80;
	s29 =	simm.s32 $0x400;
	s0 =	sadd.s32 $0x0, s0;
	[tilespmem:s26+$0x118E0] =	vst.add.f32.msk $0xffff, v2  }
0x116: {  	s29 =	sand.u32 $0x6000, s29;
	s28 =	sand.u32 $0x380, s28;
	s30 =	sor.u32 $0x1C00, s0;
	[tilespmem:s26+$0x118F0] =	vst.add.f32.msk $0xffff, v3  }
0x117: {  	s26 =	sor.u32 s28, s29;
	v2 =	vld [tilespmem:s30+$0x80]  }
0x118: {  	v3 =	vld [tilespmem:s26+$0x80]  }
0x119: {  	v10 =	vld [tilespmem:s26+$0x90]  }
0x11a: {  	v11 =	vld [tilespmem:s26+$0xA0]  }
0x11b: {  	v12 =	vld [tilespmem:s26+$0xB0]  }
0x11c: {  	v13 =	vld [tilespmem:s26+$0xC0]  }
0x11d: {  	v14 =	vld [tilespmem:s26+$0xD0]  }
0x11e: {  	v15 =	vld [tilespmem:s26+$0xE0]  }
0x11f: {  	v16 =	vld [tilespmem:s26+$0xF0]  }
0x120: {  	v17 =	vld [tilespmem:s26+$0x480]  }
0x121: {  	v18 =	vld [tilespmem:s26+$0x490]  }
0x122: {  	v19 =	vld [tilespmem:s26+$0x4A0]  }
0x123: {  	v20 =	vld [tilespmem:s26+$0x4B0]  }
0x124: {  	v21 =	vld [tilespmem:s26+$0x4C0]  }
0x125: {  	v22 =	vld [tilespmem:s26+$0x4D0]  }
0x126: {  	v23 =	vld [tilespmem:s26+$0x4E0]  }
0x127: {  	v24 =	vld [tilespmem:s26+$0x4F0]  }
0x128: {  	v25 =	vld [tilespmem:s26+$0x880]  }
0x129: {  	v26 =	vld [tilespmem:s26+$0x890]  }
0x12a: {  	v27 =	vld [tilespmem:s26+$0x8A0]  }
0x12b: {  	v28 =	vld [tilespmem:s26+$0x8B0]  }
0x12c: {  	v29 =	vld [tilespmem:s26+$0x8C0]  }
0x12d: {  	v30 =	vld [tilespmem:s26+$0x8D0]  }
0x12e: {  	v31 =	vld [tilespmem:s26+$0x8E0]  }
0x12f: {  	v32 =	vld [tilespmem:s26+$0x8F0]  }
0x130: {  	v33 =	vld [tilespmem:s26+$0xC80]  }
0x131: {  	v34 =	vld [tilespmem:s26+$0xC90]  }
0x132: {  	v35 =	vld [tilespmem:s26+$0xCA0]  }
0x133: {  	v36 =	vld [tilespmem:s26+$0xCB0]  }
0x134: {  	v37 =	vld [tilespmem:s26+$0xCC0]  }
0x135: {  	v38 =	vld [tilespmem:s26+$0xCD0]  }
0x136: {  	v39 =	vld [tilespmem:s26+$0xCE0]  }
0x137: {  	v40 =	vld [tilespmem:s26+$0xCF0]  }
0x138: {  	v41 =	vld [tilespmem:s26+$0x1080]  }
0x139: {  	v42 =	vld [tilespmem:s26+$0x1090]  }
0x13a: {  	v43 =	vld [tilespmem:s26+$0x10A0]  }
0x13b: {  	v44 =	vld [tilespmem:s26+$0x10B0]  }
0x13c: {  	v45 =	vld [tilespmem:s26+$0x10C0]  }
0x13d: {  	v46 =	vld [tilespmem:s26+$0x10D0]  }
0x13e: {  	v47 =	vld [tilespmem:s26+$0x10E0]  }
0x13f: {  	v48 =	vld [tilespmem:s26+$0x10F0]  }
0x140: {  	v49 =	vld [tilespmem:s26+$0x1480]  }
0x141: {  	v50 =	vld [tilespmem:s26+$0x1490]  }
0x142: {  	v51 =	vld [tilespmem:s26+$0x14A0]  }
0x143: {  	v52 =	vld [tilespmem:s26+$0x14B0]  }
0x144: {  	v53 =	vld [tilespmem:s26+$0x14C0]  }
0x145: {  	v63 =	vld [tilespmem:s26+$0x14D0]  }
0x146: {  	v60 =	vld [tilespmem:s26+$0x14E0]  }
0x147: {  	v61 =	vld [tilespmem:s26+$0x14F0]  }
0x148: {  	v9 =	vld [tilespmem:s26+$0x1880]  }
0x149: {  	v8 =	vld [tilespmem:s26+$0x1890]  }
0x14a: {  	v7 =	vld [tilespmem:s26+$0x18A0]  }
0x14b: {  	v6 =	vld [tilespmem:s26+$0x18B0]  }
0x14c: {  	v5 =	vld [tilespmem:s26+$0x18C0]  }
0x14d: {  	v4 =	vld [tilespmem:s26+$0x18D0];
	v2 =	vmul.f32 v2, v1  }
0x14e: {  	v62 =	vmul.f32 v3, v1;
	v3 =	vld [tilespmem:s26+$0x18E0]  }
0x14f: {  	v10 =	vmul.f32 v10, v1;
	[tilespmem:s30+$0x10080] =	vst.add.f32.msk $0xffff, v2  }
0x150: {  	v11 =	vmul.f32 v11, v1;
	[tilespmem:s26+$0x10080] =	vst.add.f32.msk $0xffff, v62  }
0x151: {  	v63 =	vmul.f32 v63, v1;
	[tilespmem:s26+$0x10090] =	vst.add.f32.msk $0xffff, v10  }
0x152: {  	[tilespmem:s26+$0x100A0] =	vst.add.f32.msk $0xffff, v11  }
0x153: {  	s28 =	sor.u32 $0x1C10, s0;
	v10 =	vmul.f32 v12, v1;
	[tilespmem:s26+$0x114D0] =	vst.add.f32.msk $0xffff, v63  }
0x154: {  	v11 =	vmul.f32 v13, v1;
	v2 =	vld [tilespmem:s28+$0x80]  }
0x155: {  	[tilespmem:s26+$0x100B0] =	vst.add.f32.msk $0xffff, v10;
	v10 =	vmul.f32 v14, v1  }
0x156: {  	[tilespmem:s26+$0x100C0] =	vst.add.f32.msk $0xffff, v11;
	v11 =	vmul.f32 v15, v1  }
0x157: {  	[tilespmem:s26+$0x100D0] =	vst.add.f32.msk $0xffff, v10;
	v10 =	vmul.f32 v16, v1  }
0x158: {  	[tilespmem:s26+$0x100E0] =	vst.add.f32.msk $0xffff, v11;
	v11 =	vmul.f32 v17, v1  }
0x159: {  	v2 =	vmul.f32 v2, v1;
	[tilespmem:s26+$0x100F0] =	vst.add.f32.msk $0xffff, v10  }
0x15a: {  	[tilespmem:s26+$0x10480] =	vst.add.f32.msk $0xffff, v11  }
0x15b: {  	v10 =	vmul.f32 v18, v1;
	[tilespmem:s28+$0x10080] =	vst.add.f32.msk $0xffff, v2;
	s28 =	sor.u32 $0x1C20, s0  }
0x15c: {  	v11 =	vmul.f32 v19, v1;
	v2 =	vld [tilespmem:s28+$0x80]  }
0x15d: {  	[tilespmem:s26+$0x10490] =	vst.add.f32.msk $0xffff, v10;
	v10 =	vmul.f32 v20, v1  }
0x15e: {  	[tilespmem:s26+$0x104A0] =	vst.add.f32.msk $0xffff, v11;
	v11 =	vmul.f32 v21, v1  }
0x15f: {  	[tilespmem:s26+$0x104B0] =	vst.add.f32.msk $0xffff, v10;
	v10 =	vmul.f32 v22, v1  }
0x160: {  	[tilespmem:s26+$0x104C0] =	vst.add.f32.msk $0xffff, v11;
	v11 =	vmul.f32 v23, v1  }
0x161: {  	[tilespmem:s26+$0x104D0] =	vst.add.f32.msk $0xffff, v10;
	v2 =	vmul.f32 v2, v1  }
0x162: {  	[tilespmem:s26+$0x104E0] =	vst.add.f32.msk $0xffff, v11  }
0x163: {  	v10 =	vmul.f32 v24, v1;
	[tilespmem:s28+$0x10080] =	vst.add.f32.msk $0xffff, v2;
	s28 =	sor.u32 $0x1C30, s0  }
0x164: {  	v11 =	vmul.f32 v25, v1;
	v2 =	vld [tilespmem:s28+$0x80]  }
0x165: {  	[tilespmem:s26+$0x104F0] =	vst.add.f32.msk $0xffff, v10;
	v10 =	vmul.f32 v26, v1  }
0x166: {  	[tilespmem:s26+$0x10880] =	vst.add.f32.msk $0xffff, v11;
	v11 =	vmul.f32 v27, v1  }
0x167: {  	[tilespmem:s26+$0x10890] =	vst.add.f32.msk $0xffff, v10;
	v10 =	vmul.f32 v28, v1  }
0x168: {  	[tilespmem:s26+$0x108A0] =	vst.add.f32.msk $0xffff, v11;
	v11 =	vmul.f32 v29, v1  }
0x169: {  	[tilespmem:s26+$0x108B0] =	vst.add.f32.msk $0xffff, v10;
	v2 =	vmul.f32 v2, v1  }
0x16a: {  	[tilespmem:s26+$0x108C0] =	vst.add.f32.msk $0xffff, v11  }
0x16b: {  	v10 =	vmul.f32 v30, v1;
	[tilespmem:s28+$0x10080] =	vst.add.f32.msk $0xffff, v2;
	s28 =	sor.u32 $0x1C40, s0  }
0x16c: {  	v11 =	vmul.f32 v31, v1;
	v2 =	vld [tilespmem:s28+$0x80]  }
0x16d: {  	[tilespmem:s26+$0x108D0] =	vst.add.f32.msk $0xffff, v10;
	v10 =	vmul.f32 v32, v1  }
0x16e: {  	[tilespmem:s26+$0x108E0] =	vst.add.f32.msk $0xffff, v11;
	v11 =	vmul.f32 v33, v1  }
0x16f: {  	[tilespmem:s26+$0x108F0] =	vst.add.f32.msk $0xffff, v10;
	v10 =	vmul.f32 v34, v1  }
0x170: {  	[tilespmem:s26+$0x10C80] =	vst.add.f32.msk $0xffff, v11;
	v11 =	vmul.f32 v35, v1  }
0x171: {  	[tilespmem:s26+$0x10C90] =	vst.add.f32.msk $0xffff, v10;
	v2 =	vmul.f32 v2, v1  }
0x172: {  	[tilespmem:s26+$0x10CA0] =	vst.add.f32.msk $0xffff, v11  }
0x173: {  	v10 =	vmul.f32 v36, v1;
	[tilespmem:s28+$0x10080] =	vst.add.f32.msk $0xffff, v2;
	s28 =	sor.u32 $0x1C50, s0  }
0x174: {  	v11 =	vmul.f32 v37, v1;
	v2 =	vld [tilespmem:s28+$0x80]  }
0x175: {  	[tilespmem:s26+$0x10CB0] =	vst.add.f32.msk $0xffff, v10;
	v10 =	vmul.f32 v38, v1  }
0x176: {  	[tilespmem:s26+$0x10CC0] =	vst.add.f32.msk $0xffff, v11;
	v11 =	vmul.f32 v39, v1  }
0x177: {  	[tilespmem:s26+$0x10CD0] =	vst.add.f32.msk $0xffff, v10;
	v10 =	vmul.f32 v40, v1  }
0x178: {  	[tilespmem:s26+$0x10CE0] =	vst.add.f32.msk $0xffff, v11;
	v11 =	vmul.f32 v41, v1  }
0x179: {  	[tilespmem:s26+$0x10CF0] =	vst.add.f32.msk $0xffff, v10;
	v2 =	vmul.f32 v2, v1  }
0x17a: {  	[tilespmem:s26+$0x11080] =	vst.add.f32.msk $0xffff, v11  }
0x17b: {  	v10 =	vmul.f32 v42, v1;
	[tilespmem:s28+$0x10080] =	vst.add.f32.msk $0xffff, v2;
	s28 =	sor.u32 $0x1C60, s0  }
0x17c: {  	v11 =	vmul.f32 v43, v1;
	v2 =	vld [tilespmem:s28+$0x80]  }
0x17d: {  	[tilespmem:s26+$0x11090] =	vst.add.f32.msk $0xffff, v10;
	v10 =	vmul.f32 v44, v1  }
0x17e: {  	[tilespmem:s26+$0x110A0] =	vst.add.f32.msk $0xffff, v11;
	v11 =	vmul.f32 v45, v1  }
0x17f: {  	[tilespmem:s26+$0x110B0] =	vst.add.f32.msk $0xffff, v10;
	v10 =	vmul.f32 v46, v1  }
0x180: {  	[tilespmem:s26+$0x110C0] =	vst.add.f32.msk $0xffff, v11;
	v11 =	vmul.f32 v47, v1  }
0x181: {  	[tilespmem:s26+$0x110D0] =	vst.add.f32.msk $0xffff, v10;
	v2 =	vmul.f32 v2, v1  }
0x182: {  	[tilespmem:s26+$0x110E0] =	vst.add.f32.msk $0xffff, v11  }
0x183: {  	v10 =	vmul.f32 v48, v1;
	s0 =	sor.u32 $0x1C70, s0;
	[tilespmem:s28+$0x10080] =	vst.add.f32.msk $0xffff, v2  }
0x184: {  	v11 =	vmul.f32 v49, v1;
	v2 =	vld [tilespmem:s0+$0x80]  }
0x185: {  	[tilespmem:s26+$0x110F0] =	vst.add.f32.msk $0xffff, v10;
	v10 =	vmul.f32 v50, v1  }
0x186: {  	[tilespmem:s26+$0x11480] =	vst.add.f32.msk $0xffff, v11;
	v11 =	vmul.f32 v51, v1  }
0x187: {  	[tilespmem:s26+$0x11490] =	vst.add.f32.msk $0xffff, v10;
	v10 =	vmul.f32 v52, v1  }
0x188: {  	[tilespmem:s26+$0x114A0] =	vst.add.f32.msk $0xffff, v11;
	v11 =	vmul.f32 v53, v1  }
0x189: {  	[tilespmem:s26+$0x114B0] =	vst.add.f32.msk $0xffff, v10;
	v2 =	vmul.f32 v2, v1  }
0x18a: {  	[tilespmem:s26+$0x114C0] =	vst.add.f32.msk $0xffff, v11  }
0x18b: {  	s31 =	simm.s32 $0x100;
	v10 =	vmul.f32 v60, v1;
	[tilespmem:s0+$0x10080] =	vst.add.f32.msk $0xffff, v2  }
0x18c: {  	s29 =	simm.s32 $0x0;
	s30 =	simm.s32 $0xFFFF8400;
	v11 =	vmul.f32 v61, v1;
	s28 =	simm.s32 $0x0;
	v2 =	vld [tilespmem:s26+$0x18F0]  }
.LBB2_5:
0x18d: {  	p0 =	sne.s32 s31, $0xF80;
	[tilespmem:s26+$0x114E0] =	vst.add.f32.msk $0xffff, v10;
	v9 =	vmul.f32 v9, v1  }
0x18e: {  	v8 =	vmul.f32 v8, v1;
	[tilespmem:s26+$0x114F0] =	vst.add.f32.msk $0xffff, v11  }
0x18f: {  	v7 =	vmul.f32 v7, v1;
	[tilespmem:s26+$0x11880] =	vst.add.f32.msk $0xffff, v9  }
0x190: {  	v6 =	vmul.f32 v6, v1;
	[tilespmem:s26+$0x11890] =	vst.add.f32.msk $0xffff, v8  }
0x191: {  	v5 =	vmul.f32 v5, v1;
	[tilespmem:s26+$0x118A0] =	vst.add.f32.msk $0xffff, v7  }
0x192: {  	v4 =	vmul.f32 v4, v1;
	s29 =	sadd.s32 $0x1, s29;
	[tilespmem:s26+$0x118B0] =	vst.add.f32.msk $0xffff, v6  }
0x193: {  	v3 =	vmul.f32 v3, v1;
	s0 =	sand.u32 $0x7, s29;
	[tilespmem:s26+$0x118C0] =	vst.add.f32.msk $0xffff, v5  }
0x194: {  	v2 =	vmul.f32 v2, v1;
	s30 =	sadd.s32 $0x400, s30;
	s28 =	sadd.s32 $0x400, s28;
	s0 =	sshll.u32 s0, $0x7;
	[tilespmem:s26+$0x118D0] =	vst.add.f32.msk $0xffff, v4  }
0x195: {  	s2 =	sadd.s32 $0x8000, s30;
	s0 =	sadd.s32 s0, s28;
	[tilespmem:s26+$0x118E0] =	vst.add.f32.msk $0xffff, v3  }
0x196: {  	s1 =	sand.u32 $0x380, s31;
	s2 =	sand.u32 $0x6000, s2;
	s14 =	sor.u32 $0x1C00, s0;
	[tilespmem:s26+$0x118F0] =	vst.add.f32.msk $0xffff, v2  }
0x197: {  	s26 =	sor.u32 s1, s2;
	v4 =	vld [tilespmem:s14+$0x80]  }
0x198: {  	v3 =	vld [tilespmem:s26+$0x80]  }
0x199: {  	v2 =	vld [tilespmem:s26+$0x90]  }
0x19a: {  	v34 =	vld [tilespmem:s26+$0xA0]  }
0x19b: {  	v26 =	vld [tilespmem:s26+$0xB0]  }
0x19c: {  	v10 =	vld [tilespmem:s26+$0xC0];
	v4 =	vmul.f32 v4, v1  }
0x19d: {  	v11 =	vld [tilespmem:s26+$0xD0]  }
0x19e: {  	s1 =	sor.u32 $0x1C10, s0;
	[tilespmem:s14+$0x10080] =	vst.add.f32.msk $0xffff, v4  }
0x19f: {  	v4 =	vld [tilespmem:s1+$0x80]  }
0x1a0: {  	v49 =	vld [tilespmem:s26+$0xE0]  }
0x1a1: {  	v42 =	vld [tilespmem:s26+$0xF0]  }
0x1a2: {  	v35 =	vld [tilespmem:s26+$0x480]  }
0x1a3: {  	v27 =	vld [tilespmem:s26+$0x490]  }
0x1a4: {  	v12 =	vld [tilespmem:s26+$0x4A0];
	v4 =	vmul.f32 v4, v1  }
0x1a5: {  	v13 =	vld [tilespmem:s26+$0x4B0]  }
0x1a6: {  	[tilespmem:s1+$0x10080] =	vst.add.f32.msk $0xffff, v4;
	s1 =	sor.u32 $0x1C20, s0  }
0x1a7: {  	v4 =	vld [tilespmem:s1+$0x80]  }
0x1a8: {  	v50 =	vld [tilespmem:s26+$0x4C0]  }
0x1a9: {  	v43 =	vld [tilespmem:s26+$0x4D0]  }
0x1aa: {  	v36 =	vld [tilespmem:s26+$0x4E0]  }
0x1ab: {  	v28 =	vld [tilespmem:s26+$0x4F0]  }
0x1ac: {  	v14 =	vld [tilespmem:s26+$0x880];
	v4 =	vmul.f32 v4, v1  }
0x1ad: {  	v15 =	vld [tilespmem:s26+$0x890]  }
0x1ae: {  	[tilespmem:s1+$0x10080] =	vst.add.f32.msk $0xffff, v4;
	s1 =	sor.u32 $0x1C30, s0  }
0x1af: {  	v4 =	vld [tilespmem:s1+$0x80]  }
0x1b0: {  	v51 =	vld [tilespmem:s26+$0x8A0]  }
0x1b1: {  	v44 =	vld [tilespmem:s26+$0x8B0]  }
0x1b2: {  	v37 =	vld [tilespmem:s26+$0x8C0]  }
0x1b3: {  	v29 =	vld [tilespmem:s26+$0x8D0]  }
0x1b4: {  	v16 =	vld [tilespmem:s26+$0x8E0];
	v4 =	vmul.f32 v4, v1  }
0x1b5: {  	v17 =	vld [tilespmem:s26+$0x8F0]  }
0x1b6: {  	[tilespmem:s1+$0x10080] =	vst.add.f32.msk $0xffff, v4;
	s1 =	sor.u32 $0x1C40, s0  }
0x1b7: {  	v4 =	vld [tilespmem:s1+$0x80]  }
0x1b8: {  	v52 =	vld [tilespmem:s26+$0xC80]  }
0x1b9: {  	v45 =	vld [tilespmem:s26+$0xC90]  }
0x1ba: {  	v38 =	vld [tilespmem:s26+$0xCA0]  }
0x1bb: {  	v30 =	vld [tilespmem:s26+$0xCB0]  }
0x1bc: {  	v18 =	vld [tilespmem:s26+$0xCC0];
	v4 =	vmul.f32 v4, v1  }
0x1bd: {  	v19 =	vld [tilespmem:s26+$0xCD0]  }
0x1be: {  	[tilespmem:s1+$0x10080] =	vst.add.f32.msk $0xffff, v4;
	s1 =	sor.u32 $0x1C50, s0  }
0x1bf: {  	v4 =	vld [tilespmem:s1+$0x80]  }
0x1c0: {  	v53 =	vld [tilespmem:s26+$0xCE0]  }
0x1c1: {  	v46 =	vld [tilespmem:s26+$0xCF0]  }
0x1c2: {  	v39 =	vld [tilespmem:s26+$0x1080]  }
0x1c3: {  	v31 =	vld [tilespmem:s26+$0x1090]  }
0x1c4: {  	v20 =	vld [tilespmem:s26+$0x10A0];
	v4 =	vmul.f32 v4, v1  }
0x1c5: {  	v21 =	vld [tilespmem:s26+$0x10B0]  }
0x1c6: {  	[tilespmem:s1+$0x10080] =	vst.add.f32.msk $0xffff, v4;
	s1 =	sor.u32 $0x1C60, s0  }
0x1c7: {  	v4 =	vld [tilespmem:s1+$0x80]  }
0x1c8: {  	v54 =	vld [tilespmem:s26+$0x10C0]  }
0x1c9: {  	v47 =	vld [tilespmem:s26+$0x10D0]  }
0x1ca: {  	v40 =	vld [tilespmem:s26+$0x10E0]  }
0x1cb: {  	v32 =	vld [tilespmem:s26+$0x10F0]  }
0x1cc: {  	v22 =	vld [tilespmem:s26+$0x1480];
	v4 =	vmul.f32 v4, v1  }
0x1cd: {  	v23 =	vld [tilespmem:s26+$0x1490]  }
0x1ce: {  	s0 =	sor.u32 $0x1C70, s0;
	[tilespmem:s1+$0x10080] =	vst.add.f32.msk $0xffff, v4  }
0x1cf: {  	v4 =	vld [tilespmem:s0+$0x80]  }
0x1d0: {  	v55 =	vld [tilespmem:s26+$0x14A0]  }
0x1d1: {  	v48 =	vld [tilespmem:s26+$0x14B0]  }
0x1d2: {  	v41 =	vld [tilespmem:s26+$0x14C0]  }
0x1d3: {  	v33 =	vld [tilespmem:s26+$0x14D0]  }
0x1d4: {  	v24 =	vld [tilespmem:s26+$0x14E0];
	v4 =	vmul.f32 v4, v1  }
0x1d5: {  	v25 =	vld [tilespmem:s26+$0x14F0]  }
0x1d6: {  	[tilespmem:s0+$0x10080] =	vst.add.f32.msk $0xffff, v4  }
0x1d7: {  	v9 =	vld [tilespmem:s26+$0x1880]  }
0x1d8: {  	v8 =	vld [tilespmem:s26+$0x1890]  }
0x1d9: {  	v7 =	vld [tilespmem:s26+$0x18A0]  }
0x1da: {  	v6 =	vld [tilespmem:s26+$0x18B0]  }
0x1db: {  	v5 =	vld [tilespmem:s26+$0x18C0]  }
0x1dc: {  	v4 =	vld [tilespmem:s26+$0x18D0]  }
0x1dd: {  	v56 =	vmul.f32 v3, v1;
	v3 =	vld [tilespmem:s26+$0x18E0]  }
0x1de: {  	v57 =	vmul.f32 v2, v1;
	v2 =	vld [tilespmem:s26+$0x18F0]  }
0x1df: {  	v34 =	vmul.f32 v34, v1;
	[tilespmem:s26+$0x10080] =	vst.add.f32.msk $0xffff, v56  }
0x1e0: {  	v26 =	vmul.f32 v26, v1;
	[tilespmem:s26+$0x10090] =	vst.add.f32.msk $0xffff, v57  }
0x1e1: {  	v10 =	vmul.f32 v10, v1;
	[tilespmem:s26+$0x100A0] =	vst.add.f32.msk $0xffff, v34  }
0x1e2: {  	v11 =	vmul.f32 v11, v1;
	[tilespmem:s26+$0x100B0] =	vst.add.f32.msk $0xffff, v26  }
0x1e3: {  	[tilespmem:s26+$0x100C0] =	vst.add.f32.msk $0xffff, v10;
	v10 =	vmul.f32 v49, v1  }
0x1e4: {  	[tilespmem:s26+$0x100D0] =	vst.add.f32.msk $0xffff, v11;
	v11 =	vmul.f32 v42, v1  }
0x1e5: {  	[tilespmem:s26+$0x100E0] =	vst.add.f32.msk $0xffff, v10;
	v10 =	vmul.f32 v35, v1  }
0x1e6: {  	[tilespmem:s26+$0x100F0] =	vst.add.f32.msk $0xffff, v11;
	v11 =	vmul.f32 v27, v1  }
0x1e7: {  	[tilespmem:s26+$0x10480] =	vst.add.f32.msk $0xffff, v10;
	v10 =	vmul.f32 v12, v1  }
0x1e8: {  	[tilespmem:s26+$0x10490] =	vst.add.f32.msk $0xffff, v11;
	v11 =	vmul.f32 v13, v1  }
0x1e9: {  	[tilespmem:s26+$0x104A0] =	vst.add.f32.msk $0xffff, v10;
	v10 =	vmul.f32 v50, v1  }
0x1ea: {  	[tilespmem:s26+$0x104B0] =	vst.add.f32.msk $0xffff, v11;
	v11 =	vmul.f32 v43, v1  }
0x1eb: {  	[tilespmem:s26+$0x104C0] =	vst.add.f32.msk $0xffff, v10;
	v10 =	vmul.f32 v36, v1  }
0x1ec: {  	[tilespmem:s26+$0x104D0] =	vst.add.f32.msk $0xffff, v11;
	v11 =	vmul.f32 v28, v1  }
0x1ed: {  	[tilespmem:s26+$0x104E0] =	vst.add.f32.msk $0xffff, v10;
	v10 =	vmul.f32 v14, v1  }
0x1ee: {  	[tilespmem:s26+$0x104F0] =	vst.add.f32.msk $0xffff, v11;
	v11 =	vmul.f32 v15, v1  }
0x1ef: {  	[tilespmem:s26+$0x10880] =	vst.add.f32.msk $0xffff, v10;
	v10 =	vmul.f32 v51, v1  }
0x1f0: {  	[tilespmem:s26+$0x10890] =	vst.add.f32.msk $0xffff, v11;
	v11 =	vmul.f32 v44, v1  }
0x1f1: {  	[tilespmem:s26+$0x108A0] =	vst.add.f32.msk $0xffff, v10;
	v10 =	vmul.f32 v37, v1  }
0x1f2: {  	[tilespmem:s26+$0x108B0] =	vst.add.f32.msk $0xffff, v11;
	v11 =	vmul.f32 v29, v1  }
0x1f3: {  	[tilespmem:s26+$0x108C0] =	vst.add.f32.msk $0xffff, v10;
	v10 =	vmul.f32 v16, v1  }
0x1f4: {  	[tilespmem:s26+$0x108D0] =	vst.add.f32.msk $0xffff, v11;
	v11 =	vmul.f32 v17, v1  }
0x1f5: {  	[tilespmem:s26+$0x108E0] =	vst.add.f32.msk $0xffff, v10;
	v10 =	vmul.f32 v52, v1  }
0x1f6: {  	[tilespmem:s26+$0x108F0] =	vst.add.f32.msk $0xffff, v11;
	v11 =	vmul.f32 v45, v1  }
0x1f7: {  	[tilespmem:s26+$0x10C80] =	vst.add.f32.msk $0xffff, v10;
	v10 =	vmul.f32 v38, v1  }
0x1f8: {  	[tilespmem:s26+$0x10C90] =	vst.add.f32.msk $0xffff, v11;
	v11 =	vmul.f32 v30, v1  }
0x1f9: {  	[tilespmem:s26+$0x10CA0] =	vst.add.f32.msk $0xffff, v10;
	v10 =	vmul.f32 v18, v1  }
0x1fa: {  	[tilespmem:s26+$0x10CB0] =	vst.add.f32.msk $0xffff, v11;
	v11 =	vmul.f32 v19, v1  }
0x1fb: {  	[tilespmem:s26+$0x10CC0] =	vst.add.f32.msk $0xffff, v10;
	v10 =	vmul.f32 v53, v1  }
0x1fc: {  	[tilespmem:s26+$0x10CD0] =	vst.add.f32.msk $0xffff, v11;
	v11 =	vmul.f32 v46, v1  }
0x1fd: {  	[tilespmem:s26+$0x10CE0] =	vst.add.f32.msk $0xffff, v10;
	v10 =	vmul.f32 v39, v1  }
0x1fe: {  	[tilespmem:s26+$0x10CF0] =	vst.add.f32.msk $0xffff, v11;
	v11 =	vmul.f32 v31, v1  }
0x1ff: {  	[tilespmem:s26+$0x11080] =	vst.add.f32.msk $0xffff, v10;
	v10 =	vmul.f32 v20, v1  }
0x200: {  	[tilespmem:s26+$0x11090] =	vst.add.f32.msk $0xffff, v11;
	v11 =	vmul.f32 v21, v1  }
0x201: {  	[tilespmem:s26+$0x110A0] =	vst.add.f32.msk $0xffff, v10;
	v10 =	vmul.f32 v54, v1  }
0x202: {  	[tilespmem:s26+$0x110B0] =	vst.add.f32.msk $0xffff, v11;
	v11 =	vmul.f32 v47, v1  }
0x203: {  	[tilespmem:s26+$0x110C0] =	vst.add.f32.msk $0xffff, v10;
	v10 =	vmul.f32 v40, v1  }
0x204: {  	[tilespmem:s26+$0x110D0] =	vst.add.f32.msk $0xffff, v11;
	v11 =	vmul.f32 v32, v1  }
0x205: {  	[tilespmem:s26+$0x110E0] =	vst.add.f32.msk $0xffff, v10;
	v10 =	vmul.f32 v22, v1  }
0x206: {  	[tilespmem:s26+$0x110F0] =	vst.add.f32.msk $0xffff, v11;
	v11 =	vmul.f32 v23, v1  }
0x207: {  	[tilespmem:s26+$0x11480] =	vst.add.f32.msk $0xffff, v10;
	v10 =	vmul.f32 v55, v1  }
.Ltmp3:
0x208: {  	[tilespmem:s26+$0x11490] =	vst.add.f32.msk $0xffff, v11;
	v11 =	vmul.f32 v48, v1;
	(pc) =	sbr.rel @p0 .LBB2_5-.Ltmp3, $4  }
0x209: {  	[tilespmem:s26+$0x114A0] =	vst.add.f32.msk $0xffff, v10;
	v10 =	vmul.f32 v41, v1  }
0x20a: {  	[tilespmem:s26+$0x114B0] =	vst.add.f32.msk $0xffff, v11;
	v11 =	vmul.f32 v33, v1  }
0x20b: {  	[tilespmem:s26+$0x114C0] =	vst.add.f32.msk $0xffff, v10;
	v10 =	vmul.f32 v24, v1  }
0x20c: {  	s31 =	sadd.s32 $0x80, s31;
	[tilespmem:s26+$0x114D0] =	vst.add.f32.msk $0xffff, v11;
	v11 =	vmul.f32 v25, v1  }
0x20d: {  	[tilespmem:s26+$0x114E0] =	vst.add.f32.msk $0xffff, v10;
	v9 =	vmul.f32 v9, v1  }
0x20e: {  	v8 =	vmul.f32 v8, v1;
	[tilespmem:s26+$0x114F0] =	vst.add.f32.msk $0xffff, v11  }
0x20f: {  	v7 =	vmul.f32 v7, v1;
	[tilespmem:s26+$0x11880] =	vst.add.f32.msk $0xffff, v9  }
0x210: {  	v6 =	vmul.f32 v6, v1;
	[tilespmem:s26+$0x11890] =	vst.add.f32.msk $0xffff, v8  }
0x211: {  	v5 =	vmul.f32 v5, v1;
	[tilespmem:s26+$0x118A0] =	vst.add.f32.msk $0xffff, v7  }
0x212: {  	v4 =	vmul.f32 v4, v1;
	s0 =	sadd.s32 $0x1, s29;
	[tilespmem:s26+$0x118B0] =	vst.add.f32.msk $0xffff, v6  }
0x213: {  	v3 =	vmul.f32 v3, v1;
	s0 =	sand.u32 $0x7, s0;
	[tilespmem:s26+$0x118C0] =	vst.add.f32.msk $0xffff, v5  }
0x214: {  	v2 =	vmul.f32 v2, v1;
	s1 =	sadd.s32 $0x400, s28;
	s0 =	sshll.u32 s0, $0x7;
	[tilespmem:s26+$0x118D0] =	vst.add.f32.msk $0xffff, v4  }
0x215: {  	[tilespmem:s26+$0x118E0] =	vst.add.f32.msk $0xffff, v3;
	s0 =	sadd.s32 s0, s1  }
0x216: {  	[tilespmem:s26+$0x118F0] =	vst.add.f32.msk $0xffff, v2;
	s1 =	sor.u32 $0x1C00, s0  }
0x217: {  	v2 =	vld [tilespmem:s1+$0x80];
	_ =	sdelay $0x4  }
0x218: {  	v2 =	vmul.f32 v2, v1;
	_ =	sdelay $0x1  }
0x219: {  	s2 =	sor.u32 $0x1C10, s0;
	[tilespmem:s1+$0x10080] =	vst.add.f32.msk $0xffff, v2  }
0x21a: {  	v2 =	vld [tilespmem:s2+$0x80];
	_ =	sdelay $0x4  }
0x21b: {  	v2 =	vmul.f32 v2, v1;
	_ =	sdelay $0x1  }
0x21c: {  	s14 =	sor.u32 $0x1C20, s0;
	[tilespmem:s2+$0x10080] =	vst.add.f32.msk $0xffff, v2  }
0x21d: {  	v2 =	vld [tilespmem:s14+$0x80];
	_ =	sdelay $0x4  }
0x21e: {  	v2 =	vmul.f32 v2, v1;
	_ =	sdelay $0x1  }
0x21f: {  	s26 =	sor.u32 $0x1C30, s0;
	[tilespmem:s14+$0x10080] =	vst.add.f32.msk $0xffff, v2  }
0x220: {  	v2 =	vld [tilespmem:s26+$0x80];
	_ =	sdelay $0x4  }
0x221: {  	v2 =	vmul.f32 v2, v1;
	_ =	sdelay $0x1  }
0x222: {  	s30 =	sor.u32 $0x1C40, s0;
	[tilespmem:s26+$0x10080] =	vst.add.f32.msk $0xffff, v2  }
0x223: {  	v2 =	vld [tilespmem:s30+$0x80];
	_ =	sdelay $0x4  }
0x224: {  	v2 =	vmul.f32 v2, v1;
	_ =	sdelay $0x1  }
0x225: {  	s31 =	sor.u32 $0x1C50, s0;
	[tilespmem:s30+$0x10080] =	vst.add.f32.msk $0xffff, v2  }
0x226: {  	v2 =	vld [tilespmem:s31+$0x80];
	_ =	sdelay $0x4  }
0x227: {  	v2 =	vmul.f32 v2, v1;
	_ =	sdelay $0x1  }
0x228: {  	s2 =	sor.u32 $0x1C60, s0;
	[tilespmem:s31+$0x10080] =	vst.add.f32.msk $0xffff, v2  }
0x229: {  	v2 =	vld [tilespmem:s2+$0x80];
	_ =	sdelay $0x4  }
0x22a: {  	v2 =	vmul.f32 v2, v1;
	_ =	sdelay $0x1  }
0x22b: {  	s0 =	sor.u32 $0x1C70, s0;
	[tilespmem:s2+$0x10080] =	vst.add.f32.msk $0xffff, v2  }
0x22c: {  	v2 =	vld [tilespmem:s0+$0x80];
	_ =	sdelay $0x1  }
0x22d: {  	p0 =	seq.s32 s23, $0xB  }
0x22e: {  	s1 =	sshll.u32 @!p0 s23, $0x15  }
0x22f: {  	s1 =	sadd.s32 @!p0 $0x200000, s1  }
0x230: {  	s2 =	sor.u32 @!p0 s5, s1;
	v1 =	vmul.f32 v2, v1  }
0x231: {  	s2 =	sshrl.u32 @!p0 s2, $0x3  }
0x232: {  	s14 =	simm.s32 @!p0 $0x80;
	[tilespmem:s0+$0x10080] =	vst.add.f32.msk $0xffff, v1;
	s0 =	sadd.s32 @!p0 s3, s2;
	s2 =	simm.s32 @!p0 $0x0  }
0x233: {  	[tilespmem:s14], [sflag:$0x1] =	stream.linear.gather @!p0 [hbm4b:s0+s2], $0x4000, $0x38;
	[tilespmem:$0x18080] =	vst v63  }
0x234: {  	s0 =	sor.u32 @!p0 s6, s1  }
0x235: {  	s0 =	sshrl.u32 @!p0 s0, $0x3  }
0x236: {  	s1 =	simm.s32 @!p0 $0x4080;
	s0 =	sadd.s32 @!p0 s3, s0  }
0x237: {  	[tilespmem:s1], [sflag:$0x1] =	stream.linear.gather @!p0 [hbm4b:s0+s2], $0x4000, $0x38;
	[tilespmem:$0x18080] =	vst v63  }
0x238: {  	_ =	swait.ge [sflag:s19], $0x4000  }
0x239: {  	[sflag:s19] =	ssyncset.done $0x0  }
0x23a: {  	[sflag:s19] =	ssyncadd.s32 $0xFFFFC000  }
0x23b: {  	_ =	swait.ge [sflag:s19], $0x4000  }
0x23c: {  	s26 =	simm.s32 $0x0;
	s14 =	simm.s32 $0x0;
	[sflag:s19] =	ssyncset.done $0x0  }
0x23d: {  	s30 =	sand.u32 $0x380, s26;
	s0 =	sand.u32 $0x6000, s14;
	[sflag:s19] =	ssyncadd.s32 $0xFFFFC000  }
0x23e: {  	s31 =	sor.u32 s30, s0;
	v1 =	vld [tilespmem:s24+$0x0]  }
0x23f: {  	v2 =	vld [tilespmem:s31+$0x8080]  }
0x240: {  	v3 =	vld [tilespmem:s31+$0x8090]  }
0x241: {  	v4 =	vld [tilespmem:s31+$0x80A0]  }
0x242: {  	v5 =	vld [tilespmem:s31+$0x80B0]  }
0x243: {  	v6 =	vld [tilespmem:s31+$0x80C0]  }
0x244: {  	v7 =	vld [tilespmem:s31+$0x80D0]  }
0x245: {  	v8 =	vld [tilespmem:s31+$0x80E0]  }
0x246: {  	v9 =	vld [tilespmem:s31+$0x80F0]  }
0x247: {  	v10 =	vld [tilespmem:s31+$0x8480]  }
0x248: {  	v11 =	vld [tilespmem:s31+$0x8490]  }
0x249: {  	v12 =	vld [tilespmem:s31+$0x84A0]  }
0x24a: {  	v13 =	vld [tilespmem:s31+$0x84B0]  }
0x24b: {  	v14 =	vld [tilespmem:s31+$0x84C0]  }
0x24c: {  	v15 =	vld [tilespmem:s31+$0x84D0]  }
0x24d: {  	v16 =	vld [tilespmem:s31+$0x84E0]  }
0x24e: {  	v17 =	vld [tilespmem:s31+$0x84F0]  }
0x24f: {  	v18 =	vld [tilespmem:s31+$0x8880]  }
0x250: {  	v19 =	vld [tilespmem:s31+$0x8890]  }
0x251: {  	v20 =	vld [tilespmem:s31+$0x88A0]  }
0x252: {  	v21 =	vld [tilespmem:s31+$0x88B0]  }
0x253: {  	v22 =	vld [tilespmem:s31+$0x88C0]  }
0x254: {  	v23 =	vld [tilespmem:s31+$0x88D0]  }
0x255: {  	v24 =	vld [tilespmem:s31+$0x88E0]  }
0x256: {  	v25 =	vld [tilespmem:s31+$0x88F0]  }
0x257: {  	v26 =	vld [tilespmem:s31+$0x8C80]  }
0x258: {  	v27 =	vld [tilespmem:s31+$0x8C90]  }
0x259: {  	v28 =	vld [tilespmem:s31+$0x8CA0]  }
0x25a: {  	v29 =	vld [tilespmem:s31+$0x8CB0]  }
0x25b: {  	v30 =	vld [tilespmem:s31+$0x8CC0]  }
0x25c: {  	v31 =	vld [tilespmem:s31+$0x8CD0]  }
0x25d: {  	v32 =	vld [tilespmem:s31+$0x8CE0]  }
0x25e: {  	v33 =	vld [tilespmem:s31+$0x8CF0]  }
0x25f: {  	v34 =	vld [tilespmem:s31+$0x9080]  }
0x260: {  	v35 =	vld [tilespmem:s31+$0x9090]  }
0x261: {  	v36 =	vld [tilespmem:s31+$0x90A0]  }
0x262: {  	v37 =	vld [tilespmem:s31+$0x90B0]  }
0x263: {  	v38 =	vld [tilespmem:s31+$0x90C0]  }
0x264: {  	v39 =	vld [tilespmem:s31+$0x90D0]  }
0x265: {  	v40 =	vld [tilespmem:s31+$0x90E0]  }
0x266: {  	v41 =	vld [tilespmem:s31+$0x90F0]  }
0x267: {  	v42 =	vld [tilespmem:s31+$0x9480]  }
0x268: {  	v43 =	vld [tilespmem:s31+$0x9490]  }
0x269: {  	v44 =	vld [tilespmem:s31+$0x94A0]  }
0x26a: {  	v45 =	vld [tilespmem:s31+$0x94B0]  }
0x26b: {  	v46 =	vld [tilespmem:s31+$0x94C0]  }
0x26c: {  	v47 =	vld [tilespmem:s31+$0x94D0]  }
0x26d: {  	v48 =	vld [tilespmem:s31+$0x94E0]  }
0x26e: {  	v49 =	vld [tilespmem:s31+$0x94F0]  }
0x26f: {  	v50 =	vld [tilespmem:s31+$0x9880]  }
0x270: {  	v51 =	vld [tilespmem:s31+$0x9890]  }
0x271: {  	v52 =	vld [tilespmem:s31+$0x98A0]  }
0x272: {  	v54 =	vld [tilespmem:s31+$0x98B0]  }
0x273: {  	s1 =	sor.u32 $0x1, s25;
	v62 =	vld [tilespmem:s31+$0x98C0]  }
0x274: {  	s2 =	sand.u32 $0x7, s26;
	s14 =	simm.s32 $0x80;
	s25 =	simm.s32 $0x400;
	v55 =	vld [tilespmem:s31+$0x98D0]  }
0x275: {  	v53 =	vmov s1;
	s0 =	sshll.u32 s2, $0x7;
	s2 =	sand.u32 $0x6000, s25;
	s1 =	sand.u32 $0x380, s14;
	v56 =	vld [tilespmem:s31+$0x98E0]  }
0x276: {  	v57 =	vld [tilespmem:s31+$0x98F0];
	s24 =	sor.u32 s1, s2  }
0x277: {  	v63 =	vld [tilespmem:s24+$0x94D0];
	v1 =	vperm.xlane v1, v53  }
0x278: {  	v60 =	vld [tilespmem:s24+$0x94E0]  }
0x279: {  	v61 =	vld [tilespmem:s24+$0x94F0];
	v2 =	vmul.f32 v2, v1  }
0x27a: {  	v53 =	vld [tilespmem:s24+$0x94C0];
	v3 =	vmul.f32 v3, v1  }
0x27b: {  	[tilespmem:s31+$0x10080] =	vst.add.f32.msk $0xffff, v2  }
0x27c: {  	[tilespmem:s31+$0x10090] =	vst.add.f32.msk $0xffff, v3  }
0x27d: {  	v63 =	vmul.f32 v63, v1;
	v3 =	vmul.f32 v5, v1;
	v5 =	vld [tilespmem:s24+$0x98C0]  }
0x27e: {  	v2 =	vmul.f32 v4, v1;
	v4 =	vld [tilespmem:s24+$0x98D0]  }
0x27f: {  	[tilespmem:s24+$0x114D0] =	vst.add.f32.msk $0xffff, v63  }
0x280: {  	[tilespmem:s31+$0x100A0] =	vst.add.f32.msk $0xffff, v2  }
0x281: {  	[tilespmem:s31+$0x100B0] =	vst.add.f32.msk $0xffff, v3  }
0x282: {  	v2 =	vmul.f32 v6, v1;
	v3 =	vmul.f32 v7, v1;
	v7 =	vld [tilespmem:s24+$0x98A0]  }
0x283: {  	v6 =	vld [tilespmem:s24+$0x98B0]  }
0x284: {  	[tilespmem:s31+$0x100C0] =	vst.add.f32.msk $0xffff, v2  }
0x285: {  	[tilespmem:s31+$0x100D0] =	vst.add.f32.msk $0xffff, v3  }
0x286: {  	v2 =	vmul.f32 v8, v1;
	v3 =	vmul.f32 v9, v1;
	v9 =	vld [tilespmem:s24+$0x9880]  }
0x287: {  	v8 =	vld [tilespmem:s24+$0x9890]  }
0x288: {  	[tilespmem:s31+$0x100E0] =	vst.add.f32.msk $0xffff, v2  }
0x289: {  	[tilespmem:s31+$0x100F0] =	vst.add.f32.msk $0xffff, v3  }
0x28a: {  	v2 =	vmul.f32 v10, v1;
	v10 =	vld [tilespmem:s24+$0x8090]  }
0x28b: {  	v3 =	vmul.f32 v11, v1;
	v11 =	vld [tilespmem:s24+$0x80A0]  }
0x28c: {  	[tilespmem:s31+$0x10480] =	vst.add.f32.msk $0xffff, v2  }
0x28d: {  	[tilespmem:s31+$0x10490] =	vst.add.f32.msk $0xffff, v3  }
0x28e: {  	v2 =	vmul.f32 v12, v1;
	v12 =	vld [tilespmem:s24+$0x80B0]  }
0x28f: {  	v3 =	vmul.f32 v13, v1;
	v13 =	vld [tilespmem:s24+$0x80C0]  }
0x290: {  	[tilespmem:s31+$0x104A0] =	vst.add.f32.msk $0xffff, v2  }
0x291: {  	[tilespmem:s31+$0x104B0] =	vst.add.f32.msk $0xffff, v3  }
0x292: {  	v2 =	vmul.f32 v14, v1;
	v14 =	vld [tilespmem:s24+$0x80D0]  }
0x293: {  	v3 =	vmul.f32 v15, v1;
	v15 =	vld [tilespmem:s24+$0x80E0]  }
0x294: {  	[tilespmem:s31+$0x104C0] =	vst.add.f32.msk $0xffff, v2  }
0x295: {  	[tilespmem:s31+$0x104D0] =	vst.add.f32.msk $0xffff, v3  }
0x296: {  	v10 =	vmul.f32 v10, v1;
	v2 =	vmul.f32 v16, v1;
	v16 =	vld [tilespmem:s24+$0x80F0]  }
0x297: {  	v11 =	vmul.f32 v11, v1;
	v3 =	vmul.f32 v17, v1;
	v17 =	vld [tilespmem:s24+$0x8480]  }
0x298: {  	[tilespmem:s24+$0x10090] =	vst.add.f32.msk $0xffff, v10  }
0x299: {  	[tilespmem:s24+$0x100A0] =	vst.add.f32.msk $0xffff, v11  }
0x29a: {  	[tilespmem:s31+$0x104E0] =	vst.add.f32.msk $0xffff, v2  }
0x29b: {  	[tilespmem:s31+$0x104F0] =	vst.add.f32.msk $0xffff, v3  }
0x29c: {  	v10 =	vmul.f32 v12, v1;
	v2 =	vmul.f32 v18, v1;
	v18 =	vld [tilespmem:s24+$0x8490]  }
0x29d: {  	v11 =	vmul.f32 v13, v1;
	v3 =	vmul.f32 v19, v1;
	v19 =	vld [tilespmem:s24+$0x84A0]  }
0x29e: {  	[tilespmem:s24+$0x100B0] =	vst.add.f32.msk $0xffff, v10  }
0x29f: {  	[tilespmem:s24+$0x100C0] =	vst.add.f32.msk $0xffff, v11  }
0x2a0: {  	[tilespmem:s31+$0x10880] =	vst.add.f32.msk $0xffff, v2  }
0x2a1: {  	[tilespmem:s31+$0x10890] =	vst.add.f32.msk $0xffff, v3  }
0x2a2: {  	v10 =	vmul.f32 v14, v1;
	v2 =	vmul.f32 v20, v1;
	v20 =	vld [tilespmem:s24+$0x84B0]  }
0x2a3: {  	v11 =	vmul.f32 v15, v1;
	v3 =	vmul.f32 v21, v1;
	v21 =	vld [tilespmem:s24+$0x84C0]  }
0x2a4: {  	[tilespmem:s24+$0x100D0] =	vst.add.f32.msk $0xffff, v10  }
0x2a5: {  	[tilespmem:s24+$0x100E0] =	vst.add.f32.msk $0xffff, v11  }
0x2a6: {  	[tilespmem:s31+$0x108A0] =	vst.add.f32.msk $0xffff, v2  }
0x2a7: {  	[tilespmem:s31+$0x108B0] =	vst.add.f32.msk $0xffff, v3  }
0x2a8: {  	v10 =	vmul.f32 v16, v1;
	v2 =	vmul.f32 v22, v1;
	v22 =	vld [tilespmem:s24+$0x84D0]  }
0x2a9: {  	v11 =	vmul.f32 v17, v1;
	v3 =	vmul.f32 v23, v1;
	v23 =	vld [tilespmem:s24+$0x84E0]  }
0x2aa: {  	[tilespmem:s24+$0x100F0] =	vst.add.f32.msk $0xffff, v10  }
0x2ab: {  	[tilespmem:s24+$0x10480] =	vst.add.f32.msk $0xffff, v11  }
0x2ac: {  	[tilespmem:s31+$0x108C0] =	vst.add.f32.msk $0xffff, v2  }
0x2ad: {  	[tilespmem:s31+$0x108D0] =	vst.add.f32.msk $0xffff, v3  }
0x2ae: {  	v10 =	vmul.f32 v18, v1;
	v2 =	vmul.f32 v24, v1;
	v24 =	vld [tilespmem:s24+$0x84F0]  }
0x2af: {  	v11 =	vmul.f32 v19, v1;
	v3 =	vmul.f32 v25, v1;
	v25 =	vld [tilespmem:s24+$0x8880]  }
0x2b0: {  	[tilespmem:s24+$0x10490] =	vst.add.f32.msk $0xffff, v10  }
0x2b1: {  	[tilespmem:s24+$0x104A0] =	vst.add.f32.msk $0xffff, v11  }
0x2b2: {  	[tilespmem:s31+$0x108E0] =	vst.add.f32.msk $0xffff, v2  }
0x2b3: {  	[tilespmem:s31+$0x108F0] =	vst.add.f32.msk $0xffff, v3  }
0x2b4: {  	v10 =	vmul.f32 v20, v1;
	v2 =	vmul.f32 v26, v1;
	v26 =	vld [tilespmem:s24+$0x8890]  }
0x2b5: {  	v11 =	vmul.f32 v21, v1;
	v3 =	vmul.f32 v27, v1;
	v27 =	vld [tilespmem:s24+$0x88A0]  }
0x2b6: {  	[tilespmem:s24+$0x104B0] =	vst.add.f32.msk $0xffff, v10  }
0x2b7: {  	[tilespmem:s24+$0x104C0] =	vst.add.f32.msk $0xffff, v11  }
0x2b8: {  	[tilespmem:s31+$0x10C80] =	vst.add.f32.msk $0xffff, v2  }
0x2b9: {  	[tilespmem:s31+$0x10C90] =	vst.add.f32.msk $0xffff, v3  }
0x2ba: {  	v10 =	vmul.f32 v22, v1;
	v2 =	vmul.f32 v28, v1;
	v28 =	vld [tilespmem:s24+$0x88B0]  }
0x2bb: {  	v11 =	vmul.f32 v23, v1;
	v3 =	vmul.f32 v29, v1;
	v29 =	vld [tilespmem:s24+$0x88C0]  }
0x2bc: {  	[tilespmem:s24+$0x104D0] =	vst.add.f32.msk $0xffff, v10  }
0x2bd: {  	[tilespmem:s24+$0x104E0] =	vst.add.f32.msk $0xffff, v11  }
0x2be: {  	[tilespmem:s31+$0x10CA0] =	vst.add.f32.msk $0xffff, v2  }
0x2bf: {  	[tilespmem:s31+$0x10CB0] =	vst.add.f32.msk $0xffff, v3  }
0x2c0: {  	v10 =	vmul.f32 v24, v1;
	v2 =	vmul.f32 v30, v1;
	v30 =	vld [tilespmem:s24+$0x88D0]  }
0x2c1: {  	v11 =	vmul.f32 v25, v1;
	v3 =	vmul.f32 v31, v1;
	v31 =	vld [tilespmem:s24+$0x88E0]  }
0x2c2: {  	[tilespmem:s24+$0x104F0] =	vst.add.f32.msk $0xffff, v10  }
0x2c3: {  	[tilespmem:s24+$0x10880] =	vst.add.f32.msk $0xffff, v11  }
0x2c4: {  	[tilespmem:s31+$0x10CC0] =	vst.add.f32.msk $0xffff, v2  }
0x2c5: {  	[tilespmem:s31+$0x10CD0] =	vst.add.f32.msk $0xffff, v3  }
0x2c6: {  	v10 =	vmul.f32 v26, v1;
	v2 =	vmul.f32 v32, v1;
	v32 =	vld [tilespmem:s24+$0x88F0]  }
0x2c7: {  	v11 =	vmul.f32 v27, v1;
	v3 =	vmul.f32 v33, v1;
	v33 =	vld [tilespmem:s24+$0x8C80]  }
0x2c8: {  	[tilespmem:s24+$0x10890] =	vst.add.f32.msk $0xffff, v10  }
0x2c9: {  	[tilespmem:s24+$0x108A0] =	vst.add.f32.msk $0xffff, v11  }
0x2ca: {  	[tilespmem:s31+$0x10CE0] =	vst.add.f32.msk $0xffff, v2;
	v2 =	vmul.f32 v34, v1  }
0x2cb: {  	[tilespmem:s31+$0x10CF0] =	vst.add.f32.msk $0xffff, v3;
	v3 =	vmul.f32 v35, v1  }
0x2cc: {  	[tilespmem:s31+$0x11080] =	vst.add.f32.msk $0xffff, v2;
	v2 =	vmul.f32 v36, v1  }
0x2cd: {  	[tilespmem:s31+$0x11090] =	vst.add.f32.msk $0xffff, v3;
	v3 =	vmul.f32 v37, v1  }
0x2ce: {  	[tilespmem:s31+$0x110A0] =	vst.add.f32.msk $0xffff, v2;
	v2 =	vmul.f32 v38, v1  }
0x2cf: {  	[tilespmem:s31+$0x110B0] =	vst.add.f32.msk $0xffff, v3;
	v3 =	vmul.f32 v39, v1  }
0x2d0: {  	[tilespmem:s31+$0x110C0] =	vst.add.f32.msk $0xffff, v2;
	v2 =	vmul.f32 v40, v1  }
0x2d1: {  	[tilespmem:s31+$0x110D0] =	vst.add.f32.msk $0xffff, v3;
	v3 =	vmul.f32 v41, v1  }
0x2d2: {  	[tilespmem:s31+$0x110E0] =	vst.add.f32.msk $0xffff, v2;
	v2 =	vmul.f32 v42, v1  }
0x2d3: {  	[tilespmem:s31+$0x110F0] =	vst.add.f32.msk $0xffff, v3;
	v3 =	vmul.f32 v43, v1  }
0x2d4: {  	[tilespmem:s31+$0x11480] =	vst.add.f32.msk $0xffff, v2;
	v2 =	vmul.f32 v44, v1  }
0x2d5: {  	[tilespmem:s31+$0x11490] =	vst.add.f32.msk $0xffff, v3;
	v3 =	vmul.f32 v45, v1  }
0x2d6: {  	[tilespmem:s31+$0x114A0] =	vst.add.f32.msk $0xffff, v2;
	v2 =	vmul.f32 v46, v1  }
0x2d7: {  	[tilespmem:s31+$0x114B0] =	vst.add.f32.msk $0xffff, v3;
	v3 =	vmul.f32 v47, v1  }
0x2d8: {  	[tilespmem:s31+$0x114C0] =	vst.add.f32.msk $0xffff, v2;
	v2 =	vmul.f32 v48, v1  }
0x2d9: {  	[tilespmem:s31+$0x114D0] =	vst.add.f32.msk $0xffff, v3;
	v3 =	vmul.f32 v49, v1  }
0x2da: {  	[tilespmem:s31+$0x114E0] =	vst.add.f32.msk $0xffff, v2;
	v2 =	vmul.f32 v50, v1  }
0x2db: {  	[tilespmem:s31+$0x114F0] =	vst.add.f32.msk $0xffff, v3;
	v3 =	vmul.f32 v51, v1  }
0x2dc: {  	[tilespmem:s31+$0x11880] =	vst.add.f32.msk $0xffff, v2;
	v2 =	vmul.f32 v52, v1  }
0x2dd: {  	[tilespmem:s31+$0x11890] =	vst.add.f32.msk $0xffff, v3;
	v3 =	vmul.f32 v54, v1  }
0x2de: {  	[tilespmem:s31+$0x118A0] =	vst.add.f32.msk $0xffff, v2;
	v2 =	vmul.f32 v62, v1  }
0x2df: {  	[tilespmem:s31+$0x118B0] =	vst.add.f32.msk $0xffff, v3;
	v3 =	vmul.f32 v55, v1  }
0x2e0: {  	[tilespmem:s31+$0x118C0] =	vst.add.f32.msk $0xffff, v2;
	v2 =	vmul.f32 v56, v1  }
0x2e1: {  	[tilespmem:s31+$0x118D0] =	vst.add.f32.msk $0xffff, v3;
	v3 =	vmul.f32 v57, v1  }
0x2e2: {  	s0 =	sadd.s32 $0x0, s0;
	[tilespmem:s31+$0x118E0] =	vst.add.f32.msk $0xffff, v2  }
0x2e3: {  	s30 =	sor.u32 $0x1C00, s0;
	[tilespmem:s31+$0x118F0] =	vst.add.f32.msk $0xffff, v3  }
0x2e4: {  	v2 =	vld [tilespmem:s30+$0x8080]  }
0x2e5: {  	v10 =	vmul.f32 v28, v1;
	v34 =	vld [tilespmem:s24+$0x8C90]  }
0x2e6: {  	v11 =	vmul.f32 v29, v1;
	v35 =	vld [tilespmem:s24+$0x8CA0]  }
0x2e7: {  	[tilespmem:s24+$0x108B0] =	vst.add.f32.msk $0xffff, v10  }
0x2e8: {  	[tilespmem:s24+$0x108C0] =	vst.add.f32.msk $0xffff, v11  }
0x2e9: {  	v36 =	vld [tilespmem:s24+$0x8CB0];
	v2 =	vmul.f32 v2, v1  }
0x2ea: {  	v37 =	vld [tilespmem:s24+$0x8CC0]  }
0x2eb: {  	v10 =	vmul.f32 v30, v1;
	s31 =	sor.u32 $0x1C10, s0;
	[tilespmem:s30+$0x10080] =	vst.add.f32.msk $0xffff, v2  }
0x2ec: {  	v11 =	vmul.f32 v31, v1;
	v2 =	vld [tilespmem:s31+$0x8080]  }
0x2ed: {  	[tilespmem:s24+$0x108D0] =	vst.add.f32.msk $0xffff, v10  }
0x2ee: {  	[tilespmem:s24+$0x108E0] =	vst.add.f32.msk $0xffff, v11  }
0x2ef: {  	v10 =	vmul.f32 v32, v1;
	v38 =	vld [tilespmem:s24+$0x8CD0]  }
0x2f0: {  	v11 =	vmul.f32 v33, v1;
	v39 =	vld [tilespmem:s24+$0x8CE0]  }
0x2f1: {  	[tilespmem:s24+$0x108F0] =	vst.add.f32.msk $0xffff, v10;
	v2 =	vmul.f32 v2, v1  }
0x2f2: {  	[tilespmem:s24+$0x10C80] =	vst.add.f32.msk $0xffff, v11  }
0x2f3: {  	s2 =	sor.u32 $0x1C20, s0;
	[tilespmem:s31+$0x10080] =	vst.add.f32.msk $0xffff, v2  }
0x2f4: {  	v2 =	vld [tilespmem:s2+$0x8080]  }
0x2f5: {  	v10 =	vmul.f32 v34, v1;
	v40 =	vld [tilespmem:s24+$0x8CF0]  }
0x2f6: {  	v11 =	vmul.f32 v35, v1;
	v41 =	vld [tilespmem:s24+$0x9080]  }
0x2f7: {  	[tilespmem:s24+$0x10C90] =	vst.add.f32.msk $0xffff, v10  }
0x2f8: {  	[tilespmem:s24+$0x10CA0] =	vst.add.f32.msk $0xffff, v11  }
0x2f9: {  	v42 =	vld [tilespmem:s24+$0x9090];
	v2 =	vmul.f32 v2, v1  }
0x2fa: {  	v43 =	vld [tilespmem:s24+$0x90A0]  }
0x2fb: {  	s14 =	sor.u32 $0x1C30, s0;
	v10 =	vmul.f32 v36, v1;
	[tilespmem:s2+$0x10080] =	vst.add.f32.msk $0xffff, v2  }
0x2fc: {  	v11 =	vmul.f32 v37, v1;
	v2 =	vld [tilespmem:s14+$0x8080]  }
0x2fd: {  	[tilespmem:s24+$0x10CB0] =	vst.add.f32.msk $0xffff, v10  }
0x2fe: {  	[tilespmem:s24+$0x10CC0] =	vst.add.f32.msk $0xffff, v11  }
0x2ff: {  	v10 =	vmul.f32 v38, v1;
	v44 =	vld [tilespmem:s24+$0x90B0]  }
0x300: {  	v11 =	vmul.f32 v39, v1;
	v45 =	vld [tilespmem:s24+$0x90C0]  }
0x301: {  	[tilespmem:s24+$0x10CD0] =	vst.add.f32.msk $0xffff, v10;
	v2 =	vmul.f32 v2, v1  }
0x302: {  	[tilespmem:s24+$0x10CE0] =	vst.add.f32.msk $0xffff, v11  }
0x303: {  	s25 =	sor.u32 $0x1C40, s0;
	[tilespmem:s14+$0x10080] =	vst.add.f32.msk $0xffff, v2  }
0x304: {  	v2 =	vld [tilespmem:s25+$0x8080]  }
0x305: {  	v10 =	vmul.f32 v40, v1;
	v46 =	vld [tilespmem:s24+$0x90D0]  }
0x306: {  	v11 =	vmul.f32 v41, v1;
	v47 =	vld [tilespmem:s24+$0x90E0]  }
0x307: {  	[tilespmem:s24+$0x10CF0] =	vst.add.f32.msk $0xffff, v10  }
0x308: {  	[tilespmem:s24+$0x11080] =	vst.add.f32.msk $0xffff, v11  }
0x309: {  	v48 =	vld [tilespmem:s24+$0x90F0];
	v2 =	vmul.f32 v2, v1  }
0x30a: {  	v49 =	vld [tilespmem:s24+$0x9480]  }
0x30b: {  	v10 =	vmul.f32 v42, v1;
	s30 =	sor.u32 $0x1C50, s0;
	[tilespmem:s25+$0x10080] =	vst.add.f32.msk $0xffff, v2  }
0x30c: {  	v11 =	vmul.f32 v43, v1;
	v2 =	vld [tilespmem:s30+$0x8080]  }
0x30d: {  	[tilespmem:s24+$0x11090] =	vst.add.f32.msk $0xffff, v10  }
0x30e: {  	[tilespmem:s24+$0x110A0] =	vst.add.f32.msk $0xffff, v11  }
0x30f: {  	v10 =	vmul.f32 v44, v1;
	v50 =	vld [tilespmem:s24+$0x9490]  }
0x310: {  	v11 =	vmul.f32 v45, v1;
	v51 =	vld [tilespmem:s24+$0x94A0]  }
0x311: {  	[tilespmem:s24+$0x110B0] =	vst.add.f32.msk $0xffff, v10;
	v2 =	vmul.f32 v2, v1  }
0x312: {  	[tilespmem:s24+$0x110C0] =	vst.add.f32.msk $0xffff, v11  }
0x313: {  	s31 =	sor.u32 $0x1C60, s0;
	[tilespmem:s30+$0x10080] =	vst.add.f32.msk $0xffff, v2  }
0x314: {  	v10 =	vmul.f32 v46, v1;
	v2 =	vld [tilespmem:s31+$0x8080]  }
0x315: {  	v11 =	vmul.f32 v47, v1;
	v52 =	vld [tilespmem:s24+$0x94B0]  }
0x316: {  	[tilespmem:s24+$0x110D0] =	vst.add.f32.msk $0xffff, v10;
	v10 =	vmul.f32 v48, v1  }
0x317: {  	[tilespmem:s24+$0x110E0] =	vst.add.f32.msk $0xffff, v11;
	v11 =	vmul.f32 v49, v1  }
0x318: {  	[tilespmem:s24+$0x110F0] =	vst.add.f32.msk $0xffff, v10  }
0x319: {  	[tilespmem:s24+$0x11480] =	vst.add.f32.msk $0xffff, v11;
	v2 =	vmul.f32 v2, v1  }
0x31a: {  	v3 =	vld [tilespmem:s24+$0x8080]  }
0x31b: {  	v10 =	vmul.f32 v50, v1;
	s0 =	sor.u32 $0x1C70, s0;
	[tilespmem:s31+$0x10080] =	vst.add.f32.msk $0xffff, v2  }
0x31c: {  	v11 =	vmul.f32 v51, v1;
	v2 =	vld [tilespmem:s0+$0x8080]  }
0x31d: {  	[tilespmem:s24+$0x11490] =	vst.add.f32.msk $0xffff, v10;
	v10 =	vmul.f32 v52, v1  }
0x31e: {  	[tilespmem:s24+$0x114A0] =	vst.add.f32.msk $0xffff, v11;
	v11 =	vmul.f32 v53, v1  }
0x31f: {  	[tilespmem:s24+$0x114B0] =	vst.add.f32.msk $0xffff, v10  }
0x320: {  	[tilespmem:s24+$0x114C0] =	vst.add.f32.msk $0xffff, v11;
	v62 =	vmul.f32 v3, v1  }
0x321: {  	v3 =	vld [tilespmem:s24+$0x98E0];
	v2 =	vmul.f32 v2, v1  }
0x322: {  	[tilespmem:s24+$0x10080] =	vst.add.f32.msk $0xffff, v62  }
0x323: {  	v10 =	vmul.f32 v60, v1;
	[tilespmem:s0+$0x10080] =	vst.add.f32.msk $0xffff, v2  }
0x324: {  	s28 =	simm.s32 $0xFFFF8400;
	s29 =	simm.s32 $0x100;
	v11 =	vmul.f32 v61, v1;
	s25 =	simm.s32 $0x0;
	v2 =	vld [tilespmem:s24+$0x98F0]  }
.LBB2_7:
0x325: {  	p1 =	sne.s32 s29, $0xF80;
	[tilespmem:s24+$0x114E0] =	vst.add.f32.msk $0xffff, v10;
	v9 =	vmul.f32 v9, v1  }
0x326: {  	v8 =	vmul.f32 v8, v1;
	[tilespmem:s24+$0x114F0] =	vst.add.f32.msk $0xffff, v11  }
0x327: {  	v7 =	vmul.f32 v7, v1;
	[tilespmem:s24+$0x11880] =	vst.add.f32.msk $0xffff, v9  }
0x328: {  	v6 =	vmul.f32 v6, v1;
	[tilespmem:s24+$0x11890] =	vst.add.f32.msk $0xffff, v8  }
0x329: {  	v5 =	vmul.f32 v5, v1;
	[tilespmem:s24+$0x118A0] =	vst.add.f32.msk $0xffff, v7  }
0x32a: {  	v4 =	vmul.f32 v4, v1;
	s26 =	sadd.s32 $0x1, s26;
	[tilespmem:s24+$0x118B0] =	vst.add.f32.msk $0xffff, v6  }
0x32b: {  	v3 =	vmul.f32 v3, v1;
	s0 =	sand.u32 $0x7, s26;
	[tilespmem:s24+$0x118C0] =	vst.add.f32.msk $0xffff, v5  }
0x32c: {  	v2 =	vmul.f32 v2, v1;
	s28 =	sadd.s32 $0x400, s28;
	s25 =	sadd.s32 $0x400, s25;
	s0 =	sshll.u32 s0, $0x7;
	[tilespmem:s24+$0x118D0] =	vst.add.f32.msk $0xffff, v4  }
0x32d: {  	s1 =	sadd.s32 $0x8000, s28;
	s0 =	sadd.s32 s0, s25;
	[tilespmem:s24+$0x118E0] =	vst.add.f32.msk $0xffff, v3  }
0x32e: {  	s2 =	sand.u32 $0x380, s29;
	s1 =	sand.u32 $0x6000, s1;
	s14 =	sor.u32 $0x1C00, s0;
	[tilespmem:s24+$0x118F0] =	vst.add.f32.msk $0xffff, v2  }
0x32f: {  	s24 =	sor.u32 s2, s1;
	v4 =	vld [tilespmem:s14+$0x8080]  }
0x330: {  	v3 =	vld [tilespmem:s24+$0x8080]  }
0x331: {  	v2 =	vld [tilespmem:s24+$0x8090]  }
0x332: {  	v34 =	vld [tilespmem:s24+$0x80A0]  }
0x333: {  	v26 =	vld [tilespmem:s24+$0x80B0]  }
0x334: {  	v10 =	vld [tilespmem:s24+$0x80C0];
	v4 =	vmul.f32 v4, v1  }
0x335: {  	v11 =	vld [tilespmem:s24+$0x80D0]  }
0x336: {  	s1 =	sor.u32 $0x1C10, s0;
	[tilespmem:s14+$0x10080] =	vst.add.f32.msk $0xffff, v4  }
0x337: {  	v4 =	vld [tilespmem:s1+$0x8080]  }
0x338: {  	v49 =	vld [tilespmem:s24+$0x80E0]  }
0x339: {  	v42 =	vld [tilespmem:s24+$0x80F0]  }
0x33a: {  	v35 =	vld [tilespmem:s24+$0x8480]  }
0x33b: {  	v27 =	vld [tilespmem:s24+$0x8490]  }
0x33c: {  	v12 =	vld [tilespmem:s24+$0x84A0];
	v4 =	vmul.f32 v4, v1  }
0x33d: {  	v13 =	vld [tilespmem:s24+$0x84B0]  }
0x33e: {  	[tilespmem:s1+$0x10080] =	vst.add.f32.msk $0xffff, v4;
	s1 =	sor.u32 $0x1C20, s0  }
0x33f: {  	v4 =	vld [tilespmem:s1+$0x8080]  }
0x340: {  	v50 =	vld [tilespmem:s24+$0x84C0]  }
0x341: {  	v43 =	vld [tilespmem:s24+$0x84D0]  }
0x342: {  	v36 =	vld [tilespmem:s24+$0x84E0]  }
0x343: {  	v28 =	vld [tilespmem:s24+$0x84F0]  }
0x344: {  	v14 =	vld [tilespmem:s24+$0x8880];
	v4 =	vmul.f32 v4, v1  }
0x345: {  	v15 =	vld [tilespmem:s24+$0x8890]  }
0x346: {  	[tilespmem:s1+$0x10080] =	vst.add.f32.msk $0xffff, v4;
	s1 =	sor.u32 $0x1C30, s0  }
0x347: {  	v4 =	vld [tilespmem:s1+$0x8080]  }
0x348: {  	v51 =	vld [tilespmem:s24+$0x88A0]  }
0x349: {  	v44 =	vld [tilespmem:s24+$0x88B0]  }
0x34a: {  	v37 =	vld [tilespmem:s24+$0x88C0]  }
0x34b: {  	v29 =	vld [tilespmem:s24+$0x88D0]  }
0x34c: {  	v16 =	vld [tilespmem:s24+$0x88E0];
	v4 =	vmul.f32 v4, v1  }
0x34d: {  	v17 =	vld [tilespmem:s24+$0x88F0]  }
0x34e: {  	[tilespmem:s1+$0x10080] =	vst.add.f32.msk $0xffff, v4;
	s1 =	sor.u32 $0x1C40, s0  }
0x34f: {  	v4 =	vld [tilespmem:s1+$0x8080]  }
0x350: {  	v52 =	vld [tilespmem:s24+$0x8C80]  }
0x351: {  	v45 =	vld [tilespmem:s24+$0x8C90]  }
0x352: {  	v38 =	vld [tilespmem:s24+$0x8CA0]  }
0x353: {  	v30 =	vld [tilespmem:s24+$0x8CB0]  }
0x354: {  	v18 =	vld [tilespmem:s24+$0x8CC0];
	v4 =	vmul.f32 v4, v1  }
0x355: {  	v19 =	vld [tilespmem:s24+$0x8CD0]  }
0x356: {  	[tilespmem:s1+$0x10080] =	vst.add.f32.msk $0xffff, v4;
	s1 =	sor.u32 $0x1C50, s0  }
0x357: {  	v4 =	vld [tilespmem:s1+$0x8080]  }
0x358: {  	v53 =	vld [tilespmem:s24+$0x8CE0]  }
0x359: {  	v46 =	vld [tilespmem:s24+$0x8CF0]  }
0x35a: {  	v39 =	vld [tilespmem:s24+$0x9080]  }
0x35b: {  	v31 =	vld [tilespmem:s24+$0x9090]  }
0x35c: {  	v20 =	vld [tilespmem:s24+$0x90A0];
	v4 =	vmul.f32 v4, v1  }
0x35d: {  	v21 =	vld [tilespmem:s24+$0x90B0]  }
0x35e: {  	[tilespmem:s1+$0x10080] =	vst.add.f32.msk $0xffff, v4;
	s1 =	sor.u32 $0x1C60, s0  }
0x35f: {  	v4 =	vld [tilespmem:s1+$0x8080]  }
0x360: {  	v54 =	vld [tilespmem:s24+$0x90C0]  }
0x361: {  	v47 =	vld [tilespmem:s24+$0x90D0]  }
0x362: {  	v40 =	vld [tilespmem:s24+$0x90E0]  }
0x363: {  	v32 =	vld [tilespmem:s24+$0x90F0]  }
0x364: {  	v22 =	vld [tilespmem:s24+$0x9480];
	v4 =	vmul.f32 v4, v1  }
0x365: {  	v23 =	vld [tilespmem:s24+$0x9490]  }
0x366: {  	s0 =	sor.u32 $0x1C70, s0;
	[tilespmem:s1+$0x10080] =	vst.add.f32.msk $0xffff, v4  }
0x367: {  	v4 =	vld [tilespmem:s0+$0x8080]  }
0x368: {  	v55 =	vld [tilespmem:s24+$0x94A0]  }
0x369: {  	v48 =	vld [tilespmem:s24+$0x94B0]  }
0x36a: {  	v41 =	vld [tilespmem:s24+$0x94C0]  }
0x36b: {  	v33 =	vld [tilespmem:s24+$0x94D0]  }
0x36c: {  	v24 =	vld [tilespmem:s24+$0x94E0];
	v4 =	vmul.f32 v4, v1  }
0x36d: {  	v25 =	vld [tilespmem:s24+$0x94F0]  }
0x36e: {  	[tilespmem:s0+$0x10080] =	vst.add.f32.msk $0xffff, v4  }
0x36f: {  	v9 =	vld [tilespmem:s24+$0x9880]  }
0x370: {  	v8 =	vld [tilespmem:s24+$0x9890]  }
0x371: {  	v7 =	vld [tilespmem:s24+$0x98A0]  }
0x372: {  	v6 =	vld [tilespmem:s24+$0x98B0]  }
0x373: {  	v5 =	vld [tilespmem:s24+$0x98C0]  }
0x374: {  	v4 =	vld [tilespmem:s24+$0x98D0]  }
0x375: {  	v56 =	vmul.f32 v3, v1;
	v3 =	vld [tilespmem:s24+$0x98E0]  }
0x376: {  	v57 =	vmul.f32 v2, v1;
	v2 =	vld [tilespmem:s24+$0x98F0]  }
0x377: {  	v34 =	vmul.f32 v34, v1;
	[tilespmem:s24+$0x10080] =	vst.add.f32.msk $0xffff, v56  }
0x378: {  	v26 =	vmul.f32 v26, v1;
	[tilespmem:s24+$0x10090] =	vst.add.f32.msk $0xffff, v57  }
0x379: {  	v10 =	vmul.f32 v10, v1;
	[tilespmem:s24+$0x100A0] =	vst.add.f32.msk $0xffff, v34  }
0x37a: {  	v11 =	vmul.f32 v11, v1;
	[tilespmem:s24+$0x100B0] =	vst.add.f32.msk $0xffff, v26  }
0x37b: {  	[tilespmem:s24+$0x100C0] =	vst.add.f32.msk $0xffff, v10;
	v10 =	vmul.f32 v49, v1  }
0x37c: {  	[tilespmem:s24+$0x100D0] =	vst.add.f32.msk $0xffff, v11;
	v11 =	vmul.f32 v42, v1  }
0x37d: {  	[tilespmem:s24+$0x100E0] =	vst.add.f32.msk $0xffff, v10;
	v10 =	vmul.f32 v35, v1  }
0x37e: {  	[tilespmem:s24+$0x100F0] =	vst.add.f32.msk $0xffff, v11;
	v11 =	vmul.f32 v27, v1  }
0x37f: {  	[tilespmem:s24+$0x10480] =	vst.add.f32.msk $0xffff, v10;
	v10 =	vmul.f32 v12, v1  }
0x380: {  	[tilespmem:s24+$0x10490] =	vst.add.f32.msk $0xffff, v11;
	v11 =	vmul.f32 v13, v1  }
0x381: {  	[tilespmem:s24+$0x104A0] =	vst.add.f32.msk $0xffff, v10;
	v10 =	vmul.f32 v50, v1  }
0x382: {  	[tilespmem:s24+$0x104B0] =	vst.add.f32.msk $0xffff, v11;
	v11 =	vmul.f32 v43, v1  }
0x383: {  	[tilespmem:s24+$0x104C0] =	vst.add.f32.msk $0xffff, v10;
	v10 =	vmul.f32 v36, v1  }
0x384: {  	[tilespmem:s24+$0x104D0] =	vst.add.f32.msk $0xffff, v11;
	v11 =	vmul.f32 v28, v1  }
0x385: {  	[tilespmem:s24+$0x104E0] =	vst.add.f32.msk $0xffff, v10;
	v10 =	vmul.f32 v14, v1  }
0x386: {  	[tilespmem:s24+$0x104F0] =	vst.add.f32.msk $0xffff, v11;
	v11 =	vmul.f32 v15, v1  }
0x387: {  	[tilespmem:s24+$0x10880] =	vst.add.f32.msk $0xffff, v10;
	v10 =	vmul.f32 v51, v1  }
0x388: {  	[tilespmem:s24+$0x10890] =	vst.add.f32.msk $0xffff, v11;
	v11 =	vmul.f32 v44, v1  }
0x389: {  	[tilespmem:s24+$0x108A0] =	vst.add.f32.msk $0xffff, v10;
	v10 =	vmul.f32 v37, v1  }
0x38a: {  	[tilespmem:s24+$0x108B0] =	vst.add.f32.msk $0xffff, v11;
	v11 =	vmul.f32 v29, v1  }
0x38b: {  	[tilespmem:s24+$0x108C0] =	vst.add.f32.msk $0xffff, v10;
	v10 =	vmul.f32 v16, v1  }
0x38c: {  	[tilespmem:s24+$0x108D0] =	vst.add.f32.msk $0xffff, v11;
	v11 =	vmul.f32 v17, v1  }
0x38d: {  	[tilespmem:s24+$0x108E0] =	vst.add.f32.msk $0xffff, v10;
	v10 =	vmul.f32 v52, v1  }
0x38e: {  	[tilespmem:s24+$0x108F0] =	vst.add.f32.msk $0xffff, v11;
	v11 =	vmul.f32 v45, v1  }
0x38f: {  	[tilespmem:s24+$0x10C80] =	vst.add.f32.msk $0xffff, v10;
	v10 =	vmul.f32 v38, v1  }
0x390: {  	[tilespmem:s24+$0x10C90] =	vst.add.f32.msk $0xffff, v11;
	v11 =	vmul.f32 v30, v1  }
0x391: {  	[tilespmem:s24+$0x10CA0] =	vst.add.f32.msk $0xffff, v10;
	v10 =	vmul.f32 v18, v1  }
0x392: {  	[tilespmem:s24+$0x10CB0] =	vst.add.f32.msk $0xffff, v11;
	v11 =	vmul.f32 v19, v1  }
0x393: {  	[tilespmem:s24+$0x10CC0] =	vst.add.f32.msk $0xffff, v10;
	v10 =	vmul.f32 v53, v1  }
0x394: {  	[tilespmem:s24+$0x10CD0] =	vst.add.f32.msk $0xffff, v11;
	v11 =	vmul.f32 v46, v1  }
0x395: {  	[tilespmem:s24+$0x10CE0] =	vst.add.f32.msk $0xffff, v10;
	v10 =	vmul.f32 v39, v1  }
0x396: {  	[tilespmem:s24+$0x10CF0] =	vst.add.f32.msk $0xffff, v11;
	v11 =	vmul.f32 v31, v1  }
0x397: {  	[tilespmem:s24+$0x11080] =	vst.add.f32.msk $0xffff, v10;
	v10 =	vmul.f32 v20, v1  }
0x398: {  	[tilespmem:s24+$0x11090] =	vst.add.f32.msk $0xffff, v11;
	v11 =	vmul.f32 v21, v1  }
0x399: {  	[tilespmem:s24+$0x110A0] =	vst.add.f32.msk $0xffff, v10;
	v10 =	vmul.f32 v54, v1  }
0x39a: {  	[tilespmem:s24+$0x110B0] =	vst.add.f32.msk $0xffff, v11;
	v11 =	vmul.f32 v47, v1  }
0x39b: {  	[tilespmem:s24+$0x110C0] =	vst.add.f32.msk $0xffff, v10;
	v10 =	vmul.f32 v40, v1  }
0x39c: {  	[tilespmem:s24+$0x110D0] =	vst.add.f32.msk $0xffff, v11;
	v11 =	vmul.f32 v32, v1  }
0x39d: {  	[tilespmem:s24+$0x110E0] =	vst.add.f32.msk $0xffff, v10;
	v10 =	vmul.f32 v22, v1  }
0x39e: {  	[tilespmem:s24+$0x110F0] =	vst.add.f32.msk $0xffff, v11;
	v11 =	vmul.f32 v23, v1  }
0x39f: {  	[tilespmem:s24+$0x11480] =	vst.add.f32.msk $0xffff, v10;
	v10 =	vmul.f32 v55, v1  }
.Ltmp4:
0x3a0: {  	[tilespmem:s24+$0x11490] =	vst.add.f32.msk $0xffff, v11;
	v11 =	vmul.f32 v48, v1;
	(pc) =	sbr.rel @p1 .LBB2_7-.Ltmp4, $4  }
0x3a1: {  	[tilespmem:s24+$0x114A0] =	vst.add.f32.msk $0xffff, v10;
	v10 =	vmul.f32 v41, v1  }
0x3a2: {  	[tilespmem:s24+$0x114B0] =	vst.add.f32.msk $0xffff, v11;
	v11 =	vmul.f32 v33, v1  }
0x3a3: {  	[tilespmem:s24+$0x114C0] =	vst.add.f32.msk $0xffff, v10;
	v10 =	vmul.f32 v24, v1  }
0x3a4: {  	s29 =	sadd.s32 $0x80, s29;
	[tilespmem:s24+$0x114D0] =	vst.add.f32.msk $0xffff, v11;
	v11 =	vmul.f32 v25, v1  }
0x3a5: {  	[tilespmem:s24+$0x114E0] =	vst.add.f32.msk $0xffff, v10;
	v9 =	vmul.f32 v9, v1  }
0x3a6: {  	v8 =	vmul.f32 v8, v1;
	[tilespmem:s24+$0x114F0] =	vst.add.f32.msk $0xffff, v11  }
0x3a7: {  	v7 =	vmul.f32 v7, v1;
	[tilespmem:s24+$0x11880] =	vst.add.f32.msk $0xffff, v9  }
0x3a8: {  	v6 =	vmul.f32 v6, v1;
	[tilespmem:s24+$0x11890] =	vst.add.f32.msk $0xffff, v8  }
0x3a9: {  	v5 =	vmul.f32 v5, v1;
	[tilespmem:s24+$0x118A0] =	vst.add.f32.msk $0xffff, v7  }
0x3aa: {  	v4 =	vmul.f32 v4, v1;
	s0 =	sadd.s32 $0x1, s26;
	[tilespmem:s24+$0x118B0] =	vst.add.f32.msk $0xffff, v6  }
0x3ab: {  	v3 =	vmul.f32 v3, v1;
	s0 =	sand.u32 $0x7, s0;
	[tilespmem:s24+$0x118C0] =	vst.add.f32.msk $0xffff, v5  }
0x3ac: {  	v2 =	vmul.f32 v2, v1;
	s1 =	sadd.s32 $0x400, s25;
	s0 =	sshll.u32 s0, $0x7;
	[tilespmem:s24+$0x118D0] =	vst.add.f32.msk $0xffff, v4  }
0x3ad: {  	[tilespmem:s24+$0x118E0] =	vst.add.f32.msk $0xffff, v3;
	s0 =	sadd.s32 s0, s1  }
0x3ae: {  	[tilespmem:s24+$0x118F0] =	vst.add.f32.msk $0xffff, v2;
	s1 =	sor.u32 $0x1C00, s0  }
0x3af: {  	v2 =	vld [tilespmem:s1+$0x8080];
	_ =	sdelay $0x4  }
0x3b0: {  	v2 =	vmul.f32 v2, v1;
	_ =	sdelay $0x1  }
0x3b1: {  	s25 =	sor.u32 $0x1C10, s0;
	[tilespmem:s1+$0x10080] =	vst.add.f32.msk $0xffff, v2  }
0x3b2: {  	v2 =	vld [tilespmem:s25+$0x8080];
	_ =	sdelay $0x4  }
0x3b3: {  	v2 =	vmul.f32 v2, v1;
	_ =	sdelay $0x1  }
0x3b4: {  	s26 =	sor.u32 $0x1C20, s0;
	[tilespmem:s25+$0x10080] =	vst.add.f32.msk $0xffff, v2  }
0x3b5: {  	v2 =	vld [tilespmem:s26+$0x8080];
	_ =	sdelay $0x4  }
0x3b6: {  	v2 =	vmul.f32 v2, v1;
	_ =	sdelay $0x1  }
0x3b7: {  	s28 =	sor.u32 $0x1C30, s0;
	[tilespmem:s26+$0x10080] =	vst.add.f32.msk $0xffff, v2  }
0x3b8: {  	v2 =	vld [tilespmem:s28+$0x8080];
	_ =	sdelay $0x4  }
0x3b9: {  	v2 =	vmul.f32 v2, v1;
	_ =	sdelay $0x1  }
0x3ba: {  	s29 =	sor.u32 $0x1C40, s0;
	[tilespmem:s28+$0x10080] =	vst.add.f32.msk $0xffff, v2  }
0x3bb: {  	v2 =	vld [tilespmem:s29+$0x8080];
	_ =	sdelay $0x4  }
0x3bc: {  	v2 =	vmul.f32 v2, v1;
	_ =	sdelay $0x1  }
0x3bd: {  	s30 =	sor.u32 $0x1C50, s0;
	[tilespmem:s29+$0x10080] =	vst.add.f32.msk $0xffff, v2  }
0x3be: {  	v2 =	vld [tilespmem:s30+$0x8080];
	_ =	sdelay $0x4  }
0x3bf: {  	v2 =	vmul.f32 v2, v1;
	_ =	sdelay $0x1  }
0x3c0: {  	s31 =	sor.u32 $0x1C60, s0;
	[tilespmem:s30+$0x10080] =	vst.add.f32.msk $0xffff, v2  }
0x3c1: {  	v2 =	vld [tilespmem:s31+$0x8080];
	_ =	sdelay $0x4  }
0x3c2: {  	v2 =	vmul.f32 v2, v1;
	_ =	sdelay $0x1  }
0x3c3: {  	s0 =	sor.u32 $0x1C70, s0;
	[tilespmem:s31+$0x10080] =	vst.add.f32.msk $0xffff, v2  }
0x3c4: {  	v2 =	vld [tilespmem:s0+$0x8080];
	_ =	sdelay $0x2  }
.Ltmp5:
0x3c5: {  	_ = 	snop;
	(pc) =	sbr.rel @p0 .LBB2_10-.Ltmp5, $3  }
0x3c6: {  	_ = 	snop  }
0x3c7: {  	v1 =	vmul.f32 v2, v1;
	_ =	sdelay $0x1  }
0x3c8: {  	[tilespmem:s0+$0x10080] =	vst.add.f32.msk $0xffff, v1  }
0x3c9: {  	s0 =	sshll.u32 s23, $0x15  }
0x3ca: {  	s0 =	sadd.s32 $0x300000, s0  }
0x3cb: {  	s1 =	sor.u32 s5, s0  }
.Ltmp6:
0x3cc: {  	s0 =	sor.u32 s6, s0;
	s1 =	sshrl.u32 s1, $0x3;
	(pc) =	sbr.rel .LBB2_4-.Ltmp6, $4  }
0x3cd: {  	s0 =	sshrl.u32 s0, $0x3;
	s1 =	sadd.s32 s3, s1  }
0x3ce: {  	[tilespmem:s16], [sflag:$0x2] =	stream.linear.gather [hbm4b:s1+s4], $0x4000, $0x38;
	[tilespmem:$0x18080] =	vst v63  }
0x3cf: {  	s23 =	sadd.s32 $0x1, s23;
	s0 =	sadd.s32 s3, s0  }
0x3d0: {  	[tilespmem:s17], [sflag:$0x2] =	stream.linear.gather [hbm4b:s0+s4], $0x4000, $0x38;
	[tilespmem:$0x18080] =	vst v63  }
.LBB2_11:
0x3d1: {  	_ =	sfence.sel $0x180000  }
0x3d2: {  	[bflag:$0x0] =	sbarrier.arrive $0xFFFF  }
0x3d3: {  	_ =	strace $0x90000047  }
0x3d4: {  	s0 =	stileid.u32;
	[bflag:$0x2] =	sbarrier.arrive $0xFFFF  }
0x3d5: {  	p0 =	sne.s32 s0, $0x0;
	s0 =	rddreg [dreg:$0x3]  }
0x3d6: {  	s0 =	sadd.s32 @!p0 $0x100000, s0  }
0x3d7: {  	[sflag:s0] =	ssyncadd.tile.s32 @!p0 $0x1;
	_ =	shalt  }
.Lfunc_end2:
_tile_overlayer_lowered:
.L_overlay_start_2:
0x3d8: {  	(tag) =	ssettag $0x2  }
0x3d9: {  	s0 =	rddreg [dreg:$0x0];
	s2 =	stileid.u32  }
0x3da: {  	s1 =	rddreg [dreg:$0x1];
	p0 =	sne.s32 s2, $0x0  }
0x3db: {  	s3 =	rddreg [dreg:$0x2];
	[bflag:$0x3] =	sbarrier.arrive $0xFFFF;
	s2 =	simm.s32 @!p0 $0x1C03  }
0x3dc: {  	[timem:s3], [sflag:s2] =	dma.local @!p0 [hbm:s0], s1  }
0x3dd: {  	s0 =	simm.s32 @!p0 $0x3  }
0x3de: {  	_ =	swait.ge @!p0 [sflag:s0], s1  }
0x3df: {  	s1 =	ssub.s32 @!p0 $0x0, s1;
	[sflag:s0] =	ssyncset.done @!p0 $0x0  }
0x3e0: {  	[sflag:s0] =	ssyncadd.s32 @!p0 s1  }
0x3e1: {  	[bflag:$0x3] =	sbarrier.arrive $0xFFFF  }
0x3e2: {  	_ =	shalt  }

</sc_bundles>
